<compile_context>
chip_gen: v7x
topology: tpu7x:2x2x1
jax: 0.10.2.dev20260603
libtpu: 0.0.44.dev20260713+nightly
codegen_flags: <defaults>
</compile_context>

<pallas_src>
import functools

import jax
import jax.numpy as jnp
from jax import lax
from jax.experimental import pallas as pl
from jax.experimental.pallas import tpu as pltpu
from jax.experimental.pallas import tpu_sc as plsc

BATCH = 16384
EMBED_DIM = 10
NPAIR = EMBED_DIM // 2
NC = 2
NS = 16
NW = NC * NS
B_PER_W = BATCH // NW
CHUNK = 256
NCHUNK = B_PER_W // CHUNK
BN = 131072


def _detile_body(t_ref, o_ref):
  y = t_ref[...].astype(jnp.bfloat16)
  u = lax.bitcast_convert_type(y, jnp.uint16).astype(jnp.uint32)
  u3 = u.reshape(NPAIR, 2, BN)
  w = u3[:, 0, :] | (u3[:, 1, :] << 16)
  o_ref[...] = w.astype(jnp.int32).reshape(-1)


def _detile(tT, nb):
  return pl.pallas_call(
      _detile_body,
      grid=(nb,),
      in_specs=[pl.BlockSpec((EMBED_DIM, BN), lambda j: (0, j))],
      out_specs=pl.BlockSpec((NPAIR * BN,), lambda j: (j,)),
      out_shape=jax.ShapeDtypeStruct((nb * NPAIR * BN,), jnp.int32),
  )(tT)


def _compute_offsets(idx, offbuf):
  for s in range(B_PER_W // 16):
    sl16 = pl.ds(s * 16, 16)
    r = idx[sl16]
    jb = r >> 17
    base = (jb << 19) + (jb << 17) + (r & (BN - 1))
    j, l = divmod(s * 16, CHUNK)
    for p in range(NPAIR):
      offbuf[j * NPAIR + p, pl.ds(l, 16)] = base + p * BN


def _gather_body(u_idx, m_idx, ufl, mfl, u_out, m_out, idxu, idxm, offu, offm,
                 outu, outm, sem):
  wid = lax.axis_index("s") * NC + lax.axis_index("c")
  base = wid * B_PER_W
  pltpu.sync_copy(u_idx.at[wid], idxu)
  pltpu.sync_copy(m_idx.at[wid], idxm)
  _compute_offsets(idxu, offu)
  _compute_offsets(idxm, offm)
  copies = []
  for j in range(NCHUNK):
    sl = pl.ds(j * CHUNK, CHUNK)
    for p in range(NPAIR):
      row = j * NPAIR + p
      copies.append(pltpu.async_copy(ufl.at[offu.at[row]], outu.at[p, sl], sem))
      copies.append(pltpu.async_copy(mfl.at[offm.at[row]], outm.at[p, sl], sem))
  for cp in copies:
    cp.wait()
  for p in range(NPAIR):
    dst = pl.ds(p * BATCH + base, B_PER_W)
    pltpu.sync_copy(outu.at[p], u_out.at[dst])
    pltpu.sync_copy(outm.at[p], m_out.at[dst])


_sc_gather = functools.partial(
    pl.kernel,
    out_type=(
        jax.ShapeDtypeStruct((NPAIR * BATCH,), jnp.int32),
        jax.ShapeDtypeStruct((NPAIR * BATCH,), jnp.int32),
    ),
    mesh=plsc.VectorSubcoreMesh(core_axis_name="c", subcore_axis_name="s"),
    scratch_types=[
        pltpu.VMEM((B_PER_W,), jnp.int32),
        pltpu.VMEM((B_PER_W,), jnp.int32),
        pltpu.VMEM((NCHUNK * NPAIR, CHUNK), jnp.int32),
        pltpu.VMEM((NCHUNK * NPAIR, CHUNK), jnp.int32),
        pltpu.VMEM((NPAIR, B_PER_W), jnp.int32),
        pltpu.VMEM((NPAIR, B_PER_W), jnp.int32),
        pltpu.SemaphoreType.DMA,
    ],
    compiler_params=pltpu.CompilerParams(
        use_tc_tiling_on_sc=False, needs_layout_passes=False),
)(_gather_body)


def _unpack(w):
  w = w.reshape(NPAIR, BATCH)
  lo = lax.bitcast_convert_type((w & 0xFFFF).astype(jnp.uint16), jnp.bfloat16)
  hi = lax.bitcast_convert_type(
      ((w >> 16) & 0xFFFF).astype(jnp.uint16), jnp.bfloat16)
  return jnp.concatenate([lo, hi], axis=0)


def _mlp_body(u_ref, m_ref, w1u_ref, w1m_ref, b1_ref, w2_ref, b2_ref, o_ref):
  u = _unpack(u_ref[...])
  m = _unpack(m_ref[...])
  w1u = w1u_ref[...].astype(jnp.bfloat16)
  w1m = w1m_ref[...].astype(jnp.bfloat16)
  h = (
      jnp.dot(w1u, u, preferred_element_type=jnp.float32)
      + jnp.dot(w1m, m, preferred_element_type=jnp.float32)
      + b1_ref[...]
  )
  h = jnp.maximum(h, 0.0).astype(jnp.bfloat16)
  w2 = w2_ref[...].astype(jnp.bfloat16)
  o_ref[...] = (
      jnp.dot(w2, h, preferred_element_type=jnp.float32) + b2_ref[...]
  )


def _mlp(u_flat, m_flat, w1u, w1m, b1, w2, b2):
  return pl.pallas_call(
      _mlp_body,
      out_shape=jax.ShapeDtypeStruct((1, BATCH), jnp.float32),
  )(u_flat, m_flat, w1u, w1m, b1, w2, b2)


@jax.jit
def kernel(user_emb_idx, movie_emb_idx, user_table, movie_table, W1, b1, W2, b2):
  nbu = -(-user_table.shape[0] // BN)
  nbm = -(-movie_table.shape[0] // BN)
  u_idx = user_emb_idx.reshape(NW, B_PER_W)
  m_idx = movie_emb_idx.reshape(NW, B_PER_W)
  mfl = _detile(movie_table.T, nbm)
  ufl = _detile(user_table.T, nbu)
  u_flat, m_flat = _sc_gather(u_idx, m_idx, ufl, mfl)
  parity = jnp.concatenate(
      [jnp.arange(0, EMBED_DIM, 2), jnp.arange(1, EMBED_DIM, 2)])
  w1u = W1[:, :EMBED_DIM][:, parity]
  w1m = W1[:, EMBED_DIM:][:, parity]
  out = _mlp(
      u_flat,
      m_flat,
      w1u,
      w1m,
      b1.reshape(-1, 1),
      W2,
      b2.reshape(1, 1),
  )
  return out.reshape(BATCH, 1)

# --- scband reference (transcript-rebuilt; emitter-appended) ---
"""Pipeline reference for scband-movielens-model-10840497455505 (READ-ONLY COPY).

The authoritative reference and input builder live on the scoring server;
editing this copy changes nothing except your own understanding.
"""

import jax, jax.numpy as jnp
import numpy as np

NUM_USERS = 1000000
NUM_MOVIES = 100000
EMBED_DIM = 10
BATCH = 16384

def setup_inputs(seed: int = 0) -> dict:
    key = jax.random.key(seed)
    k1, k2, k3, k4, k5, k6, k7, k8 = jax.random.split(key, 8)
    user_emb_idx = jax.random.randint(k1, (BATCH, 1), 0, NUM_USERS, dtype=jnp.int64 if jax.config.jax_enable_x64 else jnp.int32).astype(jnp.int32)
    movie_emb_idx = jax.random.randint(k2, (BATCH, 1), 0, NUM_MOVIES, dtype=jnp.int32)
    user_table = jax.random.normal(k3, (NUM_USERS, EMBED_DIM), dtype=jnp.float32)
    movie_table = jax.random.normal(k4, (NUM_MOVIES, EMBED_DIM), dtype=jnp.float32)
    # fc1: Linear(20, 120); fc2: Linear(120, 1). Kaiming-uniform-like init.
    lim1 = 1.0 / np.sqrt(20.0)
    W1 = jax.random.uniform(k5, (120, 20), dtype=jnp.float32, minval=-lim1, maxval=lim1)
    b1 = jax.random.uniform(k6, (120,), dtype=jnp.float32, minval=-lim1, maxval=lim1)
    lim2 = 1.0 / np.sqrt(120.0)
    W2 = jax.random.uniform(k7, (1, 120), dtype=jnp.float32, minval=-lim2, maxval=lim2)
    b2 = jax.random.uniform(k8, (1,), dtype=jnp.float32, minval=-lim2, maxval=lim2)
    return {"user_emb_idx": user_emb_idx, "movie_emb_idx": movie_emb_idx,
            "user_table": user_table, "movie_table": movie_table,
            "W1": W1, "b1": b1, "W2": W2, "b2": b2}

def reference(user_emb_idx, movie_emb_idx, user_table, movie_table, W1, b1, W2, b2):
    u_idx = jnp.squeeze(user_emb_idx, axis=1)
    m_idx = jnp.squeeze(movie_emb_idx, axis=1)
    user_emb = jnp.take(user_table, u_idx, axis=0)
    movie_emb = jnp.take(movie_table, m_idx, axis=0)
    x = jnp.concatenate((user_emb, movie_emb), axis=1)
    x = jax.nn.relu(x @ W1.T + b1)
    x = x @ W2.T + b2
    return x

if __name__ == "__main__":
    import jax
    _d = setup_inputs()
    print(jax.jit(kernel)(*tuple(_d.values())))

</pallas_src>

<mosaic_0001>
#map = affine_map<(d0, d1) -> (0, 0)>
#map1 = affine_map<(d0, d1) -> (0)>
module attributes {stable_mosaic.version = 14 : i64} {
  func.func @_gather_body(%arg0: i32, %arg1: i32, %arg2: memref<32x512xi32, #tpu.memory_space<hbm>>, %arg3: memref<32x512xi32, #tpu.memory_space<hbm>>, %arg4: memref<5242880xi32, #tpu.memory_space<hbm>>, %arg5: memref<655360xi32, #tpu.memory_space<hbm>>, %arg6: memref<81920xi32, #tpu.memory_space<hbm>>, %arg7: memref<81920xi32, #tpu.memory_space<hbm>>, %arg8: memref<512xi32, #tpu.memory_space<vmem>>, %arg9: memref<512xi32, #tpu.memory_space<vmem>>, %arg10: memref<10x256xi32, #tpu.memory_space<vmem>>, %arg11: memref<10x256xi32, #tpu.memory_space<vmem>>, %arg12: memref<5x512xi32, #tpu.memory_space<vmem>>, %arg13: memref<5x512xi32, #tpu.memory_space<vmem>>, %arg14: memref<!tpu.dma_semaphore, #tpu.memory_space<semaphore_mem>>) attributes {dimension_semantics = [#tpu.dimension_semantics<core_parallel>, #tpu.dimension_semantics<subcore_parallel>], iteration_bounds = array<i64: 2, 16>, scalar_prefetch = 0 : i64, scratch_operands = 7 : i64, tpu.core_type = #tpu.core_type<sc_vector_subcore>, window_params = [{transform_indices = #map}, {transform_indices = #map}, {transform_indices = #map1}, {transform_indices = #map1}, {transform_indices = #map1}, {transform_indices = #map1}]} {
    %mul3A = arith.constant 2 : i32
    %mul3A_0 = arith.muli %arg1, %mul3A : i32
    %add3A = arith.addi %mul3A_0, %arg0 : i32
    %mul3A_1 = arith.constant 512 : i32
    %mul3A_2 = arith.muli %add3A, %mul3A_1 : i32
    "tpu.region"() ({
      %run_scoped3A_3679 = tpu.sem_alloc : memref<!tpu.dma_semaphore, #tpu.memory_space<semaphore_mem>>
      %dma_start3A_3680 = arith.constant 0 : i32
      %dma_start3A_3681 = tpu.memref_slice %arg2[%add3A, %dma_start3A_3680] : memref<32x512xi32, #tpu.memory_space<hbm>> -> memref<1x512xi32, #tpu.memory_space<hbm>>
      %dma_start3A_3682 = tpu.memref_squeeze %dma_start3A_3681 : memref<1x512xi32, #tpu.memory_space<hbm>> -> memref<512xi32, #tpu.memory_space<hbm>>
      %dma_start3A_3683 = arith.constant 0 : i32
      %dma_start3A_3684 = tpu.memref_slice %arg2[%add3A, %dma_start3A_3683] : memref<32x512xi32, #tpu.memory_space<hbm>> -> memref<1x512xi32, #tpu.memory_space<hbm>>
      %dma_start3A_3685 = tpu.memref_squeeze %dma_start3A_3684 : memref<1x512xi32, #tpu.memory_space<hbm>> -> memref<512xi32, #tpu.memory_space<hbm>>
      tpu.enqueue_dma source(%dma_start3A_3685 : memref<512xi32, #tpu.memory_space<hbm>>) target(%arg8 : memref<512xi32, #tpu.memory_space<vmem>>) target_semaphore(%run_scoped3A_3679 : memref<!tpu.dma_semaphore, #tpu.memory_space<semaphore_mem>>)
      %dma_wait3A_3686 = arith.constant 0 : i32
      %dma_wait3A_3687 = tpu.memref_slice %arg2[%add3A, %dma_wait3A_3686] : memref<32x512xi32, #tpu.memory_space<hbm>> -> memref<1x512xi32, #tpu.memory_space<hbm>>
      %dma_wait3A_3688 = tpu.memref_squeeze %dma_wait3A_3687 : memref<1x512xi32, #tpu.memory_space<hbm>> -> memref<512xi32, #tpu.memory_space<hbm>>
      %dma_wait3A_3689 = arith.constant 0 : i32
      %dma_wait3A_3690 = tpu.memref_slice %arg2[%add3A, %dma_wait3A_3689] : memref<32x512xi32, #tpu.memory_space<hbm>> -> memref<1x512xi32, #tpu.memory_space<hbm>>
      %dma_wait3A_3691 = tpu.memref_squeeze %dma_wait3A_3690 : memref<1x512xi32, #tpu.memory_space<hbm>> -> memref<512xi32, #tpu.memory_space<hbm>>
      tpu.wait_dma2 semaphore(%run_scoped3A_3679 : memref<!tpu.dma_semaphore, #tpu.memory_space<semaphore_mem>>) src(%dma_wait3A_3691 : memref<512xi32, #tpu.memory_space<hbm>>) dst(%arg8 : memref<512xi32, #tpu.memory_space<vmem>>)
      tpu.yield
    }) : () -> ()
    "tpu.region"() ({
      %run_scoped3A_3679 = tpu.sem_alloc : memref<!tpu.dma_semaphore, #tpu.memory_space<semaphore_mem>>
      %dma_start3A_3680 = arith.constant 0 : i32
      %dma_start3A_3681 = tpu.memref_slice %arg3[%add3A, %dma_start3A_3680] : memref<32x512xi32, #tpu.memory_space<hbm>> -> memref<1x512xi32, #tpu.memory_space<hbm>>
      %dma_start3A_3682 = tpu.memref_squeeze %dma_start3A_3681 : memref<1x512xi32, #tpu.memory_space<hbm>> -> memref<512xi32, #tpu.memory_space<hbm>>
      %dma_start3A_3683 = arith.constant 0 : i32
      %dma_start3A_3684 = tpu.memref_slice %arg3[%add3A, %dma_start3A_3683] : memref<32x512xi32, #tpu.memory_space<hbm>> -> memref<1x512xi32, #tpu.memory_space<hbm>>
      %dma_start3A_3685 = tpu.memref_squeeze %dma_start3A_3684 : memref<1x512xi32, #tpu.memory_space<hbm>> -> memref<512xi32, #tpu.memory_space<hbm>>
      tpu.enqueue_dma source(%dma_start3A_3685 : memref<512xi32, #tpu.memory_space<hbm>>) target(%arg9 : memref<512xi32, #tpu.memory_space<vmem>>) target_semaphore(%run_scoped3A_3679 : memref<!tpu.dma_semaphore, #tpu.memory_space<semaphore_mem>>)
      %dma_wait3A_3686 = arith.constant 0 : i32
      %dma_wait3A_3687 = tpu.memref_slice %arg3[%add3A, %dma_wait3A_3686] : memref<32x512xi32, #tpu.memory_space<hbm>> -> memref<1x512xi32, #tpu.memory_space<hbm>>
      %dma_wait3A_3688 = tpu.memref_squeeze %dma_wait3A_3687 : memref<1x512xi32, #tpu.memory_space<hbm>> -> memref<512xi32, #tpu.memory_space<hbm>>
      %dma_wait3A_3689 = arith.constant 0 : i32
      %dma_wait3A_3690 = tpu.memref_slice %arg3[%add3A, %dma_wait3A_3689] : memref<32x512xi32, #tpu.memory_space<hbm>> -> memref<1x512xi32, #tpu.memory_space<hbm>>
      %dma_wait3A_3691 = tpu.memref_squeeze %dma_wait3A_3690 : memref<1x512xi32, #tpu.memory_space<hbm>> -> memref<512xi32, #tpu.memory_space<hbm>>
      tpu.wait_dma2 semaphore(%run_scoped3A_3679 : memref<!tpu.dma_semaphore, #tpu.memory_space<semaphore_mem>>) src(%dma_wait3A_3691 : memref<512xi32, #tpu.memory_space<hbm>>) dst(%arg9 : memref<512xi32, #tpu.memory_space<vmem>>)
      tpu.yield
    }) : () -> ()
    %get3A = arith.constant 0 : index
    %get3A_3 = tpu.vector_load %arg8[%get3A] {strides = array<i32>} : memref<512xi32, #tpu.memory_space<vmem>>, vector<16xi32>,
    %shift_right_arithmetic3A = arith.constant 17 : i32
    %shift_right_arithmetic3A_4 = vector.broadcast %shift_right_arithmetic3A : i32 to vector<16xi32>
    %shift_right_arithmetic3A_5 = arith.shrsi %get3A_3, %shift_right_arithmetic3A_4 : vector<16xi32>
    %shift_left3A = arith.constant 19 : i32
    %shift_left3A_6 = vector.broadcast %shift_left3A : i32 to vector<16xi32>
    %shift_left3A_7 = arith.shli %shift_right_arithmetic3A_5, %shift_left3A_6 : vector<16xi32>
    %shift_left3A_8 = arith.constant 17 : i32
    %shift_left3A_9 = vector.broadcast %shift_left3A_8 : i32 to vector<16xi32>
    %shift_left3A_10 = arith.shli %shift_right_arithmetic3A_5, %shift_left3A_9 : vector<16xi32>
    %add3A_11 = arith.addi %shift_left3A_7, %shift_left3A_10 : vector<16xi32>
    %and3A = arith.constant 131071 : i32
    %and3A_12 = vector.broadcast %and3A : i32 to vector<16xi32>
    %and3A_13 = arith.andi %get3A_3, %and3A_12 : vector<16xi32>
    %add3A_14 = arith.addi %add3A_11, %and3A_13 : vector<16xi32>
    %add3A_15 = arith.constant 0 : i32
    %add3A_16 = vector.broadcast %add3A_15 : i32 to vector<16xi32>
    %add3A_17 = arith.addi %add3A_14, %add3A_16 : vector<16xi32>
    %swap3A = arith.constant 0 : i32
    %swap3A_18 = arith.index_cast %swap3A : i32 to index
    %swap3A_19 = arith.constant 0 : index
    %swap3A_20 = tpu.vector_load %arg10[%swap3A_18, %swap3A_19] {strides = array<i32>} : memref<10x256xi32, #tpu.memory_space<vmem>>, vector<16xi32>,
    tpu.vector_store %arg10[%swap3A_18, %swap3A_19], %add3A_17 {strides = array<i32>} : memref<10x256xi32, #tpu.memory_space<vmem>>, vector<16xi32>,
    %add3A_21 = arith.constant 131072 : i32
    %add3A_22 = vector.broadcast %add3A_21 : i32 to vector<16xi32>
    %add3A_23 = arith.addi %add3A_14, %add3A_22 : vector<16xi32>
    %swap3A_24 = arith.constant 1 : i32
    %swap3A_25 = arith.index_cast %swap3A_24 : i32 to index
    %swap3A_26 = arith.constant 0 : index
    %swap3A_27 = tpu.vector_load %arg10[%swap3A_25, %swap3A_26] {strides = array<i32>} : memref<10x256xi32, #tpu.memory_space<vmem>>, vector<16xi32>,
    tpu.vector_store %arg10[%swap3A_25, %swap3A_26], %add3A_23 {strides = array<i32>} : memref<10x256xi32, #tpu.memory_space<vmem>>, vector<16xi32>,
    %add3A_28 = arith.constant 262144 : i32
    %add3A_29 = vector.broadcast %add3A_28 : i32 to vector<16xi32>
    %add3A_30 = arith.addi %add3A_14, %add3A_29 : vector<16xi32>
    %swap3A_31 = arith.constant 2 : i32
    %swap3A_32 = arith.index_cast %swap3A_31 : i32 to index
    %swap3A_33 = arith.constant 0 : index
    %swap3A_34 = tpu.vector_load %arg10[%swap3A_32, %swap3A_33] {strides = array<i32>} : memref<10x256xi32, #tpu.memory_space<vmem>>, vector<16xi32>,
    tpu.vector_store %arg10[%swap3A_32, %swap3A_33], %add3A_30 {strides = array<i32>} : memref<10x256xi32, #tpu.memory_space<vmem>>, vector<16xi32>,
    %add3A_35 = arith.constant 393216 : i32
    %add3A_36 = vector.broadcast %add3A_35 : i32 to vector<16xi32>
    %add3A_37 = arith.addi %add3A_14, %add3A_36 : vector<16xi32>
    %swap3A_38 = arith.constant 3 : i32
    %swap3A_39 = arith.index_cast %swap3A_38 : i32 to index
    %swap3A_40 = arith.constant 0 : index
    %swap3A_41 = tpu.vector_load %arg10[%swap3A_39, %swap3A_40] {strides = array<i32>} : memref<10x256xi32, #tpu.memory_space<vmem>>, vector<16xi32>,
    tpu.vector_store %arg10[%swap3A_39, %swap3A_40], %add3A_37 {strides = array<i32>} : memref<10x256xi32, #tpu.memory_space<vmem>>, vector<16xi32>,
    %add3A_42 = arith.constant 524288 : i32
    %add3A_43 = vector.broadcast %add3A_42 : i32 to vector<16xi32>
    %add3A_44 = arith.addi %add3A_14, %add3A_43 : vector<16xi32>
    %swap3A_45 = arith.constant 4 : i32
    %swap3A_46 = arith.index_cast %swap3A_45 : i32 to index
    %swap3A_47 = arith.constant 0 : index
    %swap3A_48 = tpu.vector_load %arg10[%swap3A_46, %swap3A_47] {strides = array<i32>} : memref<10x256xi32, #tpu.memory_space<vmem>>, vector<16xi32>,
    tpu.vector_store %arg10[%swap3A_46, %swap3A_47], %add3A_44 {strides = array<i32>} : memref<10x256xi32, #tpu.memory_space<vmem>>, vector<16xi32>,
    %get3A_49 = arith.constant 16 : index
    %get3A_50 = tpu.vector_load %arg8[%get3A_49] {strides = array<i32>} : memref<512xi32, #tpu.memory_space<vmem>>, vector<16xi32>,
    %shift_right_arithmetic3A_51 = arith.constant 17 : i32
    %shift_right_arithmetic3A_52 = vector.broadcast %shift_right_arithmetic3A_51 : i32 to vector<16xi32>
    %shift_right_arithmetic3A_53 = arith.shrsi %get3A_50, %shift_right_arithmetic3A_52 : vector<16xi32>
    %shift_left3A_54 = arith.constant 19 : i32
    %shift_left3A_55 = vector.broadcast %shift_left3A_54 : i32 to vector<16xi32>
    %shift_left3A_56 = arith.shli %shift_right_arithmetic3A_53, %shift_left3A_55 : vector<16xi32>
    %shift_left3A_57 = arith.constant 17 : i32
    %shift_left3A_58 = vector.broadcast %shift_left3A_57 : i32 to vector<16xi32>
    %shift_left3A_59 = arith.shli %shift_right_arithmetic3A_53, %shift_left3A_58 : vector<16xi32>
    %add3A_60 = arith.addi %shift_left3A_56, %shift_left3A_59 : vector<16xi32>
    %and3A_61 = arith.constant 131071 : i32
    %and3A_62 = vector.broadcast %and3A_61 : i32 to vector<16xi32>
    %and3A_63 = arith.andi %get3A_50, %and3A_62 : vector<16xi32>
    %add3A_64 = arith.addi %add3A_60, %and3A_63 : vector<16xi32>
    %add3A_65 = arith.constant 0 : i32
    %add3A_66 = vector.broadcast %add3A_65 : i32 to vector<16xi32>
    %add3A_67 = arith.addi %add3A_64, %add3A_66 : vector<16xi32>
    %swap3A_68 = arith.constant 0 : i32
    %swap3A_69 = arith.index_cast %swap3A_68 : i32 to index
    %swap3A_70 = arith.constant 16 : index
    %swap3A_71 = tpu.vector_load %arg10[%swap3A_69, %swap3A_70] {strides = array<i32>} : memref<10x256xi32, #tpu.memory_space<vmem>>, vector<16xi32>,
    tpu.vector_store %arg10[%swap3A_69, %swap3A_70], %add3A_67 {strides = array<i32>} : memref<10x256xi32, #tpu.memory_space<vmem>>, vector<16xi32>,
    %add3A_72 = arith.constant 131072 : i32
    %add3A_73 = vector.broadcast %add3A_72 : i32 to vector<16xi32>
    %add3A_74 = arith.addi %add3A_64, %add3A_73 : vector<16xi32>
    %swap3A_75 = arith.constant 1 : i32
    %swap3A_76 = arith.index_cast %swap3A_75 : i32 to index
    %swap3A_77 = arith.constant 16 : index
    %swap3A_78 = tpu.vector_load %arg10[%swap3A_76, %swap3A_77] {strides = array<i32>} : memref<10x256xi32, #tpu.memory_space<vmem>>, vector<16xi32>,
    tpu.vector_store %arg10[%swap3A_76, %swap3A_77], %add3A_74 {strides = array<i32>} : memref<10x256xi32, #tpu.memory_space<vmem>>, vector<16xi32>,
    %add3A_79 = arith.constant 262144 : i32
    %add3A_80 = vector.broadcast %add3A_79 : i32 to vector<16xi32>
    %add3A_81 = arith.addi %add3A_64, %add3A_80 : vector<16xi32>
    %swap3A_82 = arith.constant 2 : i32
    %swap3A_83 = arith.index_cast %swap3A_82 : i32 to index
    %swap3A_84 = arith.constant 16 : index
    %swap3A_85 = tpu.vector_load %arg10[%swap3A_83, %swap3A_84] {strides = array<i32>} : memref<10x256xi32, #tpu.memory_space<vmem>>, vector<16xi32>,
    tpu.vector_store %arg10[%swap3A_83, %swap3A_84], %add3A_81 {strides = array<i32>} : memref<10x256xi32, #tpu.memory_space<vmem>>, vector<16xi32>,
    %add3A_86 = arith.constant 393216 : i32
    %add3A_87 = vector.broadcast %add3A_86 : i32 to vector<16xi32>
    %add3A_88 = arith.addi %add3A_64, %add3A_87 : vector<16xi32>
    %swap3A_89 = arith.constant 3 : i32
    %swap3A_90 = arith.index_cast %swap3A_89 : i32 to index
    %swap3A_91 = arith.constant 16 : index
    %swap3A_92 = tpu.vector_load %arg10[%swap3A_90, %swap3A_91] {strides = array<i32>} : memref<10x256xi32, #tpu.memory_space<vmem>>, vector<16xi32>,
    tpu.vector_store %arg10[%swap3A_90, %swap3A_91], %add3A_88 {strides = array<i32>} : memref<10x256xi32, #tpu.memory_space<vmem>>, vector<16xi32>,
    %add3A_93 = arith.constant 524288 : i32
    %add3A_94 = vector.broadcast %add3A_93 : i32 to vector<16xi32>
    %add3A_95 = arith.addi %add3A_64, %add3A_94 : vector<16xi32>
    %swap3A_96 = arith.constant 4 : i32
    %swap3A_97 = arith.index_cast %swap3A_96 : i32 to index
    %swap3A_98 = arith.constant 16 : index
    %swap3A_99 = tpu.vector_load %arg10[%swap3A_97, %swap3A_98] {strides = array<i32>} : memref<10x256xi32, #tpu.memory_space<vmem>>, vector<16xi32>,
    tpu.vector_store %arg10[%swap3A_97, %swap3A_98], %add3A_95 {strides = array<i32>} : memref<10x256xi32, #tpu.memory_space<vmem>>, vector<16xi32>,
    %get3A_100 = arith.constant 32 : index
    %get3A_101 = tpu.vector_load %arg8[%get3A_100] {strides = array<i32>} : memref<512xi32, #tpu.memory_space<vmem>>, vector<16xi32>,
    %shift_right_arithmetic3A_102 = arith.constant 17 : i32
    %shift_right_arithmetic3A_103 = vector.broadcast %shift_right_arithmetic3A_102 : i32 to vector<16xi32>
    %shift_right_arithmetic3A_104 = arith.shrsi %get3A_101, %shift_right_arithmetic3A_103 : vector<16xi32>
    %shift_left3A_105 = arith.constant 19 : i32
    %shift_left3A_106 = vector.broadcast %shift_left3A_105 : i32 to vector<16xi32>
    %shift_left3A_107 = arith.shli %shift_right_arithmetic3A_104, %shift_left3A_106 : vector<16xi32>
    %shift_left3A_108 = arith.constant 17 : i32
    %shift_left3A_109 = vector.broadcast %shift_left3A_108 : i32 to vector<16xi32>
    %shift_left3A_110 = arith.shli %shift_right_arithmetic3A_104, %shift_left3A_109 : vector<16xi32>
    %add3A_111 = arith.addi %shift_left3A_107, %shift_left3A_110 : vector<16xi32>
    %and3A_112 = arith.constant 131071 : i32
    %and3A_113 = vector.broadcast %and3A_112 : i32 to vector<16xi32>
    %and3A_114 = arith.andi %get3A_101, %and3A_113 : vector<16xi32>
    %add3A_115 = arith.addi %add3A_111, %and3A_114 : vector<16xi32>
    %add3A_116 = arith.constant 0 : i32
    %add3A_117 = vector.broadcast %add3A_116 : i32 to vector<16xi32>
    %add3A_118 = arith.addi %add3A_115, %add3A_117 : vector<16xi32>
    %swap3A_119 = arith.constant 0 : i32
    %swap3A_120 = arith.index_cast %swap3A_119 : i32 to index
    %swap3A_121 = arith.constant 32 : index
    %swap3A_122 = tpu.vector_load %arg10[%swap3A_120, %swap3A_121] {strides = array<i32>} : memref<10x256xi32, #tpu.memory_space<vmem>>, vector<16xi32>,
    tpu.vector_store %arg10[%swap3A_120, %swap3A_121], %add3A_118 {strides = array<i32>} : memref<10x256xi32, #tpu.memory_space<vmem>>, vector<16xi32>,
    %add3A_123 = arith.constant 131072 : i32
    %add3A_124 = vector.broadcast %add3A_123 : i32 to vector<16xi32>
    %add3A_125 = arith.addi %add3A_115, %add3A_124 : vector<16xi32>
    %swap3A_126 = arith.constant 1 : i32
    %swap3A_127 = arith.index_cast %swap3A_126 : i32 to index
    %swap3A_128 = arith.constant 32 : index
    %swap3A_129 = tpu.vector_load %arg10[%swap3A_127, %swap3A_128] {strides = array<i32>} : memref<10x256xi32, #tpu.memory_space<vmem>>, vector<16xi32>,
    tpu.vector_store %arg10[%swap3A_127, %swap3A_128], %add3A_125 {strides = array<i32>} : memref<10x256xi32, #tpu.memory_space<vmem>>, vector<16xi32>,
    %add3A_130 = arith.constant 262144 : i32
    %add3A_131 = vector.broadcast %add3A_130 : i32 to vector<16xi32>
    %add3A_132 = arith.addi %add3A_115, %add3A_131 : vector<16xi32>
    %swap3A_133 = arith.constant 2 : i32
    %swap3A_134 = arith.index_cast %swap3A_133 : i32 to index
    %swap3A_135 = arith.constant 32 : index
    %swap3A_136 = tpu.vector_load %arg10[%swap3A_134, %swap3A_135] {strides = array<i32>} : memref<10x256xi32, #tpu.memory_space<vmem>>, vector<16xi32>,
    tpu.vector_store %arg10[%swap3A_134, %swap3A_135], %add3A_132 {strides = array<i32>} : memref<10x256xi32, #tpu.memory_space<vmem>>, vector<16xi32>,
    %add3A_137 = arith.constant 393216 : i32
    %add3A_138 = vector.broadcast %add3A_137 : i32 to vector<16xi32>
    %add3A_139 = arith.addi %add3A_115, %add3A_138 : vector<16xi32>
    %swap3A_140 = arith.constant 3 : i32
    %swap3A_141 = arith.index_cast %swap3A_140 : i32 to index
    %swap3A_142 = arith.constant 32 : index
    %swap3A_143 = tpu.vector_load %arg10[%swap3A_141, %swap3A_142] {strides = array<i32>} : memref<10x256xi32, #tpu.memory_space<vmem>>, vector<16xi32>,
    tpu.vector_store %arg10[%swap3A_141, %swap3A_142], %add3A_139 {strides = array<i32>} : memref<10x256xi32, #tpu.memory_space<vmem>>, vector<16xi32>,
    %add3A_144 = arith.constant 524288 : i32
    %add3A_145 = vector.broadcast %add3A_144 : i32 to vector<16xi32>
    %add3A_146 = arith.addi %add3A_115, %add3A_145 : vector<16xi32>
    %swap3A_147 = arith.constant 4 : i32
    %swap3A_148 = arith.index_cast %swap3A_147 : i32 to index
    %swap3A_149 = arith.constant 32 : index
    %swap3A_150 = tpu.vector_load %arg10[%swap3A_148, %swap3A_149] {strides = array<i32>} : memref<10x256xi32, #tpu.memory_space<vmem>>, vector<16xi32>,
    tpu.vector_store %arg10[%swap3A_148, %swap3A_149], %add3A_146 {strides = array<i32>} : memref<10x256xi32, #tpu.memory_space<vmem>>, vector<16xi32>,
    %get3A_151 = arith.constant 48 : index
    %get3A_152 = tpu.vector_load %arg8[%get3A_151] {strides = array<i32>} : memref<512xi32, #tpu.memory_space<vmem>>, vector<16xi32>,
    %shift_right_arithmetic3A_153 = arith.constant 17 : i32
    %shift_right_arithmetic3A_154 = vector.broadcast %shift_right_arithmetic3A_153 : i32 to vector<16xi32>
    %shift_right_arithmetic3A_155 = arith.shrsi %get3A_152, %shift_right_arithmetic3A_154 : vector<16xi32>
    %shift_left3A_156 = arith.constant 19 : i32
    %shift_left3A_157 = vector.broadcast %shift_left3A_156 : i32 to vector<16xi32>
    %shift_left3A_158 = arith.shli %shift_right_arithmetic3A_155, %shift_left3A_157 : vector<16xi32>
    %shift_left3A_159 = arith.constant 17 : i32
    %shift_left3A_160 = vector.broadcast %shift_left3A_159 : i32 to vector<16xi32>
    %shift_left3A_161 = arith.shli %shift_right_arithmetic3A_155, %shift_left3A_160 : vector<16xi32>
    %add3A_162 = arith.addi %shift_left3A_158, %shift_left3A_161 : vector<16xi32>
    %and3A_163 = arith.constant 131071 : i32
    %and3A_164 = vector.broadcast %and3A_163 : i32 to vector<16xi32>
    %and3A_165 = arith.andi %get3A_152, %and3A_164 : vector<16xi32>
    %add3A_166 = arith.addi %add3A_162, %and3A_165 : vector<16xi32>
    %add3A_167 = arith.constant 0 : i32
    %add3A_168 = vector.broadcast %add3A_167 : i32 to vector<16xi32>
    %add3A_169 = arith.addi %add3A_166, %add3A_168 : vector<16xi32>
    %swap3A_170 = arith.constant 0 : i32
    %swap3A_171 = arith.index_cast %swap3A_170 : i32 to index
    %swap3A_172 = arith.constant 48 : index
    %swap3A_173 = tpu.vector_load %arg10[%swap3A_171, %swap3A_172] {strides = array<i32>} : memref<10x256xi32, #tpu.memory_space<vmem>>, vector<16xi32>,
    tpu.vector_store %arg10[%swap3A_171, %swap3A_172], %add3A_169 {strides = array<i32>} : memref<10x256xi32, #tpu.memory_space<vmem>>, vector<16xi32>,
    %add3A_174 = arith.constant 131072 : i32
    %add3A_175 = vector.broadcast %add3A_174 : i32 to vector<16xi32>
    %add3A_176 = arith.addi %add3A_166, %add3A_175 : vector<16xi32>
    %swap3A_177 = arith.constant 1 : i32
    %swap3A_178 = arith.index_cast %swap3A_177 : i32 to index
    %swap3A_179 = arith.constant 48 : index
    %swap3A_180 = tpu.vector_load %arg10[%swap3A_178, %swap3A_179] {strides = array<i32>} : memref<10x256xi32, #tpu.memory_space<vmem>>, vector<16xi32>,
    tpu.vector_store %arg10[%swap3A_178, %swap3A_179], %add3A_176 {strides = array<i32>} : memref<10x256xi32, #tpu.memory_space<vmem>>, vector<16xi32>,
    %add3A_181 = arith.constant 262144 : i32
    %add3A_182 = vector.broadcast %add3A_181 : i32 to vector<16xi32>
    %add3A_183 = arith.addi %add3A_166, %add3A_182 : vector<16xi32>
    %swap3A_184 = arith.constant 2 : i32
    %swap3A_185 = arith.index_cast %swap3A_184 : i32 to index
    %swap3A_186 = arith.constant 48 : index
    %swap3A_187 = tpu.vector_load %arg10[%swap3A_185, %swap3A_186] {strides = array<i32>} : memref<10x256xi32, #tpu.memory_space<vmem>>, vector<16xi32>,
    tpu.vector_store %arg10[%swap3A_185, %swap3A_186], %add3A_183 {strides = array<i32>} : memref<10x256xi32, #tpu.memory_space<vmem>>, vector<16xi32>,
    %add3A_188 = arith.constant 393216 : i32
    %add3A_189 = vector.broadcast %add3A_188 : i32 to vector<16xi32>
    %add3A_190 = arith.addi %add3A_166, %add3A_189 : vector<16xi32>
    %swap3A_191 = arith.constant 3 : i32
    %swap3A_192 = arith.index_cast %swap3A_191 : i32 to index
    %swap3A_193 = arith.constant 48 : index
    %swap3A_194 = tpu.vector_load %arg10[%swap3A_192, %swap3A_193] {strides = array<i32>} : memref<10x256xi32, #tpu.memory_space<vmem>>, vector<16xi32>,
    tpu.vector_store %arg10[%swap3A_192, %swap3A_193], %add3A_190 {strides = array<i32>} : memref<10x256xi32, #tpu.memory_space<vmem>>, vector<16xi32>,
    %add3A_195 = arith.constant 524288 : i32
    %add3A_196 = vector.broadcast %add3A_195 : i32 to vector<16xi32>
    %add3A_197 = arith.addi %add3A_166, %add3A_196 : vector<16xi32>
    %swap3A_198 = arith.constant 4 : i32
    %swap3A_199 = arith.index_cast %swap3A_198 : i32 to index
    %swap3A_200 = arith.constant 48 : index
    %swap3A_201 = tpu.vector_load %arg10[%swap3A_199, %swap3A_200] {strides = array<i32>} : memref<10x256xi32, #tpu.memory_space<vmem>>, vector<16xi32>,
    tpu.vector_store %arg10[%swap3A_199, %swap3A_200], %add3A_197 {strides = array<i32>} : memref<10x256xi32, #tpu.memory_space<vmem>>, vector<16xi32>,
    %get3A_202 = arith.constant 64 : index
    %get3A_203 = tpu.vector_load %arg8[%get3A_202] {strides = array<i32>} : memref<512xi32, #tpu.memory_space<vmem>>, vector<16xi32>,
    %shift_right_arithmetic3A_204 = arith.constant 17 : i32
    %shift_right_arithmetic3A_205 = vector.broadcast %shift_right_arithmetic3A_204 : i32 to vector<16xi32>
    %shift_right_arithmetic3A_206 = arith.shrsi %get3A_203, %shift_right_arithmetic3A_205 : vector<16xi32>
    %shift_left3A_207 = arith.constant 19 : i32
    %shift_left3A_208 = vector.broadcast %shift_left3A_207 : i32 to vector<16xi32>
    %shift_left3A_209 = arith.shli %shift_right_arithmetic3A_206, %shift_left3A_208 : vector<16xi32>
    %shift_left3A_210 = arith.constant 17 : i32
    %shift_left3A_211 = vector.broadcast %shift_left3A_210 : i32 to vector<16xi32>
    %shift_left3A_212 = arith.shli %shift_right_arithmetic3A_206, %shift_left3A_211 : vector<16xi32>
    %add3A_213 = arith.addi %shift_left3A_209, %shift_left3A_212 : vector<16xi32>
    %and3A_214 = arith.constant 131071 : i32
    %and3A_215 = vector.broadcast %and3A_214 : i32 to vector<16xi32>
    %and3A_216 = arith.andi %get3A_203, %and3A_215 : vector<16xi32>
    %add3A_217 = arith.addi %add3A_213, %and3A_216 : vector<16xi32>
    %add3A_218 = arith.constant 0 : i32
    %add3A_219 = vector.broadcast %add3A_218 : i32 to vector<16xi32>
    %add3A_220 = arith.addi %add3A_217, %add3A_219 : vector<16xi32>
    %swap3A_221 = arith.constant 0 : i32
    %swap3A_222 = arith.index_cast %swap3A_221 : i32 to index
    %swap3A_223 = arith.constant 64 : index
    %swap3A_224 = tpu.vector_load %arg10[%swap3A_222, %swap3A_223] {strides = array<i32>} : memref<10x256xi32, #tpu.memory_space<vmem>>, vector<16xi32>,
    tpu.vector_store %arg10[%swap3A_222, %swap3A_223], %add3A_220 {strides = array<i32>} : memref<10x256xi32, #tpu.memory_space<vmem>>, vector<16xi32>,
    %add3A_225 = arith.constant 131072 : i32
    %add3A_226 = vector.broadcast %add3A_225 : i32 to vector<16xi32>
    %add3A_227 = arith.addi %add3A_217, %add3A_226 : vector<16xi32>
    %swap3A_228 = arith.constant 1 : i32
    %swap3A_229 = arith.index_cast %swap3A_228 : i32 to index
    %swap3A_230 = arith.constant 64 : index
    %swap3A_231 = tpu.vector_load %arg10[%swap3A_229, %swap3A_230] {strides = array<i32>} : memref<10x256xi32, #tpu.memory_space<vmem>>, vector<16xi32>,
    tpu.vector_store %arg10[%swap3A_229, %swap3A_230], %add3A_227 {strides = array<i32>} : memref<10x256xi32, #tpu.memory_space<vmem>>, vector<16xi32>,
    %add3A_232 = arith.constant 262144 : i32
    %add3A_233 = vector.broadcast %add3A_232 : i32 to vector<16xi32>
    %add3A_234 = arith.addi %add3A_217, %add3A_233 : vector<16xi32>
    %swap3A_235 = arith.constant 2 : i32
    %swap3A_236 = arith.index_cast %swap3A_235 : i32 to index
    %swap3A_237 = arith.constant 64 : index
    %swap3A_238 = tpu.vector_load %arg10[%swap3A_236, %swap3A_237] {strides = array<i32>} : memref<10x256xi32, #tpu.memory_space<vmem>>, vector<16xi32>,
    tpu.vector_store %arg10[%swap3A_236, %swap3A_237], %add3A_234 {strides = array<i32>} : memref<10x256xi32, #tpu.memory_space<vmem>>, vector<16xi32>,
    %add3A_239 = arith.constant 393216 : i32
    %add3A_240 = vector.broadcast %add3A_239 : i32 to vector<16xi32>
    %add3A_241 = arith.addi %add3A_217, %add3A_240 : vector<16xi32>
    %swap3A_242 = arith.constant 3 : i32
    %swap3A_243 = arith.index_cast %swap3A_242 : i32 to index
    %swap3A_244 = arith.constant 64 : index
    %swap3A_245 = tpu.vector_load %arg10[%swap3A_243, %swap3A_244] {strides = array<i32>} : memref<10x256xi32, #tpu.memory_space<vmem>>, vector<16xi32>,
    tpu.vector_store %arg10[%swap3A_243, %swap3A_244], %add3A_241 {strides = array<i32>} : memref<10x256xi32, #tpu.memory_space<vmem>>, vector<16xi32>,
    %add3A_246 = arith.constant 524288 : i32
    %add3A_247 = vector.broadcast %add3A_246 : i32 to vector<16xi32>
    %add3A_248 = arith.addi %add3A_217, %add3A_247 : vector<16xi32>
    %swap3A_249 = arith.constant 4 : i32
    %swap3A_250 = arith.index_cast %swap3A_249 : i32 to index
    %swap3A_251 = arith.constant 64 : index
    %swap3A_252 = tpu.vector_load %arg10[%swap3A_250, %swap3A_251] {strides = array<i32>} : memref<10x256xi32, #tpu.memory_space<vmem>>, vector<16xi32>,
    tpu.vector_store %arg10[%swap3A_250, %swap3A_251], %add3A_248 {strides = array<i32>} : memref<10x256xi32, #tpu.memory_space<vmem>>, vector<16xi32>,
    %get3A_253 = arith.constant 80 : index
    %get3A_254 = tpu.vector_load %arg8[%get3A_253] {strides = array<i32>} : memref<512xi32, #tpu.memory_space<vmem>>, vector<16xi32>,
    %shift_right_arithmetic3A_255 = arith.constant 17 : i32
    %shift_right_arithmetic3A_256 = vector.broadcast %shift_right_arithmetic3A_255 : i32 to vector<16xi32>
    %shift_right_arithmetic3A_257 = arith.shrsi %get3A_254, %shift_right_arithmetic3A_256 : vector<16xi32>
    %shift_left3A_258 = arith.constant 19 : i32
    %shift_left3A_259 = vector.broadcast %shift_left3A_258 : i32 to vector<16xi32>
    %shift_left3A_260 = arith.shli %shift_right_arithmetic3A_257, %shift_left3A_259 : vector<16xi32>
    %shift_left3A_261 = arith.constant 17 : i32
    %shift_left3A_262 = vector.broadcast %shift_left3A_261 : i32 to vector<16xi32>
    %shift_left3A_263 = arith.shli %shift_right_arithmetic3A_257, %shift_left3A_262 : vector<16xi32>
    %add3A_264 = arith.addi %shift_left3A_260, %shift_left3A_263 : vector<16xi32>
    %and3A_265 = arith.constant 131071 : i32
    %and3A_266 = vector.broadcast %and3A_265 : i32 to vector<16xi32>
    %and3A_267 = arith.andi %get3A_254, %and3A_266 : vector<16xi32>
    %add3A_268 = arith.addi %add3A_264, %and3A_267 : vector<16xi32>
    %add3A_269 = arith.constant 0 : i32
    %add3A_270 = vector.broadcast %add3A_269 : i32 to vector<16xi32>
    %add3A_271 = arith.addi %add3A_268, %add3A_270 : vector<16xi32>
    %swap3A_272 = arith.constant 0 : i32
    %swap3A_273 = arith.index_cast %swap3A_272 : i32 to index
    %swap3A_274 = arith.constant 80 : index
    %swap3A_275 = tpu.vector_load %arg10[%swap3A_273, %swap3A_274] {strides = array<i32>} : memref<10x256xi32, #tpu.memory_space<vmem>>, vector<16xi32>,
    tpu.vector_store %arg10[%swap3A_273, %swap3A_274], %add3A_271 {strides = array<i32>} : memref<10x256xi32, #tpu.memory_space<vmem>>, vector<16xi32>,
    %add3A_276 = arith.constant 131072 : i32
    %add3A_277 = vector.broadcast %add3A_276 : i32 to vector<16xi32>
    %add3A_278 = arith.addi %add3A_268, %add3A_277 : vector<16xi32>
    %swap3A_279 = arith.constant 1 : i32
    %swap3A_280 = arith.index_cast %swap3A_279 : i32 to index
    %swap3A_281 = arith.constant 80 : index
    %swap3A_282 = tpu.vector_load %arg10[%swap3A_280, %swap3A_281] {strides = array<i32>} : memref<10x256xi32, #tpu.memory_space<vmem>>, vector<16xi32>,
    tpu.vector_store %arg10[%swap3A_280, %swap3A_281], %add3A_278 {strides = array<i32>} : memref<10x256xi32, #tpu.memory_space<vmem>>, vector<16xi32>,
    %add3A_283 = arith.constant 262144 : i32
    %add3A_284 = vector.broadcast %add3A_283 : i32 to vector<16xi32>
    %add3A_285 = arith.addi %add3A_268, %add3A_284 : vector<16xi32>
    %swap3A_286 = arith.constant 2 : i32
    %swap3A_287 = arith.index_cast %swap3A_286 : i32 to index
    %swap3A_288 = arith.constant 80 : index
    %swap3A_289 = tpu.vector_load %arg10[%swap3A_287, %swap3A_288] {strides = array<i32>} : memref<10x256xi32, #tpu.memory_space<vmem>>, vector<16xi32>,
    tpu.vector_store %arg10[%swap3A_287, %swap3A_288], %add3A_285 {strides = array<i32>} : memref<10x256xi32, #tpu.memory_space<vmem>>, vector<16xi32>,
    %add3A_290 = arith.constant 393216 : i32
    %add3A_291 = vector.broadcast %add3A_290 : i32 to vector<16xi32>
    %add3A_292 = arith.addi %add3A_268, %add3A_291 : vector<16xi32>
    %swap3A_293 = arith.constant 3 : i32
    %swap3A_294 = arith.index_cast %swap3A_293 : i32 to index
    %swap3A_295 = arith.constant 80 : index
    %swap3A_296 = tpu.vector_load %arg10[%swap3A_294, %swap3A_295] {strides = array<i32>} : memref<10x256xi32, #tpu.memory_space<vmem>>, vector<16xi32>,
    tpu.vector_store %arg10[%swap3A_294, %swap3A_295], %add3A_292 {strides = array<i32>} : memref<10x256xi32, #tpu.memory_space<vmem>>, vector<16xi32>,
    %add3A_297 = arith.constant 524288 : i32
    %add3A_298 = vector.broadcast %add3A_297 : i32 to vector<16xi32>
    %add3A_299 = arith.addi %add3A_268, %add3A_298 : vector<16xi32>
    %swap3A_300 = arith.constant 4 : i32
    %swap3A_301 = arith.index_cast %swap3A_300 : i32 to index
    %swap3A_302 = arith.constant 80 : index
    %swap3A_303 = tpu.vector_load %arg10[%swap3A_301, %swap3A_302] {strides = array<i32>} : memref<10x256xi32, #tpu.memory_space<vmem>>, vector<16xi32>,
    tpu.vector_store %arg10[%swap3A_301, %swap3A_302], %add3A_299 {strides = array<i32>} : memref<10x256xi32, #tpu.memory_space<vmem>>, vector<16xi32>,
    %get3A_304 = arith.constant 96 : index
    %get3A_305 = tpu.vector_load %arg8[%get3A_304] {strides = array<i32>} : memref<512xi32, #tpu.memory_space<vmem>>, vector<16xi32>,
    %shift_right_arithmetic3A_306 = arith.constant 17 : i32
    %shift_right_arithmetic3A_307 = vector.broadcast %shift_right_arithmetic3A_306 : i32 to vector<16xi32>
    %shift_right_arithmetic3A_308 = arith.shrsi %get3A_305, %shift_right_arithmetic3A_307 : vector<16xi32>
    %shift_left3A_309 = arith.constant 19 : i32
    %shift_left3A_310 = vector.broadcast %shift_left3A_309 : i32 to vector<16xi32>
    %shift_left3A_311 = arith.shli %shift_right_arithmetic3A_308, %shift_left3A_310 : vector<16xi32>
    %shift_left3A_312 = arith.constant 17 : i32
    %shift_left3A_313 = vector.broadcast %shift_left3A_312 : i32 to vector<16xi32>
    %shift_left3A_314 = arith.shli %shift_right_arithmetic3A_308, %shift_left3A_313 : vector<16xi32>
    %add3A_315 = arith.addi %shift_left3A_311, %shift_left3A_314 : vector<16xi32>
    %and3A_316 = arith.constant 131071 : i32
    %and3A_317 = vector.broadcast %and3A_316 : i32 to vector<16xi32>
    %and3A_318 = arith.andi %get3A_305, %and3A_317 : vector<16xi32>
    %add3A_319 = arith.addi %add3A_315, %and3A_318 : vector<16xi32>
    %add3A_320 = arith.constant 0 : i32
    %add3A_321 = vector.broadcast %add3A_320 : i32 to vector<16xi32>
    %add3A_322 = arith.addi %add3A_319, %add3A_321 : vector<16xi32>
    %swap3A_323 = arith.constant 0 : i32
    %swap3A_324 = arith.index_cast %swap3A_323 : i32 to index
    %swap3A_325 = arith.constant 96 : index
    %swap3A_326 = tpu.vector_load %arg10[%swap3A_324, %swap3A_325] {strides = array<i32>} : memref<10x256xi32, #tpu.memory_space<vmem>>, vector<16xi32>,
    tpu.vector_store %arg10[%swap3A_324, %swap3A_325], %add3A_322 {strides = array<i32>} : memref<10x256xi32, #tpu.memory_space<vmem>>, vector<16xi32>,
    %add3A_327 = arith.constant 131072 : i32
    %add3A_328 = vector.broadcast %add3A_327 : i32 to vector<16xi32>
    %add3A_329 = arith.addi %add3A_319, %add3A_328 : vector<16xi32>
    %swap3A_330 = arith.constant 1 : i32
    %swap3A_331 = arith.index_cast %swap3A_330 : i32 to index
    %swap3A_332 = arith.constant 96 : index
    %swap3A_333 = tpu.vector_load %arg10[%swap3A_331, %swap3A_332] {strides = array<i32>} : memref<10x256xi32, #tpu.memory_space<vmem>>, vector<16xi32>,
    tpu.vector_store %arg10[%swap3A_331, %swap3A_332], %add3A_329 {strides = array<i32>} : memref<10x256xi32, #tpu.memory_space<vmem>>, vector<16xi32>,
    %add3A_334 = arith.constant 262144 : i32
    %add3A_335 = vector.broadcast %add3A_334 : i32 to vector<16xi32>
    %add3A_336 = arith.addi %add3A_319, %add3A_335 : vector<16xi32>
    %swap3A_337 = arith.constant 2 : i32
    %swap3A_338 = arith.index_cast %swap3A_337 : i32 to index
    %swap3A_339 = arith.constant 96 : index
    %swap3A_340 = tpu.vector_load %arg10[%swap3A_338, %swap3A_339] {strides = array<i32>} : memref<10x256xi32, #tpu.memory_space<vmem>>, vector<16xi32>,
    tpu.vector_store %arg10[%swap3A_338, %swap3A_339], %add3A_336 {strides = array<i32>} : memref<10x256xi32, #tpu.memory_space<vmem>>, vector<16xi32>,
    %add3A_341 = arith.constant 393216 : i32
    %add3A_342 = vector.broadcast %add3A_341 : i32 to vector<16xi32>
    %add3A_343 = arith.addi %add3A_319, %add3A_342 : vector<16xi32>
    %swap3A_344 = arith.constant 3 : i32
    %swap3A_345 = arith.index_cast %swap3A_344 : i32 to index
    %swap3A_346 = arith.constant 96 : index
    %swap3A_347 = tpu.vector_load %arg10[%swap3A_345, %swap3A_346] {strides = array<i32>} : memref<10x256xi32, #tpu.memory_space<vmem>>, vector<16xi32>,
    tpu.vector_store %arg10[%swap3A_345, %swap3A_346], %add3A_343 {strides = array<i32>} : memref<10x256xi32, #tpu.memory_space<vmem>>, vector<16xi32>,
    %add3A_348 = arith.constant 524288 : i32
    %add3A_349 = vector.broadcast %add3A_348 : i32 to vector<16xi32>
    %add3A_350 = arith.addi %add3A_319, %add3A_349 : vector<16xi32>
    %swap3A_351 = arith.constant 4 : i32
    %swap3A_352 = arith.index_cast %swap3A_351 : i32 to index
    %swap3A_353 = arith.constant 96 : index
    %swap3A_354 = tpu.vector_load %arg10[%swap3A_352, %swap3A_353] {strides = array<i32>} : memref<10x256xi32, #tpu.memory_space<vmem>>, vector<16xi32>,
    tpu.vector_store %arg10[%swap3A_352, %swap3A_353], %add3A_350 {strides = array<i32>} : memref<10x256xi32, #tpu.memory_space<vmem>>, vector<16xi32>,
    %get3A_355 = arith.constant 112 : index
    %get3A_356 = tpu.vector_load %arg8[%get3A_355] {strides = array<i32>} : memref<512xi32, #tpu.memory_space<vmem>>, vector<16xi32>,
    %shift_right_arithmetic3A_357 = arith.constant 17 : i32
    %shift_right_arithmetic3A_358 = vector.broadcast %shift_right_arithmetic3A_357 : i32 to vector<16xi32>
    %shift_right_arithmetic3A_359 = arith.shrsi %get3A_356, %shift_right_arithmetic3A_358 : vector<16xi32>
    %shift_left3A_360 = arith.constant 19 : i32
    %shift_left3A_361 = vector.broadcast %shift_left3A_360 : i32 to vector<16xi32>
    %shift_left3A_362 = arith.shli %shift_right_arithmetic3A_359, %shift_left3A_361 : vector<16xi32>
    %shift_left3A_363 = arith.constant 17 : i32
    %shift_left3A_364 = vector.broadcast %shift_left3A_363 : i32 to vector<16xi32>
    %shift_left3A_365 = arith.shli %shift_right_arithmetic3A_359, %shift_left3A_364 : vector<16xi32>
    %add3A_366 = arith.addi %shift_left3A_362, %shift_left3A_365 : vector<16xi32>
    %and3A_367 = arith.constant 131071 : i32
    %and3A_368 = vector.broadcast %and3A_367 : i32 to vector<16xi32>
    %and3A_369 = arith.andi %get3A_356, %and3A_368 : vector<16xi32>
    %add3A_370 = arith.addi %add3A_366, %and3A_369 : vector<16xi32>
    %add3A_371 = arith.constant 0 : i32
    %add3A_372 = vector.broadcast %add3A_371 : i32 to vector<16xi32>
    %add3A_373 = arith.addi %add3A_370, %add3A_372 : vector<16xi32>
    %swap3A_374 = arith.constant 0 : i32
    %swap3A_375 = arith.index_cast %swap3A_374 : i32 to index
    %swap3A_376 = arith.constant 112 : index
    %swap3A_377 = tpu.vector_load %arg10[%swap3A_375, %swap3A_376] {strides = array<i32>} : memref<10x256xi32, #tpu.memory_space<vmem>>, vector<16xi32>,
    tpu.vector_store %arg10[%swap3A_375, %swap3A_376], %add3A_373 {strides = array<i32>} : memref<10x256xi32, #tpu.memory_space<vmem>>, vector<16xi32>,
    %add3A_378 = arith.constant 131072 : i32
    %add3A_379 = vector.broadcast %add3A_378 : i32 to vector<16xi32>
    %add3A_380 = arith.addi %add3A_370, %add3A_379 : vector<16xi32>
    %swap3A_381 = arith.constant 1 : i32
    %swap3A_382 = arith.index_cast %swap3A_381 : i32 to index
    %swap3A_383 = arith.constant 112 : index
    %swap3A_384 = tpu.vector_load %arg10[%swap3A_382, %swap3A_383] {strides = array<i32>} : memref<10x256xi32, #tpu.memory_space<vmem>>, vector<16xi32>,
    tpu.vector_store %arg10[%swap3A_382, %swap3A_383], %add3A_380 {strides = array<i32>} : memref<10x256xi32, #tpu.memory_space<vmem>>, vector<16xi32>,
    %add3A_385 = arith.constant 262144 : i32
    %add3A_386 = vector.broadcast %add3A_385 : i32 to vector<16xi32>
    %add3A_387 = arith.addi %add3A_370, %add3A_386 : vector<16xi32>
    %swap3A_388 = arith.constant 2 : i32
    %swap3A_389 = arith.index_cast %swap3A_388 : i32 to index
    %swap3A_390 = arith.constant 112 : index
    %swap3A_391 = tpu.vector_load %arg10[%swap3A_389, %swap3A_390] {strides = array<i32>} : memref<10x256xi32, #tpu.memory_space<vmem>>, vector<16xi32>,
    tpu.vector_store %arg10[%swap3A_389, %swap3A_390], %add3A_387 {strides = array<i32>} : memref<10x256xi32, #tpu.memory_space<vmem>>, vector<16xi32>,
    %add3A_392 = arith.constant 393216 : i32
    %add3A_393 = vector.broadcast %add3A_392 : i32 to vector<16xi32>
    %add3A_394 = arith.addi %add3A_370, %add3A_393 : vector<16xi32>
    %swap3A_395 = arith.constant 3 : i32
    %swap3A_396 = arith.index_cast %swap3A_395 : i32 to index
    %swap3A_397 = arith.constant 112 : index
    %swap3A_398 = tpu.vector_load %arg10[%swap3A_396, %swap3A_397] {strides = array<i32>} : memref<10x256xi32, #tpu.memory_space<vmem>>, vector<16xi32>,
    tpu.vector_store %arg10[%swap3A_396, %swap3A_397], %add3A_394 {strides = array<i32>} : memref<10x256xi32, #tpu.memory_space<vmem>>, vector<16xi32>,
    %add3A_399 = arith.constant 524288 : i32
    %add3A_400 = vector.broadcast %add3A_399 : i32 to vector<16xi32>
    %add3A_401 = arith.addi %add3A_370, %add3A_400 : vector<16xi32>
    %swap3A_402 = arith.constant 4 : i32
    %swap3A_403 = arith.index_cast %swap3A_402 : i32 to index
    %swap3A_404 = arith.constant 112 : index
    %swap3A_405 = tpu.vector_load %arg10[%swap3A_403, %swap3A_404] {strides = array<i32>} : memref<10x256xi32, #tpu.memory_space<vmem>>, vector<16xi32>,
    tpu.vector_store %arg10[%swap3A_403, %swap3A_404], %add3A_401 {strides = array<i32>} : memref<10x256xi32, #tpu.memory_space<vmem>>, vector<16xi32>,
    %get3A_406 = arith.constant 128 : index
    %get3A_407 = tpu.vector_load %arg8[%get3A_406] {strides = array<i32>} : memref<512xi32, #tpu.memory_space<vmem>>, vector<16xi32>,
    %shift_right_arithmetic3A_408 = arith.constant 17 : i32
    %shift_right_arithmetic3A_409 = vector.broadcast %shift_right_arithmetic3A_408 : i32 to vector<16xi32>
    %shift_right_arithmetic3A_410 = arith.shrsi %get3A_407, %shift_right_arithmetic3A_409 : vector<16xi32>
    %shift_left3A_411 = arith.constant 19 : i32
    %shift_left3A_412 = vector.broadcast %shift_left3A_411 : i32 to vector<16xi32>
    %shift_left3A_413 = arith.shli %shift_right_arithmetic3A_410, %shift_left3A_412 : vector<16xi32>
    %shift_left3A_414 = arith.constant 17 : i32
    %shift_left3A_415 = vector.broadcast %shift_left3A_414 : i32 to vector<16xi32>
    %shift_left3A_416 = arith.shli %shift_right_arithmetic3A_410, %shift_left3A_415 : vector<16xi32>
    %add3A_417 = arith.addi %shift_left3A_413, %shift_left3A_416 : vector<16xi32>
    %and3A_418 = arith.constant 131071 : i32
    %and3A_419 = vector.broadcast %and3A_418 : i32 to vector<16xi32>
    %and3A_420 = arith.andi %get3A_407, %and3A_419 : vector<16xi32>
    %add3A_421 = arith.addi %add3A_417, %and3A_420 : vector<16xi32>
    %add3A_422 = arith.constant 0 : i32
    %add3A_423 = vector.broadcast %add3A_422 : i32 to vector<16xi32>
    %add3A_424 = arith.addi %add3A_421, %add3A_423 : vector<16xi32>
    %swap3A_425 = arith.constant 0 : i32
    %swap3A_426 = arith.index_cast %swap3A_425 : i32 to index
    %swap3A_427 = arith.constant 128 : index
    %swap3A_428 = tpu.vector_load %arg10[%swap3A_426, %swap3A_427] {strides = array<i32>} : memref<10x256xi32, #tpu.memory_space<vmem>>, vector<16xi32>,
    tpu.vector_store %arg10[%swap3A_426, %swap3A_427], %add3A_424 {strides = array<i32>} : memref<10x256xi32, #tpu.memory_space<vmem>>, vector<16xi32>,
    %add3A_429 = arith.constant 131072 : i32
    %add3A_430 = vector.broadcast %add3A_429 : i32 to vector<16xi32>
    %add3A_431 = arith.addi %add3A_421, %add3A_430 : vector<16xi32>
    %swap3A_432 = arith.constant 1 : i32
    %swap3A_433 = arith.index_cast %swap3A_432 : i32 to index
    %swap3A_434 = arith.constant 128 : index
    %swap3A_435 = tpu.vector_load %arg10[%swap3A_433, %swap3A_434] {strides = array<i32>} : memref<10x256xi32, #tpu.memory_space<vmem>>, vector<16xi32>,
    tpu.vector_store %arg10[%swap3A_433, %swap3A_434], %add3A_431 {strides = array<i32>} : memref<10x256xi32, #tpu.memory_space<vmem>>, vector<16xi32>,
    %add3A_436 = arith.constant 262144 : i32
    %add3A_437 = vector.broadcast %add3A_436 : i32 to vector<16xi32>
    %add3A_438 = arith.addi %add3A_421, %add3A_437 : vector<16xi32>
    %swap3A_439 = arith.constant 2 : i32
    %swap3A_440 = arith.index_cast %swap3A_439 : i32 to index
    %swap3A_441 = arith.constant 128 : index
    %swap3A_442 = tpu.vector_load %arg10[%swap3A_440, %swap3A_441] {strides = array<i32>} : memref<10x256xi32, #tpu.memory_space<vmem>>, vector<16xi32>,
    tpu.vector_store %arg10[%swap3A_440, %swap3A_441], %add3A_438 {strides = array<i32>} : memref<10x256xi32, #tpu.memory_space<vmem>>, vector<16xi32>,
    %add3A_443 = arith.constant 393216 : i32
    %add3A_444 = vector.broadcast %add3A_443 : i32 to vector<16xi32>
    %add3A_445 = arith.addi %add3A_421, %add3A_444 : vector<16xi32>
    %swap3A_446 = arith.constant 3 : i32
    %swap3A_447 = arith.index_cast %swap3A_446 : i32 to index
    %swap3A_448 = arith.constant 128 : index
    %swap3A_449 = tpu.vector_load %arg10[%swap3A_447, %swap3A_448] {strides = array<i32>} : memref<10x256xi32, #tpu.memory_space<vmem>>, vector<16xi32>,
    tpu.vector_store %arg10[%swap3A_447, %swap3A_448], %add3A_445 {strides = array<i32>} : memref<10x256xi32, #tpu.memory_space<vmem>>, vector<16xi32>,
    %add3A_450 = arith.constant 524288 : i32
    %add3A_451 = vector.broadcast %add3A_450 : i32 to vector<16xi32>
    %add3A_452 = arith.addi %add3A_421, %add3A_451 : vector<16xi32>
    %swap3A_453 = arith.constant 4 : i32
    %swap3A_454 = arith.index_cast %swap3A_453 : i32 to index
    %swap3A_455 = arith.constant 128 : index
    %swap3A_456 = tpu.vector_load %arg10[%swap3A_454, %swap3A_455] {strides = array<i32>} : memref<10x256xi32, #tpu.memory_space<vmem>>, vector<16xi32>,
    tpu.vector_store %arg10[%swap3A_454, %swap3A_455], %add3A_452 {strides = array<i32>} : memref<10x256xi32, #tpu.memory_space<vmem>>, vector<16xi32>,
    %get3A_457 = arith.constant 144 : index
    %get3A_458 = tpu.vector_load %arg8[%get3A_457] {strides = array<i32>} : memref<512xi32, #tpu.memory_space<vmem>>, vector<16xi32>,
    %shift_right_arithmetic3A_459 = arith.constant 17 : i32
    %shift_right_arithmetic3A_460 = vector.broadcast %shift_right_arithmetic3A_459 : i32 to vector<16xi32>
    %shift_right_arithmetic3A_461 = arith.shrsi %get3A_458, %shift_right_arithmetic3A_460 : vector<16xi32>
    %shift_left3A_462 = arith.constant 19 : i32
    %shift_left3A_463 = vector.broadcast %shift_left3A_462 : i32 to vector<16xi32>
    %shift_left3A_464 = arith.shli %shift_right_arithmetic3A_461, %shift_left3A_463 : vector<16xi32>
    %shift_left3A_465 = arith.constant 17 : i32
    %shift_left3A_466 = vector.broadcast %shift_left3A_465 : i32 to vector<16xi32>
    %shift_left3A_467 = arith.shli %shift_right_arithmetic3A_461, %shift_left3A_466 : vector<16xi32>
    %add3A_468 = arith.addi %shift_left3A_464, %shift_left3A_467 : vector<16xi32>
    %and3A_469 = arith.constant 131071 : i32
    %and3A_470 = vector.broadcast %and3A_469 : i32 to vector<16xi32>
    %and3A_471 = arith.andi %get3A_458, %and3A_470 : vector<16xi32>
    %add3A_472 = arith.addi %add3A_468, %and3A_471 : vector<16xi32>
    %add3A_473 = arith.constant 0 : i32
    %add3A_474 = vector.broadcast %add3A_473 : i32 to vector<16xi32>
    %add3A_475 = arith.addi %add3A_472, %add3A_474 : vector<16xi32>
    %swap3A_476 = arith.constant 0 : i32
    %swap3A_477 = arith.index_cast %swap3A_476 : i32 to index
    %swap3A_478 = arith.constant 144 : index
    %swap3A_479 = tpu.vector_load %arg10[%swap3A_477, %swap3A_478] {strides = array<i32>} : memref<10x256xi32, #tpu.memory_space<vmem>>, vector<16xi32>,
    tpu.vector_store %arg10[%swap3A_477, %swap3A_478], %add3A_475 {strides = array<i32>} : memref<10x256xi32, #tpu.memory_space<vmem>>, vector<16xi32>,
    %add3A_480 = arith.constant 131072 : i32
    %add3A_481 = vector.broadcast %add3A_480 : i32 to vector<16xi32>
    %add3A_482 = arith.addi %add3A_472, %add3A_481 : vector<16xi32>
    %swap3A_483 = arith.constant 1 : i32
    %swap3A_484 = arith.index_cast %swap3A_483 : i32 to index
    %swap3A_485 = arith.constant 144 : index
    %swap3A_486 = tpu.vector_load %arg10[%swap3A_484, %swap3A_485] {strides = array<i32>} : memref<10x256xi32, #tpu.memory_space<vmem>>, vector<16xi32>,
    tpu.vector_store %arg10[%swap3A_484, %swap3A_485], %add3A_482 {strides = array<i32>} : memref<10x256xi32, #tpu.memory_space<vmem>>, vector<16xi32>,
    %add3A_487 = arith.constant 262144 : i32
    %add3A_488 = vector.broadcast %add3A_487 : i32 to vector<16xi32>
    %add3A_489 = arith.addi %add3A_472, %add3A_488 : vector<16xi32>
    %swap3A_490 = arith.constant 2 : i32
    %swap3A_491 = arith.index_cast %swap3A_490 : i32 to index
    %swap3A_492 = arith.constant 144 : index
    %swap3A_493 = tpu.vector_load %arg10[%swap3A_491, %swap3A_492] {strides = array<i32>} : memref<10x256xi32, #tpu.memory_space<vmem>>, vector<16xi32>,
    tpu.vector_store %arg10[%swap3A_491, %swap3A_492], %add3A_489 {strides = array<i32>} : memref<10x256xi32, #tpu.memory_space<vmem>>, vector<16xi32>,
    %add3A_494 = arith.constant 393216 : i32
    %add3A_495 = vector.broadcast %add3A_494 : i32 to vector<16xi32>
    %add3A_496 = arith.addi %add3A_472, %add3A_495 : vector<16xi32>
    %swap3A_497 = arith.constant 3 : i32
    %swap3A_498 = arith.index_cast %swap3A_497 : i32 to index
    %swap3A_499 = arith.constant 144 : index
    %swap3A_500 = tpu.vector_load %arg10[%swap3A_498, %swap3A_499] {strides = array<i32>} : memref<10x256xi32, #tpu.memory_space<vmem>>, vector<16xi32>,
    tpu.vector_store %arg10[%swap3A_498, %swap3A_499], %add3A_496 {strides = array<i32>} : memref<10x256xi32, #tpu.memory_space<vmem>>, vector<16xi32>,
    %add3A_501 = arith.constant 524288 : i32
    %add3A_502 = vector.broadcast %add3A_501 : i32 to vector<16xi32>
    %add3A_503 = arith.addi %add3A_472, %add3A_502 : vector<16xi32>
    %swap3A_504 = arith.constant 4 : i32
    %swap3A_505 = arith.index_cast %swap3A_504 : i32 to index
    %swap3A_506 = arith.constant 144 : index
    %swap3A_507 = tpu.vector_load %arg10[%swap3A_505, %swap3A_506] {strides = array<i32>} : memref<10x256xi32, #tpu.memory_space<vmem>>, vector<16xi32>,
    tpu.vector_store %arg10[%swap3A_505, %swap3A_506], %add3A_503 {strides = array<i32>} : memref<10x256xi32, #tpu.memory_space<vmem>>, vector<16xi32>,
    %get3A_508 = arith.constant 160 : index
    %get3A_509 = tpu.vector_load %arg8[%get3A_508] {strides = array<i32>} : memref<512xi32, #tpu.memory_space<vmem>>, vector<16xi32>,
    %shift_right_arithmetic3A_510 = arith.constant 17 : i32
    %shift_right_arithmetic3A_511 = vector.broadcast %shift_right_arithmetic3A_510 : i32 to vector<16xi32>
    %shift_right_arithmetic3A_512 = arith.shrsi %get3A_509, %shift_right_arithmetic3A_511 : vector<16xi32>
    %shift_left3A_513 = arith.constant 19 : i32
    %shift_left3A_514 = vector.broadcast %shift_left3A_513 : i32 to vector<16xi32>
    %shift_left3A_515 = arith.shli %shift_right_arithmetic3A_512, %shift_left3A_514 : vector<16xi32>
    %shift_left3A_516 = arith.constant 17 : i32
    %shift_left3A_517 = vector.broadcast %shift_left3A_516 : i32 to vector<16xi32>
    %shift_left3A_518 = arith.shli %shift_right_arithmetic3A_512, %shift_left3A_517 : vector<16xi32>
    %add3A_519 = arith.addi %shift_left3A_515, %shift_left3A_518 : vector<16xi32>
    %and3A_520 = arith.constant 131071 : i32
    %and3A_521 = vector.broadcast %and3A_520 : i32 to vector<16xi32>
    %and3A_522 = arith.andi %get3A_509, %and3A_521 : vector<16xi32>
    %add3A_523 = arith.addi %add3A_519, %and3A_522 : vector<16xi32>
    %add3A_524 = arith.constant 0 : i32
    %add3A_525 = vector.broadcast %add3A_524 : i32 to vector<16xi32>
    %add3A_526 = arith.addi %add3A_523, %add3A_525 : vector<16xi32>
    %swap3A_527 = arith.constant 0 : i32
    %swap3A_528 = arith.index_cast %swap3A_527 : i32 to index
    %swap3A_529 = arith.constant 160 : index
    %swap3A_530 = tpu.vector_load %arg10[%swap3A_528, %swap3A_529] {strides = array<i32>} : memref<10x256xi32, #tpu.memory_space<vmem>>, vector<16xi32>,
    tpu.vector_store %arg10[%swap3A_528, %swap3A_529], %add3A_526 {strides = array<i32>} : memref<10x256xi32, #tpu.memory_space<vmem>>, vector<16xi32>,
    %add3A_531 = arith.constant 131072 : i32
    %add3A_532 = vector.broadcast %add3A_531 : i32 to vector<16xi32>
    %add3A_533 = arith.addi %add3A_523, %add3A_532 : vector<16xi32>
    %swap3A_534 = arith.constant 1 : i32
    %swap3A_535 = arith.index_cast %swap3A_534 : i32 to index
    %swap3A_536 = arith.constant 160 : index
    %swap3A_537 = tpu.vector_load %arg10[%swap3A_535, %swap3A_536] {strides = array<i32>} : memref<10x256xi32, #tpu.memory_space<vmem>>, vector<16xi32>,
    tpu.vector_store %arg10[%swap3A_535, %swap3A_536], %add3A_533 {strides = array<i32>} : memref<10x256xi32, #tpu.memory_space<vmem>>, vector<16xi32>,
    %add3A_538 = arith.constant 262144 : i32
    %add3A_539 = vector.broadcast %add3A_538 : i32 to vector<16xi32>
    %add3A_540 = arith.addi %add3A_523, %add3A_539 : vector<16xi32>
    %swap3A_541 = arith.constant 2 : i32
    %swap3A_542 = arith.index_cast %swap3A_541 : i32 to index
    %swap3A_543 = arith.constant 160 : index
    %swap3A_544 = tpu.vector_load %arg10[%swap3A_542, %swap3A_543] {strides = array<i32>} : memref<10x256xi32, #tpu.memory_space<vmem>>, vector<16xi32>,
    tpu.vector_store %arg10[%swap3A_542, %swap3A_543], %add3A_540 {strides = array<i32>} : memref<10x256xi32, #tpu.memory_space<vmem>>, vector<16xi32>,
    %add3A_545 = arith.constant 393216 : i32
    %add3A_546 = vector.broadcast %add3A_545 : i32 to vector<16xi32>
    %add3A_547 = arith.addi %add3A_523, %add3A_546 : vector<16xi32>
    %swap3A_548 = arith.constant 3 : i32
    %swap3A_549 = arith.index_cast %swap3A_548 : i32 to index
    %swap3A_550 = arith.constant 160 : index
    %swap3A_551 = tpu.vector_load %arg10[%swap3A_549, %swap3A_550] {strides = array<i32>} : memref<10x256xi32, #tpu.memory_space<vmem>>, vector<16xi32>,
    tpu.vector_store %arg10[%swap3A_549, %swap3A_550], %add3A_547 {strides = array<i32>} : memref<10x256xi32, #tpu.memory_space<vmem>>, vector<16xi32>,
    %add3A_552 = arith.constant 524288 : i32
    %add3A_553 = vector.broadcast %add3A_552 : i32 to vector<16xi32>
    %add3A_554 = arith.addi %add3A_523, %add3A_553 : vector<16xi32>
    %swap3A_555 = arith.constant 4 : i32
    %swap3A_556 = arith.index_cast %swap3A_555 : i32 to index
    %swap3A_557 = arith.constant 160 : index
    %swap3A_558 = tpu.vector_load %arg10[%swap3A_556, %swap3A_557] {strides = array<i32>} : memref<10x256xi32, #tpu.memory_space<vmem>>, vector<16xi32>,
    tpu.vector_store %arg10[%swap3A_556, %swap3A_557], %add3A_554 {strides = array<i32>} : memref<10x256xi32, #tpu.memory_space<vmem>>, vector<16xi32>,
    %get3A_559 = arith.constant 176 : index
    %get3A_560 = tpu.vector_load %arg8[%get3A_559] {strides = array<i32>} : memref<512xi32, #tpu.memory_space<vmem>>, vector<16xi32>,
    %shift_right_arithmetic3A_561 = arith.constant 17 : i32
    %shift_right_arithmetic3A_562 = vector.broadcast %shift_right_arithmetic3A_561 : i32 to vector<16xi32>
    %shift_right_arithmetic3A_563 = arith.shrsi %get3A_560, %shift_right_arithmetic3A_562 : vector<16xi32>
    %shift_left3A_564 = arith.constant 19 : i32
    %shift_left3A_565 = vector.broadcast %shift_left3A_564 : i32 to vector<16xi32>
    %shift_left3A_566 = arith.shli %shift_right_arithmetic3A_563, %shift_left3A_565 : vector<16xi32>
    %shift_left3A_567 = arith.constant 17 : i32
    %shift_left3A_568 = vector.broadcast %shift_left3A_567 : i32 to vector<16xi32>
    %shift_left3A_569 = arith.shli %shift_right_arithmetic3A_563, %shift_left3A_568 : vector<16xi32>
    %add3A_570 = arith.addi %shift_left3A_566, %shift_left3A_569 : vector<16xi32>
    %and3A_571 = arith.constant 131071 : i32
    %and3A_572 = vector.broadcast %and3A_571 : i32 to vector<16xi32>
    %and3A_573 = arith.andi %get3A_560, %and3A_572 : vector<16xi32>
    %add3A_574 = arith.addi %add3A_570, %and3A_573 : vector<16xi32>
    %add3A_575 = arith.constant 0 : i32
    %add3A_576 = vector.broadcast %add3A_575 : i32 to vector<16xi32>
    %add3A_577 = arith.addi %add3A_574, %add3A_576 : vector<16xi32>
    %swap3A_578 = arith.constant 0 : i32
    %swap3A_579 = arith.index_cast %swap3A_578 : i32 to index
    %swap3A_580 = arith.constant 176 : index
    %swap3A_581 = tpu.vector_load %arg10[%swap3A_579, %swap3A_580] {strides = array<i32>} : memref<10x256xi32, #tpu.memory_space<vmem>>, vector<16xi32>,
    tpu.vector_store %arg10[%swap3A_579, %swap3A_580], %add3A_577 {strides = array<i32>} : memref<10x256xi32, #tpu.memory_space<vmem>>, vector<16xi32>,
    %add3A_582 = arith.constant 131072 : i32
    %add3A_583 = vector.broadcast %add3A_582 : i32 to vector<16xi32>
    %add3A_584 = arith.addi %add3A_574, %add3A_583 : vector<16xi32>
    %swap3A_585 = arith.constant 1 : i32
    %swap3A_586 = arith.index_cast %swap3A_585 : i32 to index
    %swap3A_587 = arith.constant 176 : index
    %swap3A_588 = tpu.vector_load %arg10[%swap3A_586, %swap3A_587] {strides = array<i32>} : memref<10x256xi32, #tpu.memory_space<vmem>>, vector<16xi32>,
    tpu.vector_store %arg10[%swap3A_586, %swap3A_587], %add3A_584 {strides = array<i32>} : memref<10x256xi32, #tpu.memory_space<vmem>>, vector<16xi32>,
    %add3A_589 = arith.constant 262144 : i32
    %add3A_590 = vector.broadcast %add3A_589 : i32 to vector<16xi32>
    %add3A_591 = arith.addi %add3A_574, %add3A_590 : vector<16xi32>
    %swap3A_592 = arith.constant 2 : i32
    %swap3A_593 = arith.index_cast %swap3A_592 : i32 to index
    %swap3A_594 = arith.constant 176 : index
    %swap3A_595 = tpu.vector_load %arg10[%swap3A_593, %swap3A_594] {strides = array<i32>} : memref<10x256xi32, #tpu.memory_space<vmem>>, vector<16xi32>,
    tpu.vector_store %arg10[%swap3A_593, %swap3A_594], %add3A_591 {strides = array<i32>} : memref<10x256xi32, #tpu.memory_space<vmem>>, vector<16xi32>,
    %add3A_596 = arith.constant 393216 : i32
    %add3A_597 = vector.broadcast %add3A_596 : i32 to vector<16xi32>
    %add3A_598 = arith.addi %add3A_574, %add3A_597 : vector<16xi32>
    %swap3A_599 = arith.constant 3 : i32
    %swap3A_600 = arith.index_cast %swap3A_599 : i32 to index
    %swap3A_601 = arith.constant 176 : index
    %swap3A_602 = tpu.vector_load %arg10[%swap3A_600, %swap3A_601] {strides = array<i32>} : memref<10x256xi32, #tpu.memory_space<vmem>>, vector<16xi32>,
    tpu.vector_store %arg10[%swap3A_600, %swap3A_601], %add3A_598 {strides = array<i32>} : memref<10x256xi32, #tpu.memory_space<vmem>>, vector<16xi32>,
    %add3A_603 = arith.constant 524288 : i32
    %add3A_604 = vector.broadcast %add3A_603 : i32 to vector<16xi32>
    %add3A_605 = arith.addi %add3A_574, %add3A_604 : vector<16xi32>
    %swap3A_606 = arith.constant 4 : i32
    %swap3A_607 = arith.index_cast %swap3A_606 : i32 to index
    %swap3A_608 = arith.constant 176 : index
    %swap3A_609 = tpu.vector_load %arg10[%swap3A_607, %swap3A_608] {strides = array<i32>} : memref<10x256xi32, #tpu.memory_space<vmem>>, vector<16xi32>,
    tpu.vector_store %arg10[%swap3A_607, %swap3A_608], %add3A_605 {strides = array<i32>} : memref<10x256xi32, #tpu.memory_space<vmem>>, vector<16xi32>,
    %get3A_610 = arith.constant 192 : index
    %get3A_611 = tpu.vector_load %arg8[%get3A_610] {strides = array<i32>} : memref<512xi32, #tpu.memory_space<vmem>>, vector<16xi32>,
    %shift_right_arithmetic3A_612 = arith.constant 17 : i32
    %shift_right_arithmetic3A_613 = vector.broadcast %shift_right_arithmetic3A_612 : i32 to vector<16xi32>
    %shift_right_arithmetic3A_614 = arith.shrsi %get3A_611, %shift_right_arithmetic3A_613 : vector<16xi32>
    %shift_left3A_615 = arith.constant 19 : i32
    %shift_left3A_616 = vector.broadcast %shift_left3A_615 : i32 to vector<16xi32>
    %shift_left3A_617 = arith.shli %shift_right_arithmetic3A_614, %shift_left3A_616 : vector<16xi32>
    %shift_left3A_618 = arith.constant 17 : i32
    %shift_left3A_619 = vector.broadcast %shift_left3A_618 : i32 to vector<16xi32>
    %shift_left3A_620 = arith.shli %shift_right_arithmetic3A_614, %shift_left3A_619 : vector<16xi32>
    %add3A_621 = arith.addi %shift_left3A_617, %shift_left3A_620 : vector<16xi32>
    %and3A_622 = arith.constant 131071 : i32
    %and3A_623 = vector.broadcast %and3A_622 : i32 to vector<16xi32>
    %and3A_624 = arith.andi %get3A_611, %and3A_623 : vector<16xi32>
    %add3A_625 = arith.addi %add3A_621, %and3A_624 : vector<16xi32>
    %add3A_626 = arith.constant 0 : i32
    %add3A_627 = vector.broadcast %add3A_626 : i32 to vector<16xi32>
    %add3A_628 = arith.addi %add3A_625, %add3A_627 : vector<16xi32>
    %swap3A_629 = arith.constant 0 : i32
    %swap3A_630 = arith.index_cast %swap3A_629 : i32 to index
    %swap3A_631 = arith.constant 192 : index
    %swap3A_632 = tpu.vector_load %arg10[%swap3A_630, %swap3A_631] {strides = array<i32>} : memref<10x256xi32, #tpu.memory_space<vmem>>, vector<16xi32>,
    tpu.vector_store %arg10[%swap3A_630, %swap3A_631], %add3A_628 {strides = array<i32>} : memref<10x256xi32, #tpu.memory_space<vmem>>, vector<16xi32>,
    %add3A_633 = arith.constant 131072 : i32
    %add3A_634 = vector.broadcast %add3A_633 : i32 to vector<16xi32>
    %add3A_635 = arith.addi %add3A_625, %add3A_634 : vector<16xi32>
    %swap3A_636 = arith.constant 1 : i32
    %swap3A_637 = arith.index_cast %swap3A_636 : i32 to index
    %swap3A_638 = arith.constant 192 : index
    %swap3A_639 = tpu.vector_load %arg10[%swap3A_637, %swap3A_638] {strides = array<i32>} : memref<10x256xi32, #tpu.memory_space<vmem>>, vector<16xi32>,
    tpu.vector_store %arg10[%swap3A_637, %swap3A_638], %add3A_635 {strides = array<i32>} : memref<10x256xi32, #tpu.memory_space<vmem>>, vector<16xi32>,
    %add3A_640 = arith.constant 262144 : i32
    %add3A_641 = vector.broadcast %add3A_640 : i32 to vector<16xi32>
    %add3A_642 = arith.addi %add3A_625, %add3A_641 : vector<16xi32>
    %swap3A_643 = arith.constant 2 : i32
    %swap3A_644 = arith.index_cast %swap3A_643 : i32 to index
    %swap3A_645 = arith.constant 192 : index
    %swap3A_646 = tpu.vector_load %arg10[%swap3A_644, %swap3A_645] {strides = array<i32>} : memref<10x256xi32, #tpu.memory_space<vmem>>, vector<16xi32>,
    tpu.vector_store %arg10[%swap3A_644, %swap3A_645], %add3A_642 {strides = array<i32>} : memref<10x256xi32, #tpu.memory_space<vmem>>, vector<16xi32>,
    %add3A_647 = arith.constant 393216 : i32
    %add3A_648 = vector.broadcast %add3A_647 : i32 to vector<16xi32>
    %add3A_649 = arith.addi %add3A_625, %add3A_648 : vector<16xi32>
    %swap3A_650 = arith.constant 3 : i32
    %swap3A_651 = arith.index_cast %swap3A_650 : i32 to index
    %swap3A_652 = arith.constant 192 : index
    %swap3A_653 = tpu.vector_load %arg10[%swap3A_651, %swap3A_652] {strides = array<i32>} : memref<10x256xi32, #tpu.memory_space<vmem>>, vector<16xi32>,
    tpu.vector_store %arg10[%swap3A_651, %swap3A_652], %add3A_649 {strides = array<i32>} : memref<10x256xi32, #tpu.memory_space<vmem>>, vector<16xi32>,
    %add3A_654 = arith.constant 524288 : i32
    %add3A_655 = vector.broadcast %add3A_654 : i32 to vector<16xi32>
    %add3A_656 = arith.addi %add3A_625, %add3A_655 : vector<16xi32>
    %swap3A_657 = arith.constant 4 : i32
    %swap3A_658 = arith.index_cast %swap3A_657 : i32 to index
    %swap3A_659 = arith.constant 192 : index
    %swap3A_660 = tpu.vector_load %arg10[%swap3A_658, %swap3A_659] {strides = array<i32>} : memref<10x256xi32, #tpu.memory_space<vmem>>, vector<16xi32>,
    tpu.vector_store %arg10[%swap3A_658, %swap3A_659], %add3A_656 {strides = array<i32>} : memref<10x256xi32, #tpu.memory_space<vmem>>, vector<16xi32>,
    %get3A_661 = arith.constant 208 : index
    %get3A_662 = tpu.vector_load %arg8[%get3A_661] {strides = array<i32>} : memref<512xi32, #tpu.memory_space<vmem>>, vector<16xi32>,
    %shift_right_arithmetic3A_663 = arith.constant 17 : i32
    %shift_right_arithmetic3A_664 = vector.broadcast %shift_right_arithmetic3A_663 : i32 to vector<16xi32>
    %shift_right_arithmetic3A_665 = arith.shrsi %get3A_662, %shift_right_arithmetic3A_664 : vector<16xi32>
    %shift_left3A_666 = arith.constant 19 : i32
    %shift_left3A_667 = vector.broadcast %shift_left3A_666 : i32 to vector<16xi32>
    %shift_left3A_668 = arith.shli %shift_right_arithmetic3A_665, %shift_left3A_667 : vector<16xi32>
    %shift_left3A_669 = arith.constant 17 : i32
    %shift_left3A_670 = vector.broadcast %shift_left3A_669 : i32 to vector<16xi32>
    %shift_left3A_671 = arith.shli %shift_right_arithmetic3A_665, %shift_left3A_670 : vector<16xi32>
    %add3A_672 = arith.addi %shift_left3A_668, %shift_left3A_671 : vector<16xi32>
    %and3A_673 = arith.constant 131071 : i32
    %and3A_674 = vector.broadcast %and3A_673 : i32 to vector<16xi32>
    %and3A_675 = arith.andi %get3A_662, %and3A_674 : vector<16xi32>
    %add3A_676 = arith.addi %add3A_672, %and3A_675 : vector<16xi32>
    %add3A_677 = arith.constant 0 : i32
    %add3A_678 = vector.broadcast %add3A_677 : i32 to vector<16xi32>
    %add3A_679 = arith.addi %add3A_676, %add3A_678 : vector<16xi32>
    %swap3A_680 = arith.constant 0 : i32
    %swap3A_681 = arith.index_cast %swap3A_680 : i32 to index
    %swap3A_682 = arith.constant 208 : index
    %swap3A_683 = tpu.vector_load %arg10[%swap3A_681, %swap3A_682] {strides = array<i32>} : memref<10x256xi32, #tpu.memory_space<vmem>>, vector<16xi32>,
    tpu.vector_store %arg10[%swap3A_681, %swap3A_682], %add3A_679 {strides = array<i32>} : memref<10x256xi32, #tpu.memory_space<vmem>>, vector<16xi32>,
    %add3A_684 = arith.constant 131072 : i32
    %add3A_685 = vector.broadcast %add3A_684 : i32 to vector<16xi32>
    %add3A_686 = arith.addi %add3A_676, %add3A_685 : vector<16xi32>
    %swap3A_687 = arith.constant 1 : i32
    %swap3A_688 = arith.index_cast %swap3A_687 : i32 to index
    %swap3A_689 = arith.constant 208 : index
    %swap3A_690 = tpu.vector_load %arg10[%swap3A_688, %swap3A_689] {strides = array<i32>} : memref<10x256xi32, #tpu.memory_space<vmem>>, vector<16xi32>,
    tpu.vector_store %arg10[%swap3A_688, %swap3A_689], %add3A_686 {strides = array<i32>} : memref<10x256xi32, #tpu.memory_space<vmem>>, vector<16xi32>,
    %add3A_691 = arith.constant 262144 : i32
    %add3A_692 = vector.broadcast %add3A_691 : i32 to vector<16xi32>
    %add3A_693 = arith.addi %add3A_676, %add3A_692 : vector<16xi32>
    %swap3A_694 = arith.constant 2 : i32
    %swap3A_695 = arith.index_cast %swap3A_694 : i32 to index
    %swap3A_696 = arith.constant 208 : index
    %swap3A_697 = tpu.vector_load %arg10[%swap3A_695, %swap3A_696] {strides = array<i32>} : memref<10x256xi32, #tpu.memory_space<vmem>>, vector<16xi32>,
    tpu.vector_store %arg10[%swap3A_695, %swap3A_696], %add3A_693 {strides = array<i32>} : memref<10x256xi32, #tpu.memory_space<vmem>>, vector<16xi32>,
    %add3A_698 = arith.constant 393216 : i32
    %add3A_699 = vector.broadcast %add3A_698 : i32 to vector<16xi32>
    %add3A_700 = arith.addi %add3A_676, %add3A_699 : vector<16xi32>
    %swap3A_701 = arith.constant 3 : i32
    %swap3A_702 = arith.index_cast %swap3A_701 : i32 to index
    %swap3A_703 = arith.constant 208 : index
    %swap3A_704 = tpu.vector_load %arg10[%swap3A_702, %swap3A_703] {strides = array<i32>} : memref<10x256xi32, #tpu.memory_space<vmem>>, vector<16xi32>,
    tpu.vector_store %arg10[%swap3A_702, %swap3A_703], %add3A_700 {strides = array<i32>} : memref<10x256xi32, #tpu.memory_space<vmem>>, vector<16xi32>,
    %add3A_705 = arith.constant 524288 : i32
    %add3A_706 = vector.broadcast %add3A_705 : i32 to vector<16xi32>
    %add3A_707 = arith.addi %add3A_676, %add3A_706 : vector<16xi32>
    %swap3A_708 = arith.constant 4 : i32
    %swap3A_709 = arith.index_cast %swap3A_708 : i32 to index
    %swap3A_710 = arith.constant 208 : index
    %swap3A_711 = tpu.vector_load %arg10[%swap3A_709, %swap3A_710] {strides = array<i32>} : memref<10x256xi32, #tpu.memory_space<vmem>>, vector<16xi32>,
    tpu.vector_store %arg10[%swap3A_709, %swap3A_710], %add3A_707 {strides = array<i32>} : memref<10x256xi32, #tpu.memory_space<vmem>>, vector<16xi32>,
    %get3A_712 = arith.constant 224 : index
    %get3A_713 = tpu.vector_load %arg8[%get3A_712] {strides = array<i32>} : memref<512xi32, #tpu.memory_space<vmem>>, vector<16xi32>,
    %shift_right_arithmetic3A_714 = arith.constant 17 : i32
    %shift_right_arithmetic3A_715 = vector.broadcast %shift_right_arithmetic3A_714 : i32 to vector<16xi32>
    %shift_right_arithmetic3A_716 = arith.shrsi %get3A_713, %shift_right_arithmetic3A_715 : vector<16xi32>
    %shift_left3A_717 = arith.constant 19 : i32
    %shift_left3A_718 = vector.broadcast %shift_left3A_717 : i32 to vector<16xi32>
    %shift_left3A_719 = arith.shli %shift_right_arithmetic3A_716, %shift_left3A_718 : vector<16xi32>
    %shift_left3A_720 = arith.constant 17 : i32
    %shift_left3A_721 = vector.broadcast %shift_left3A_720 : i32 to vector<16xi32>
    %shift_left3A_722 = arith.shli %shift_right_arithmetic3A_716, %shift_left3A_721 : vector<16xi32>
    %add3A_723 = arith.addi %shift_left3A_719, %shift_left3A_722 : vector<16xi32>
    %and3A_724 = arith.constant 131071 : i32
    %and3A_725 = vector.broadcast %and3A_724 : i32 to vector<16xi32>
    %and3A_726 = arith.andi %get3A_713, %and3A_725 : vector<16xi32>
    %add3A_727 = arith.addi %add3A_723, %and3A_726 : vector<16xi32>
    %add3A_728 = arith.constant 0 : i32
    %add3A_729 = vector.broadcast %add3A_728 : i32 to vector<16xi32>
    %add3A_730 = arith.addi %add3A_727, %add3A_729 : vector<16xi32>
    %swap3A_731 = arith.constant 0 : i32
    %swap3A_732 = arith.index_cast %swap3A_731 : i32 to index
    %swap3A_733 = arith.constant 224 : index
    %swap3A_734 = tpu.vector_load %arg10[%swap3A_732, %swap3A_733] {strides = array<i32>} : memref<10x256xi32, #tpu.memory_space<vmem>>, vector<16xi32>,
    tpu.vector_store %arg10[%swap3A_732, %swap3A_733], %add3A_730 {strides = array<i32>} : memref<10x256xi32, #tpu.memory_space<vmem>>, vector<16xi32>,
    %add3A_735 = arith.constant 131072 : i32
    %add3A_736 = vector.broadcast %add3A_735 : i32 to vector<16xi32>
    %add3A_737 = arith.addi %add3A_727, %add3A_736 : vector<16xi32>
    %swap3A_738 = arith.constant 1 : i32
    %swap3A_739 = arith.index_cast %swap3A_738 : i32 to index
    %swap3A_740 = arith.constant 224 : index
    %swap3A_741 = tpu.vector_load %arg10[%swap3A_739, %swap3A_740] {strides = array<i32>} : memref<10x256xi32, #tpu.memory_space<vmem>>, vector<16xi32>,
    tpu.vector_store %arg10[%swap3A_739, %swap3A_740], %add3A_737 {strides = array<i32>} : memref<10x256xi32, #tpu.memory_space<vmem>>, vector<16xi32>,
    %add3A_742 = arith.constant 262144 : i32
    %add3A_743 = vector.broadcast %add3A_742 : i32 to vector<16xi32>
    %add3A_744 = arith.addi %add3A_727, %add3A_743 : vector<16xi32>
    %swap3A_745 = arith.constant 2 : i32
    %swap3A_746 = arith.index_cast %swap3A_745 : i32 to index
    %swap3A_747 = arith.constant 224 : index
    %swap3A_748 = tpu.vector_load %arg10[%swap3A_746, %swap3A_747] {strides = array<i32>} : memref<10x256xi32, #tpu.memory_space<vmem>>, vector<16xi32>,
    tpu.vector_store %arg10[%swap3A_746, %swap3A_747], %add3A_744 {strides = array<i32>} : memref<10x256xi32, #tpu.memory_space<vmem>>, vector<16xi32>,
    %add3A_749 = arith.constant 393216 : i32
    %add3A_750 = vector.broadcast %add3A_749 : i32 to vector<16xi32>
    %add3A_751 = arith.addi %add3A_727, %add3A_750 : vector<16xi32>
    %swap3A_752 = arith.constant 3 : i32
    %swap3A_753 = arith.index_cast %swap3A_752 : i32 to index
    %swap3A_754 = arith.constant 224 : index
    %swap3A_755 = tpu.vector_load %arg10[%swap3A_753, %swap3A_754] {strides = array<i32>} : memref<10x256xi32, #tpu.memory_space<vmem>>, vector<16xi32>,
    tpu.vector_store %arg10[%swap3A_753, %swap3A_754], %add3A_751 {strides = array<i32>} : memref<10x256xi32, #tpu.memory_space<vmem>>, vector<16xi32>,
    %add3A_756 = arith.constant 524288 : i32
    %add3A_757 = vector.broadcast %add3A_756 : i32 to vector<16xi32>
    %add3A_758 = arith.addi %add3A_727, %add3A_757 : vector<16xi32>
    %swap3A_759 = arith.constant 4 : i32
    %swap3A_760 = arith.index_cast %swap3A_759 : i32 to index
    %swap3A_761 = arith.constant 224 : index
    %swap3A_762 = tpu.vector_load %arg10[%swap3A_760, %swap3A_761] {strides = array<i32>} : memref<10x256xi32, #tpu.memory_space<vmem>>, vector<16xi32>,
    tpu.vector_store %arg10[%swap3A_760, %swap3A_761], %add3A_758 {strides = array<i32>} : memref<10x256xi32, #tpu.memory_space<vmem>>, vector<16xi32>,
    %get3A_763 = arith.constant 240 : index
    %get3A_764 = tpu.vector_load %arg8[%get3A_763] {strides = array<i32>} : memref<512xi32, #tpu.memory_space<vmem>>, vector<16xi32>,
    %shift_right_arithmetic3A_765 = arith.constant 17 : i32
    %shift_right_arithmetic3A_766 = vector.broadcast %shift_right_arithmetic3A_765 : i32 to vector<16xi32>
    %shift_right_arithmetic3A_767 = arith.shrsi %get3A_764, %shift_right_arithmetic3A_766 : vector<16xi32>
    %shift_left3A_768 = arith.constant 19 : i32
    %shift_left3A_769 = vector.broadcast %shift_left3A_768 : i32 to vector<16xi32>
    %shift_left3A_770 = arith.shli %shift_right_arithmetic3A_767, %shift_left3A_769 : vector<16xi32>
    %shift_left3A_771 = arith.constant 17 : i32
    %shift_left3A_772 = vector.broadcast %shift_left3A_771 : i32 to vector<16xi32>
    %shift_left3A_773 = arith.shli %shift_right_arithmetic3A_767, %shift_left3A_772 : vector<16xi32>
    %add3A_774 = arith.addi %shift_left3A_770, %shift_left3A_773 : vector<16xi32>
    %and3A_775 = arith.constant 131071 : i32
    %and3A_776 = vector.broadcast %and3A_775 : i32 to vector<16xi32>
    %and3A_777 = arith.andi %get3A_764, %and3A_776 : vector<16xi32>
    %add3A_778 = arith.addi %add3A_774, %and3A_777 : vector<16xi32>
    %add3A_779 = arith.constant 0 : i32
    %add3A_780 = vector.broadcast %add3A_779 : i32 to vector<16xi32>
    %add3A_781 = arith.addi %add3A_778, %add3A_780 : vector<16xi32>
    %swap3A_782 = arith.constant 0 : i32
    %swap3A_783 = arith.index_cast %swap3A_782 : i32 to index
    %swap3A_784 = arith.constant 240 : index
    %swap3A_785 = tpu.vector_load %arg10[%swap3A_783, %swap3A_784] {strides = array<i32>} : memref<10x256xi32, #tpu.memory_space<vmem>>, vector<16xi32>,
    tpu.vector_store %arg10[%swap3A_783, %swap3A_784], %add3A_781 {strides = array<i32>} : memref<10x256xi32, #tpu.memory_space<vmem>>, vector<16xi32>,
    %add3A_786 = arith.constant 131072 : i32
    %add3A_787 = vector.broadcast %add3A_786 : i32 to vector<16xi32>
    %add3A_788 = arith.addi %add3A_778, %add3A_787 : vector<16xi32>
    %swap3A_789 = arith.constant 1 : i32
    %swap3A_790 = arith.index_cast %swap3A_789 : i32 to index
    %swap3A_791 = arith.constant 240 : index
    %swap3A_792 = tpu.vector_load %arg10[%swap3A_790, %swap3A_791] {strides = array<i32>} : memref<10x256xi32, #tpu.memory_space<vmem>>, vector<16xi32>,
    tpu.vector_store %arg10[%swap3A_790, %swap3A_791], %add3A_788 {strides = array<i32>} : memref<10x256xi32, #tpu.memory_space<vmem>>, vector<16xi32>,
    %add3A_793 = arith.constant 262144 : i32
    %add3A_794 = vector.broadcast %add3A_793 : i32 to vector<16xi32>
    %add3A_795 = arith.addi %add3A_778, %add3A_794 : vector<16xi32>
    %swap3A_796 = arith.constant 2 : i32
    %swap3A_797 = arith.index_cast %swap3A_796 : i32 to index
    %swap3A_798 = arith.constant 240 : index
    %swap3A_799 = tpu.vector_load %arg10[%swap3A_797, %swap3A_798] {strides = array<i32>} : memref<10x256xi32, #tpu.memory_space<vmem>>, vector<16xi32>,
    tpu.vector_store %arg10[%swap3A_797, %swap3A_798], %add3A_795 {strides = array<i32>} : memref<10x256xi32, #tpu.memory_space<vmem>>, vector<16xi32>,
    %add3A_800 = arith.constant 393216 : i32
    %add3A_801 = vector.broadcast %add3A_800 : i32 to vector<16xi32>
    %add3A_802 = arith.addi %add3A_778, %add3A_801 : vector<16xi32>
    %swap3A_803 = arith.constant 3 : i32
    %swap3A_804 = arith.index_cast %swap3A_803 : i32 to index
    %swap3A_805 = arith.constant 240 : index
    %swap3A_806 = tpu.vector_load %arg10[%swap3A_804, %swap3A_805] {strides = array<i32>} : memref<10x256xi32, #tpu.memory_space<vmem>>, vector<16xi32>,
    tpu.vector_store %arg10[%swap3A_804, %swap3A_805], %add3A_802 {strides = array<i32>} : memref<10x256xi32, #tpu.memory_space<vmem>>, vector<16xi32>,
    %add3A_807 = arith.constant 524288 : i32
    %add3A_808 = vector.broadcast %add3A_807 : i32 to vector<16xi32>
    %add3A_809 = arith.addi %add3A_778, %add3A_808 : vector<16xi32>
    %swap3A_810 = arith.constant 4 : i32
    %swap3A_811 = arith.index_cast %swap3A_810 : i32 to index
    %swap3A_812 = arith.constant 240 : index
    %swap3A_813 = tpu.vector_load %arg10[%swap3A_811, %swap3A_812] {strides = array<i32>} : memref<10x256xi32, #tpu.memory_space<vmem>>, vector<16xi32>,
    tpu.vector_store %arg10[%swap3A_811, %swap3A_812], %add3A_809 {strides = array<i32>} : memref<10x256xi32, #tpu.memory_space<vmem>>, vector<16xi32>,
    %get3A_814 = arith.constant 256 : index
    %get3A_815 = tpu.vector_load %arg8[%get3A_814] {strides = array<i32>} : memref<512xi32, #tpu.memory_space<vmem>>, vector<16xi32>,
    %shift_right_arithmetic3A_816 = arith.constant 17 : i32
    %shift_right_arithmetic3A_817 = vector.broadcast %shift_right_arithmetic3A_816 : i32 to vector<16xi32>
    %shift_right_arithmetic3A_818 = arith.shrsi %get3A_815, %shift_right_arithmetic3A_817 : vector<16xi32>
    %shift_left3A_819 = arith.constant 19 : i32
    %shift_left3A_820 = vector.broadcast %shift_left3A_819 : i32 to vector<16xi32>
    %shift_left3A_821 = arith.shli %shift_right_arithmetic3A_818, %shift_left3A_820 : vector<16xi32>
    %shift_left3A_822 = arith.constant 17 : i32
    %shift_left3A_823 = vector.broadcast %shift_left3A_822 : i32 to vector<16xi32>
    %shift_left3A_824 = arith.shli %shift_right_arithmetic3A_818, %shift_left3A_823 : vector<16xi32>
    %add3A_825 = arith.addi %shift_left3A_821, %shift_left3A_824 : vector<16xi32>
    %and3A_826 = arith.constant 131071 : i32
    %and3A_827 = vector.broadcast %and3A_826 : i32 to vector<16xi32>
    %and3A_828 = arith.andi %get3A_815, %and3A_827 : vector<16xi32>
    %add3A_829 = arith.addi %add3A_825, %and3A_828 : vector<16xi32>
    %add3A_830 = arith.constant 0 : i32
    %add3A_831 = vector.broadcast %add3A_830 : i32 to vector<16xi32>
    %add3A_832 = arith.addi %add3A_829, %add3A_831 : vector<16xi32>
    %swap3A_833 = arith.constant 5 : i32
    %swap3A_834 = arith.index_cast %swap3A_833 : i32 to index
    %swap3A_835 = arith.constant 0 : index
    %swap3A_836 = tpu.vector_load %arg10[%swap3A_834, %swap3A_835] {strides = array<i32>} : memref<10x256xi32, #tpu.memory_space<vmem>>, vector<16xi32>,
    tpu.vector_store %arg10[%swap3A_834, %swap3A_835], %add3A_832 {strides = array<i32>} : memref<10x256xi32, #tpu.memory_space<vmem>>, vector<16xi32>,
    %add3A_837 = arith.constant 131072 : i32
    %add3A_838 = vector.broadcast %add3A_837 : i32 to vector<16xi32>
    %add3A_839 = arith.addi %add3A_829, %add3A_838 : vector<16xi32>
    %swap3A_840 = arith.constant 6 : i32
    %swap3A_841 = arith.index_cast %swap3A_840 : i32 to index
    %swap3A_842 = arith.constant 0 : index
    %swap3A_843 = tpu.vector_load %arg10[%swap3A_841, %swap3A_842] {strides = array<i32>} : memref<10x256xi32, #tpu.memory_space<vmem>>, vector<16xi32>,
    tpu.vector_store %arg10[%swap3A_841, %swap3A_842], %add3A_839 {strides = array<i32>} : memref<10x256xi32, #tpu.memory_space<vmem>>, vector<16xi32>,
    %add3A_844 = arith.constant 262144 : i32
    %add3A_845 = vector.broadcast %add3A_844 : i32 to vector<16xi32>
    %add3A_846 = arith.addi %add3A_829, %add3A_845 : vector<16xi32>
    %swap3A_847 = arith.constant 7 : i32
    %swap3A_848 = arith.index_cast %swap3A_847 : i32 to index
    %swap3A_849 = arith.constant 0 : index
    %swap3A_850 = tpu.vector_load %arg10[%swap3A_848, %swap3A_849] {strides = array<i32>} : memref<10x256xi32, #tpu.memory_space<vmem>>, vector<16xi32>,
    tpu.vector_store %arg10[%swap3A_848, %swap3A_849], %add3A_846 {strides = array<i32>} : memref<10x256xi32, #tpu.memory_space<vmem>>, vector<16xi32>,
    %add3A_851 = arith.constant 393216 : i32
    %add3A_852 = vector.broadcast %add3A_851 : i32 to vector<16xi32>
    %add3A_853 = arith.addi %add3A_829, %add3A_852 : vector<16xi32>
    %swap3A_854 = arith.constant 8 : i32
    %swap3A_855 = arith.index_cast %swap3A_854 : i32 to index
    %swap3A_856 = arith.constant 0 : index
    %swap3A_857 = tpu.vector_load %arg10[%swap3A_855, %swap3A_856] {strides = array<i32>} : memref<10x256xi32, #tpu.memory_space<vmem>>, vector<16xi32>,
    tpu.vector_store %arg10[%swap3A_855, %swap3A_856], %add3A_853 {strides = array<i32>} : memref<10x256xi32, #tpu.memory_space<vmem>>, vector<16xi32>,
    %add3A_858 = arith.constant 524288 : i32
    %add3A_859 = vector.broadcast %add3A_858 : i32 to vector<16xi32>
    %add3A_860 = arith.addi %add3A_829, %add3A_859 : vector<16xi32>
    %swap3A_861 = arith.constant 9 : i32
    %swap3A_862 = arith.index_cast %swap3A_861 : i32 to index
    %swap3A_863 = arith.constant 0 : index
    %swap3A_864 = tpu.vector_load %arg10[%swap3A_862, %swap3A_863] {strides = array<i32>} : memref<10x256xi32, #tpu.memory_space<vmem>>, vector<16xi32>,
    tpu.vector_store %arg10[%swap3A_862, %swap3A_863], %add3A_860 {strides = array<i32>} : memref<10x256xi32, #tpu.memory_space<vmem>>, vector<16xi32>,
    %get3A_865 = arith.constant 272 : index
    %get3A_866 = tpu.vector_load %arg8[%get3A_865] {strides = array<i32>} : memref<512xi32, #tpu.memory_space<vmem>>, vector<16xi32>,
    %shift_right_arithmetic3A_867 = arith.constant 17 : i32
    %shift_right_arithmetic3A_868 = vector.broadcast %shift_right_arithmetic3A_867 : i32 to vector<16xi32>
    %shift_right_arithmetic3A_869 = arith.shrsi %get3A_866, %shift_right_arithmetic3A_868 : vector<16xi32>
    %shift_left3A_870 = arith.constant 19 : i32
    %shift_left3A_871 = vector.broadcast %shift_left3A_870 : i32 to vector<16xi32>
    %shift_left3A_872 = arith.shli %shift_right_arithmetic3A_869, %shift_left3A_871 : vector<16xi32>
    %shift_left3A_873 = arith.constant 17 : i32
    %shift_left3A_874 = vector.broadcast %shift_left3A_873 : i32 to vector<16xi32>
    %shift_left3A_875 = arith.shli %shift_right_arithmetic3A_869, %shift_left3A_874 : vector<16xi32>
    %add3A_876 = arith.addi %shift_left3A_872, %shift_left3A_875 : vector<16xi32>
    %and3A_877 = arith.constant 131071 : i32
    %and3A_878 = vector.broadcast %and3A_877 : i32 to vector<16xi32>
    %and3A_879 = arith.andi %get3A_866, %and3A_878 : vector<16xi32>
    %add3A_880 = arith.addi %add3A_876, %and3A_879 : vector<16xi32>
    %add3A_881 = arith.constant 0 : i32
    %add3A_882 = vector.broadcast %add3A_881 : i32 to vector<16xi32>
    %add3A_883 = arith.addi %add3A_880, %add3A_882 : vector<16xi32>
    %swap3A_884 = arith.constant 5 : i32
    %swap3A_885 = arith.index_cast %swap3A_884 : i32 to index
    %swap3A_886 = arith.constant 16 : index
    %swap3A_887 = tpu.vector_load %arg10[%swap3A_885, %swap3A_886] {strides = array<i32>} : memref<10x256xi32, #tpu.memory_space<vmem>>, vector<16xi32>,
    tpu.vector_store %arg10[%swap3A_885, %swap3A_886], %add3A_883 {strides = array<i32>} : memref<10x256xi32, #tpu.memory_space<vmem>>, vector<16xi32>,
    %add3A_888 = arith.constant 131072 : i32
    %add3A_889 = vector.broadcast %add3A_888 : i32 to vector<16xi32>
    %add3A_890 = arith.addi %add3A_880, %add3A_889 : vector<16xi32>
    %swap3A_891 = arith.constant 6 : i32
    %swap3A_892 = arith.index_cast %swap3A_891 : i32 to index
    %swap3A_893 = arith.constant 16 : index
    %swap3A_894 = tpu.vector_load %arg10[%swap3A_892, %swap3A_893] {strides = array<i32>} : memref<10x256xi32, #tpu.memory_space<vmem>>, vector<16xi32>,
    tpu.vector_store %arg10[%swap3A_892, %swap3A_893], %add3A_890 {strides = array<i32>} : memref<10x256xi32, #tpu.memory_space<vmem>>, vector<16xi32>,
    %add3A_895 = arith.constant 262144 : i32
    %add3A_896 = vector.broadcast %add3A_895 : i32 to vector<16xi32>
    %add3A_897 = arith.addi %add3A_880, %add3A_896 : vector<16xi32>
    %swap3A_898 = arith.constant 7 : i32
    %swap3A_899 = arith.index_cast %swap3A_898 : i32 to index
    %swap3A_900 = arith.constant 16 : index
    %swap3A_901 = tpu.vector_load %arg10[%swap3A_899, %swap3A_900] {strides = array<i32>} : memref<10x256xi32, #tpu.memory_space<vmem>>, vector<16xi32>,
    tpu.vector_store %arg10[%swap3A_899, %swap3A_900], %add3A_897 {strides = array<i32>} : memref<10x256xi32, #tpu.memory_space<vmem>>, vector<16xi32>,
    %add3A_902 = arith.constant 393216 : i32
    %add3A_903 = vector.broadcast %add3A_902 : i32 to vector<16xi32>
    %add3A_904 = arith.addi %add3A_880, %add3A_903 : vector<16xi32>
    %swap3A_905 = arith.constant 8 : i32
    %swap3A_906 = arith.index_cast %swap3A_905 : i32 to index
    %swap3A_907 = arith.constant 16 : index
    %swap3A_908 = tpu.vector_load %arg10[%swap3A_906, %swap3A_907] {strides = array<i32>} : memref<10x256xi32, #tpu.memory_space<vmem>>, vector<16xi32>,
    tpu.vector_store %arg10[%swap3A_906, %swap3A_907], %add3A_904 {strides = array<i32>} : memref<10x256xi32, #tpu.memory_space<vmem>>, vector<16xi32>,
    %add3A_909 = arith.constant 524288 : i32
    %add3A_910 = vector.broadcast %add3A_909 : i32 to vector<16xi32>
    %add3A_911 = arith.addi %add3A_880, %add3A_910 : vector<16xi32>
    %swap3A_912 = arith.constant 9 : i32
    %swap3A_913 = arith.index_cast %swap3A_912 : i32 to index
    %swap3A_914 = arith.constant 16 : index
    %swap3A_915 = tpu.vector_load %arg10[%swap3A_913, %swap3A_914] {strides = array<i32>} : memref<10x256xi32, #tpu.memory_space<vmem>>, vector<16xi32>,
    tpu.vector_store %arg10[%swap3A_913, %swap3A_914], %add3A_911 {strides = array<i32>} : memref<10x256xi32, #tpu.memory_space<vmem>>, vector<16xi32>,
    %get3A_916 = arith.constant 288 : index
    %get3A_917 = tpu.vector_load %arg8[%get3A_916] {strides = array<i32>} : memref<512xi32, #tpu.memory_space<vmem>>, vector<16xi32>,
    %shift_right_arithmetic3A_918 = arith.constant 17 : i32
    %shift_right_arithmetic3A_919 = vector.broadcast %shift_right_arithmetic3A_918 : i32 to vector<16xi32>
    %shift_right_arithmetic3A_920 = arith.shrsi %get3A_917, %shift_right_arithmetic3A_919 : vector<16xi32>
    %shift_left3A_921 = arith.constant 19 : i32
    %shift_left3A_922 = vector.broadcast %shift_left3A_921 : i32 to vector<16xi32>
    %shift_left3A_923 = arith.shli %shift_right_arithmetic3A_920, %shift_left3A_922 : vector<16xi32>
    %shift_left3A_924 = arith.constant 17 : i32
    %shift_left3A_925 = vector.broadcast %shift_left3A_924 : i32 to vector<16xi32>
    %shift_left3A_926 = arith.shli %shift_right_arithmetic3A_920, %shift_left3A_925 : vector<16xi32>
    %add3A_927 = arith.addi %shift_left3A_923, %shift_left3A_926 : vector<16xi32>
    %and3A_928 = arith.constant 131071 : i32
    %and3A_929 = vector.broadcast %and3A_928 : i32 to vector<16xi32>
    %and3A_930 = arith.andi %get3A_917, %and3A_929 : vector<16xi32>
    %add3A_931 = arith.addi %add3A_927, %and3A_930 : vector<16xi32>
    %add3A_932 = arith.constant 0 : i32
    %add3A_933 = vector.broadcast %add3A_932 : i32 to vector<16xi32>
    %add3A_934 = arith.addi %add3A_931, %add3A_933 : vector<16xi32>
    %swap3A_935 = arith.constant 5 : i32
    %swap3A_936 = arith.index_cast %swap3A_935 : i32 to index
    %swap3A_937 = arith.constant 32 : index
    %swap3A_938 = tpu.vector_load %arg10[%swap3A_936, %swap3A_937] {strides = array<i32>} : memref<10x256xi32, #tpu.memory_space<vmem>>, vector<16xi32>,
    tpu.vector_store %arg10[%swap3A_936, %swap3A_937], %add3A_934 {strides = array<i32>} : memref<10x256xi32, #tpu.memory_space<vmem>>, vector<16xi32>,
    %add3A_939 = arith.constant 131072 : i32
    %add3A_940 = vector.broadcast %add3A_939 : i32 to vector<16xi32>
    %add3A_941 = arith.addi %add3A_931, %add3A_940 : vector<16xi32>
    %swap3A_942 = arith.constant 6 : i32
    %swap3A_943 = arith.index_cast %swap3A_942 : i32 to index
    %swap3A_944 = arith.constant 32 : index
    %swap3A_945 = tpu.vector_load %arg10[%swap3A_943, %swap3A_944] {strides = array<i32>} : memref<10x256xi32, #tpu.memory_space<vmem>>, vector<16xi32>,
    tpu.vector_store %arg10[%swap3A_943, %swap3A_944], %add3A_941 {strides = array<i32>} : memref<10x256xi32, #tpu.memory_space<vmem>>, vector<16xi32>,
    %add3A_946 = arith.constant 262144 : i32
    %add3A_947 = vector.broadcast %add3A_946 : i32 to vector<16xi32>
    %add3A_948 = arith.addi %add3A_931, %add3A_947 : vector<16xi32>
    %swap3A_949 = arith.constant 7 : i32
    %swap3A_950 = arith.index_cast %swap3A_949 : i32 to index
    %swap3A_951 = arith.constant 32 : index
    %swap3A_952 = tpu.vector_load %arg10[%swap3A_950, %swap3A_951] {strides = array<i32>} : memref<10x256xi32, #tpu.memory_space<vmem>>, vector<16xi32>,
    tpu.vector_store %arg10[%swap3A_950, %swap3A_951], %add3A_948 {strides = array<i32>} : memref<10x256xi32, #tpu.memory_space<vmem>>, vector<16xi32>,
    %add3A_953 = arith.constant 393216 : i32
    %add3A_954 = vector.broadcast %add3A_953 : i32 to vector<16xi32>
    %add3A_955 = arith.addi %add3A_931, %add3A_954 : vector<16xi32>
    %swap3A_956 = arith.constant 8 : i32
    %swap3A_957 = arith.index_cast %swap3A_956 : i32 to index
    %swap3A_958 = arith.constant 32 : index
    %swap3A_959 = tpu.vector_load %arg10[%swap3A_957, %swap3A_958] {strides = array<i32>} : memref<10x256xi32, #tpu.memory_space<vmem>>, vector<16xi32>,
    tpu.vector_store %arg10[%swap3A_957, %swap3A_958], %add3A_955 {strides = array<i32>} : memref<10x256xi32, #tpu.memory_space<vmem>>, vector<16xi32>,
    %add3A_960 = arith.constant 524288 : i32
    %add3A_961 = vector.broadcast %add3A_960 : i32 to vector<16xi32>
    %add3A_962 = arith.addi %add3A_931, %add3A_961 : vector<16xi32>
    %swap3A_963 = arith.constant 9 : i32
    %swap3A_964 = arith.index_cast %swap3A_963 : i32 to index
    %swap3A_965 = arith.constant 32 : index
    %swap3A_966 = tpu.vector_load %arg10[%swap3A_964, %swap3A_965] {strides = array<i32>} : memref<10x256xi32, #tpu.memory_space<vmem>>, vector<16xi32>,
    tpu.vector_store %arg10[%swap3A_964, %swap3A_965], %add3A_962 {strides = array<i32>} : memref<10x256xi32, #tpu.memory_space<vmem>>, vector<16xi32>,
    %get3A_967 = arith.constant 304 : index
    %get3A_968 = tpu.vector_load %arg8[%get3A_967] {strides = array<i32>} : memref<512xi32, #tpu.memory_space<vmem>>, vector<16xi32>,
    %shift_right_arithmetic3A_969 = arith.constant 17 : i32
    %shift_right_arithmetic3A_970 = vector.broadcast %shift_right_arithmetic3A_969 : i32 to vector<16xi32>
    %shift_right_arithmetic3A_971 = arith.shrsi %get3A_968, %shift_right_arithmetic3A_970 : vector<16xi32>
    %shift_left3A_972 = arith.constant 19 : i32
    %shift_left3A_973 = vector.broadcast %shift_left3A_972 : i32 to vector<16xi32>
    %shift_left3A_974 = arith.shli %shift_right_arithmetic3A_971, %shift_left3A_973 : vector<16xi32>
    %shift_left3A_975 = arith.constant 17 : i32
    %shift_left3A_976 = vector.broadcast %shift_left3A_975 : i32 to vector<16xi32>
    %shift_left3A_977 = arith.shli %shift_right_arithmetic3A_971, %shift_left3A_976 : vector<16xi32>
    %add3A_978 = arith.addi %shift_left3A_974, %shift_left3A_977 : vector<16xi32>
    %and3A_979 = arith.constant 131071 : i32
    %and3A_980 = vector.broadcast %and3A_979 : i32 to vector<16xi32>
    %and3A_981 = arith.andi %get3A_968, %and3A_980 : vector<16xi32>
    %add3A_982 = arith.addi %add3A_978, %and3A_981 : vector<16xi32>
    %add3A_983 = arith.constant 0 : i32
    %add3A_984 = vector.broadcast %add3A_983 : i32 to vector<16xi32>
    %add3A_985 = arith.addi %add3A_982, %add3A_984 : vector<16xi32>
    %swap3A_986 = arith.constant 5 : i32
    %swap3A_987 = arith.index_cast %swap3A_986 : i32 to index
    %swap3A_988 = arith.constant 48 : index
    %swap3A_989 = tpu.vector_load %arg10[%swap3A_987, %swap3A_988] {strides = array<i32>} : memref<10x256xi32, #tpu.memory_space<vmem>>, vector<16xi32>,
    tpu.vector_store %arg10[%swap3A_987, %swap3A_988], %add3A_985 {strides = array<i32>} : memref<10x256xi32, #tpu.memory_space<vmem>>, vector<16xi32>,
    %add3A_990 = arith.constant 131072 : i32
    %add3A_991 = vector.broadcast %add3A_990 : i32 to vector<16xi32>
    %add3A_992 = arith.addi %add3A_982, %add3A_991 : vector<16xi32>
    %swap3A_993 = arith.constant 6 : i32
    %swap3A_994 = arith.index_cast %swap3A_993 : i32 to index
    %swap3A_995 = arith.constant 48 : index
    %swap3A_996 = tpu.vector_load %arg10[%swap3A_994, %swap3A_995] {strides = array<i32>} : memref<10x256xi32, #tpu.memory_space<vmem>>, vector<16xi32>,
    tpu.vector_store %arg10[%swap3A_994, %swap3A_995], %add3A_992 {strides = array<i32>} : memref<10x256xi32, #tpu.memory_space<vmem>>, vector<16xi32>,
    %add3A_997 = arith.constant 262144 : i32
    %add3A_998 = vector.broadcast %add3A_997 : i32 to vector<16xi32>
    %add3A_999 = arith.addi %add3A_982, %add3A_998 : vector<16xi32>
    %swap3A_1000 = arith.constant 7 : i32
    %swap3A_1001 = arith.index_cast %swap3A_1000 : i32 to index
    %swap3A_1002 = arith.constant 48 : index
    %swap3A_1003 = tpu.vector_load %arg10[%swap3A_1001, %swap3A_1002] {strides = array<i32>} : memref<10x256xi32, #tpu.memory_space<vmem>>, vector<16xi32>,
    tpu.vector_store %arg10[%swap3A_1001, %swap3A_1002], %add3A_999 {strides = array<i32>} : memref<10x256xi32, #tpu.memory_space<vmem>>, vector<16xi32>,
    %add3A_1004 = arith.constant 393216 : i32
    %add3A_1005 = vector.broadcast %add3A_1004 : i32 to vector<16xi32>
    %add3A_1006 = arith.addi %add3A_982, %add3A_1005 : vector<16xi32>
    %swap3A_1007 = arith.constant 8 : i32
    %swap3A_1008 = arith.index_cast %swap3A_1007 : i32 to index
    %swap3A_1009 = arith.constant 48 : index
    %swap3A_1010 = tpu.vector_load %arg10[%swap3A_1008, %swap3A_1009] {strides = array<i32>} : memref<10x256xi32, #tpu.memory_space<vmem>>, vector<16xi32>,
    tpu.vector_store %arg10[%swap3A_1008, %swap3A_1009], %add3A_1006 {strides = array<i32>} : memref<10x256xi32, #tpu.memory_space<vmem>>, vector<16xi32>,
    %add3A_1011 = arith.constant 524288 : i32
    %add3A_1012 = vector.broadcast %add3A_1011 : i32 to vector<16xi32>
    %add3A_1013 = arith.addi %add3A_982, %add3A_1012 : vector<16xi32>
    %swap3A_1014 = arith.constant 9 : i32
    %swap3A_1015 = arith.index_cast %swap3A_1014 : i32 to index
    %swap3A_1016 = arith.constant 48 : index
    %swap3A_1017 = tpu.vector_load %arg10[%swap3A_1015, %swap3A_1016] {strides = array<i32>} : memref<10x256xi32, #tpu.memory_space<vmem>>, vector<16xi32>,
    tpu.vector_store %arg10[%swap3A_1015, %swap3A_1016], %add3A_1013 {strides = array<i32>} : memref<10x256xi32, #tpu.memory_space<vmem>>, vector<16xi32>,
    %get3A_1018 = arith.constant 320 : index
    %get3A_1019 = tpu.vector_load %arg8[%get3A_1018] {strides = array<i32>} : memref<512xi32, #tpu.memory_space<vmem>>, vector<16xi32>,
    %shift_right_arithmetic3A_1020 = arith.constant 17 : i32
    %shift_right_arithmetic3A_1021 = vector.broadcast %shift_right_arithmetic3A_1020 : i32 to vector<16xi32>
    %shift_right_arithmetic3A_1022 = arith.shrsi %get3A_1019, %shift_right_arithmetic3A_1021 : vector<16xi32>
    %shift_left3A_1023 = arith.constant 19 : i32
    %shift_left3A_1024 = vector.broadcast %shift_left3A_1023 : i32 to vector<16xi32>
    %shift_left3A_1025 = arith.shli %shift_right_arithmetic3A_1022, %shift_left3A_1024 : vector<16xi32>
    %shift_left3A_1026 = arith.constant 17 : i32
    %shift_left3A_1027 = vector.broadcast %shift_left3A_1026 : i32 to vector<16xi32>
    %shift_left3A_1028 = arith.shli %shift_right_arithmetic3A_1022, %shift_left3A_1027 : vector<16xi32>
    %add3A_1029 = arith.addi %shift_left3A_1025, %shift_left3A_1028 : vector<16xi32>
    %and3A_1030 = arith.constant 131071 : i32
    %and3A_1031 = vector.broadcast %and3A_1030 : i32 to vector<16xi32>
    %and3A_1032 = arith.andi %get3A_1019, %and3A_1031 : vector<16xi32>
    %add3A_1033 = arith.addi %add3A_1029, %and3A_1032 : vector<16xi32>
    %add3A_1034 = arith.constant 0 : i32
    %add3A_1035 = vector.broadcast %add3A_1034 : i32 to vector<16xi32>
    %add3A_1036 = arith.addi %add3A_1033, %add3A_1035 : vector<16xi32>
    %swap3A_1037 = arith.constant 5 : i32
    %swap3A_1038 = arith.index_cast %swap3A_1037 : i32 to index
    %swap3A_1039 = arith.constant 64 : index
    %swap3A_1040 = tpu.vector_load %arg10[%swap3A_1038, %swap3A_1039] {strides = array<i32>} : memref<10x256xi32, #tpu.memory_space<vmem>>, vector<16xi32>,
    tpu.vector_store %arg10[%swap3A_1038, %swap3A_1039], %add3A_1036 {strides = array<i32>} : memref<10x256xi32, #tpu.memory_space<vmem>>, vector<16xi32>,
    %add3A_1041 = arith.constant 131072 : i32
    %add3A_1042 = vector.broadcast %add3A_1041 : i32 to vector<16xi32>
    %add3A_1043 = arith.addi %add3A_1033, %add3A_1042 : vector<16xi32>
    %swap3A_1044 = arith.constant 6 : i32
    %swap3A_1045 = arith.index_cast %swap3A_1044 : i32 to index
    %swap3A_1046 = arith.constant 64 : index
    %swap3A_1047 = tpu.vector_load %arg10[%swap3A_1045, %swap3A_1046] {strides = array<i32>} : memref<10x256xi32, #tpu.memory_space<vmem>>, vector<16xi32>,
    tpu.vector_store %arg10[%swap3A_1045, %swap3A_1046], %add3A_1043 {strides = array<i32>} : memref<10x256xi32, #tpu.memory_space<vmem>>, vector<16xi32>,
    %add3A_1048 = arith.constant 262144 : i32
    %add3A_1049 = vector.broadcast %add3A_1048 : i32 to vector<16xi32>
    %add3A_1050 = arith.addi %add3A_1033, %add3A_1049 : vector<16xi32>
    %swap3A_1051 = arith.constant 7 : i32
    %swap3A_1052 = arith.index_cast %swap3A_1051 : i32 to index
    %swap3A_1053 = arith.constant 64 : index
    %swap3A_1054 = tpu.vector_load %arg10[%swap3A_1052, %swap3A_1053] {strides = array<i32>} : memref<10x256xi32, #tpu.memory_space<vmem>>, vector<16xi32>,
    tpu.vector_store %arg10[%swap3A_1052, %swap3A_1053], %add3A_1050 {strides = array<i32>} : memref<10x256xi32, #tpu.memory_space<vmem>>, vector<16xi32>,
    %add3A_1055 = arith.constant 393216 : i32
    %add3A_1056 = vector.broadcast %add3A_1055 : i32 to vector<16xi32>
    %add3A_1057 = arith.addi %add3A_1033, %add3A_1056 : vector<16xi32>
    %swap3A_1058 = arith.constant 8 : i32
    %swap3A_1059 = arith.index_cast %swap3A_1058 : i32 to index
    %swap3A_1060 = arith.constant 64 : index
    %swap3A_1061 = tpu.vector_load %arg10[%swap3A_1059, %swap3A_1060] {strides = array<i32>} : memref<10x256xi32, #tpu.memory_space<vmem>>, vector<16xi32>,
    tpu.vector_store %arg10[%swap3A_1059, %swap3A_1060], %add3A_1057 {strides = array<i32>} : memref<10x256xi32, #tpu.memory_space<vmem>>, vector<16xi32>,
    %add3A_1062 = arith.constant 524288 : i32
    %add3A_1063 = vector.broadcast %add3A_1062 : i32 to vector<16xi32>
    %add3A_1064 = arith.addi %add3A_1033, %add3A_1063 : vector<16xi32>
    %swap3A_1065 = arith.constant 9 : i32
    %swap3A_1066 = arith.index_cast %swap3A_1065 : i32 to index
    %swap3A_1067 = arith.constant 64 : index
    %swap3A_1068 = tpu.vector_load %arg10[%swap3A_1066, %swap3A_1067] {strides = array<i32>} : memref<10x256xi32, #tpu.memory_space<vmem>>, vector<16xi32>,
    tpu.vector_store %arg10[%swap3A_1066, %swap3A_1067], %add3A_1064 {strides = array<i32>} : memref<10x256xi32, #tpu.memory_space<vmem>>, vector<16xi32>,
    %get3A_1069 = arith.constant 336 : index
    %get3A_1070 = tpu.vector_load %arg8[%get3A_1069] {strides = array<i32>} : memref<512xi32, #tpu.memory_space<vmem>>, vector<16xi32>,
    %shift_right_arithmetic3A_1071 = arith.constant 17 : i32
    %shift_right_arithmetic3A_1072 = vector.broadcast %shift_right_arithmetic3A_1071 : i32 to vector<16xi32>
    %shift_right_arithmetic3A_1073 = arith.shrsi %get3A_1070, %shift_right_arithmetic3A_1072 : vector<16xi32>
    %shift_left3A_1074 = arith.constant 19 : i32
    %shift_left3A_1075 = vector.broadcast %shift_left3A_1074 : i32 to vector<16xi32>
    %shift_left3A_1076 = arith.shli %shift_right_arithmetic3A_1073, %shift_left3A_1075 : vector<16xi32>
    %shift_left3A_1077 = arith.constant 17 : i32
    %shift_left3A_1078 = vector.broadcast %shift_left3A_1077 : i32 to vector<16xi32>
    %shift_left3A_1079 = arith.shli %shift_right_arithmetic3A_1073, %shift_left3A_1078 : vector<16xi32>
    %add3A_1080 = arith.addi %shift_left3A_1076, %shift_left3A_1079 : vector<16xi32>
    %and3A_1081 = arith.constant 131071 : i32
    %and3A_1082 = vector.broadcast %and3A_1081 : i32 to vector<16xi32>
    %and3A_1083 = arith.andi %get3A_1070, %and3A_1082 : vector<16xi32>
    %add3A_1084 = arith.addi %add3A_1080, %and3A_1083 : vector<16xi32>
    %add3A_1085 = arith.constant 0 : i32
    %add3A_1086 = vector.broadcast %add3A_1085 : i32 to vector<16xi32>
    %add3A_1087 = arith.addi %add3A_1084, %add3A_1086 : vector<16xi32>
    %swap3A_1088 = arith.constant 5 : i32
    %swap3A_1089 = arith.index_cast %swap3A_1088 : i32 to index
    %swap3A_1090 = arith.constant 80 : index
    %swap3A_1091 = tpu.vector_load %arg10[%swap3A_1089, %swap3A_1090] {strides = array<i32>} : memref<10x256xi32, #tpu.memory_space<vmem>>, vector<16xi32>,
    tpu.vector_store %arg10[%swap3A_1089, %swap3A_1090], %add3A_1087 {strides = array<i32>} : memref<10x256xi32, #tpu.memory_space<vmem>>, vector<16xi32>,
    %add3A_1092 = arith.constant 131072 : i32
    %add3A_1093 = vector.broadcast %add3A_1092 : i32 to vector<16xi32>
    %add3A_1094 = arith.addi %add3A_1084, %add3A_1093 : vector<16xi32>
    %swap3A_1095 = arith.constant 6 : i32
    %swap3A_1096 = arith.index_cast %swap3A_1095 : i32 to index
    %swap3A_1097 = arith.constant 80 : index
    %swap3A_1098 = tpu.vector_load %arg10[%swap3A_1096, %swap3A_1097] {strides = array<i32>} : memref<10x256xi32, #tpu.memory_space<vmem>>, vector<16xi32>,
    tpu.vector_store %arg10[%swap3A_1096, %swap3A_1097], %add3A_1094 {strides = array<i32>} : memref<10x256xi32, #tpu.memory_space<vmem>>, vector<16xi32>,
    %add3A_1099 = arith.constant 262144 : i32
    %add3A_1100 = vector.broadcast %add3A_1099 : i32 to vector<16xi32>
    %add3A_1101 = arith.addi %add3A_1084, %add3A_1100 : vector<16xi32>
    %swap3A_1102 = arith.constant 7 : i32
    %swap3A_1103 = arith.index_cast %swap3A_1102 : i32 to index
    %swap3A_1104 = arith.constant 80 : index
    %swap3A_1105 = tpu.vector_load %arg10[%swap3A_1103, %swap3A_1104] {strides = array<i32>} : memref<10x256xi32, #tpu.memory_space<vmem>>, vector<16xi32>,
    tpu.vector_store %arg10[%swap3A_1103, %swap3A_1104], %add3A_1101 {strides = array<i32>} : memref<10x256xi32, #tpu.memory_space<vmem>>, vector<16xi32>,
    %add3A_1106 = arith.constant 393216 : i32
    %add3A_1107 = vector.broadcast %add3A_1106 : i32 to vector<16xi32>
    %add3A_1108 = arith.addi %add3A_1084, %add3A_1107 : vector<16xi32>
    %swap3A_1109 = arith.constant 8 : i32
    %swap3A_1110 = arith.index_cast %swap3A_1109 : i32 to index
    %swap3A_1111 = arith.constant 80 : index
    %swap3A_1112 = tpu.vector_load %arg10[%swap3A_1110, %swap3A_1111] {strides = array<i32>} : memref<10x256xi32, #tpu.memory_space<vmem>>, vector<16xi32>,
    tpu.vector_store %arg10[%swap3A_1110, %swap3A_1111], %add3A_1108 {strides = array<i32>} : memref<10x256xi32, #tpu.memory_space<vmem>>, vector<16xi32>,
    %add3A_1113 = arith.constant 524288 : i32
    %add3A_1114 = vector.broadcast %add3A_1113 : i32 to vector<16xi32>
    %add3A_1115 = arith.addi %add3A_1084, %add3A_1114 : vector<16xi32>
    %swap3A_1116 = arith.constant 9 : i32
    %swap3A_1117 = arith.index_cast %swap3A_1116 : i32 to index
    %swap3A_1118 = arith.constant 80 : index
    %swap3A_1119 = tpu.vector_load %arg10[%swap3A_1117, %swap3A_1118] {strides = array<i32>} : memref<10x256xi32, #tpu.memory_space<vmem>>, vector<16xi32>,
    tpu.vector_store %arg10[%swap3A_1117, %swap3A_1118], %add3A_1115 {strides = array<i32>} : memref<10x256xi32, #tpu.memory_space<vmem>>, vector<16xi32>,
    %get3A_1120 = arith.constant 352 : index
    %get3A_1121 = tpu.vector_load %arg8[%get3A_1120] {strides = array<i32>} : memref<512xi32, #tpu.memory_space<vmem>>, vector<16xi32>,
    %shift_right_arithmetic3A_1122 = arith.constant 17 : i32
    %shift_right_arithmetic3A_1123 = vector.broadcast %shift_right_arithmetic3A_1122 : i32 to vector<16xi32>
    %shift_right_arithmetic3A_1124 = arith.shrsi %get3A_1121, %shift_right_arithmetic3A_1123 : vector<16xi32>
    %shift_left3A_1125 = arith.constant 19 : i32
    %shift_left3A_1126 = vector.broadcast %shift_left3A_1125 : i32 to vector<16xi32>
    %shift_left3A_1127 = arith.shli %shift_right_arithmetic3A_1124, %shift_left3A_1126 : vector<16xi32>
    %shift_left3A_1128 = arith.constant 17 : i32
    %shift_left3A_1129 = vector.broadcast %shift_left3A_1128 : i32 to vector<16xi32>
    %shift_left3A_1130 = arith.shli %shift_right_arithmetic3A_1124, %shift_left3A_1129 : vector<16xi32>
    %add3A_1131 = arith.addi %shift_left3A_1127, %shift_left3A_1130 : vector<16xi32>
    %and3A_1132 = arith.constant 131071 : i32
    %and3A_1133 = vector.broadcast %and3A_1132 : i32 to vector<16xi32>
    %and3A_1134 = arith.andi %get3A_1121, %and3A_1133 : vector<16xi32>
    %add3A_1135 = arith.addi %add3A_1131, %and3A_1134 : vector<16xi32>
    %add3A_1136 = arith.constant 0 : i32
    %add3A_1137 = vector.broadcast %add3A_1136 : i32 to vector<16xi32>
    %add3A_1138 = arith.addi %add3A_1135, %add3A_1137 : vector<16xi32>
    %swap3A_1139 = arith.constant 5 : i32
    %swap3A_1140 = arith.index_cast %swap3A_1139 : i32 to index
    %swap3A_1141 = arith.constant 96 : index
    %swap3A_1142 = tpu.vector_load %arg10[%swap3A_1140, %swap3A_1141] {strides = array<i32>} : memref<10x256xi32, #tpu.memory_space<vmem>>, vector<16xi32>,
    tpu.vector_store %arg10[%swap3A_1140, %swap3A_1141], %add3A_1138 {strides = array<i32>} : memref<10x256xi32, #tpu.memory_space<vmem>>, vector<16xi32>,
    %add3A_1143 = arith.constant 131072 : i32
    %add3A_1144 = vector.broadcast %add3A_1143 : i32 to vector<16xi32>
    %add3A_1145 = arith.addi %add3A_1135, %add3A_1144 : vector<16xi32>
    %swap3A_1146 = arith.constant 6 : i32
    %swap3A_1147 = arith.index_cast %swap3A_1146 : i32 to index
    %swap3A_1148 = arith.constant 96 : index
    %swap3A_1149 = tpu.vector_load %arg10[%swap3A_1147, %swap3A_1148] {strides = array<i32>} : memref<10x256xi32, #tpu.memory_space<vmem>>, vector<16xi32>,
    tpu.vector_store %arg10[%swap3A_1147, %swap3A_1148], %add3A_1145 {strides = array<i32>} : memref<10x256xi32, #tpu.memory_space<vmem>>, vector<16xi32>,
    %add3A_1150 = arith.constant 262144 : i32
    %add3A_1151 = vector.broadcast %add3A_1150 : i32 to vector<16xi32>
    %add3A_1152 = arith.addi %add3A_1135, %add3A_1151 : vector<16xi32>
    %swap3A_1153 = arith.constant 7 : i32
    %swap3A_1154 = arith.index_cast %swap3A_1153 : i32 to index
    %swap3A_1155 = arith.constant 96 : index
    %swap3A_1156 = tpu.vector_load %arg10[%swap3A_1154, %swap3A_1155] {strides = array<i32>} : memref<10x256xi32, #tpu.memory_space<vmem>>, vector<16xi32>,
    tpu.vector_store %arg10[%swap3A_1154, %swap3A_1155], %add3A_1152 {strides = array<i32>} : memref<10x256xi32, #tpu.memory_space<vmem>>, vector<16xi32>,
    %add3A_1157 = arith.constant 393216 : i32
    %add3A_1158 = vector.broadcast %add3A_1157 : i32 to vector<16xi32>
    %add3A_1159 = arith.addi %add3A_1135, %add3A_1158 : vector<16xi32>
    %swap3A_1160 = arith.constant 8 : i32
    %swap3A_1161 = arith.index_cast %swap3A_1160 : i32 to index
    %swap3A_1162 = arith.constant 96 : index
    %swap3A_1163 = tpu.vector_load %arg10[%swap3A_1161, %swap3A_1162] {strides = array<i32>} : memref<10x256xi32, #tpu.memory_space<vmem>>, vector<16xi32>,
    tpu.vector_store %arg10[%swap3A_1161, %swap3A_1162], %add3A_1159 {strides = array<i32>} : memref<10x256xi32, #tpu.memory_space<vmem>>, vector<16xi32>,
    %add3A_1164 = arith.constant 524288 : i32
    %add3A_1165 = vector.broadcast %add3A_1164 : i32 to vector<16xi32>
    %add3A_1166 = arith.addi %add3A_1135, %add3A_1165 : vector<16xi32>
    %swap3A_1167 = arith.constant 9 : i32
    %swap3A_1168 = arith.index_cast %swap3A_1167 : i32 to index
    %swap3A_1169 = arith.constant 96 : index
    %swap3A_1170 = tpu.vector_load %arg10[%swap3A_1168, %swap3A_1169] {strides = array<i32>} : memref<10x256xi32, #tpu.memory_space<vmem>>, vector<16xi32>,
    tpu.vector_store %arg10[%swap3A_1168, %swap3A_1169], %add3A_1166 {strides = array<i32>} : memref<10x256xi32, #tpu.memory_space<vmem>>, vector<16xi32>,
    %get3A_1171 = arith.constant 368 : index
    %get3A_1172 = tpu.vector_load %arg8[%get3A_1171] {strides = array<i32>} : memref<512xi32, #tpu.memory_space<vmem>>, vector<16xi32>,
    %shift_right_arithmetic3A_1173 = arith.constant 17 : i32
    %shift_right_arithmetic3A_1174 = vector.broadcast %shift_right_arithmetic3A_1173 : i32 to vector<16xi32>
    %shift_right_arithmetic3A_1175 = arith.shrsi %get3A_1172, %shift_right_arithmetic3A_1174 : vector<16xi32>
    %shift_left3A_1176 = arith.constant 19 : i32
    %shift_left3A_1177 = vector.broadcast %shift_left3A_1176 : i32 to vector<16xi32>
    %shift_left3A_1178 = arith.shli %shift_right_arithmetic3A_1175, %shift_left3A_1177 : vector<16xi32>
    %shift_left3A_1179 = arith.constant 17 : i32
    %shift_left3A_1180 = vector.broadcast %shift_left3A_1179 : i32 to vector<16xi32>
    %shift_left3A_1181 = arith.shli %shift_right_arithmetic3A_1175, %shift_left3A_1180 : vector<16xi32>
    %add3A_1182 = arith.addi %shift_left3A_1178, %shift_left3A_1181 : vector<16xi32>
    %and3A_1183 = arith.constant 131071 : i32
    %and3A_1184 = vector.broadcast %and3A_1183 : i32 to vector<16xi32>
    %and3A_1185 = arith.andi %get3A_1172, %and3A_1184 : vector<16xi32>
    %add3A_1186 = arith.addi %add3A_1182, %and3A_1185 : vector<16xi32>
    %add3A_1187 = arith.constant 0 : i32
    %add3A_1188 = vector.broadcast %add3A_1187 : i32 to vector<16xi32>
    %add3A_1189 = arith.addi %add3A_1186, %add3A_1188 : vector<16xi32>
    %swap3A_1190 = arith.constant 5 : i32
    %swap3A_1191 = arith.index_cast %swap3A_1190 : i32 to index
    %swap3A_1192 = arith.constant 112 : index
    %swap3A_1193 = tpu.vector_load %arg10[%swap3A_1191, %swap3A_1192] {strides = array<i32>} : memref<10x256xi32, #tpu.memory_space<vmem>>, vector<16xi32>,
    tpu.vector_store %arg10[%swap3A_1191, %swap3A_1192], %add3A_1189 {strides = array<i32>} : memref<10x256xi32, #tpu.memory_space<vmem>>, vector<16xi32>,
    %add3A_1194 = arith.constant 131072 : i32
    %add3A_1195 = vector.broadcast %add3A_1194 : i32 to vector<16xi32>
    %add3A_1196 = arith.addi %add3A_1186, %add3A_1195 : vector<16xi32>
    %swap3A_1197 = arith.constant 6 : i32
    %swap3A_1198 = arith.index_cast %swap3A_1197 : i32 to index
    %swap3A_1199 = arith.constant 112 : index
    %swap3A_1200 = tpu.vector_load %arg10[%swap3A_1198, %swap3A_1199] {strides = array<i32>} : memref<10x256xi32, #tpu.memory_space<vmem>>, vector<16xi32>,
    tpu.vector_store %arg10[%swap3A_1198, %swap3A_1199], %add3A_1196 {strides = array<i32>} : memref<10x256xi32, #tpu.memory_space<vmem>>, vector<16xi32>,
    %add3A_1201 = arith.constant 262144 : i32
    %add3A_1202 = vector.broadcast %add3A_1201 : i32 to vector<16xi32>
    %add3A_1203 = arith.addi %add3A_1186, %add3A_1202 : vector<16xi32>
    %swap3A_1204 = arith.constant 7 : i32
    %swap3A_1205 = arith.index_cast %swap3A_1204 : i32 to index
    %swap3A_1206 = arith.constant 112 : index
    %swap3A_1207 = tpu.vector_load %arg10[%swap3A_1205, %swap3A_1206] {strides = array<i32>} : memref<10x256xi32, #tpu.memory_space<vmem>>, vector<16xi32>,
    tpu.vector_store %arg10[%swap3A_1205, %swap3A_1206], %add3A_1203 {strides = array<i32>} : memref<10x256xi32, #tpu.memory_space<vmem>>, vector<16xi32>,
    %add3A_1208 = arith.constant 393216 : i32
    %add3A_1209 = vector.broadcast %add3A_1208 : i32 to vector<16xi32>
    %add3A_1210 = arith.addi %add3A_1186, %add3A_1209 : vector<16xi32>
    %swap3A_1211 = arith.constant 8 : i32
    %swap3A_1212 = arith.index_cast %swap3A_1211 : i32 to index
    %swap3A_1213 = arith.constant 112 : index
    %swap3A_1214 = tpu.vector_load %arg10[%swap3A_1212, %swap3A_1213] {strides = array<i32>} : memref<10x256xi32, #tpu.memory_space<vmem>>, vector<16xi32>,
    tpu.vector_store %arg10[%swap3A_1212, %swap3A_1213], %add3A_1210 {strides = array<i32>} : memref<10x256xi32, #tpu.memory_space<vmem>>, vector<16xi32>,
    %add3A_1215 = arith.constant 524288 : i32
    %add3A_1216 = vector.broadcast %add3A_1215 : i32 to vector<16xi32>
    %add3A_1217 = arith.addi %add3A_1186, %add3A_1216 : vector<16xi32>
    %swap3A_1218 = arith.constant 9 : i32
    %swap3A_1219 = arith.index_cast %swap3A_1218 : i32 to index
    %swap3A_1220 = arith.constant 112 : index
    %swap3A_1221 = tpu.vector_load %arg10[%swap3A_1219, %swap3A_1220] {strides = array<i32>} : memref<10x256xi32, #tpu.memory_space<vmem>>, vector<16xi32>,
    tpu.vector_store %arg10[%swap3A_1219, %swap3A_1220], %add3A_1217 {strides = array<i32>} : memref<10x256xi32, #tpu.memory_space<vmem>>, vector<16xi32>,
    %get3A_1222 = arith.constant 384 : index
    %get3A_1223 = tpu.vector_load %arg8[%get3A_1222] {strides = array<i32>} : memref<512xi32, #tpu.memory_space<vmem>>, vector<16xi32>,
    %shift_right_arithmetic3A_1224 = arith.constant 17 : i32
    %shift_right_arithmetic3A_1225 = vector.broadcast %shift_right_arithmetic3A_1224 : i32 to vector<16xi32>
    %shift_right_arithmetic3A_1226 = arith.shrsi %get3A_1223, %shift_right_arithmetic3A_1225 : vector<16xi32>
    %shift_left3A_1227 = arith.constant 19 : i32
    %shift_left3A_1228 = vector.broadcast %shift_left3A_1227 : i32 to vector<16xi32>
    %shift_left3A_1229 = arith.shli %shift_right_arithmetic3A_1226, %shift_left3A_1228 : vector<16xi32>
    %shift_left3A_1230 = arith.constant 17 : i32
    %shift_left3A_1231 = vector.broadcast %shift_left3A_1230 : i32 to vector<16xi32>
    %shift_left3A_1232 = arith.shli %shift_right_arithmetic3A_1226, %shift_left3A_1231 : vector<16xi32>
    %add3A_1233 = arith.addi %shift_left3A_1229, %shift_left3A_1232 : vector<16xi32>
    %and3A_1234 = arith.constant 131071 : i32
    %and3A_1235 = vector.broadcast %and3A_1234 : i32 to vector<16xi32>
    %and3A_1236 = arith.andi %get3A_1223, %and3A_1235 : vector<16xi32>
    %add3A_1237 = arith.addi %add3A_1233, %and3A_1236 : vector<16xi32>
    %add3A_1238 = arith.constant 0 : i32
    %add3A_1239 = vector.broadcast %add3A_1238 : i32 to vector<16xi32>
    %add3A_1240 = arith.addi %add3A_1237, %add3A_1239 : vector<16xi32>
    %swap3A_1241 = arith.constant 5 : i32
    %swap3A_1242 = arith.index_cast %swap3A_1241 : i32 to index
    %swap3A_1243 = arith.constant 128 : index
    %swap3A_1244 = tpu.vector_load %arg10[%swap3A_1242, %swap3A_1243] {strides = array<i32>} : memref<10x256xi32, #tpu.memory_space<vmem>>, vector<16xi32>,
    tpu.vector_store %arg10[%swap3A_1242, %swap3A_1243], %add3A_1240 {strides = array<i32>} : memref<10x256xi32, #tpu.memory_space<vmem>>, vector<16xi32>,
    %add3A_1245 = arith.constant 131072 : i32
    %add3A_1246 = vector.broadcast %add3A_1245 : i32 to vector<16xi32>
    %add3A_1247 = arith.addi %add3A_1237, %add3A_1246 : vector<16xi32>
    %swap3A_1248 = arith.constant 6 : i32
    %swap3A_1249 = arith.index_cast %swap3A_1248 : i32 to index
    %swap3A_1250 = arith.constant 128 : index
    %swap3A_1251 = tpu.vector_load %arg10[%swap3A_1249, %swap3A_1250] {strides = array<i32>} : memref<10x256xi32, #tpu.memory_space<vmem>>, vector<16xi32>,
    tpu.vector_store %arg10[%swap3A_1249, %swap3A_1250], %add3A_1247 {strides = array<i32>} : memref<10x256xi32, #tpu.memory_space<vmem>>, vector<16xi32>,
    %add3A_1252 = arith.constant 262144 : i32
    %add3A_1253 = vector.broadcast %add3A_1252 : i32 to vector<16xi32>
    %add3A_1254 = arith.addi %add3A_1237, %add3A_1253 : vector<16xi32>
    %swap3A_1255 = arith.constant 7 : i32
    %swap3A_1256 = arith.index_cast %swap3A_1255 : i32 to index
    %swap3A_1257 = arith.constant 128 : index
    %swap3A_1258 = tpu.vector_load %arg10[%swap3A_1256, %swap3A_1257] {strides = array<i32>} : memref<10x256xi32, #tpu.memory_space<vmem>>, vector<16xi32>,
    tpu.vector_store %arg10[%swap3A_1256, %swap3A_1257], %add3A_1254 {strides = array<i32>} : memref<10x256xi32, #tpu.memory_space<vmem>>, vector<16xi32>,
    %add3A_1259 = arith.constant 393216 : i32
    %add3A_1260 = vector.broadcast %add3A_1259 : i32 to vector<16xi32>
    %add3A_1261 = arith.addi %add3A_1237, %add3A_1260 : vector<16xi32>
    %swap3A_1262 = arith.constant 8 : i32
    %swap3A_1263 = arith.index_cast %swap3A_1262 : i32 to index
    %swap3A_1264 = arith.constant 128 : index
    %swap3A_1265 = tpu.vector_load %arg10[%swap3A_1263, %swap3A_1264] {strides = array<i32>} : memref<10x256xi32, #tpu.memory_space<vmem>>, vector<16xi32>,
    tpu.vector_store %arg10[%swap3A_1263, %swap3A_1264], %add3A_1261 {strides = array<i32>} : memref<10x256xi32, #tpu.memory_space<vmem>>, vector<16xi32>,
    %add3A_1266 = arith.constant 524288 : i32
    %add3A_1267 = vector.broadcast %add3A_1266 : i32 to vector<16xi32>
    %add3A_1268 = arith.addi %add3A_1237, %add3A_1267 : vector<16xi32>
    %swap3A_1269 = arith.constant 9 : i32
    %swap3A_1270 = arith.index_cast %swap3A_1269 : i32 to index
    %swap3A_1271 = arith.constant 128 : index
    %swap3A_1272 = tpu.vector_load %arg10[%swap3A_1270, %swap3A_1271] {strides = array<i32>} : memref<10x256xi32, #tpu.memory_space<vmem>>, vector<16xi32>,
    tpu.vector_store %arg10[%swap3A_1270, %swap3A_1271], %add3A_1268 {strides = array<i32>} : memref<10x256xi32, #tpu.memory_space<vmem>>, vector<16xi32>,
    %get3A_1273 = arith.constant 400 : index
    %get3A_1274 = tpu.vector_load %arg8[%get3A_1273] {strides = array<i32>} : memref<512xi32, #tpu.memory_space<vmem>>, vector<16xi32>,
    %shift_right_arithmetic3A_1275 = arith.constant 17 : i32
    %shift_right_arithmetic3A_1276 = vector.broadcast %shift_right_arithmetic3A_1275 : i32 to vector<16xi32>
    %shift_right_arithmetic3A_1277 = arith.shrsi %get3A_1274, %shift_right_arithmetic3A_1276 : vector<16xi32>
    %shift_left3A_1278 = arith.constant 19 : i32
    %shift_left3A_1279 = vector.broadcast %shift_left3A_1278 : i32 to vector<16xi32>
    %shift_left3A_1280 = arith.shli %shift_right_arithmetic3A_1277, %shift_left3A_1279 : vector<16xi32>
    %shift_left3A_1281 = arith.constant 17 : i32
    %shift_left3A_1282 = vector.broadcast %shift_left3A_1281 : i32 to vector<16xi32>
    %shift_left3A_1283 = arith.shli %shift_right_arithmetic3A_1277, %shift_left3A_1282 : vector<16xi32>
    %add3A_1284 = arith.addi %shift_left3A_1280, %shift_left3A_1283 : vector<16xi32>
    %and3A_1285 = arith.constant 131071 : i32
    %and3A_1286 = vector.broadcast %and3A_1285 : i32 to vector<16xi32>
    %and3A_1287 = arith.andi %get3A_1274, %and3A_1286 : vector<16xi32>
    %add3A_1288 = arith.addi %add3A_1284, %and3A_1287 : vector<16xi32>
    %add3A_1289 = arith.constant 0 : i32
    %add3A_1290 = vector.broadcast %add3A_1289 : i32 to vector<16xi32>
    %add3A_1291 = arith.addi %add3A_1288, %add3A_1290 : vector<16xi32>
    %swap3A_1292 = arith.constant 5 : i32
    %swap3A_1293 = arith.index_cast %swap3A_1292 : i32 to index
    %swap3A_1294 = arith.constant 144 : index
    %swap3A_1295 = tpu.vector_load %arg10[%swap3A_1293, %swap3A_1294] {strides = array<i32>} : memref<10x256xi32, #tpu.memory_space<vmem>>, vector<16xi32>,
    tpu.vector_store %arg10[%swap3A_1293, %swap3A_1294], %add3A_1291 {strides = array<i32>} : memref<10x256xi32, #tpu.memory_space<vmem>>, vector<16xi32>,
    %add3A_1296 = arith.constant 131072 : i32
    %add3A_1297 = vector.broadcast %add3A_1296 : i32 to vector<16xi32>
    %add3A_1298 = arith.addi %add3A_1288, %add3A_1297 : vector<16xi32>
    %swap3A_1299 = arith.constant 6 : i32
    %swap3A_1300 = arith.index_cast %swap3A_1299 : i32 to index
    %swap3A_1301 = arith.constant 144 : index
    %swap3A_1302 = tpu.vector_load %arg10[%swap3A_1300, %swap3A_1301] {strides = array<i32>} : memref<10x256xi32, #tpu.memory_space<vmem>>, vector<16xi32>,
    tpu.vector_store %arg10[%swap3A_1300, %swap3A_1301], %add3A_1298 {strides = array<i32>} : memref<10x256xi32, #tpu.memory_space<vmem>>, vector<16xi32>,
    %add3A_1303 = arith.constant 262144 : i32
    %add3A_1304 = vector.broadcast %add3A_1303 : i32 to vector<16xi32>
    %add3A_1305 = arith.addi %add3A_1288, %add3A_1304 : vector<16xi32>
    %swap3A_1306 = arith.constant 7 : i32
    %swap3A_1307 = arith.index_cast %swap3A_1306 : i32 to index
    %swap3A_1308 = arith.constant 144 : index
    %swap3A_1309 = tpu.vector_load %arg10[%swap3A_1307, %swap3A_1308] {strides = array<i32>} : memref<10x256xi32, #tpu.memory_space<vmem>>, vector<16xi32>,
    tpu.vector_store %arg10[%swap3A_1307, %swap3A_1308], %add3A_1305 {strides = array<i32>} : memref<10x256xi32, #tpu.memory_space<vmem>>, vector<16xi32>,
    %add3A_1310 = arith.constant 393216 : i32
    %add3A_1311 = vector.broadcast %add3A_1310 : i32 to vector<16xi32>
    %add3A_1312 = arith.addi %add3A_1288, %add3A_1311 : vector<16xi32>
    %swap3A_1313 = arith.constant 8 : i32
    %swap3A_1314 = arith.index_cast %swap3A_1313 : i32 to index
    %swap3A_1315 = arith.constant 144 : index
    %swap3A_1316 = tpu.vector_load %arg10[%swap3A_1314, %swap3A_1315] {strides = array<i32>} : memref<10x256xi32, #tpu.memory_space<vmem>>, vector<16xi32>,
    tpu.vector_store %arg10[%swap3A_1314, %swap3A_1315], %add3A_1312 {strides = array<i32>} : memref<10x256xi32, #tpu.memory_space<vmem>>, vector<16xi32>,
    %add3A_1317 = arith.constant 524288 : i32
    %add3A_1318 = vector.broadcast %add3A_1317 : i32 to vector<16xi32>
    %add3A_1319 = arith.addi %add3A_1288, %add3A_1318 : vector<16xi32>
    %swap3A_1320 = arith.constant 9 : i32
    %swap3A_1321 = arith.index_cast %swap3A_1320 : i32 to index
    %swap3A_1322 = arith.constant 144 : index
    %swap3A_1323 = tpu.vector_load %arg10[%swap3A_1321, %swap3A_1322] {strides = array<i32>} : memref<10x256xi32, #tpu.memory_space<vmem>>, vector<16xi32>,
    tpu.vector_store %arg10[%swap3A_1321, %swap3A_1322], %add3A_1319 {strides = array<i32>} : memref<10x256xi32, #tpu.memory_space<vmem>>, vector<16xi32>,
    %get3A_1324 = arith.constant 416 : index
    %get3A_1325 = tpu.vector_load %arg8[%get3A_1324] {strides = array<i32>} : memref<512xi32, #tpu.memory_space<vmem>>, vector<16xi32>,
    %shift_right_arithmetic3A_1326 = arith.constant 17 : i32
    %shift_right_arithmetic3A_1327 = vector.broadcast %shift_right_arithmetic3A_1326 : i32 to vector<16xi32>
    %shift_right_arithmetic3A_1328 = arith.shrsi %get3A_1325, %shift_right_arithmetic3A_1327 : vector<16xi32>
    %shift_left3A_1329 = arith.constant 19 : i32
    %shift_left3A_1330 = vector.broadcast %shift_left3A_1329 : i32 to vector<16xi32>
    %shift_left3A_1331 = arith.shli %shift_right_arithmetic3A_1328, %shift_left3A_1330 : vector<16xi32>
    %shift_left3A_1332 = arith.constant 17 : i32
    %shift_left3A_1333 = vector.broadcast %shift_left3A_1332 : i32 to vector<16xi32>
    %shift_left3A_1334 = arith.shli %shift_right_arithmetic3A_1328, %shift_left3A_1333 : vector<16xi32>
    %add3A_1335 = arith.addi %shift_left3A_1331, %shift_left3A_1334 : vector<16xi32>
    %and3A_1336 = arith.constant 131071 : i32
    %and3A_1337 = vector.broadcast %and3A_1336 : i32 to vector<16xi32>
    %and3A_1338 = arith.andi %get3A_1325, %and3A_1337 : vector<16xi32>
    %add3A_1339 = arith.addi %add3A_1335, %and3A_1338 : vector<16xi32>
    %add3A_1340 = arith.constant 0 : i32
    %add3A_1341 = vector.broadcast %add3A_1340 : i32 to vector<16xi32>
    %add3A_1342 = arith.addi %add3A_1339, %add3A_1341 : vector<16xi32>
    %swap3A_1343 = arith.constant 5 : i32
    %swap3A_1344 = arith.index_cast %swap3A_1343 : i32 to index
    %swap3A_1345 = arith.constant 160 : index
    %swap3A_1346 = tpu.vector_load %arg10[%swap3A_1344, %swap3A_1345] {strides = array<i32>} : memref<10x256xi32, #tpu.memory_space<vmem>>, vector<16xi32>,
    tpu.vector_store %arg10[%swap3A_1344, %swap3A_1345], %add3A_1342 {strides = array<i32>} : memref<10x256xi32, #tpu.memory_space<vmem>>, vector<16xi32>,
    %add3A_1347 = arith.constant 131072 : i32
    %add3A_1348 = vector.broadcast %add3A_1347 : i32 to vector<16xi32>
    %add3A_1349 = arith.addi %add3A_1339, %add3A_1348 : vector<16xi32>
    %swap3A_1350 = arith.constant 6 : i32
    %swap3A_1351 = arith.index_cast %swap3A_1350 : i32 to index
    %swap3A_1352 = arith.constant 160 : index
    %swap3A_1353 = tpu.vector_load %arg10[%swap3A_1351, %swap3A_1352] {strides = array<i32>} : memref<10x256xi32, #tpu.memory_space<vmem>>, vector<16xi32>,
    tpu.vector_store %arg10[%swap3A_1351, %swap3A_1352], %add3A_1349 {strides = array<i32>} : memref<10x256xi32, #tpu.memory_space<vmem>>, vector<16xi32>,
    %add3A_1354 = arith.constant 262144 : i32
    %add3A_1355 = vector.broadcast %add3A_1354 : i32 to vector<16xi32>
    %add3A_1356 = arith.addi %add3A_1339, %add3A_1355 : vector<16xi32>
    %swap3A_1357 = arith.constant 7 : i32
    %swap3A_1358 = arith.index_cast %swap3A_1357 : i32 to index
    %swap3A_1359 = arith.constant 160 : index
    %swap3A_1360 = tpu.vector_load %arg10[%swap3A_1358, %swap3A_1359] {strides = array<i32>} : memref<10x256xi32, #tpu.memory_space<vmem>>, vector<16xi32>,
    tpu.vector_store %arg10[%swap3A_1358, %swap3A_1359], %add3A_1356 {strides = array<i32>} : memref<10x256xi32, #tpu.memory_space<vmem>>, vector<16xi32>,
    %add3A_1361 = arith.constant 393216 : i32
    %add3A_1362 = vector.broadcast %add3A_1361 : i32 to vector<16xi32>
    %add3A_1363 = arith.addi %add3A_1339, %add3A_1362 : vector<16xi32>
    %swap3A_1364 = arith.constant 8 : i32
    %swap3A_1365 = arith.index_cast %swap3A_1364 : i32 to index
    %swap3A_1366 = arith.constant 160 : index
    %swap3A_1367 = tpu.vector_load %arg10[%swap3A_1365, %swap3A_1366] {strides = array<i32>} : memref<10x256xi32, #tpu.memory_space<vmem>>, vector<16xi32>,
    tpu.vector_store %arg10[%swap3A_1365, %swap3A_1366], %add3A_1363 {strides = array<i32>} : memref<10x256xi32, #tpu.memory_space<vmem>>, vector<16xi32>,
    %add3A_1368 = arith.constant 524288 : i32
    %add3A_1369 = vector.broadcast %add3A_1368 : i32 to vector<16xi32>
    %add3A_1370 = arith.addi %add3A_1339, %add3A_1369 : vector<16xi32>
    %swap3A_1371 = arith.constant 9 : i32
    %swap3A_1372 = arith.index_cast %swap3A_1371 : i32 to index
    %swap3A_1373 = arith.constant 160 : index
    %swap3A_1374 = tpu.vector_load %arg10[%swap3A_1372, %swap3A_1373] {strides = array<i32>} : memref<10x256xi32, #tpu.memory_space<vmem>>, vector<16xi32>,
    tpu.vector_store %arg10[%swap3A_1372, %swap3A_1373], %add3A_1370 {strides = array<i32>} : memref<10x256xi32, #tpu.memory_space<vmem>>, vector<16xi32>,
    %get3A_1375 = arith.constant 432 : index
    %get3A_1376 = tpu.vector_load %arg8[%get3A_1375] {strides = array<i32>} : memref<512xi32, #tpu.memory_space<vmem>>, vector<16xi32>,
    %shift_right_arithmetic3A_1377 = arith.constant 17 : i32
    %shift_right_arithmetic3A_1378 = vector.broadcast %shift_right_arithmetic3A_1377 : i32 to vector<16xi32>
    %shift_right_arithmetic3A_1379 = arith.shrsi %get3A_1376, %shift_right_arithmetic3A_1378 : vector<16xi32>
    %shift_left3A_1380 = arith.constant 19 : i32
    %shift_left3A_1381 = vector.broadcast %shift_left3A_1380 : i32 to vector<16xi32>
    %shift_left3A_1382 = arith.shli %shift_right_arithmetic3A_1379, %shift_left3A_1381 : vector<16xi32>
    %shift_left3A_1383 = arith.constant 17 : i32
    %shift_left3A_1384 = vector.broadcast %shift_left3A_1383 : i32 to vector<16xi32>
    %shift_left3A_1385 = arith.shli %shift_right_arithmetic3A_1379, %shift_left3A_1384 : vector<16xi32>
    %add3A_1386 = arith.addi %shift_left3A_1382, %shift_left3A_1385 : vector<16xi32>
    %and3A_1387 = arith.constant 131071 : i32
    %and3A_1388 = vector.broadcast %and3A_1387 : i32 to vector<16xi32>
    %and3A_1389 = arith.andi %get3A_1376, %and3A_1388 : vector<16xi32>
    %add3A_1390 = arith.addi %add3A_1386, %and3A_1389 : vector<16xi32>
    %add3A_1391 = arith.constant 0 : i32
    %add3A_1392 = vector.broadcast %add3A_1391 : i32 to vector<16xi32>
    %add3A_1393 = arith.addi %add3A_1390, %add3A_1392 : vector<16xi32>
    %swap3A_1394 = arith.constant 5 : i32
    %swap3A_1395 = arith.index_cast %swap3A_1394 : i32 to index
    %swap3A_1396 = arith.constant 176 : index
    %swap3A_1397 = tpu.vector_load %arg10[%swap3A_1395, %swap3A_1396] {strides = array<i32>} : memref<10x256xi32, #tpu.memory_space<vmem>>, vector<16xi32>,
    tpu.vector_store %arg10[%swap3A_1395, %swap3A_1396], %add3A_1393 {strides = array<i32>} : memref<10x256xi32, #tpu.memory_space<vmem>>, vector<16xi32>,
    %add3A_1398 = arith.constant 131072 : i32
    %add3A_1399 = vector.broadcast %add3A_1398 : i32 to vector<16xi32>
    %add3A_1400 = arith.addi %add3A_1390, %add3A_1399 : vector<16xi32>
    %swap3A_1401 = arith.constant 6 : i32
    %swap3A_1402 = arith.index_cast %swap3A_1401 : i32 to index
    %swap3A_1403 = arith.constant 176 : index
    %swap3A_1404 = tpu.vector_load %arg10[%swap3A_1402, %swap3A_1403] {strides = array<i32>} : memref<10x256xi32, #tpu.memory_space<vmem>>, vector<16xi32>,
    tpu.vector_store %arg10[%swap3A_1402, %swap3A_1403], %add3A_1400 {strides = array<i32>} : memref<10x256xi32, #tpu.memory_space<vmem>>, vector<16xi32>,
    %add3A_1405 = arith.constant 262144 : i32
    %add3A_1406 = vector.broadcast %add3A_1405 : i32 to vector<16xi32>
    %add3A_1407 = arith.addi %add3A_1390, %add3A_1406 : vector<16xi32>
    %swap3A_1408 = arith.constant 7 : i32
    %swap3A_1409 = arith.index_cast %swap3A_1408 : i32 to index
    %swap3A_1410 = arith.constant 176 : index
    %swap3A_1411 = tpu.vector_load %arg10[%swap3A_1409, %swap3A_1410] {strides = array<i32>} : memref<10x256xi32, #tpu.memory_space<vmem>>, vector<16xi32>,
    tpu.vector_store %arg10[%swap3A_1409, %swap3A_1410], %add3A_1407 {strides = array<i32>} : memref<10x256xi32, #tpu.memory_space<vmem>>, vector<16xi32>,
    %add3A_1412 = arith.constant 393216 : i32
    %add3A_1413 = vector.broadcast %add3A_1412 : i32 to vector<16xi32>
    %add3A_1414 = arith.addi %add3A_1390, %add3A_1413 : vector<16xi32>
    %swap3A_1415 = arith.constant 8 : i32
    %swap3A_1416 = arith.index_cast %swap3A_1415 : i32 to index
    %swap3A_1417 = arith.constant 176 : index
    %swap3A_1418 = tpu.vector_load %arg10[%swap3A_1416, %swap3A_1417] {strides = array<i32>} : memref<10x256xi32, #tpu.memory_space<vmem>>, vector<16xi32>,
    tpu.vector_store %arg10[%swap3A_1416, %swap3A_1417], %add3A_1414 {strides = array<i32>} : memref<10x256xi32, #tpu.memory_space<vmem>>, vector<16xi32>,
    %add3A_1419 = arith.constant 524288 : i32
    %add3A_1420 = vector.broadcast %add3A_1419 : i32 to vector<16xi32>
    %add3A_1421 = arith.addi %add3A_1390, %add3A_1420 : vector<16xi32>
    %swap3A_1422 = arith.constant 9 : i32
    %swap3A_1423 = arith.index_cast %swap3A_1422 : i32 to index
    %swap3A_1424 = arith.constant 176 : index
    %swap3A_1425 = tpu.vector_load %arg10[%swap3A_1423, %swap3A_1424] {strides = array<i32>} : memref<10x256xi32, #tpu.memory_space<vmem>>, vector<16xi32>,
    tpu.vector_store %arg10[%swap3A_1423, %swap3A_1424], %add3A_1421 {strides = array<i32>} : memref<10x256xi32, #tpu.memory_space<vmem>>, vector<16xi32>,
    %get3A_1426 = arith.constant 448 : index
    %get3A_1427 = tpu.vector_load %arg8[%get3A_1426] {strides = array<i32>} : memref<512xi32, #tpu.memory_space<vmem>>, vector<16xi32>,
    %shift_right_arithmetic3A_1428 = arith.constant 17 : i32
    %shift_right_arithmetic3A_1429 = vector.broadcast %shift_right_arithmetic3A_1428 : i32 to vector<16xi32>
    %shift_right_arithmetic3A_1430 = arith.shrsi %get3A_1427, %shift_right_arithmetic3A_1429 : vector<16xi32>
    %shift_left3A_1431 = arith.constant 19 : i32
    %shift_left3A_1432 = vector.broadcast %shift_left3A_1431 : i32 to vector<16xi32>
    %shift_left3A_1433 = arith.shli %shift_right_arithmetic3A_1430, %shift_left3A_1432 : vector<16xi32>
    %shift_left3A_1434 = arith.constant 17 : i32
    %shift_left3A_1435 = vector.broadcast %shift_left3A_1434 : i32 to vector<16xi32>
    %shift_left3A_1436 = arith.shli %shift_right_arithmetic3A_1430, %shift_left3A_1435 : vector<16xi32>
    %add3A_1437 = arith.addi %shift_left3A_1433, %shift_left3A_1436 : vector<16xi32>
    %and3A_1438 = arith.constant 131071 : i32
    %and3A_1439 = vector.broadcast %and3A_1438 : i32 to vector<16xi32>
    %and3A_1440 = arith.andi %get3A_1427, %and3A_1439 : vector<16xi32>
    %add3A_1441 = arith.addi %add3A_1437, %and3A_1440 : vector<16xi32>
    %add3A_1442 = arith.constant 0 : i32
    %add3A_1443 = vector.broadcast %add3A_1442 : i32 to vector<16xi32>
    %add3A_1444 = arith.addi %add3A_1441, %add3A_1443 : vector<16xi32>
    %swap3A_1445 = arith.constant 5 : i32
    %swap3A_1446 = arith.index_cast %swap3A_1445 : i32 to index
    %swap3A_1447 = arith.constant 192 : index
    %swap3A_1448 = tpu.vector_load %arg10[%swap3A_1446, %swap3A_1447] {strides = array<i32>} : memref<10x256xi32, #tpu.memory_space<vmem>>, vector<16xi32>,
    tpu.vector_store %arg10[%swap3A_1446, %swap3A_1447], %add3A_1444 {strides = array<i32>} : memref<10x256xi32, #tpu.memory_space<vmem>>, vector<16xi32>,
    %add3A_1449 = arith.constant 131072 : i32
    %add3A_1450 = vector.broadcast %add3A_1449 : i32 to vector<16xi32>
    %add3A_1451 = arith.addi %add3A_1441, %add3A_1450 : vector<16xi32>
    %swap3A_1452 = arith.constant 6 : i32
    %swap3A_1453 = arith.index_cast %swap3A_1452 : i32 to index
    %swap3A_1454 = arith.constant 192 : index
    %swap3A_1455 = tpu.vector_load %arg10[%swap3A_1453, %swap3A_1454] {strides = array<i32>} : memref<10x256xi32, #tpu.memory_space<vmem>>, vector<16xi32>,
    tpu.vector_store %arg10[%swap3A_1453, %swap3A_1454], %add3A_1451 {strides = array<i32>} : memref<10x256xi32, #tpu.memory_space<vmem>>, vector<16xi32>,
    %add3A_1456 = arith.constant 262144 : i32
    %add3A_1457 = vector.broadcast %add3A_1456 : i32 to vector<16xi32>
    %add3A_1458 = arith.addi %add3A_1441, %add3A_1457 : vector<16xi32>
    %swap3A_1459 = arith.constant 7 : i32
    %swap3A_1460 = arith.index_cast %swap3A_1459 : i32 to index
    %swap3A_1461 = arith.constant 192 : index
    %swap3A_1462 = tpu.vector_load %arg10[%swap3A_1460, %swap3A_1461] {strides = array<i32>} : memref<10x256xi32, #tpu.memory_space<vmem>>, vector<16xi32>,
    tpu.vector_store %arg10[%swap3A_1460, %swap3A_1461], %add3A_1458 {strides = array<i32>} : memref<10x256xi32, #tpu.memory_space<vmem>>, vector<16xi32>,
    %add3A_1463 = arith.constant 393216 : i32
    %add3A_1464 = vector.broadcast %add3A_1463 : i32 to vector<16xi32>
    %add3A_1465 = arith.addi %add3A_1441, %add3A_1464 : vector<16xi32>
    %swap3A_1466 = arith.constant 8 : i32
    %swap3A_1467 = arith.index_cast %swap3A_1466 : i32 to index
    %swap3A_1468 = arith.constant 192 : index
    %swap3A_1469 = tpu.vector_load %arg10[%swap3A_1467, %swap3A_1468] {strides = array<i32>} : memref<10x256xi32, #tpu.memory_space<vmem>>, vector<16xi32>,
    tpu.vector_store %arg10[%swap3A_1467, %swap3A_1468], %add3A_1465 {strides = array<i32>} : memref<10x256xi32, #tpu.memory_space<vmem>>, vector<16xi32>,
    %add3A_1470 = arith.constant 524288 : i32
    %add3A_1471 = vector.broadcast %add3A_1470 : i32 to vector<16xi32>
    %add3A_1472 = arith.addi %add3A_1441, %add3A_1471 : vector<16xi32>
    %swap3A_1473 = arith.constant 9 : i32
    %swap3A_1474 = arith.index_cast %swap3A_1473 : i32 to index
    %swap3A_1475 = arith.constant 192 : index
    %swap3A_1476 = tpu.vector_load %arg10[%swap3A_1474, %swap3A_1475] {strides = array<i32>} : memref<10x256xi32, #tpu.memory_space<vmem>>, vector<16xi32>,
    tpu.vector_store %arg10[%swap3A_1474, %swap3A_1475], %add3A_1472 {strides = array<i32>} : memref<10x256xi32, #tpu.memory_space<vmem>>, vector<16xi32>,
    %get3A_1477 = arith.constant 464 : index
    %get3A_1478 = tpu.vector_load %arg8[%get3A_1477] {strides = array<i32>} : memref<512xi32, #tpu.memory_space<vmem>>, vector<16xi32>,
    %shift_right_arithmetic3A_1479 = arith.constant 17 : i32
    %shift_right_arithmetic3A_1480 = vector.broadcast %shift_right_arithmetic3A_1479 : i32 to vector<16xi32>
    %shift_right_arithmetic3A_1481 = arith.shrsi %get3A_1478, %shift_right_arithmetic3A_1480 : vector<16xi32>
    %shift_left3A_1482 = arith.constant 19 : i32
    %shift_left3A_1483 = vector.broadcast %shift_left3A_1482 : i32 to vector<16xi32>
    %shift_left3A_1484 = arith.shli %shift_right_arithmetic3A_1481, %shift_left3A_1483 : vector<16xi32>
    %shift_left3A_1485 = arith.constant 17 : i32
    %shift_left3A_1486 = vector.broadcast %shift_left3A_1485 : i32 to vector<16xi32>
    %shift_left3A_1487 = arith.shli %shift_right_arithmetic3A_1481, %shift_left3A_1486 : vector<16xi32>
    %add3A_1488 = arith.addi %shift_left3A_1484, %shift_left3A_1487 : vector<16xi32>
    %and3A_1489 = arith.constant 131071 : i32
    %and3A_1490 = vector.broadcast %and3A_1489 : i32 to vector<16xi32>
    %and3A_1491 = arith.andi %get3A_1478, %and3A_1490 : vector<16xi32>
    %add3A_1492 = arith.addi %add3A_1488, %and3A_1491 : vector<16xi32>
    %add3A_1493 = arith.constant 0 : i32
    %add3A_1494 = vector.broadcast %add3A_1493 : i32 to vector<16xi32>
    %add3A_1495 = arith.addi %add3A_1492, %add3A_1494 : vector<16xi32>
    %swap3A_1496 = arith.constant 5 : i32
    %swap3A_1497 = arith.index_cast %swap3A_1496 : i32 to index
    %swap3A_1498 = arith.constant 208 : index
    %swap3A_1499 = tpu.vector_load %arg10[%swap3A_1497, %swap3A_1498] {strides = array<i32>} : memref<10x256xi32, #tpu.memory_space<vmem>>, vector<16xi32>,
    tpu.vector_store %arg10[%swap3A_1497, %swap3A_1498], %add3A_1495 {strides = array<i32>} : memref<10x256xi32, #tpu.memory_space<vmem>>, vector<16xi32>,
    %add3A_1500 = arith.constant 131072 : i32
    %add3A_1501 = vector.broadcast %add3A_1500 : i32 to vector<16xi32>
    %add3A_1502 = arith.addi %add3A_1492, %add3A_1501 : vector<16xi32>
    %swap3A_1503 = arith.constant 6 : i32
    %swap3A_1504 = arith.index_cast %swap3A_1503 : i32 to index
    %swap3A_1505 = arith.constant 208 : index
    %swap3A_1506 = tpu.vector_load %arg10[%swap3A_1504, %swap3A_1505] {strides = array<i32>} : memref<10x256xi32, #tpu.memory_space<vmem>>, vector<16xi32>,
    tpu.vector_store %arg10[%swap3A_1504, %swap3A_1505], %add3A_1502 {strides = array<i32>} : memref<10x256xi32, #tpu.memory_space<vmem>>, vector<16xi32>,
    %add3A_1507 = arith.constant 262144 : i32
    %add3A_1508 = vector.broadcast %add3A_1507 : i32 to vector<16xi32>
    %add3A_1509 = arith.addi %add3A_1492, %add3A_1508 : vector<16xi32>
    %swap3A_1510 = arith.constant 7 : i32
    %swap3A_1511 = arith.index_cast %swap3A_1510 : i32 to index
    %swap3A_1512 = arith.constant 208 : index
    %swap3A_1513 = tpu.vector_load %arg10[%swap3A_1511, %swap3A_1512] {strides = array<i32>} : memref<10x256xi32, #tpu.memory_space<vmem>>, vector<16xi32>,
    tpu.vector_store %arg10[%swap3A_1511, %swap3A_1512], %add3A_1509 {strides = array<i32>} : memref<10x256xi32, #tpu.memory_space<vmem>>, vector<16xi32>,
    %add3A_1514 = arith.constant 393216 : i32
    %add3A_1515 = vector.broadcast %add3A_1514 : i32 to vector<16xi32>
    %add3A_1516 = arith.addi %add3A_1492, %add3A_1515 : vector<16xi32>
    %swap3A_1517 = arith.constant 8 : i32
    %swap3A_1518 = arith.index_cast %swap3A_1517 : i32 to index
    %swap3A_1519 = arith.constant 208 : index
    %swap3A_1520 = tpu.vector_load %arg10[%swap3A_1518, %swap3A_1519] {strides = array<i32>} : memref<10x256xi32, #tpu.memory_space<vmem>>, vector<16xi32>,
    tpu.vector_store %arg10[%swap3A_1518, %swap3A_1519], %add3A_1516 {strides = array<i32>} : memref<10x256xi32, #tpu.memory_space<vmem>>, vector<16xi32>,
    %add3A_1521 = arith.constant 524288 : i32
    %add3A_1522 = vector.broadcast %add3A_1521 : i32 to vector<16xi32>
    %add3A_1523 = arith.addi %add3A_1492, %add3A_1522 : vector<16xi32>
    %swap3A_1524 = arith.constant 9 : i32
    %swap3A_1525 = arith.index_cast %swap3A_1524 : i32 to index
    %swap3A_1526 = arith.constant 208 : index
    %swap3A_1527 = tpu.vector_load %arg10[%swap3A_1525, %swap3A_1526] {strides = array<i32>} : memref<10x256xi32, #tpu.memory_space<vmem>>, vector<16xi32>,
    tpu.vector_store %arg10[%swap3A_1525, %swap3A_1526], %add3A_1523 {strides = array<i32>} : memref<10x256xi32, #tpu.memory_space<vmem>>, vector<16xi32>,
    %get3A_1528 = arith.constant 480 : index
    %get3A_1529 = tpu.vector_load %arg8[%get3A_1528] {strides = array<i32>} : memref<512xi32, #tpu.memory_space<vmem>>, vector<16xi32>,
    %shift_right_arithmetic3A_1530 = arith.constant 17 : i32
    %shift_right_arithmetic3A_1531 = vector.broadcast %shift_right_arithmetic3A_1530 : i32 to vector<16xi32>
    %shift_right_arithmetic3A_1532 = arith.shrsi %get3A_1529, %shift_right_arithmetic3A_1531 : vector<16xi32>
    %shift_left3A_1533 = arith.constant 19 : i32
    %shift_left3A_1534 = vector.broadcast %shift_left3A_1533 : i32 to vector<16xi32>
    %shift_left3A_1535 = arith.shli %shift_right_arithmetic3A_1532, %shift_left3A_1534 : vector<16xi32>
    %shift_left3A_1536 = arith.constant 17 : i32
    %shift_left3A_1537 = vector.broadcast %shift_left3A_1536 : i32 to vector<16xi32>
    %shift_left3A_1538 = arith.shli %shift_right_arithmetic3A_1532, %shift_left3A_1537 : vector<16xi32>
    %add3A_1539 = arith.addi %shift_left3A_1535, %shift_left3A_1538 : vector<16xi32>
    %and3A_1540 = arith.constant 131071 : i32
    %and3A_1541 = vector.broadcast %and3A_1540 : i32 to vector<16xi32>
    %and3A_1542 = arith.andi %get3A_1529, %and3A_1541 : vector<16xi32>
    %add3A_1543 = arith.addi %add3A_1539, %and3A_1542 : vector<16xi32>
    %add3A_1544 = arith.constant 0 : i32
    %add3A_1545 = vector.broadcast %add3A_1544 : i32 to vector<16xi32>
    %add3A_1546 = arith.addi %add3A_1543, %add3A_1545 : vector<16xi32>
    %swap3A_1547 = arith.constant 5 : i32
    %swap3A_1548 = arith.index_cast %swap3A_1547 : i32 to index
    %swap3A_1549 = arith.constant 224 : index
    %swap3A_1550 = tpu.vector_load %arg10[%swap3A_1548, %swap3A_1549] {strides = array<i32>} : memref<10x256xi32, #tpu.memory_space<vmem>>, vector<16xi32>,
    tpu.vector_store %arg10[%swap3A_1548, %swap3A_1549], %add3A_1546 {strides = array<i32>} : memref<10x256xi32, #tpu.memory_space<vmem>>, vector<16xi32>,
    %add3A_1551 = arith.constant 131072 : i32
    %add3A_1552 = vector.broadcast %add3A_1551 : i32 to vector<16xi32>
    %add3A_1553 = arith.addi %add3A_1543, %add3A_1552 : vector<16xi32>
    %swap3A_1554 = arith.constant 6 : i32
    %swap3A_1555 = arith.index_cast %swap3A_1554 : i32 to index
    %swap3A_1556 = arith.constant 224 : index
    %swap3A_1557 = tpu.vector_load %arg10[%swap3A_1555, %swap3A_1556] {strides = array<i32>} : memref<10x256xi32, #tpu.memory_space<vmem>>, vector<16xi32>,
    tpu.vector_store %arg10[%swap3A_1555, %swap3A_1556], %add3A_1553 {strides = array<i32>} : memref<10x256xi32, #tpu.memory_space<vmem>>, vector<16xi32>,
    %add3A_1558 = arith.constant 262144 : i32
    %add3A_1559 = vector.broadcast %add3A_1558 : i32 to vector<16xi32>
    %add3A_1560 = arith.addi %add3A_1543, %add3A_1559 : vector<16xi32>
    %swap3A_1561 = arith.constant 7 : i32
    %swap3A_1562 = arith.index_cast %swap3A_1561 : i32 to index
    %swap3A_1563 = arith.constant 224 : index
    %swap3A_1564 = tpu.vector_load %arg10[%swap3A_1562, %swap3A_1563] {strides = array<i32>} : memref<10x256xi32, #tpu.memory_space<vmem>>, vector<16xi32>,
    tpu.vector_store %arg10[%swap3A_1562, %swap3A_1563], %add3A_1560 {strides = array<i32>} : memref<10x256xi32, #tpu.memory_space<vmem>>, vector<16xi32>,
    %add3A_1565 = arith.constant 393216 : i32
    %add3A_1566 = vector.broadcast %add3A_1565 : i32 to vector<16xi32>
    %add3A_1567 = arith.addi %add3A_1543, %add3A_1566 : vector<16xi32>
    %swap3A_1568 = arith.constant 8 : i32
    %swap3A_1569 = arith.index_cast %swap3A_1568 : i32 to index
    %swap3A_1570 = arith.constant 224 : index
    %swap3A_1571 = tpu.vector_load %arg10[%swap3A_1569, %swap3A_1570] {strides = array<i32>} : memref<10x256xi32, #tpu.memory_space<vmem>>, vector<16xi32>,
    tpu.vector_store %arg10[%swap3A_1569, %swap3A_1570], %add3A_1567 {strides = array<i32>} : memref<10x256xi32, #tpu.memory_space<vmem>>, vector<16xi32>,
    %add3A_1572 = arith.constant 524288 : i32
    %add3A_1573 = vector.broadcast %add3A_1572 : i32 to vector<16xi32>
    %add3A_1574 = arith.addi %add3A_1543, %add3A_1573 : vector<16xi32>
    %swap3A_1575 = arith.constant 9 : i32
    %swap3A_1576 = arith.index_cast %swap3A_1575 : i32 to index
    %swap3A_1577 = arith.constant 224 : index
    %swap3A_1578 = tpu.vector_load %arg10[%swap3A_1576, %swap3A_1577] {strides = array<i32>} : memref<10x256xi32, #tpu.memory_space<vmem>>, vector<16xi32>,
    tpu.vector_store %arg10[%swap3A_1576, %swap3A_1577], %add3A_1574 {strides = array<i32>} : memref<10x256xi32, #tpu.memory_space<vmem>>, vector<16xi32>,
    %get3A_1579 = arith.constant 496 : index
    %get3A_1580 = tpu.vector_load %arg8[%get3A_1579] {strides = array<i32>} : memref<512xi32, #tpu.memory_space<vmem>>, vector<16xi32>,
    %shift_right_arithmetic3A_1581 = arith.constant 17 : i32
    %shift_right_arithmetic3A_1582 = vector.broadcast %shift_right_arithmetic3A_1581 : i32 to vector<16xi32>
    %shift_right_arithmetic3A_1583 = arith.shrsi %get3A_1580, %shift_right_arithmetic3A_1582 : vector<16xi32>
    %shift_left3A_1584 = arith.constant 19 : i32
    %shift_left3A_1585 = vector.broadcast %shift_left3A_1584 : i32 to vector<16xi32>
    %shift_left3A_1586 = arith.shli %shift_right_arithmetic3A_1583, %shift_left3A_1585 : vector<16xi32>
    %shift_left3A_1587 = arith.constant 17 : i32
    %shift_left3A_1588 = vector.broadcast %shift_left3A_1587 : i32 to vector<16xi32>
    %shift_left3A_1589 = arith.shli %shift_right_arithmetic3A_1583, %shift_left3A_1588 : vector<16xi32>
    %add3A_1590 = arith.addi %shift_left3A_1586, %shift_left3A_1589 : vector<16xi32>
    %and3A_1591 = arith.constant 131071 : i32
    %and3A_1592 = vector.broadcast %and3A_1591 : i32 to vector<16xi32>
    %and3A_1593 = arith.andi %get3A_1580, %and3A_1592 : vector<16xi32>
    %add3A_1594 = arith.addi %add3A_1590, %and3A_1593 : vector<16xi32>
    %add3A_1595 = arith.constant 0 : i32
    %add3A_1596 = vector.broadcast %add3A_1595 : i32 to vector<16xi32>
    %add3A_1597 = arith.addi %add3A_1594, %add3A_1596 : vector<16xi32>
    %swap3A_1598 = arith.constant 5 : i32
    %swap3A_1599 = arith.index_cast %swap3A_1598 : i32 to index
    %swap3A_1600 = arith.constant 240 : index
    %swap3A_1601 = tpu.vector_load %arg10[%swap3A_1599, %swap3A_1600] {strides = array<i32>} : memref<10x256xi32, #tpu.memory_space<vmem>>, vector<16xi32>,
    tpu.vector_store %arg10[%swap3A_1599, %swap3A_1600], %add3A_1597 {strides = array<i32>} : memref<10x256xi32, #tpu.memory_space<vmem>>, vector<16xi32>,
    %add3A_1602 = arith.constant 131072 : i32
    %add3A_1603 = vector.broadcast %add3A_1602 : i32 to vector<16xi32>
    %add3A_1604 = arith.addi %add3A_1594, %add3A_1603 : vector<16xi32>
    %swap3A_1605 = arith.constant 6 : i32
    %swap3A_1606 = arith.index_cast %swap3A_1605 : i32 to index
    %swap3A_1607 = arith.constant 240 : index
    %swap3A_1608 = tpu.vector_load %arg10[%swap3A_1606, %swap3A_1607] {strides = array<i32>} : memref<10x256xi32, #tpu.memory_space<vmem>>, vector<16xi32>,
    tpu.vector_store %arg10[%swap3A_1606, %swap3A_1607], %add3A_1604 {strides = array<i32>} : memref<10x256xi32, #tpu.memory_space<vmem>>, vector<16xi32>,
    %add3A_1609 = arith.constant 262144 : i32
    %add3A_1610 = vector.broadcast %add3A_1609 : i32 to vector<16xi32>
    %add3A_1611 = arith.addi %add3A_1594, %add3A_1610 : vector<16xi32>
    %swap3A_1612 = arith.constant 7 : i32
    %swap3A_1613 = arith.index_cast %swap3A_1612 : i32 to index
    %swap3A_1614 = arith.constant 240 : index
    %swap3A_1615 = tpu.vector_load %arg10[%swap3A_1613, %swap3A_1614] {strides = array<i32>} : memref<10x256xi32, #tpu.memory_space<vmem>>, vector<16xi32>,
    tpu.vector_store %arg10[%swap3A_1613, %swap3A_1614], %add3A_1611 {strides = array<i32>} : memref<10x256xi32, #tpu.memory_space<vmem>>, vector<16xi32>,
    %add3A_1616 = arith.constant 393216 : i32
    %add3A_1617 = vector.broadcast %add3A_1616 : i32 to vector<16xi32>
    %add3A_1618 = arith.addi %add3A_1594, %add3A_1617 : vector<16xi32>
    %swap3A_1619 = arith.constant 8 : i32
    %swap3A_1620 = arith.index_cast %swap3A_1619 : i32 to index
    %swap3A_1621 = arith.constant 240 : index
    %swap3A_1622 = tpu.vector_load %arg10[%swap3A_1620, %swap3A_1621] {strides = array<i32>} : memref<10x256xi32, #tpu.memory_space<vmem>>, vector<16xi32>,
    tpu.vector_store %arg10[%swap3A_1620, %swap3A_1621], %add3A_1618 {strides = array<i32>} : memref<10x256xi32, #tpu.memory_space<vmem>>, vector<16xi32>,
    %add3A_1623 = arith.constant 524288 : i32
    %add3A_1624 = vector.broadcast %add3A_1623 : i32 to vector<16xi32>
    %add3A_1625 = arith.addi %add3A_1594, %add3A_1624 : vector<16xi32>
    %swap3A_1626 = arith.constant 9 : i32
    %swap3A_1627 = arith.index_cast %swap3A_1626 : i32 to index
    %swap3A_1628 = arith.constant 240 : index
    %swap3A_1629 = tpu.vector_load %arg10[%swap3A_1627, %swap3A_1628] {strides = array<i32>} : memref<10x256xi32, #tpu.memory_space<vmem>>, vector<16xi32>,
    tpu.vector_store %arg10[%swap3A_1627, %swap3A_1628], %add3A_1625 {strides = array<i32>} : memref<10x256xi32, #tpu.memory_space<vmem>>, vector<16xi32>,
    %get3A_1630 = arith.constant 0 : index
    %get3A_1631 = tpu.vector_load %arg9[%get3A_1630] {strides = array<i32>} : memref<512xi32, #tpu.memory_space<vmem>>, vector<16xi32>,
    %shift_right_arithmetic3A_1632 = arith.constant 17 : i32
    %shift_right_arithmetic3A_1633 = vector.broadcast %shift_right_arithmetic3A_1632 : i32 to vector<16xi32>
    %shift_right_arithmetic3A_1634 = arith.shrsi %get3A_1631, %shift_right_arithmetic3A_1633 : vector<16xi32>
    %shift_left3A_1635 = arith.constant 19 : i32
    %shift_left3A_1636 = vector.broadcast %shift_left3A_1635 : i32 to vector<16xi32>
    %shift_left3A_1637 = arith.shli %shift_right_arithmetic3A_1634, %shift_left3A_1636 : vector<16xi32>
    %shift_left3A_1638 = arith.constant 17 : i32
    %shift_left3A_1639 = vector.broadcast %shift_left3A_1638 : i32 to vector<16xi32>
    %shift_left3A_1640 = arith.shli %shift_right_arithmetic3A_1634, %shift_left3A_1639 : vector<16xi32>
    %add3A_1641 = arith.addi %shift_left3A_1637, %shift_left3A_1640 : vector<16xi32>
    %and3A_1642 = arith.constant 131071 : i32
    %and3A_1643 = vector.broadcast %and3A_1642 : i32 to vector<16xi32>
    %and3A_1644 = arith.andi %get3A_1631, %and3A_1643 : vector<16xi32>
    %add3A_1645 = arith.addi %add3A_1641, %and3A_1644 : vector<16xi32>
    %add3A_1646 = arith.constant 0 : i32
    %add3A_1647 = vector.broadcast %add3A_1646 : i32 to vector<16xi32>
    %add3A_1648 = arith.addi %add3A_1645, %add3A_1647 : vector<16xi32>
    %swap3A_1649 = arith.constant 0 : i32
    %swap3A_1650 = arith.index_cast %swap3A_1649 : i32 to index
    %swap3A_1651 = arith.constant 0 : index
    %swap3A_1652 = tpu.vector_load %arg11[%swap3A_1650, %swap3A_1651] {strides = array<i32>} : memref<10x256xi32, #tpu.memory_space<vmem>>, vector<16xi32>,
    tpu.vector_store %arg11[%swap3A_1650, %swap3A_1651], %add3A_1648 {strides = array<i32>} : memref<10x256xi32, #tpu.memory_space<vmem>>, vector<16xi32>,
    %add3A_1653 = arith.constant 131072 : i32
    %add3A_1654 = vector.broadcast %add3A_1653 : i32 to vector<16xi32>
    %add3A_1655 = arith.addi %add3A_1645, %add3A_1654 : vector<16xi32>
    %swap3A_1656 = arith.constant 1 : i32
    %swap3A_1657 = arith.index_cast %swap3A_1656 : i32 to index
    %swap3A_1658 = arith.constant 0 : index
    %swap3A_1659 = tpu.vector_load %arg11[%swap3A_1657, %swap3A_1658] {strides = array<i32>} : memref<10x256xi32, #tpu.memory_space<vmem>>, vector<16xi32>,
    tpu.vector_store %arg11[%swap3A_1657, %swap3A_1658], %add3A_1655 {strides = array<i32>} : memref<10x256xi32, #tpu.memory_space<vmem>>, vector<16xi32>,
    %add3A_1660 = arith.constant 262144 : i32
    %add3A_1661 = vector.broadcast %add3A_1660 : i32 to vector<16xi32>
    %add3A_1662 = arith.addi %add3A_1645, %add3A_1661 : vector<16xi32>
    %swap3A_1663 = arith.constant 2 : i32
    %swap3A_1664 = arith.index_cast %swap3A_1663 : i32 to index
    %swap3A_1665 = arith.constant 0 : index
    %swap3A_1666 = tpu.vector_load %arg11[%swap3A_1664, %swap3A_1665] {strides = array<i32>} : memref<10x256xi32, #tpu.memory_space<vmem>>, vector<16xi32>,
    tpu.vector_store %arg11[%swap3A_1664, %swap3A_1665], %add3A_1662 {strides = array<i32>} : memref<10x256xi32, #tpu.memory_space<vmem>>, vector<16xi32>,
    %add3A_1667 = arith.constant 393216 : i32
    %add3A_1668 = vector.broadcast %add3A_1667 : i32 to vector<16xi32>
    %add3A_1669 = arith.addi %add3A_1645, %add3A_1668 : vector<16xi32>
    %swap3A_1670 = arith.constant 3 : i32
    %swap3A_1671 = arith.index_cast %swap3A_1670 : i32 to index
    %swap3A_1672 = arith.constant 0 : index
    %swap3A_1673 = tpu.vector_load %arg11[%swap3A_1671, %swap3A_1672] {strides = array<i32>} : memref<10x256xi32, #tpu.memory_space<vmem>>, vector<16xi32>,
    tpu.vector_store %arg11[%swap3A_1671, %swap3A_1672], %add3A_1669 {strides = array<i32>} : memref<10x256xi32, #tpu.memory_space<vmem>>, vector<16xi32>,
    %add3A_1674 = arith.constant 524288 : i32
    %add3A_1675 = vector.broadcast %add3A_1674 : i32 to vector<16xi32>
    %add3A_1676 = arith.addi %add3A_1645, %add3A_1675 : vector<16xi32>
    %swap3A_1677 = arith.constant 4 : i32
    %swap3A_1678 = arith.index_cast %swap3A_1677 : i32 to index
    %swap3A_1679 = arith.constant 0 : index
    %swap3A_1680 = tpu.vector_load %arg11[%swap3A_1678, %swap3A_1679] {strides = array<i32>} : memref<10x256xi32, #tpu.memory_space<vmem>>, vector<16xi32>,
    tpu.vector_store %arg11[%swap3A_1678, %swap3A_1679], %add3A_1676 {strides = array<i32>} : memref<10x256xi32, #tpu.memory_space<vmem>>, vector<16xi32>,
    %get3A_1681 = arith.constant 16 : index
    %get3A_1682 = tpu.vector_load %arg9[%get3A_1681] {strides = array<i32>} : memref<512xi32, #tpu.memory_space<vmem>>, vector<16xi32>,
    %shift_right_arithmetic3A_1683 = arith.constant 17 : i32
    %shift_right_arithmetic3A_1684 = vector.broadcast %shift_right_arithmetic3A_1683 : i32 to vector<16xi32>
    %shift_right_arithmetic3A_1685 = arith.shrsi %get3A_1682, %shift_right_arithmetic3A_1684 : vector<16xi32>
    %shift_left3A_1686 = arith.constant 19 : i32
    %shift_left3A_1687 = vector.broadcast %shift_left3A_1686 : i32 to vector<16xi32>
    %shift_left3A_1688 = arith.shli %shift_right_arithmetic3A_1685, %shift_left3A_1687 : vector<16xi32>
    %shift_left3A_1689 = arith.constant 17 : i32
    %shift_left3A_1690 = vector.broadcast %shift_left3A_1689 : i32 to vector<16xi32>
    %shift_left3A_1691 = arith.shli %shift_right_arithmetic3A_1685, %shift_left3A_1690 : vector<16xi32>
    %add3A_1692 = arith.addi %shift_left3A_1688, %shift_left3A_1691 : vector<16xi32>
    %and3A_1693 = arith.constant 131071 : i32
    %and3A_1694 = vector.broadcast %and3A_1693 : i32 to vector<16xi32>
    %and3A_1695 = arith.andi %get3A_1682, %and3A_1694 : vector<16xi32>
    %add3A_1696 = arith.addi %add3A_1692, %and3A_1695 : vector<16xi32>
    %add3A_1697 = arith.constant 0 : i32
    %add3A_1698 = vector.broadcast %add3A_1697 : i32 to vector<16xi32>
    %add3A_1699 = arith.addi %add3A_1696, %add3A_1698 : vector<16xi32>
    %swap3A_1700 = arith.constant 0 : i32
    %swap3A_1701 = arith.index_cast %swap3A_1700 : i32 to index
    %swap3A_1702 = arith.constant 16 : index
    %swap3A_1703 = tpu.vector_load %arg11[%swap3A_1701, %swap3A_1702] {strides = array<i32>} : memref<10x256xi32, #tpu.memory_space<vmem>>, vector<16xi32>,
    tpu.vector_store %arg11[%swap3A_1701, %swap3A_1702], %add3A_1699 {strides = array<i32>} : memref<10x256xi32, #tpu.memory_space<vmem>>, vector<16xi32>,
    %add3A_1704 = arith.constant 131072 : i32
    %add3A_1705 = vector.broadcast %add3A_1704 : i32 to vector<16xi32>
    %add3A_1706 = arith.addi %add3A_1696, %add3A_1705 : vector<16xi32>
    %swap3A_1707 = arith.constant 1 : i32
    %swap3A_1708 = arith.index_cast %swap3A_1707 : i32 to index
    %swap3A_1709 = arith.constant 16 : index
    %swap3A_1710 = tpu.vector_load %arg11[%swap3A_1708, %swap3A_1709] {strides = array<i32>} : memref<10x256xi32, #tpu.memory_space<vmem>>, vector<16xi32>,
    tpu.vector_store %arg11[%swap3A_1708, %swap3A_1709], %add3A_1706 {strides = array<i32>} : memref<10x256xi32, #tpu.memory_space<vmem>>, vector<16xi32>,
    %add3A_1711 = arith.constant 262144 : i32
    %add3A_1712 = vector.broadcast %add3A_1711 : i32 to vector<16xi32>
    %add3A_1713 = arith.addi %add3A_1696, %add3A_1712 : vector<16xi32>
    %swap3A_1714 = arith.constant 2 : i32
    %swap3A_1715 = arith.index_cast %swap3A_1714 : i32 to index
    %swap3A_1716 = arith.constant 16 : index
    %swap3A_1717 = tpu.vector_load %arg11[%swap3A_1715, %swap3A_1716] {strides = array<i32>} : memref<10x256xi32, #tpu.memory_space<vmem>>, vector<16xi32>,
    tpu.vector_store %arg11[%swap3A_1715, %swap3A_1716], %add3A_1713 {strides = array<i32>} : memref<10x256xi32, #tpu.memory_space<vmem>>, vector<16xi32>,
    %add3A_1718 = arith.constant 393216 : i32
    %add3A_1719 = vector.broadcast %add3A_1718 : i32 to vector<16xi32>
    %add3A_1720 = arith.addi %add3A_1696, %add3A_1719 : vector<16xi32>
    %swap3A_1721 = arith.constant 3 : i32
    %swap3A_1722 = arith.index_cast %swap3A_1721 : i32 to index
    %swap3A_1723 = arith.constant 16 : index
    %swap3A_1724 = tpu.vector_load %arg11[%swap3A_1722, %swap3A_1723] {strides = array<i32>} : memref<10x256xi32, #tpu.memory_space<vmem>>, vector<16xi32>,
    tpu.vector_store %arg11[%swap3A_1722, %swap3A_1723], %add3A_1720 {strides = array<i32>} : memref<10x256xi32, #tpu.memory_space<vmem>>, vector<16xi32>,
    %add3A_1725 = arith.constant 524288 : i32
    %add3A_1726 = vector.broadcast %add3A_1725 : i32 to vector<16xi32>
    %add3A_1727 = arith.addi %add3A_1696, %add3A_1726 : vector<16xi32>
    %swap3A_1728 = arith.constant 4 : i32
    %swap3A_1729 = arith.index_cast %swap3A_1728 : i32 to index
    %swap3A_1730 = arith.constant 16 : index
    %swap3A_1731 = tpu.vector_load %arg11[%swap3A_1729, %swap3A_1730] {strides = array<i32>} : memref<10x256xi32, #tpu.memory_space<vmem>>, vector<16xi32>,
    tpu.vector_store %arg11[%swap3A_1729, %swap3A_1730], %add3A_1727 {strides = array<i32>} : memref<10x256xi32, #tpu.memory_space<vmem>>, vector<16xi32>,
    %get3A_1732 = arith.constant 32 : index
    %get3A_1733 = tpu.vector_load %arg9[%get3A_1732] {strides = array<i32>} : memref<512xi32, #tpu.memory_space<vmem>>, vector<16xi32>,
    %shift_right_arithmetic3A_1734 = arith.constant 17 : i32
    %shift_right_arithmetic3A_1735 = vector.broadcast %shift_right_arithmetic3A_1734 : i32 to vector<16xi32>
    %shift_right_arithmetic3A_1736 = arith.shrsi %get3A_1733, %shift_right_arithmetic3A_1735 : vector<16xi32>
    %shift_left3A_1737 = arith.constant 19 : i32
    %shift_left3A_1738 = vector.broadcast %shift_left3A_1737 : i32 to vector<16xi32>
    %shift_left3A_1739 = arith.shli %shift_right_arithmetic3A_1736, %shift_left3A_1738 : vector<16xi32>
    %shift_left3A_1740 = arith.constant 17 : i32
    %shift_left3A_1741 = vector.broadcast %shift_left3A_1740 : i32 to vector<16xi32>
    %shift_left3A_1742 = arith.shli %shift_right_arithmetic3A_1736, %shift_left3A_1741 : vector<16xi32>
    %add3A_1743 = arith.addi %shift_left3A_1739, %shift_left3A_1742 : vector<16xi32>
    %and3A_1744 = arith.constant 131071 : i32
    %and3A_1745 = vector.broadcast %and3A_1744 : i32 to vector<16xi32>
    %and3A_1746 = arith.andi %get3A_1733, %and3A_1745 : vector<16xi32>
    %add3A_1747 = arith.addi %add3A_1743, %and3A_1746 : vector<16xi32>
    %add3A_1748 = arith.constant 0 : i32
    %add3A_1749 = vector.broadcast %add3A_1748 : i32 to vector<16xi32>
    %add3A_1750 = arith.addi %add3A_1747, %add3A_1749 : vector<16xi32>
    %swap3A_1751 = arith.constant 0 : i32
    %swap3A_1752 = arith.index_cast %swap3A_1751 : i32 to index
    %swap3A_1753 = arith.constant 32 : index
    %swap3A_1754 = tpu.vector_load %arg11[%swap3A_1752, %swap3A_1753] {strides = array<i32>} : memref<10x256xi32, #tpu.memory_space<vmem>>, vector<16xi32>,
    tpu.vector_store %arg11[%swap3A_1752, %swap3A_1753], %add3A_1750 {strides = array<i32>} : memref<10x256xi32, #tpu.memory_space<vmem>>, vector<16xi32>,
    %add3A_1755 = arith.constant 131072 : i32
    %add3A_1756 = vector.broadcast %add3A_1755 : i32 to vector<16xi32>
    %add3A_1757 = arith.addi %add3A_1747, %add3A_1756 : vector<16xi32>
    %swap3A_1758 = arith.constant 1 : i32
    %swap3A_1759 = arith.index_cast %swap3A_1758 : i32 to index
    %swap3A_1760 = arith.constant 32 : index
    %swap3A_1761 = tpu.vector_load %arg11[%swap3A_1759, %swap3A_1760] {strides = array<i32>} : memref<10x256xi32, #tpu.memory_space<vmem>>, vector<16xi32>,
    tpu.vector_store %arg11[%swap3A_1759, %swap3A_1760], %add3A_1757 {strides = array<i32>} : memref<10x256xi32, #tpu.memory_space<vmem>>, vector<16xi32>,
    %add3A_1762 = arith.constant 262144 : i32
    %add3A_1763 = vector.broadcast %add3A_1762 : i32 to vector<16xi32>
    %add3A_1764 = arith.addi %add3A_1747, %add3A_1763 : vector<16xi32>
    %swap3A_1765 = arith.constant 2 : i32
    %swap3A_1766 = arith.index_cast %swap3A_1765 : i32 to index
    %swap3A_1767 = arith.constant 32 : index
    %swap3A_1768 = tpu.vector_load %arg11[%swap3A_1766, %swap3A_1767] {strides = array<i32>} : memref<10x256xi32, #tpu.memory_space<vmem>>, vector<16xi32>,
    tpu.vector_store %arg11[%swap3A_1766, %swap3A_1767], %add3A_1764 {strides = array<i32>} : memref<10x256xi32, #tpu.memory_space<vmem>>, vector<16xi32>,
    %add3A_1769 = arith.constant 393216 : i32
    %add3A_1770 = vector.broadcast %add3A_1769 : i32 to vector<16xi32>
    %add3A_1771 = arith.addi %add3A_1747, %add3A_1770 : vector<16xi32>
    %swap3A_1772 = arith.constant 3 : i32
    %swap3A_1773 = arith.index_cast %swap3A_1772 : i32 to index
    %swap3A_1774 = arith.constant 32 : index
    %swap3A_1775 = tpu.vector_load %arg11[%swap3A_1773, %swap3A_1774] {strides = array<i32>} : memref<10x256xi32, #tpu.memory_space<vmem>>, vector<16xi32>,
    tpu.vector_store %arg11[%swap3A_1773, %swap3A_1774], %add3A_1771 {strides = array<i32>} : memref<10x256xi32, #tpu.memory_space<vmem>>, vector<16xi32>,
    %add3A_1776 = arith.constant 524288 : i32
    %add3A_1777 = vector.broadcast %add3A_1776 : i32 to vector<16xi32>
    %add3A_1778 = arith.addi %add3A_1747, %add3A_1777 : vector<16xi32>
    %swap3A_1779 = arith.constant 4 : i32
    %swap3A_1780 = arith.index_cast %swap3A_1779 : i32 to index
    %swap3A_1781 = arith.constant 32 : index
    %swap3A_1782 = tpu.vector_load %arg11[%swap3A_1780, %swap3A_1781] {strides = array<i32>} : memref<10x256xi32, #tpu.memory_space<vmem>>, vector<16xi32>,
    tpu.vector_store %arg11[%swap3A_1780, %swap3A_1781], %add3A_1778 {strides = array<i32>} : memref<10x256xi32, #tpu.memory_space<vmem>>, vector<16xi32>,
    %get3A_1783 = arith.constant 48 : index
    %get3A_1784 = tpu.vector_load %arg9[%get3A_1783] {strides = array<i32>} : memref<512xi32, #tpu.memory_space<vmem>>, vector<16xi32>,
    %shift_right_arithmetic3A_1785 = arith.constant 17 : i32
    %shift_right_arithmetic3A_1786 = vector.broadcast %shift_right_arithmetic3A_1785 : i32 to vector<16xi32>
    %shift_right_arithmetic3A_1787 = arith.shrsi %get3A_1784, %shift_right_arithmetic3A_1786 : vector<16xi32>
    %shift_left3A_1788 = arith.constant 19 : i32
    %shift_left3A_1789 = vector.broadcast %shift_left3A_1788 : i32 to vector<16xi32>
    %shift_left3A_1790 = arith.shli %shift_right_arithmetic3A_1787, %shift_left3A_1789 : vector<16xi32>
    %shift_left3A_1791 = arith.constant 17 : i32
    %shift_left3A_1792 = vector.broadcast %shift_left3A_1791 : i32 to vector<16xi32>
    %shift_left3A_1793 = arith.shli %shift_right_arithmetic3A_1787, %shift_left3A_1792 : vector<16xi32>
    %add3A_1794 = arith.addi %shift_left3A_1790, %shift_left3A_1793 : vector<16xi32>
    %and3A_1795 = arith.constant 131071 : i32
    %and3A_1796 = vector.broadcast %and3A_1795 : i32 to vector<16xi32>
    %and3A_1797 = arith.andi %get3A_1784, %and3A_1796 : vector<16xi32>
    %add3A_1798 = arith.addi %add3A_1794, %and3A_1797 : vector<16xi32>
    %add3A_1799 = arith.constant 0 : i32
    %add3A_1800 = vector.broadcast %add3A_1799 : i32 to vector<16xi32>
    %add3A_1801 = arith.addi %add3A_1798, %add3A_1800 : vector<16xi32>
    %swap3A_1802 = arith.constant 0 : i32
    %swap3A_1803 = arith.index_cast %swap3A_1802 : i32 to index
    %swap3A_1804 = arith.constant 48 : index
    %swap3A_1805 = tpu.vector_load %arg11[%swap3A_1803, %swap3A_1804] {strides = array<i32>} : memref<10x256xi32, #tpu.memory_space<vmem>>, vector<16xi32>,
    tpu.vector_store %arg11[%swap3A_1803, %swap3A_1804], %add3A_1801 {strides = array<i32>} : memref<10x256xi32, #tpu.memory_space<vmem>>, vector<16xi32>,
    %add3A_1806 = arith.constant 131072 : i32
    %add3A_1807 = vector.broadcast %add3A_1806 : i32 to vector<16xi32>
    %add3A_1808 = arith.addi %add3A_1798, %add3A_1807 : vector<16xi32>
    %swap3A_1809 = arith.constant 1 : i32
    %swap3A_1810 = arith.index_cast %swap3A_1809 : i32 to index
    %swap3A_1811 = arith.constant 48 : index
    %swap3A_1812 = tpu.vector_load %arg11[%swap3A_1810, %swap3A_1811] {strides = array<i32>} : memref<10x256xi32, #tpu.memory_space<vmem>>, vector<16xi32>,
    tpu.vector_store %arg11[%swap3A_1810, %swap3A_1811], %add3A_1808 {strides = array<i32>} : memref<10x256xi32, #tpu.memory_space<vmem>>, vector<16xi32>,
    %add3A_1813 = arith.constant 262144 : i32
    %add3A_1814 = vector.broadcast %add3A_1813 : i32 to vector<16xi32>
    %add3A_1815 = arith.addi %add3A_1798, %add3A_1814 : vector<16xi32>
    %swap3A_1816 = arith.constant 2 : i32
    %swap3A_1817 = arith.index_cast %swap3A_1816 : i32 to index
    %swap3A_1818 = arith.constant 48 : index
    %swap3A_1819 = tpu.vector_load %arg11[%swap3A_1817, %swap3A_1818] {strides = array<i32>} : memref<10x256xi32, #tpu.memory_space<vmem>>, vector<16xi32>,
    tpu.vector_store %arg11[%swap3A_1817, %swap3A_1818], %add3A_1815 {strides = array<i32>} : memref<10x256xi32, #tpu.memory_space<vmem>>, vector<16xi32>,
    %add3A_1820 = arith.constant 393216 : i32
    %add3A_1821 = vector.broadcast %add3A_1820 : i32 to vector<16xi32>
    %add3A_1822 = arith.addi %add3A_1798, %add3A_1821 : vector<16xi32>
    %swap3A_1823 = arith.constant 3 : i32
    %swap3A_1824 = arith.index_cast %swap3A_1823 : i32 to index
    %swap3A_1825 = arith.constant 48 : index
    %swap3A_1826 = tpu.vector_load %arg11[%swap3A_1824, %swap3A_1825] {strides = array<i32>} : memref<10x256xi32, #tpu.memory_space<vmem>>, vector<16xi32>,
    tpu.vector_store %arg11[%swap3A_1824, %swap3A_1825], %add3A_1822 {strides = array<i32>} : memref<10x256xi32, #tpu.memory_space<vmem>>, vector<16xi32>,
    %add3A_1827 = arith.constant 524288 : i32
    %add3A_1828 = vector.broadcast %add3A_1827 : i32 to vector<16xi32>
    %add3A_1829 = arith.addi %add3A_1798, %add3A_1828 : vector<16xi32>
    %swap3A_1830 = arith.constant 4 : i32
    %swap3A_1831 = arith.index_cast %swap3A_1830 : i32 to index
    %swap3A_1832 = arith.constant 48 : index
    %swap3A_1833 = tpu.vector_load %arg11[%swap3A_1831, %swap3A_1832] {strides = array<i32>} : memref<10x256xi32, #tpu.memory_space<vmem>>, vector<16xi32>,
    tpu.vector_store %arg11[%swap3A_1831, %swap3A_1832], %add3A_1829 {strides = array<i32>} : memref<10x256xi32, #tpu.memory_space<vmem>>, vector<16xi32>,
    %get3A_1834 = arith.constant 64 : index
    %get3A_1835 = tpu.vector_load %arg9[%get3A_1834] {strides = array<i32>} : memref<512xi32, #tpu.memory_space<vmem>>, vector<16xi32>,
    %shift_right_arithmetic3A_1836 = arith.constant 17 : i32
    %shift_right_arithmetic3A_1837 = vector.broadcast %shift_right_arithmetic3A_1836 : i32 to vector<16xi32>
    %shift_right_arithmetic3A_1838 = arith.shrsi %get3A_1835, %shift_right_arithmetic3A_1837 : vector<16xi32>
    %shift_left3A_1839 = arith.constant 19 : i32
    %shift_left3A_1840 = vector.broadcast %shift_left3A_1839 : i32 to vector<16xi32>
    %shift_left3A_1841 = arith.shli %shift_right_arithmetic3A_1838, %shift_left3A_1840 : vector<16xi32>
    %shift_left3A_1842 = arith.constant 17 : i32
    %shift_left3A_1843 = vector.broadcast %shift_left3A_1842 : i32 to vector<16xi32>
    %shift_left3A_1844 = arith.shli %shift_right_arithmetic3A_1838, %shift_left3A_1843 : vector<16xi32>
    %add3A_1845 = arith.addi %shift_left3A_1841, %shift_left3A_1844 : vector<16xi32>
    %and3A_1846 = arith.constant 131071 : i32
    %and3A_1847 = vector.broadcast %and3A_1846 : i32 to vector<16xi32>
    %and3A_1848 = arith.andi %get3A_1835, %and3A_1847 : vector<16xi32>
    %add3A_1849 = arith.addi %add3A_1845, %and3A_1848 : vector<16xi32>
    %add3A_1850 = arith.constant 0 : i32
    %add3A_1851 = vector.broadcast %add3A_1850 : i32 to vector<16xi32>
    %add3A_1852 = arith.addi %add3A_1849, %add3A_1851 : vector<16xi32>
    %swap3A_1853 = arith.constant 0 : i32
    %swap3A_1854 = arith.index_cast %swap3A_1853 : i32 to index
    %swap3A_1855 = arith.constant 64 : index
    %swap3A_1856 = tpu.vector_load %arg11[%swap3A_1854, %swap3A_1855] {strides = array<i32>} : memref<10x256xi32, #tpu.memory_space<vmem>>, vector<16xi32>,
    tpu.vector_store %arg11[%swap3A_1854, %swap3A_1855], %add3A_1852 {strides = array<i32>} : memref<10x256xi32, #tpu.memory_space<vmem>>, vector<16xi32>,
    %add3A_1857 = arith.constant 131072 : i32
    %add3A_1858 = vector.broadcast %add3A_1857 : i32 to vector<16xi32>
    %add3A_1859 = arith.addi %add3A_1849, %add3A_1858 : vector<16xi32>
    %swap3A_1860 = arith.constant 1 : i32
    %swap3A_1861 = arith.index_cast %swap3A_1860 : i32 to index
    %swap3A_1862 = arith.constant 64 : index
    %swap3A_1863 = tpu.vector_load %arg11[%swap3A_1861, %swap3A_1862] {strides = array<i32>} : memref<10x256xi32, #tpu.memory_space<vmem>>, vector<16xi32>,
    tpu.vector_store %arg11[%swap3A_1861, %swap3A_1862], %add3A_1859 {strides = array<i32>} : memref<10x256xi32, #tpu.memory_space<vmem>>, vector<16xi32>,
    %add3A_1864 = arith.constant 262144 : i32
    %add3A_1865 = vector.broadcast %add3A_1864 : i32 to vector<16xi32>
    %add3A_1866 = arith.addi %add3A_1849, %add3A_1865 : vector<16xi32>
    %swap3A_1867 = arith.constant 2 : i32
    %swap3A_1868 = arith.index_cast %swap3A_1867 : i32 to index
    %swap3A_1869 = arith.constant 64 : index
    %swap3A_1870 = tpu.vector_load %arg11[%swap3A_1868, %swap3A_1869] {strides = array<i32>} : memref<10x256xi32, #tpu.memory_space<vmem>>, vector<16xi32>,
    tpu.vector_store %arg11[%swap3A_1868, %swap3A_1869], %add3A_1866 {strides = array<i32>} : memref<10x256xi32, #tpu.memory_space<vmem>>, vector<16xi32>,
    %add3A_1871 = arith.constant 393216 : i32
    %add3A_1872 = vector.broadcast %add3A_1871 : i32 to vector<16xi32>
    %add3A_1873 = arith.addi %add3A_1849, %add3A_1872 : vector<16xi32>
    %swap3A_1874 = arith.constant 3 : i32
    %swap3A_1875 = arith.index_cast %swap3A_1874 : i32 to index
    %swap3A_1876 = arith.constant 64 : index
    %swap3A_1877 = tpu.vector_load %arg11[%swap3A_1875, %swap3A_1876] {strides = array<i32>} : memref<10x256xi32, #tpu.memory_space<vmem>>, vector<16xi32>,
    tpu.vector_store %arg11[%swap3A_1875, %swap3A_1876], %add3A_1873 {strides = array<i32>} : memref<10x256xi32, #tpu.memory_space<vmem>>, vector<16xi32>,
    %add3A_1878 = arith.constant 524288 : i32
    %add3A_1879 = vector.broadcast %add3A_1878 : i32 to vector<16xi32>
    %add3A_1880 = arith.addi %add3A_1849, %add3A_1879 : vector<16xi32>
    %swap3A_1881 = arith.constant 4 : i32
    %swap3A_1882 = arith.index_cast %swap3A_1881 : i32 to index
    %swap3A_1883 = arith.constant 64 : index
    %swap3A_1884 = tpu.vector_load %arg11[%swap3A_1882, %swap3A_1883] {strides = array<i32>} : memref<10x256xi32, #tpu.memory_space<vmem>>, vector<16xi32>,
    tpu.vector_store %arg11[%swap3A_1882, %swap3A_1883], %add3A_1880 {strides = array<i32>} : memref<10x256xi32, #tpu.memory_space<vmem>>, vector<16xi32>,
    %get3A_1885 = arith.constant 80 : index
    %get3A_1886 = tpu.vector_load %arg9[%get3A_1885] {strides = array<i32>} : memref<512xi32, #tpu.memory_space<vmem>>, vector<16xi32>,
    %shift_right_arithmetic3A_1887 = arith.constant 17 : i32
    %shift_right_arithmetic3A_1888 = vector.broadcast %shift_right_arithmetic3A_1887 : i32 to vector<16xi32>
    %shift_right_arithmetic3A_1889 = arith.shrsi %get3A_1886, %shift_right_arithmetic3A_1888 : vector<16xi32>
    %shift_left3A_1890 = arith.constant 19 : i32
    %shift_left3A_1891 = vector.broadcast %shift_left3A_1890 : i32 to vector<16xi32>
    %shift_left3A_1892 = arith.shli %shift_right_arithmetic3A_1889, %shift_left3A_1891 : vector<16xi32>
    %shift_left3A_1893 = arith.constant 17 : i32
    %shift_left3A_1894 = vector.broadcast %shift_left3A_1893 : i32 to vector<16xi32>
    %shift_left3A_1895 = arith.shli %shift_right_arithmetic3A_1889, %shift_left3A_1894 : vector<16xi32>
    %add3A_1896 = arith.addi %shift_left3A_1892, %shift_left3A_1895 : vector<16xi32>
    %and3A_1897 = arith.constant 131071 : i32
    %and3A_1898 = vector.broadcast %and3A_1897 : i32 to vector<16xi32>
    %and3A_1899 = arith.andi %get3A_1886, %and3A_1898 : vector<16xi32>
    %add3A_1900 = arith.addi %add3A_1896, %and3A_1899 : vector<16xi32>
    %add3A_1901 = arith.constant 0 : i32
    %add3A_1902 = vector.broadcast %add3A_1901 : i32 to vector<16xi32>
    %add3A_1903 = arith.addi %add3A_1900, %add3A_1902 : vector<16xi32>
    %swap3A_1904 = arith.constant 0 : i32
    %swap3A_1905 = arith.index_cast %swap3A_1904 : i32 to index
    %swap3A_1906 = arith.constant 80 : index
    %swap3A_1907 = tpu.vector_load %arg11[%swap3A_1905, %swap3A_1906] {strides = array<i32>} : memref<10x256xi32, #tpu.memory_space<vmem>>, vector<16xi32>,
    tpu.vector_store %arg11[%swap3A_1905, %swap3A_1906], %add3A_1903 {strides = array<i32>} : memref<10x256xi32, #tpu.memory_space<vmem>>, vector<16xi32>,
    %add3A_1908 = arith.constant 131072 : i32
    %add3A_1909 = vector.broadcast %add3A_1908 : i32 to vector<16xi32>
    %add3A_1910 = arith.addi %add3A_1900, %add3A_1909 : vector<16xi32>
    %swap3A_1911 = arith.constant 1 : i32
    %swap3A_1912 = arith.index_cast %swap3A_1911 : i32 to index
    %swap3A_1913 = arith.constant 80 : index
    %swap3A_1914 = tpu.vector_load %arg11[%swap3A_1912, %swap3A_1913] {strides = array<i32>} : memref<10x256xi32, #tpu.memory_space<vmem>>, vector<16xi32>,
    tpu.vector_store %arg11[%swap3A_1912, %swap3A_1913], %add3A_1910 {strides = array<i32>} : memref<10x256xi32, #tpu.memory_space<vmem>>, vector<16xi32>,
    %add3A_1915 = arith.constant 262144 : i32
    %add3A_1916 = vector.broadcast %add3A_1915 : i32 to vector<16xi32>
    %add3A_1917 = arith.addi %add3A_1900, %add3A_1916 : vector<16xi32>
    %swap3A_1918 = arith.constant 2 : i32
    %swap3A_1919 = arith.index_cast %swap3A_1918 : i32 to index
    %swap3A_1920 = arith.constant 80 : index
    %swap3A_1921 = tpu.vector_load %arg11[%swap3A_1919, %swap3A_1920] {strides = array<i32>} : memref<10x256xi32, #tpu.memory_space<vmem>>, vector<16xi32>,
    tpu.vector_store %arg11[%swap3A_1919, %swap3A_1920], %add3A_1917 {strides = array<i32>} : memref<10x256xi32, #tpu.memory_space<vmem>>, vector<16xi32>,
    %add3A_1922 = arith.constant 393216 : i32
    %add3A_1923 = vector.broadcast %add3A_1922 : i32 to vector<16xi32>
    %add3A_1924 = arith.addi %add3A_1900, %add3A_1923 : vector<16xi32>
    %swap3A_1925 = arith.constant 3 : i32
    %swap3A_1926 = arith.index_cast %swap3A_1925 : i32 to index
    %swap3A_1927 = arith.constant 80 : index
    %swap3A_1928 = tpu.vector_load %arg11[%swap3A_1926, %swap3A_1927] {strides = array<i32>} : memref<10x256xi32, #tpu.memory_space<vmem>>, vector<16xi32>,
    tpu.vector_store %arg11[%swap3A_1926, %swap3A_1927], %add3A_1924 {strides = array<i32>} : memref<10x256xi32, #tpu.memory_space<vmem>>, vector<16xi32>,
    %add3A_1929 = arith.constant 524288 : i32
    %add3A_1930 = vector.broadcast %add3A_1929 : i32 to vector<16xi32>
    %add3A_1931 = arith.addi %add3A_1900, %add3A_1930 : vector<16xi32>
    %swap3A_1932 = arith.constant 4 : i32
    %swap3A_1933 = arith.index_cast %swap3A_1932 : i32 to index
    %swap3A_1934 = arith.constant 80 : index
    %swap3A_1935 = tpu.vector_load %arg11[%swap3A_1933, %swap3A_1934] {strides = array<i32>} : memref<10x256xi32, #tpu.memory_space<vmem>>, vector<16xi32>,
    tpu.vector_store %arg11[%swap3A_1933, %swap3A_1934], %add3A_1931 {strides = array<i32>} : memref<10x256xi32, #tpu.memory_space<vmem>>, vector<16xi32>,
    %get3A_1936 = arith.constant 96 : index
    %get3A_1937 = tpu.vector_load %arg9[%get3A_1936] {strides = array<i32>} : memref<512xi32, #tpu.memory_space<vmem>>, vector<16xi32>,
    %shift_right_arithmetic3A_1938 = arith.constant 17 : i32
    %shift_right_arithmetic3A_1939 = vector.broadcast %shift_right_arithmetic3A_1938 : i32 to vector<16xi32>
    %shift_right_arithmetic3A_1940 = arith.shrsi %get3A_1937, %shift_right_arithmetic3A_1939 : vector<16xi32>
    %shift_left3A_1941 = arith.constant 19 : i32
    %shift_left3A_1942 = vector.broadcast %shift_left3A_1941 : i32 to vector<16xi32>
    %shift_left3A_1943 = arith.shli %shift_right_arithmetic3A_1940, %shift_left3A_1942 : vector<16xi32>
    %shift_left3A_1944 = arith.constant 17 : i32
    %shift_left3A_1945 = vector.broadcast %shift_left3A_1944 : i32 to vector<16xi32>
    %shift_left3A_1946 = arith.shli %shift_right_arithmetic3A_1940, %shift_left3A_1945 : vector<16xi32>
    %add3A_1947 = arith.addi %shift_left3A_1943, %shift_left3A_1946 : vector<16xi32>
    %and3A_1948 = arith.constant 131071 : i32
    %and3A_1949 = vector.broadcast %and3A_1948 : i32 to vector<16xi32>
    %and3A_1950 = arith.andi %get3A_1937, %and3A_1949 : vector<16xi32>
    %add3A_1951 = arith.addi %add3A_1947, %and3A_1950 : vector<16xi32>
    %add3A_1952 = arith.constant 0 : i32
    %add3A_1953 = vector.broadcast %add3A_1952 : i32 to vector<16xi32>
    %add3A_1954 = arith.addi %add3A_1951, %add3A_1953 : vector<16xi32>
    %swap3A_1955 = arith.constant 0 : i32
    %swap3A_1956 = arith.index_cast %swap3A_1955 : i32 to index
    %swap3A_1957 = arith.constant 96 : index
    %swap3A_1958 = tpu.vector_load %arg11[%swap3A_1956, %swap3A_1957] {strides = array<i32>} : memref<10x256xi32, #tpu.memory_space<vmem>>, vector<16xi32>,
    tpu.vector_store %arg11[%swap3A_1956, %swap3A_1957], %add3A_1954 {strides = array<i32>} : memref<10x256xi32, #tpu.memory_space<vmem>>, vector<16xi32>,
    %add3A_1959 = arith.constant 131072 : i32
    %add3A_1960 = vector.broadcast %add3A_1959 : i32 to vector<16xi32>
    %add3A_1961 = arith.addi %add3A_1951, %add3A_1960 : vector<16xi32>
    %swap3A_1962 = arith.constant 1 : i32
    %swap3A_1963 = arith.index_cast %swap3A_1962 : i32 to index
    %swap3A_1964 = arith.constant 96 : index
    %swap3A_1965 = tpu.vector_load %arg11[%swap3A_1963, %swap3A_1964] {strides = array<i32>} : memref<10x256xi32, #tpu.memory_space<vmem>>, vector<16xi32>,
    tpu.vector_store %arg11[%swap3A_1963, %swap3A_1964], %add3A_1961 {strides = array<i32>} : memref<10x256xi32, #tpu.memory_space<vmem>>, vector<16xi32>,
    %add3A_1966 = arith.constant 262144 : i32
    %add3A_1967 = vector.broadcast %add3A_1966 : i32 to vector<16xi32>
    %add3A_1968 = arith.addi %add3A_1951, %add3A_1967 : vector<16xi32>
    %swap3A_1969 = arith.constant 2 : i32
    %swap3A_1970 = arith.index_cast %swap3A_1969 : i32 to index
    %swap3A_1971 = arith.constant 96 : index
    %swap3A_1972 = tpu.vector_load %arg11[%swap3A_1970, %swap3A_1971] {strides = array<i32>} : memref<10x256xi32, #tpu.memory_space<vmem>>, vector<16xi32>,
    tpu.vector_store %arg11[%swap3A_1970, %swap3A_1971], %add3A_1968 {strides = array<i32>} : memref<10x256xi32, #tpu.memory_space<vmem>>, vector<16xi32>,
    %add3A_1973 = arith.constant 393216 : i32
    %add3A_1974 = vector.broadcast %add3A_1973 : i32 to vector<16xi32>
    %add3A_1975 = arith.addi %add3A_1951, %add3A_1974 : vector<16xi32>
    %swap3A_1976 = arith.constant 3 : i32
    %swap3A_1977 = arith.index_cast %swap3A_1976 : i32 to index
    %swap3A_1978 = arith.constant 96 : index
    %swap3A_1979 = tpu.vector_load %arg11[%swap3A_1977, %swap3A_1978] {strides = array<i32>} : memref<10x256xi32, #tpu.memory_space<vmem>>, vector<16xi32>,
    tpu.vector_store %arg11[%swap3A_1977, %swap3A_1978], %add3A_1975 {strides = array<i32>} : memref<10x256xi32, #tpu.memory_space<vmem>>, vector<16xi32>,
    %add3A_1980 = arith.constant 524288 : i32
    %add3A_1981 = vector.broadcast %add3A_1980 : i32 to vector<16xi32>
    %add3A_1982 = arith.addi %add3A_1951, %add3A_1981 : vector<16xi32>
    %swap3A_1983 = arith.constant 4 : i32
    %swap3A_1984 = arith.index_cast %swap3A_1983 : i32 to index
    %swap3A_1985 = arith.constant 96 : index
    %swap3A_1986 = tpu.vector_load %arg11[%swap3A_1984, %swap3A_1985] {strides = array<i32>} : memref<10x256xi32, #tpu.memory_space<vmem>>, vector<16xi32>,
    tpu.vector_store %arg11[%swap3A_1984, %swap3A_1985], %add3A_1982 {strides = array<i32>} : memref<10x256xi32, #tpu.memory_space<vmem>>, vector<16xi32>,
    %get3A_1987 = arith.constant 112 : index
    %get3A_1988 = tpu.vector_load %arg9[%get3A_1987] {strides = array<i32>} : memref<512xi32, #tpu.memory_space<vmem>>, vector<16xi32>,
    %shift_right_arithmetic3A_1989 = arith.constant 17 : i32
    %shift_right_arithmetic3A_1990 = vector.broadcast %shift_right_arithmetic3A_1989 : i32 to vector<16xi32>
    %shift_right_arithmetic3A_1991 = arith.shrsi %get3A_1988, %shift_right_arithmetic3A_1990 : vector<16xi32>
    %shift_left3A_1992 = arith.constant 19 : i32
    %shift_left3A_1993 = vector.broadcast %shift_left3A_1992 : i32 to vector<16xi32>
    %shift_left3A_1994 = arith.shli %shift_right_arithmetic3A_1991, %shift_left3A_1993 : vector<16xi32>
    %shift_left3A_1995 = arith.constant 17 : i32
    %shift_left3A_1996 = vector.broadcast %shift_left3A_1995 : i32 to vector<16xi32>
    %shift_left3A_1997 = arith.shli %shift_right_arithmetic3A_1991, %shift_left3A_1996 : vector<16xi32>
    %add3A_1998 = arith.addi %shift_left3A_1994, %shift_left3A_1997 : vector<16xi32>
    %and3A_1999 = arith.constant 131071 : i32
    %and3A_2000 = vector.broadcast %and3A_1999 : i32 to vector<16xi32>
    %and3A_2001 = arith.andi %get3A_1988, %and3A_2000 : vector<16xi32>
    %add3A_2002 = arith.addi %add3A_1998, %and3A_2001 : vector<16xi32>
    %add3A_2003 = arith.constant 0 : i32
    %add3A_2004 = vector.broadcast %add3A_2003 : i32 to vector<16xi32>
    %add3A_2005 = arith.addi %add3A_2002, %add3A_2004 : vector<16xi32>
    %swap3A_2006 = arith.constant 0 : i32
    %swap3A_2007 = arith.index_cast %swap3A_2006 : i32 to index
    %swap3A_2008 = arith.constant 112 : index
    %swap3A_2009 = tpu.vector_load %arg11[%swap3A_2007, %swap3A_2008] {strides = array<i32>} : memref<10x256xi32, #tpu.memory_space<vmem>>, vector<16xi32>,
    tpu.vector_store %arg11[%swap3A_2007, %swap3A_2008], %add3A_2005 {strides = array<i32>} : memref<10x256xi32, #tpu.memory_space<vmem>>, vector<16xi32>,
    %add3A_2010 = arith.constant 131072 : i32
    %add3A_2011 = vector.broadcast %add3A_2010 : i32 to vector<16xi32>
    %add3A_2012 = arith.addi %add3A_2002, %add3A_2011 : vector<16xi32>
    %swap3A_2013 = arith.constant 1 : i32
    %swap3A_2014 = arith.index_cast %swap3A_2013 : i32 to index
    %swap3A_2015 = arith.constant 112 : index
    %swap3A_2016 = tpu.vector_load %arg11[%swap3A_2014, %swap3A_2015] {strides = array<i32>} : memref<10x256xi32, #tpu.memory_space<vmem>>, vector<16xi32>,
    tpu.vector_store %arg11[%swap3A_2014, %swap3A_2015], %add3A_2012 {strides = array<i32>} : memref<10x256xi32, #tpu.memory_space<vmem>>, vector<16xi32>,
    %add3A_2017 = arith.constant 262144 : i32
    %add3A_2018 = vector.broadcast %add3A_2017 : i32 to vector<16xi32>
    %add3A_2019 = arith.addi %add3A_2002, %add3A_2018 : vector<16xi32>
    %swap3A_2020 = arith.constant 2 : i32
    %swap3A_2021 = arith.index_cast %swap3A_2020 : i32 to index
    %swap3A_2022 = arith.constant 112 : index
    %swap3A_2023 = tpu.vector_load %arg11[%swap3A_2021, %swap3A_2022] {strides = array<i32>} : memref<10x256xi32, #tpu.memory_space<vmem>>, vector<16xi32>,
    tpu.vector_store %arg11[%swap3A_2021, %swap3A_2022], %add3A_2019 {strides = array<i32>} : memref<10x256xi32, #tpu.memory_space<vmem>>, vector<16xi32>,
    %add3A_2024 = arith.constant 393216 : i32
    %add3A_2025 = vector.broadcast %add3A_2024 : i32 to vector<16xi32>
    %add3A_2026 = arith.addi %add3A_2002, %add3A_2025 : vector<16xi32>
    %swap3A_2027 = arith.constant 3 : i32
    %swap3A_2028 = arith.index_cast %swap3A_2027 : i32 to index
    %swap3A_2029 = arith.constant 112 : index
    %swap3A_2030 = tpu.vector_load %arg11[%swap3A_2028, %swap3A_2029] {strides = array<i32>} : memref<10x256xi32, #tpu.memory_space<vmem>>, vector<16xi32>,
    tpu.vector_store %arg11[%swap3A_2028, %swap3A_2029], %add3A_2026 {strides = array<i32>} : memref<10x256xi32, #tpu.memory_space<vmem>>, vector<16xi32>,
    %add3A_2031 = arith.constant 524288 : i32
    %add3A_2032 = vector.broadcast %add3A_2031 : i32 to vector<16xi32>
    %add3A_2033 = arith.addi %add3A_2002, %add3A_2032 : vector<16xi32>
    %swap3A_2034 = arith.constant 4 : i32
    %swap3A_2035 = arith.index_cast %swap3A_2034 : i32 to index
    %swap3A_2036 = arith.constant 112 : index
    %swap3A_2037 = tpu.vector_load %arg11[%swap3A_2035, %swap3A_2036] {strides = array<i32>} : memref<10x256xi32, #tpu.memory_space<vmem>>, vector<16xi32>,
    tpu.vector_store %arg11[%swap3A_2035, %swap3A_2036], %add3A_2033 {strides = array<i32>} : memref<10x256xi32, #tpu.memory_space<vmem>>, vector<16xi32>,
    %get3A_2038 = arith.constant 128 : index
    %get3A_2039 = tpu.vector_load %arg9[%get3A_2038] {strides = array<i32>} : memref<512xi32, #tpu.memory_space<vmem>>, vector<16xi32>,
    %shift_right_arithmetic3A_2040 = arith.constant 17 : i32
    %shift_right_arithmetic3A_2041 = vector.broadcast %shift_right_arithmetic3A_2040 : i32 to vector<16xi32>
    %shift_right_arithmetic3A_2042 = arith.shrsi %get3A_2039, %shift_right_arithmetic3A_2041 : vector<16xi32>
    %shift_left3A_2043 = arith.constant 19 : i32
    %shift_left3A_2044 = vector.broadcast %shift_left3A_2043 : i32 to vector<16xi32>
    %shift_left3A_2045 = arith.shli %shift_right_arithmetic3A_2042, %shift_left3A_2044 : vector<16xi32>
    %shift_left3A_2046 = arith.constant 17 : i32
    %shift_left3A_2047 = vector.broadcast %shift_left3A_2046 : i32 to vector<16xi32>
    %shift_left3A_2048 = arith.shli %shift_right_arithmetic3A_2042, %shift_left3A_2047 : vector<16xi32>
    %add3A_2049 = arith.addi %shift_left3A_2045, %shift_left3A_2048 : vector<16xi32>
    %and3A_2050 = arith.constant 131071 : i32
    %and3A_2051 = vector.broadcast %and3A_2050 : i32 to vector<16xi32>
    %and3A_2052 = arith.andi %get3A_2039, %and3A_2051 : vector<16xi32>
    %add3A_2053 = arith.addi %add3A_2049, %and3A_2052 : vector<16xi32>
    %add3A_2054 = arith.constant 0 : i32
    %add3A_2055 = vector.broadcast %add3A_2054 : i32 to vector<16xi32>
    %add3A_2056 = arith.addi %add3A_2053, %add3A_2055 : vector<16xi32>
    %swap3A_2057 = arith.constant 0 : i32
    %swap3A_2058 = arith.index_cast %swap3A_2057 : i32 to index
    %swap3A_2059 = arith.constant 128 : index
    %swap3A_2060 = tpu.vector_load %arg11[%swap3A_2058, %swap3A_2059] {strides = array<i32>} : memref<10x256xi32, #tpu.memory_space<vmem>>, vector<16xi32>,
    tpu.vector_store %arg11[%swap3A_2058, %swap3A_2059], %add3A_2056 {strides = array<i32>} : memref<10x256xi32, #tpu.memory_space<vmem>>, vector<16xi32>,
    %add3A_2061 = arith.constant 131072 : i32
    %add3A_2062 = vector.broadcast %add3A_2061 : i32 to vector<16xi32>
    %add3A_2063 = arith.addi %add3A_2053, %add3A_2062 : vector<16xi32>
    %swap3A_2064 = arith.constant 1 : i32
    %swap3A_2065 = arith.index_cast %swap3A_2064 : i32 to index
    %swap3A_2066 = arith.constant 128 : index
    %swap3A_2067 = tpu.vector_load %arg11[%swap3A_2065, %swap3A_2066] {strides = array<i32>} : memref<10x256xi32, #tpu.memory_space<vmem>>, vector<16xi32>,
    tpu.vector_store %arg11[%swap3A_2065, %swap3A_2066], %add3A_2063 {strides = array<i32>} : memref<10x256xi32, #tpu.memory_space<vmem>>, vector<16xi32>,
    %add3A_2068 = arith.constant 262144 : i32
    %add3A_2069 = vector.broadcast %add3A_2068 : i32 to vector<16xi32>
    %add3A_2070 = arith.addi %add3A_2053, %add3A_2069 : vector<16xi32>
    %swap3A_2071 = arith.constant 2 : i32
    %swap3A_2072 = arith.index_cast %swap3A_2071 : i32 to index
    %swap3A_2073 = arith.constant 128 : index
    %swap3A_2074 = tpu.vector_load %arg11[%swap3A_2072, %swap3A_2073] {strides = array<i32>} : memref<10x256xi32, #tpu.memory_space<vmem>>, vector<16xi32>,
    tpu.vector_store %arg11[%swap3A_2072, %swap3A_2073], %add3A_2070 {strides = array<i32>} : memref<10x256xi32, #tpu.memory_space<vmem>>, vector<16xi32>,
    %add3A_2075 = arith.constant 393216 : i32
    %add3A_2076 = vector.broadcast %add3A_2075 : i32 to vector<16xi32>
    %add3A_2077 = arith.addi %add3A_2053, %add3A_2076 : vector<16xi32>
    %swap3A_2078 = arith.constant 3 : i32
    %swap3A_2079 = arith.index_cast %swap3A_2078 : i32 to index
    %swap3A_2080 = arith.constant 128 : index
    %swap3A_2081 = tpu.vector_load %arg11[%swap3A_2079, %swap3A_2080] {strides = array<i32>} : memref<10x256xi32, #tpu.memory_space<vmem>>, vector<16xi32>,
    tpu.vector_store %arg11[%swap3A_2079, %swap3A_2080], %add3A_2077 {strides = array<i32>} : memref<10x256xi32, #tpu.memory_space<vmem>>, vector<16xi32>,
    %add3A_2082 = arith.constant 524288 : i32
    %add3A_2083 = vector.broadcast %add3A_2082 : i32 to vector<16xi32>
    %add3A_2084 = arith.addi %add3A_2053, %add3A_2083 : vector<16xi32>
    %swap3A_2085 = arith.constant 4 : i32
    %swap3A_2086 = arith.index_cast %swap3A_2085 : i32 to index
    %swap3A_2087 = arith.constant 128 : index
    %swap3A_2088 = tpu.vector_load %arg11[%swap3A_2086, %swap3A_2087] {strides = array<i32>} : memref<10x256xi32, #tpu.memory_space<vmem>>, vector<16xi32>,
    tpu.vector_store %arg11[%swap3A_2086, %swap3A_2087], %add3A_2084 {strides = array<i32>} : memref<10x256xi32, #tpu.memory_space<vmem>>, vector<16xi32>,
    %get3A_2089 = arith.constant 144 : index
    %get3A_2090 = tpu.vector_load %arg9[%get3A_2089] {strides = array<i32>} : memref<512xi32, #tpu.memory_space<vmem>>, vector<16xi32>,
    %shift_right_arithmetic3A_2091 = arith.constant 17 : i32
    %shift_right_arithmetic3A_2092 = vector.broadcast %shift_right_arithmetic3A_2091 : i32 to vector<16xi32>
    %shift_right_arithmetic3A_2093 = arith.shrsi %get3A_2090, %shift_right_arithmetic3A_2092 : vector<16xi32>
    %shift_left3A_2094 = arith.constant 19 : i32
    %shift_left3A_2095 = vector.broadcast %shift_left3A_2094 : i32 to vector<16xi32>
    %shift_left3A_2096 = arith.shli %shift_right_arithmetic3A_2093, %shift_left3A_2095 : vector<16xi32>
    %shift_left3A_2097 = arith.constant 17 : i32
    %shift_left3A_2098 = vector.broadcast %shift_left3A_2097 : i32 to vector<16xi32>
    %shift_left3A_2099 = arith.shli %shift_right_arithmetic3A_2093, %shift_left3A_2098 : vector<16xi32>
    %add3A_2100 = arith.addi %shift_left3A_2096, %shift_left3A_2099 : vector<16xi32>
    %and3A_2101 = arith.constant 131071 : i32
    %and3A_2102 = vector.broadcast %and3A_2101 : i32 to vector<16xi32>
    %and3A_2103 = arith.andi %get3A_2090, %and3A_2102 : vector<16xi32>
    %add3A_2104 = arith.addi %add3A_2100, %and3A_2103 : vector<16xi32>
    %add3A_2105 = arith.constant 0 : i32
    %add3A_2106 = vector.broadcast %add3A_2105 : i32 to vector<16xi32>
    %add3A_2107 = arith.addi %add3A_2104, %add3A_2106 : vector<16xi32>
    %swap3A_2108 = arith.constant 0 : i32
    %swap3A_2109 = arith.index_cast %swap3A_2108 : i32 to index
    %swap3A_2110 = arith.constant 144 : index
    %swap3A_2111 = tpu.vector_load %arg11[%swap3A_2109, %swap3A_2110] {strides = array<i32>} : memref<10x256xi32, #tpu.memory_space<vmem>>, vector<16xi32>,
    tpu.vector_store %arg11[%swap3A_2109, %swap3A_2110], %add3A_2107 {strides = array<i32>} : memref<10x256xi32, #tpu.memory_space<vmem>>, vector<16xi32>,
    %add3A_2112 = arith.constant 131072 : i32
    %add3A_2113 = vector.broadcast %add3A_2112 : i32 to vector<16xi32>
    %add3A_2114 = arith.addi %add3A_2104, %add3A_2113 : vector<16xi32>
    %swap3A_2115 = arith.constant 1 : i32
    %swap3A_2116 = arith.index_cast %swap3A_2115 : i32 to index
    %swap3A_2117 = arith.constant 144 : index
    %swap3A_2118 = tpu.vector_load %arg11[%swap3A_2116, %swap3A_2117] {strides = array<i32>} : memref<10x256xi32, #tpu.memory_space<vmem>>, vector<16xi32>,
    tpu.vector_store %arg11[%swap3A_2116, %swap3A_2117], %add3A_2114 {strides = array<i32>} : memref<10x256xi32, #tpu.memory_space<vmem>>, vector<16xi32>,
    %add3A_2119 = arith.constant 262144 : i32
    %add3A_2120 = vector.broadcast %add3A_2119 : i32 to vector<16xi32>
    %add3A_2121 = arith.addi %add3A_2104, %add3A_2120 : vector<16xi32>
    %swap3A_2122 = arith.constant 2 : i32
    %swap3A_2123 = arith.index_cast %swap3A_2122 : i32 to index
    %swap3A_2124 = arith.constant 144 : index
    %swap3A_2125 = tpu.vector_load %arg11[%swap3A_2123, %swap3A_2124] {strides = array<i32>} : memref<10x256xi32, #tpu.memory_space<vmem>>, vector<16xi32>,
    tpu.vector_store %arg11[%swap3A_2123, %swap3A_2124], %add3A_2121 {strides = array<i32>} : memref<10x256xi32, #tpu.memory_space<vmem>>, vector<16xi32>,
    %add3A_2126 = arith.constant 393216 : i32
    %add3A_2127 = vector.broadcast %add3A_2126 : i32 to vector<16xi32>
    %add3A_2128 = arith.addi %add3A_2104, %add3A_2127 : vector<16xi32>
    %swap3A_2129 = arith.constant 3 : i32
    %swap3A_2130 = arith.index_cast %swap3A_2129 : i32 to index
    %swap3A_2131 = arith.constant 144 : index
    %swap3A_2132 = tpu.vector_load %arg11[%swap3A_2130, %swap3A_2131] {strides = array<i32>} : memref<10x256xi32, #tpu.memory_space<vmem>>, vector<16xi32>,
    tpu.vector_store %arg11[%swap3A_2130, %swap3A_2131], %add3A_2128 {strides = array<i32>} : memref<10x256xi32, #tpu.memory_space<vmem>>, vector<16xi32>,
    %add3A_2133 = arith.constant 524288 : i32
    %add3A_2134 = vector.broadcast %add3A_2133 : i32 to vector<16xi32>
    %add3A_2135 = arith.addi %add3A_2104, %add3A_2134 : vector<16xi32>
    %swap3A_2136 = arith.constant 4 : i32
    %swap3A_2137 = arith.index_cast %swap3A_2136 : i32 to index
    %swap3A_2138 = arith.constant 144 : index
    %swap3A_2139 = tpu.vector_load %arg11[%swap3A_2137, %swap3A_2138] {strides = array<i32>} : memref<10x256xi32, #tpu.memory_space<vmem>>, vector<16xi32>,
    tpu.vector_store %arg11[%swap3A_2137, %swap3A_2138], %add3A_2135 {strides = array<i32>} : memref<10x256xi32, #tpu.memory_space<vmem>>, vector<16xi32>,
    %get3A_2140 = arith.constant 160 : index
    %get3A_2141 = tpu.vector_load %arg9[%get3A_2140] {strides = array<i32>} : memref<512xi32, #tpu.memory_space<vmem>>, vector<16xi32>,
    %shift_right_arithmetic3A_2142 = arith.constant 17 : i32
    %shift_right_arithmetic3A_2143 = vector.broadcast %shift_right_arithmetic3A_2142 : i32 to vector<16xi32>
    %shift_right_arithmetic3A_2144 = arith.shrsi %get3A_2141, %shift_right_arithmetic3A_2143 : vector<16xi32>
    %shift_left3A_2145 = arith.constant 19 : i32
    %shift_left3A_2146 = vector.broadcast %shift_left3A_2145 : i32 to vector<16xi32>
    %shift_left3A_2147 = arith.shli %shift_right_arithmetic3A_2144, %shift_left3A_2146 : vector<16xi32>
    %shift_left3A_2148 = arith.constant 17 : i32
    %shift_left3A_2149 = vector.broadcast %shift_left3A_2148 : i32 to vector<16xi32>
    %shift_left3A_2150 = arith.shli %shift_right_arithmetic3A_2144, %shift_left3A_2149 : vector<16xi32>
    %add3A_2151 = arith.addi %shift_left3A_2147, %shift_left3A_2150 : vector<16xi32>
    %and3A_2152 = arith.constant 131071 : i32
    %and3A_2153 = vector.broadcast %and3A_2152 : i32 to vector<16xi32>
    %and3A_2154 = arith.andi %get3A_2141, %and3A_2153 : vector<16xi32>
    %add3A_2155 = arith.addi %add3A_2151, %and3A_2154 : vector<16xi32>
    %add3A_2156 = arith.constant 0 : i32
    %add3A_2157 = vector.broadcast %add3A_2156 : i32 to vector<16xi32>
    %add3A_2158 = arith.addi %add3A_2155, %add3A_2157 : vector<16xi32>
    %swap3A_2159 = arith.constant 0 : i32
    %swap3A_2160 = arith.index_cast %swap3A_2159 : i32 to index
    %swap3A_2161 = arith.constant 160 : index
    %swap3A_2162 = tpu.vector_load %arg11[%swap3A_2160, %swap3A_2161] {strides = array<i32>} : memref<10x256xi32, #tpu.memory_space<vmem>>, vector<16xi32>,
    tpu.vector_store %arg11[%swap3A_2160, %swap3A_2161], %add3A_2158 {strides = array<i32>} : memref<10x256xi32, #tpu.memory_space<vmem>>, vector<16xi32>,
    %add3A_2163 = arith.constant 131072 : i32
    %add3A_2164 = vector.broadcast %add3A_2163 : i32 to vector<16xi32>
    %add3A_2165 = arith.addi %add3A_2155, %add3A_2164 : vector<16xi32>
    %swap3A_2166 = arith.constant 1 : i32
    %swap3A_2167 = arith.index_cast %swap3A_2166 : i32 to index
    %swap3A_2168 = arith.constant 160 : index
    %swap3A_2169 = tpu.vector_load %arg11[%swap3A_2167, %swap3A_2168] {strides = array<i32>} : memref<10x256xi32, #tpu.memory_space<vmem>>, vector<16xi32>,
    tpu.vector_store %arg11[%swap3A_2167, %swap3A_2168], %add3A_2165 {strides = array<i32>} : memref<10x256xi32, #tpu.memory_space<vmem>>, vector<16xi32>,
    %add3A_2170 = arith.constant 262144 : i32
    %add3A_2171 = vector.broadcast %add3A_2170 : i32 to vector<16xi32>
    %add3A_2172 = arith.addi %add3A_2155, %add3A_2171 : vector<16xi32>
    %swap3A_2173 = arith.constant 2 : i32
    %swap3A_2174 = arith.index_cast %swap3A_2173 : i32 to index
    %swap3A_2175 = arith.constant 160 : index
    %swap3A_2176 = tpu.vector_load %arg11[%swap3A_2174, %swap3A_2175] {strides = array<i32>} : memref<10x256xi32, #tpu.memory_space<vmem>>, vector<16xi32>,
    tpu.vector_store %arg11[%swap3A_2174, %swap3A_2175], %add3A_2172 {strides = array<i32>} : memref<10x256xi32, #tpu.memory_space<vmem>>, vector<16xi32>,
    %add3A_2177 = arith.constant 393216 : i32
    %add3A_2178 = vector.broadcast %add3A_2177 : i32 to vector<16xi32>
    %add3A_2179 = arith.addi %add3A_2155, %add3A_2178 : vector<16xi32>
    %swap3A_2180 = arith.constant 3 : i32
    %swap3A_2181 = arith.index_cast %swap3A_2180 : i32 to index
    %swap3A_2182 = arith.constant 160 : index
    %swap3A_2183 = tpu.vector_load %arg11[%swap3A_2181, %swap3A_2182] {strides = array<i32>} : memref<10x256xi32, #tpu.memory_space<vmem>>, vector<16xi32>,
    tpu.vector_store %arg11[%swap3A_2181, %swap3A_2182], %add3A_2179 {strides = array<i32>} : memref<10x256xi32, #tpu.memory_space<vmem>>, vector<16xi32>,
    %add3A_2184 = arith.constant 524288 : i32
    %add3A_2185 = vector.broadcast %add3A_2184 : i32 to vector<16xi32>
    %add3A_2186 = arith.addi %add3A_2155, %add3A_2185 : vector<16xi32>
    %swap3A_2187 = arith.constant 4 : i32
    %swap3A_2188 = arith.index_cast %swap3A_2187 : i32 to index
    %swap3A_2189 = arith.constant 160 : index
    %swap3A_2190 = tpu.vector_load %arg11[%swap3A_2188, %swap3A_2189] {strides = array<i32>} : memref<10x256xi32, #tpu.memory_space<vmem>>, vector<16xi32>,
    tpu.vector_store %arg11[%swap3A_2188, %swap3A_2189], %add3A_2186 {strides = array<i32>} : memref<10x256xi32, #tpu.memory_space<vmem>>, vector<16xi32>,
    %get3A_2191 = arith.constant 176 : index
    %get3A_2192 = tpu.vector_load %arg9[%get3A_2191] {strides = array<i32>} : memref<512xi32, #tpu.memory_space<vmem>>, vector<16xi32>,
    %shift_right_arithmetic3A_2193 = arith.constant 17 : i32
    %shift_right_arithmetic3A_2194 = vector.broadcast %shift_right_arithmetic3A_2193 : i32 to vector<16xi32>
    %shift_right_arithmetic3A_2195 = arith.shrsi %get3A_2192, %shift_right_arithmetic3A_2194 : vector<16xi32>
    %shift_left3A_2196 = arith.constant 19 : i32
    %shift_left3A_2197 = vector.broadcast %shift_left3A_2196 : i32 to vector<16xi32>
    %shift_left3A_2198 = arith.shli %shift_right_arithmetic3A_2195, %shift_left3A_2197 : vector<16xi32>
    %shift_left3A_2199 = arith.constant 17 : i32
    %shift_left3A_2200 = vector.broadcast %shift_left3A_2199 : i32 to vector<16xi32>
    %shift_left3A_2201 = arith.shli %shift_right_arithmetic3A_2195, %shift_left3A_2200 : vector<16xi32>
    %add3A_2202 = arith.addi %shift_left3A_2198, %shift_left3A_2201 : vector<16xi32>
    %and3A_2203 = arith.constant 131071 : i32
    %and3A_2204 = vector.broadcast %and3A_2203 : i32 to vector<16xi32>
    %and3A_2205 = arith.andi %get3A_2192, %and3A_2204 : vector<16xi32>
    %add3A_2206 = arith.addi %add3A_2202, %and3A_2205 : vector<16xi32>
    %add3A_2207 = arith.constant 0 : i32
    %add3A_2208 = vector.broadcast %add3A_2207 : i32 to vector<16xi32>
    %add3A_2209 = arith.addi %add3A_2206, %add3A_2208 : vector<16xi32>
    %swap3A_2210 = arith.constant 0 : i32
    %swap3A_2211 = arith.index_cast %swap3A_2210 : i32 to index
    %swap3A_2212 = arith.constant 176 : index
    %swap3A_2213 = tpu.vector_load %arg11[%swap3A_2211, %swap3A_2212] {strides = array<i32>} : memref<10x256xi32, #tpu.memory_space<vmem>>, vector<16xi32>,
    tpu.vector_store %arg11[%swap3A_2211, %swap3A_2212], %add3A_2209 {strides = array<i32>} : memref<10x256xi32, #tpu.memory_space<vmem>>, vector<16xi32>,
    %add3A_2214 = arith.constant 131072 : i32
    %add3A_2215 = vector.broadcast %add3A_2214 : i32 to vector<16xi32>
    %add3A_2216 = arith.addi %add3A_2206, %add3A_2215 : vector<16xi32>
    %swap3A_2217 = arith.constant 1 : i32
    %swap3A_2218 = arith.index_cast %swap3A_2217 : i32 to index
    %swap3A_2219 = arith.constant 176 : index
    %swap3A_2220 = tpu.vector_load %arg11[%swap3A_2218, %swap3A_2219] {strides = array<i32>} : memref<10x256xi32, #tpu.memory_space<vmem>>, vector<16xi32>,
    tpu.vector_store %arg11[%swap3A_2218, %swap3A_2219], %add3A_2216 {strides = array<i32>} : memref<10x256xi32, #tpu.memory_space<vmem>>, vector<16xi32>,
    %add3A_2221 = arith.constant 262144 : i32
    %add3A_2222 = vector.broadcast %add3A_2221 : i32 to vector<16xi32>
    %add3A_2223 = arith.addi %add3A_2206, %add3A_2222 : vector<16xi32>
    %swap3A_2224 = arith.constant 2 : i32
    %swap3A_2225 = arith.index_cast %swap3A_2224 : i32 to index
    %swap3A_2226 = arith.constant 176 : index
    %swap3A_2227 = tpu.vector_load %arg11[%swap3A_2225, %swap3A_2226] {strides = array<i32>} : memref<10x256xi32, #tpu.memory_space<vmem>>, vector<16xi32>,
    tpu.vector_store %arg11[%swap3A_2225, %swap3A_2226], %add3A_2223 {strides = array<i32>} : memref<10x256xi32, #tpu.memory_space<vmem>>, vector<16xi32>,
    %add3A_2228 = arith.constant 393216 : i32
    %add3A_2229 = vector.broadcast %add3A_2228 : i32 to vector<16xi32>
    %add3A_2230 = arith.addi %add3A_2206, %add3A_2229 : vector<16xi32>
    %swap3A_2231 = arith.constant 3 : i32
    %swap3A_2232 = arith.index_cast %swap3A_2231 : i32 to index
    %swap3A_2233 = arith.constant 176 : index
    %swap3A_2234 = tpu.vector_load %arg11[%swap3A_2232, %swap3A_2233] {strides = array<i32>} : memref<10x256xi32, #tpu.memory_space<vmem>>, vector<16xi32>,
    tpu.vector_store %arg11[%swap3A_2232, %swap3A_2233], %add3A_2230 {strides = array<i32>} : memref<10x256xi32, #tpu.memory_space<vmem>>, vector<16xi32>,
    %add3A_2235 = arith.constant 524288 : i32
    %add3A_2236 = vector.broadcast %add3A_2235 : i32 to vector<16xi32>
    %add3A_2237 = arith.addi %add3A_2206, %add3A_2236 : vector<16xi32>
    %swap3A_2238 = arith.constant 4 : i32
    %swap3A_2239 = arith.index_cast %swap3A_2238 : i32 to index
    %swap3A_2240 = arith.constant 176 : index
    %swap3A_2241 = tpu.vector_load %arg11[%swap3A_2239, %swap3A_2240] {strides = array<i32>} : memref<10x256xi32, #tpu.memory_space<vmem>>, vector<16xi32>,
    tpu.vector_store %arg11[%swap3A_2239, %swap3A_2240], %add3A_2237 {strides = array<i32>} : memref<10x256xi32, #tpu.memory_space<vmem>>, vector<16xi32>,
    %get3A_2242 = arith.constant 192 : index
    %get3A_2243 = tpu.vector_load %arg9[%get3A_2242] {strides = array<i32>} : memref<512xi32, #tpu.memory_space<vmem>>, vector<16xi32>,
    %shift_right_arithmetic3A_2244 = arith.constant 17 : i32
    %shift_right_arithmetic3A_2245 = vector.broadcast %shift_right_arithmetic3A_2244 : i32 to vector<16xi32>
    %shift_right_arithmetic3A_2246 = arith.shrsi %get3A_2243, %shift_right_arithmetic3A_2245 : vector<16xi32>
    %shift_left3A_2247 = arith.constant 19 : i32
    %shift_left3A_2248 = vector.broadcast %shift_left3A_2247 : i32 to vector<16xi32>
    %shift_left3A_2249 = arith.shli %shift_right_arithmetic3A_2246, %shift_left3A_2248 : vector<16xi32>
    %shift_left3A_2250 = arith.constant 17 : i32
    %shift_left3A_2251 = vector.broadcast %shift_left3A_2250 : i32 to vector<16xi32>
    %shift_left3A_2252 = arith.shli %shift_right_arithmetic3A_2246, %shift_left3A_2251 : vector<16xi32>
    %add3A_2253 = arith.addi %shift_left3A_2249, %shift_left3A_2252 : vector<16xi32>
    %and3A_2254 = arith.constant 131071 : i32
    %and3A_2255 = vector.broadcast %and3A_2254 : i32 to vector<16xi32>
    %and3A_2256 = arith.andi %get3A_2243, %and3A_2255 : vector<16xi32>
    %add3A_2257 = arith.addi %add3A_2253, %and3A_2256 : vector<16xi32>
    %add3A_2258 = arith.constant 0 : i32
    %add3A_2259 = vector.broadcast %add3A_2258 : i32 to vector<16xi32>
    %add3A_2260 = arith.addi %add3A_2257, %add3A_2259 : vector<16xi32>
    %swap3A_2261 = arith.constant 0 : i32
    %swap3A_2262 = arith.index_cast %swap3A_2261 : i32 to index
    %swap3A_2263 = arith.constant 192 : index
    %swap3A_2264 = tpu.vector_load %arg11[%swap3A_2262, %swap3A_2263] {strides = array<i32>} : memref<10x256xi32, #tpu.memory_space<vmem>>, vector<16xi32>,
    tpu.vector_store %arg11[%swap3A_2262, %swap3A_2263], %add3A_2260 {strides = array<i32>} : memref<10x256xi32, #tpu.memory_space<vmem>>, vector<16xi32>,
    %add3A_2265 = arith.constant 131072 : i32
    %add3A_2266 = vector.broadcast %add3A_2265 : i32 to vector<16xi32>
    %add3A_2267 = arith.addi %add3A_2257, %add3A_2266 : vector<16xi32>
    %swap3A_2268 = arith.constant 1 : i32
    %swap3A_2269 = arith.index_cast %swap3A_2268 : i32 to index
    %swap3A_2270 = arith.constant 192 : index
    %swap3A_2271 = tpu.vector_load %arg11[%swap3A_2269, %swap3A_2270] {strides = array<i32>} : memref<10x256xi32, #tpu.memory_space<vmem>>, vector<16xi32>,
    tpu.vector_store %arg11[%swap3A_2269, %swap3A_2270], %add3A_2267 {strides = array<i32>} : memref<10x256xi32, #tpu.memory_space<vmem>>, vector<16xi32>,
    %add3A_2272 = arith.constant 262144 : i32
    %add3A_2273 = vector.broadcast %add3A_2272 : i32 to vector<16xi32>
    %add3A_2274 = arith.addi %add3A_2257, %add3A_2273 : vector<16xi32>
    %swap3A_2275 = arith.constant 2 : i32
    %swap3A_2276 = arith.index_cast %swap3A_2275 : i32 to index
    %swap3A_2277 = arith.constant 192 : index
    %swap3A_2278 = tpu.vector_load %arg11[%swap3A_2276, %swap3A_2277] {strides = array<i32>} : memref<10x256xi32, #tpu.memory_space<vmem>>, vector<16xi32>,
    tpu.vector_store %arg11[%swap3A_2276, %swap3A_2277], %add3A_2274 {strides = array<i32>} : memref<10x256xi32, #tpu.memory_space<vmem>>, vector<16xi32>,
    %add3A_2279 = arith.constant 393216 : i32
    %add3A_2280 = vector.broadcast %add3A_2279 : i32 to vector<16xi32>
    %add3A_2281 = arith.addi %add3A_2257, %add3A_2280 : vector<16xi32>
    %swap3A_2282 = arith.constant 3 : i32
    %swap3A_2283 = arith.index_cast %swap3A_2282 : i32 to index
    %swap3A_2284 = arith.constant 192 : index
    %swap3A_2285 = tpu.vector_load %arg11[%swap3A_2283, %swap3A_2284] {strides = array<i32>} : memref<10x256xi32, #tpu.memory_space<vmem>>, vector<16xi32>,
    tpu.vector_store %arg11[%swap3A_2283, %swap3A_2284], %add3A_2281 {strides = array<i32>} : memref<10x256xi32, #tpu.memory_space<vmem>>, vector<16xi32>,
    %add3A_2286 = arith.constant 524288 : i32
    %add3A_2287 = vector.broadcast %add3A_2286 : i32 to vector<16xi32>
    %add3A_2288 = arith.addi %add3A_2257, %add3A_2287 : vector<16xi32>
    %swap3A_2289 = arith.constant 4 : i32
    %swap3A_2290 = arith.index_cast %swap3A_2289 : i32 to index
    %swap3A_2291 = arith.constant 192 : index
    %swap3A_2292 = tpu.vector_load %arg11[%swap3A_2290, %swap3A_2291] {strides = array<i32>} : memref<10x256xi32, #tpu.memory_space<vmem>>, vector<16xi32>,
    tpu.vector_store %arg11[%swap3A_2290, %swap3A_2291], %add3A_2288 {strides = array<i32>} : memref<10x256xi32, #tpu.memory_space<vmem>>, vector<16xi32>,
    %get3A_2293 = arith.constant 208 : index
    %get3A_2294 = tpu.vector_load %arg9[%get3A_2293] {strides = array<i32>} : memref<512xi32, #tpu.memory_space<vmem>>, vector<16xi32>,
    %shift_right_arithmetic3A_2295 = arith.constant 17 : i32
    %shift_right_arithmetic3A_2296 = vector.broadcast %shift_right_arithmetic3A_2295 : i32 to vector<16xi32>
    %shift_right_arithmetic3A_2297 = arith.shrsi %get3A_2294, %shift_right_arithmetic3A_2296 : vector<16xi32>
    %shift_left3A_2298 = arith.constant 19 : i32
    %shift_left3A_2299 = vector.broadcast %shift_left3A_2298 : i32 to vector<16xi32>
    %shift_left3A_2300 = arith.shli %shift_right_arithmetic3A_2297, %shift_left3A_2299 : vector<16xi32>
    %shift_left3A_2301 = arith.constant 17 : i32
    %shift_left3A_2302 = vector.broadcast %shift_left3A_2301 : i32 to vector<16xi32>
    %shift_left3A_2303 = arith.shli %shift_right_arithmetic3A_2297, %shift_left3A_2302 : vector<16xi32>
    %add3A_2304 = arith.addi %shift_left3A_2300, %shift_left3A_2303 : vector<16xi32>
    %and3A_2305 = arith.constant 131071 : i32
    %and3A_2306 = vector.broadcast %and3A_2305 : i32 to vector<16xi32>
    %and3A_2307 = arith.andi %get3A_2294, %and3A_2306 : vector<16xi32>
    %add3A_2308 = arith.addi %add3A_2304, %and3A_2307 : vector<16xi32>
    %add3A_2309 = arith.constant 0 : i32
    %add3A_2310 = vector.broadcast %add3A_2309 : i32 to vector<16xi32>
    %add3A_2311 = arith.addi %add3A_2308, %add3A_2310 : vector<16xi32>
    %swap3A_2312 = arith.constant 0 : i32
    %swap3A_2313 = arith.index_cast %swap3A_2312 : i32 to index
    %swap3A_2314 = arith.constant 208 : index
    %swap3A_2315 = tpu.vector_load %arg11[%swap3A_2313, %swap3A_2314] {strides = array<i32>} : memref<10x256xi32, #tpu.memory_space<vmem>>, vector<16xi32>,
    tpu.vector_store %arg11[%swap3A_2313, %swap3A_2314], %add3A_2311 {strides = array<i32>} : memref<10x256xi32, #tpu.memory_space<vmem>>, vector<16xi32>,
    %add3A_2316 = arith.constant 131072 : i32
    %add3A_2317 = vector.broadcast %add3A_2316 : i32 to vector<16xi32>
    %add3A_2318 = arith.addi %add3A_2308, %add3A_2317 : vector<16xi32>
    %swap3A_2319 = arith.constant 1 : i32
    %swap3A_2320 = arith.index_cast %swap3A_2319 : i32 to index
    %swap3A_2321 = arith.constant 208 : index
    %swap3A_2322 = tpu.vector_load %arg11[%swap3A_2320, %swap3A_2321] {strides = array<i32>} : memref<10x256xi32, #tpu.memory_space<vmem>>, vector<16xi32>,
    tpu.vector_store %arg11[%swap3A_2320, %swap3A_2321], %add3A_2318 {strides = array<i32>} : memref<10x256xi32, #tpu.memory_space<vmem>>, vector<16xi32>,
    %add3A_2323 = arith.constant 262144 : i32
    %add3A_2324 = vector.broadcast %add3A_2323 : i32 to vector<16xi32>
    %add3A_2325 = arith.addi %add3A_2308, %add3A_2324 : vector<16xi32>
    %swap3A_2326 = arith.constant 2 : i32
    %swap3A_2327 = arith.index_cast %swap3A_2326 : i32 to index
    %swap3A_2328 = arith.constant 208 : index
    %swap3A_2329 = tpu.vector_load %arg11[%swap3A_2327, %swap3A_2328] {strides = array<i32>} : memref<10x256xi32, #tpu.memory_space<vmem>>, vector<16xi32>,
    tpu.vector_store %arg11[%swap3A_2327, %swap3A_2328], %add3A_2325 {strides = array<i32>} : memref<10x256xi32, #tpu.memory_space<vmem>>, vector<16xi32>,
    %add3A_2330 = arith.constant 393216 : i32
    %add3A_2331 = vector.broadcast %add3A_2330 : i32 to vector<16xi32>
    %add3A_2332 = arith.addi %add3A_2308, %add3A_2331 : vector<16xi32>
    %swap3A_2333 = arith.constant 3 : i32
    %swap3A_2334 = arith.index_cast %swap3A_2333 : i32 to index
    %swap3A_2335 = arith.constant 208 : index
    %swap3A_2336 = tpu.vector_load %arg11[%swap3A_2334, %swap3A_2335] {strides = array<i32>} : memref<10x256xi32, #tpu.memory_space<vmem>>, vector<16xi32>,
    tpu.vector_store %arg11[%swap3A_2334, %swap3A_2335], %add3A_2332 {strides = array<i32>} : memref<10x256xi32, #tpu.memory_space<vmem>>, vector<16xi32>,
    %add3A_2337 = arith.constant 524288 : i32
    %add3A_2338 = vector.broadcast %add3A_2337 : i32 to vector<16xi32>
    %add3A_2339 = arith.addi %add3A_2308, %add3A_2338 : vector<16xi32>
    %swap3A_2340 = arith.constant 4 : i32
    %swap3A_2341 = arith.index_cast %swap3A_2340 : i32 to index
    %swap3A_2342 = arith.constant 208 : index
    %swap3A_2343 = tpu.vector_load %arg11[%swap3A_2341, %swap3A_2342] {strides = array<i32>} : memref<10x256xi32, #tpu.memory_space<vmem>>, vector<16xi32>,
    tpu.vector_store %arg11[%swap3A_2341, %swap3A_2342], %add3A_2339 {strides = array<i32>} : memref<10x256xi32, #tpu.memory_space<vmem>>, vector<16xi32>,
    %get3A_2344 = arith.constant 224 : index
    %get3A_2345 = tpu.vector_load %arg9[%get3A_2344] {strides = array<i32>} : memref<512xi32, #tpu.memory_space<vmem>>, vector<16xi32>,
    %shift_right_arithmetic3A_2346 = arith.constant 17 : i32
    %shift_right_arithmetic3A_2347 = vector.broadcast %shift_right_arithmetic3A_2346 : i32 to vector<16xi32>
    %shift_right_arithmetic3A_2348 = arith.shrsi %get3A_2345, %shift_right_arithmetic3A_2347 : vector<16xi32>
    %shift_left3A_2349 = arith.constant 19 : i32
    %shift_left3A_2350 = vector.broadcast %shift_left3A_2349 : i32 to vector<16xi32>
    %shift_left3A_2351 = arith.shli %shift_right_arithmetic3A_2348, %shift_left3A_2350 : vector<16xi32>
    %shift_left3A_2352 = arith.constant 17 : i32
    %shift_left3A_2353 = vector.broadcast %shift_left3A_2352 : i32 to vector<16xi32>
    %shift_left3A_2354 = arith.shli %shift_right_arithmetic3A_2348, %shift_left3A_2353 : vector<16xi32>
    %add3A_2355 = arith.addi %shift_left3A_2351, %shift_left3A_2354 : vector<16xi32>
    %and3A_2356 = arith.constant 131071 : i32
    %and3A_2357 = vector.broadcast %and3A_2356 : i32 to vector<16xi32>
    %and3A_2358 = arith.andi %get3A_2345, %and3A_2357 : vector<16xi32>
    %add3A_2359 = arith.addi %add3A_2355, %and3A_2358 : vector<16xi32>
    %add3A_2360 = arith.constant 0 : i32
    %add3A_2361 = vector.broadcast %add3A_2360 : i32 to vector<16xi32>
    %add3A_2362 = arith.addi %add3A_2359, %add3A_2361 : vector<16xi32>
    %swap3A_2363 = arith.constant 0 : i32
    %swap3A_2364 = arith.index_cast %swap3A_2363 : i32 to index
    %swap3A_2365 = arith.constant 224 : index
    %swap3A_2366 = tpu.vector_load %arg11[%swap3A_2364, %swap3A_2365] {strides = array<i32>} : memref<10x256xi32, #tpu.memory_space<vmem>>, vector<16xi32>,
    tpu.vector_store %arg11[%swap3A_2364, %swap3A_2365], %add3A_2362 {strides = array<i32>} : memref<10x256xi32, #tpu.memory_space<vmem>>, vector<16xi32>,
    %add3A_2367 = arith.constant 131072 : i32
    %add3A_2368 = vector.broadcast %add3A_2367 : i32 to vector<16xi32>
    %add3A_2369 = arith.addi %add3A_2359, %add3A_2368 : vector<16xi32>
    %swap3A_2370 = arith.constant 1 : i32
    %swap3A_2371 = arith.index_cast %swap3A_2370 : i32 to index
    %swap3A_2372 = arith.constant 224 : index
    %swap3A_2373 = tpu.vector_load %arg11[%swap3A_2371, %swap3A_2372] {strides = array<i32>} : memref<10x256xi32, #tpu.memory_space<vmem>>, vector<16xi32>,
    tpu.vector_store %arg11[%swap3A_2371, %swap3A_2372], %add3A_2369 {strides = array<i32>} : memref<10x256xi32, #tpu.memory_space<vmem>>, vector<16xi32>,
    %add3A_2374 = arith.constant 262144 : i32
    %add3A_2375 = vector.broadcast %add3A_2374 : i32 to vector<16xi32>
    %add3A_2376 = arith.addi %add3A_2359, %add3A_2375 : vector<16xi32>
    %swap3A_2377 = arith.constant 2 : i32
    %swap3A_2378 = arith.index_cast %swap3A_2377 : i32 to index
    %swap3A_2379 = arith.constant 224 : index
    %swap3A_2380 = tpu.vector_load %arg11[%swap3A_2378, %swap3A_2379] {strides = array<i32>} : memref<10x256xi32, #tpu.memory_space<vmem>>, vector<16xi32>,
    tpu.vector_store %arg11[%swap3A_2378, %swap3A_2379], %add3A_2376 {strides = array<i32>} : memref<10x256xi32, #tpu.memory_space<vmem>>, vector<16xi32>,
    %add3A_2381 = arith.constant 393216 : i32
    %add3A_2382 = vector.broadcast %add3A_2381 : i32 to vector<16xi32>
    %add3A_2383 = arith.addi %add3A_2359, %add3A_2382 : vector<16xi32>
    %swap3A_2384 = arith.constant 3 : i32
    %swap3A_2385 = arith.index_cast %swap3A_2384 : i32 to index
    %swap3A_2386 = arith.constant 224 : index
    %swap3A_2387 = tpu.vector_load %arg11[%swap3A_2385, %swap3A_2386] {strides = array<i32>} : memref<10x256xi32, #tpu.memory_space<vmem>>, vector<16xi32>,
    tpu.vector_store %arg11[%swap3A_2385, %swap3A_2386], %add3A_2383 {strides = array<i32>} : memref<10x256xi32, #tpu.memory_space<vmem>>, vector<16xi32>,
    %add3A_2388 = arith.constant 524288 : i32
    %add3A_2389 = vector.broadcast %add3A_2388 : i32 to vector<16xi32>
    %add3A_2390 = arith.addi %add3A_2359, %add3A_2389 : vector<16xi32>
    %swap3A_2391 = arith.constant 4 : i32
    %swap3A_2392 = arith.index_cast %swap3A_2391 : i32 to index
    %swap3A_2393 = arith.constant 224 : index
    %swap3A_2394 = tpu.vector_load %arg11[%swap3A_2392, %swap3A_2393] {strides = array<i32>} : memref<10x256xi32, #tpu.memory_space<vmem>>, vector<16xi32>,
    tpu.vector_store %arg11[%swap3A_2392, %swap3A_2393], %add3A_2390 {strides = array<i32>} : memref<10x256xi32, #tpu.memory_space<vmem>>, vector<16xi32>,
    %get3A_2395 = arith.constant 240 : index
    %get3A_2396 = tpu.vector_load %arg9[%get3A_2395] {strides = array<i32>} : memref<512xi32, #tpu.memory_space<vmem>>, vector<16xi32>,
    %shift_right_arithmetic3A_2397 = arith.constant 17 : i32
    %shift_right_arithmetic3A_2398 = vector.broadcast %shift_right_arithmetic3A_2397 : i32 to vector<16xi32>
    %shift_right_arithmetic3A_2399 = arith.shrsi %get3A_2396, %shift_right_arithmetic3A_2398 : vector<16xi32>
    %shift_left3A_2400 = arith.constant 19 : i32
    %shift_left3A_2401 = vector.broadcast %shift_left3A_2400 : i32 to vector<16xi32>
    %shift_left3A_2402 = arith.shli %shift_right_arithmetic3A_2399, %shift_left3A_2401 : vector<16xi32>
    %shift_left3A_2403 = arith.constant 17 : i32
    %shift_left3A_2404 = vector.broadcast %shift_left3A_2403 : i32 to vector<16xi32>
    %shift_left3A_2405 = arith.shli %shift_right_arithmetic3A_2399, %shift_left3A_2404 : vector<16xi32>
    %add3A_2406 = arith.addi %shift_left3A_2402, %shift_left3A_2405 : vector<16xi32>
    %and3A_2407 = arith.constant 131071 : i32
    %and3A_2408 = vector.broadcast %and3A_2407 : i32 to vector<16xi32>
    %and3A_2409 = arith.andi %get3A_2396, %and3A_2408 : vector<16xi32>
    %add3A_2410 = arith.addi %add3A_2406, %and3A_2409 : vector<16xi32>
    %add3A_2411 = arith.constant 0 : i32
    %add3A_2412 = vector.broadcast %add3A_2411 : i32 to vector<16xi32>
    %add3A_2413 = arith.addi %add3A_2410, %add3A_2412 : vector<16xi32>
    %swap3A_2414 = arith.constant 0 : i32
    %swap3A_2415 = arith.index_cast %swap3A_2414 : i32 to index
    %swap3A_2416 = arith.constant 240 : index
    %swap3A_2417 = tpu.vector_load %arg11[%swap3A_2415, %swap3A_2416] {strides = array<i32>} : memref<10x256xi32, #tpu.memory_space<vmem>>, vector<16xi32>,
    tpu.vector_store %arg11[%swap3A_2415, %swap3A_2416], %add3A_2413 {strides = array<i32>} : memref<10x256xi32, #tpu.memory_space<vmem>>, vector<16xi32>,
    %add3A_2418 = arith.constant 131072 : i32
    %add3A_2419 = vector.broadcast %add3A_2418 : i32 to vector<16xi32>
    %add3A_2420 = arith.addi %add3A_2410, %add3A_2419 : vector<16xi32>
    %swap3A_2421 = arith.constant 1 : i32
    %swap3A_2422 = arith.index_cast %swap3A_2421 : i32 to index
    %swap3A_2423 = arith.constant 240 : index
    %swap3A_2424 = tpu.vector_load %arg11[%swap3A_2422, %swap3A_2423] {strides = array<i32>} : memref<10x256xi32, #tpu.memory_space<vmem>>, vector<16xi32>,
    tpu.vector_store %arg11[%swap3A_2422, %swap3A_2423], %add3A_2420 {strides = array<i32>} : memref<10x256xi32, #tpu.memory_space<vmem>>, vector<16xi32>,
    %add3A_2425 = arith.constant 262144 : i32
    %add3A_2426 = vector.broadcast %add3A_2425 : i32 to vector<16xi32>
    %add3A_2427 = arith.addi %add3A_2410, %add3A_2426 : vector<16xi32>
    %swap3A_2428 = arith.constant 2 : i32
    %swap3A_2429 = arith.index_cast %swap3A_2428 : i32 to index
    %swap3A_2430 = arith.constant 240 : index
    %swap3A_2431 = tpu.vector_load %arg11[%swap3A_2429, %swap3A_2430] {strides = array<i32>} : memref<10x256xi32, #tpu.memory_space<vmem>>, vector<16xi32>,
    tpu.vector_store %arg11[%swap3A_2429, %swap3A_2430], %add3A_2427 {strides = array<i32>} : memref<10x256xi32, #tpu.memory_space<vmem>>, vector<16xi32>,
    %add3A_2432 = arith.constant 393216 : i32
    %add3A_2433 = vector.broadcast %add3A_2432 : i32 to vector<16xi32>
    %add3A_2434 = arith.addi %add3A_2410, %add3A_2433 : vector<16xi32>
    %swap3A_2435 = arith.constant 3 : i32
    %swap3A_2436 = arith.index_cast %swap3A_2435 : i32 to index
    %swap3A_2437 = arith.constant 240 : index
    %swap3A_2438 = tpu.vector_load %arg11[%swap3A_2436, %swap3A_2437] {strides = array<i32>} : memref<10x256xi32, #tpu.memory_space<vmem>>, vector<16xi32>,
    tpu.vector_store %arg11[%swap3A_2436, %swap3A_2437], %add3A_2434 {strides = array<i32>} : memref<10x256xi32, #tpu.memory_space<vmem>>, vector<16xi32>,
    %add3A_2439 = arith.constant 524288 : i32
    %add3A_2440 = vector.broadcast %add3A_2439 : i32 to vector<16xi32>
    %add3A_2441 = arith.addi %add3A_2410, %add3A_2440 : vector<16xi32>
    %swap3A_2442 = arith.constant 4 : i32
    %swap3A_2443 = arith.index_cast %swap3A_2442 : i32 to index
    %swap3A_2444 = arith.constant 240 : index
    %swap3A_2445 = tpu.vector_load %arg11[%swap3A_2443, %swap3A_2444] {strides = array<i32>} : memref<10x256xi32, #tpu.memory_space<vmem>>, vector<16xi32>,
    tpu.vector_store %arg11[%swap3A_2443, %swap3A_2444], %add3A_2441 {strides = array<i32>} : memref<10x256xi32, #tpu.memory_space<vmem>>, vector<16xi32>,
    %get3A_2446 = arith.constant 256 : index
    %get3A_2447 = tpu.vector_load %arg9[%get3A_2446] {strides = array<i32>} : memref<512xi32, #tpu.memory_space<vmem>>, vector<16xi32>,
    %shift_right_arithmetic3A_2448 = arith.constant 17 : i32
    %shift_right_arithmetic3A_2449 = vector.broadcast %shift_right_arithmetic3A_2448 : i32 to vector<16xi32>
    %shift_right_arithmetic3A_2450 = arith.shrsi %get3A_2447, %shift_right_arithmetic3A_2449 : vector<16xi32>
    %shift_left3A_2451 = arith.constant 19 : i32
    %shift_left3A_2452 = vector.broadcast %shift_left3A_2451 : i32 to vector<16xi32>
    %shift_left3A_2453 = arith.shli %shift_right_arithmetic3A_2450, %shift_left3A_2452 : vector<16xi32>
    %shift_left3A_2454 = arith.constant 17 : i32
    %shift_left3A_2455 = vector.broadcast %shift_left3A_2454 : i32 to vector<16xi32>
    %shift_left3A_2456 = arith.shli %shift_right_arithmetic3A_2450, %shift_left3A_2455 : vector<16xi32>
    %add3A_2457 = arith.addi %shift_left3A_2453, %shift_left3A_2456 : vector<16xi32>
    %and3A_2458 = arith.constant 131071 : i32
    %and3A_2459 = vector.broadcast %and3A_2458 : i32 to vector<16xi32>
    %and3A_2460 = arith.andi %get3A_2447, %and3A_2459 : vector<16xi32>
    %add3A_2461 = arith.addi %add3A_2457, %and3A_2460 : vector<16xi32>
    %add3A_2462 = arith.constant 0 : i32
    %add3A_2463 = vector.broadcast %add3A_2462 : i32 to vector<16xi32>
    %add3A_2464 = arith.addi %add3A_2461, %add3A_2463 : vector<16xi32>
    %swap3A_2465 = arith.constant 5 : i32
    %swap3A_2466 = arith.index_cast %swap3A_2465 : i32 to index
    %swap3A_2467 = arith.constant 0 : index
    %swap3A_2468 = tpu.vector_load %arg11[%swap3A_2466, %swap3A_2467] {strides = array<i32>} : memref<10x256xi32, #tpu.memory_space<vmem>>, vector<16xi32>,
    tpu.vector_store %arg11[%swap3A_2466, %swap3A_2467], %add3A_2464 {strides = array<i32>} : memref<10x256xi32, #tpu.memory_space<vmem>>, vector<16xi32>,
    %add3A_2469 = arith.constant 131072 : i32
    %add3A_2470 = vector.broadcast %add3A_2469 : i32 to vector<16xi32>
    %add3A_2471 = arith.addi %add3A_2461, %add3A_2470 : vector<16xi32>
    %swap3A_2472 = arith.constant 6 : i32
    %swap3A_2473 = arith.index_cast %swap3A_2472 : i32 to index
    %swap3A_2474 = arith.constant 0 : index
    %swap3A_2475 = tpu.vector_load %arg11[%swap3A_2473, %swap3A_2474] {strides = array<i32>} : memref<10x256xi32, #tpu.memory_space<vmem>>, vector<16xi32>,
    tpu.vector_store %arg11[%swap3A_2473, %swap3A_2474], %add3A_2471 {strides = array<i32>} : memref<10x256xi32, #tpu.memory_space<vmem>>, vector<16xi32>,
    %add3A_2476 = arith.constant 262144 : i32
    %add3A_2477 = vector.broadcast %add3A_2476 : i32 to vector<16xi32>
    %add3A_2478 = arith.addi %add3A_2461, %add3A_2477 : vector<16xi32>
    %swap3A_2479 = arith.constant 7 : i32
    %swap3A_2480 = arith.index_cast %swap3A_2479 : i32 to index
    %swap3A_2481 = arith.constant 0 : index
    %swap3A_2482 = tpu.vector_load %arg11[%swap3A_2480, %swap3A_2481] {strides = array<i32>} : memref<10x256xi32, #tpu.memory_space<vmem>>, vector<16xi32>,
    tpu.vector_store %arg11[%swap3A_2480, %swap3A_2481], %add3A_2478 {strides = array<i32>} : memref<10x256xi32, #tpu.memory_space<vmem>>, vector<16xi32>,
    %add3A_2483 = arith.constant 393216 : i32
    %add3A_2484 = vector.broadcast %add3A_2483 : i32 to vector<16xi32>
    %add3A_2485 = arith.addi %add3A_2461, %add3A_2484 : vector<16xi32>
    %swap3A_2486 = arith.constant 8 : i32
    %swap3A_2487 = arith.index_cast %swap3A_2486 : i32 to index
    %swap3A_2488 = arith.constant 0 : index
    %swap3A_2489 = tpu.vector_load %arg11[%swap3A_2487, %swap3A_2488] {strides = array<i32>} : memref<10x256xi32, #tpu.memory_space<vmem>>, vector<16xi32>,
    tpu.vector_store %arg11[%swap3A_2487, %swap3A_2488], %add3A_2485 {strides = array<i32>} : memref<10x256xi32, #tpu.memory_space<vmem>>, vector<16xi32>,
    %add3A_2490 = arith.constant 524288 : i32
    %add3A_2491 = vector.broadcast %add3A_2490 : i32 to vector<16xi32>
    %add3A_2492 = arith.addi %add3A_2461, %add3A_2491 : vector<16xi32>
    %swap3A_2493 = arith.constant 9 : i32
    %swap3A_2494 = arith.index_cast %swap3A_2493 : i32 to index
    %swap3A_2495 = arith.constant 0 : index
    %swap3A_2496 = tpu.vector_load %arg11[%swap3A_2494, %swap3A_2495] {strides = array<i32>} : memref<10x256xi32, #tpu.memory_space<vmem>>, vector<16xi32>,
    tpu.vector_store %arg11[%swap3A_2494, %swap3A_2495], %add3A_2492 {strides = array<i32>} : memref<10x256xi32, #tpu.memory_space<vmem>>, vector<16xi32>,
    %get3A_2497 = arith.constant 272 : index
    %get3A_2498 = tpu.vector_load %arg9[%get3A_2497] {strides = array<i32>} : memref<512xi32, #tpu.memory_space<vmem>>, vector<16xi32>,
    %shift_right_arithmetic3A_2499 = arith.constant 17 : i32
    %shift_right_arithmetic3A_2500 = vector.broadcast %shift_right_arithmetic3A_2499 : i32 to vector<16xi32>
    %shift_right_arithmetic3A_2501 = arith.shrsi %get3A_2498, %shift_right_arithmetic3A_2500 : vector<16xi32>
    %shift_left3A_2502 = arith.constant 19 : i32
    %shift_left3A_2503 = vector.broadcast %shift_left3A_2502 : i32 to vector<16xi32>
    %shift_left3A_2504 = arith.shli %shift_right_arithmetic3A_2501, %shift_left3A_2503 : vector<16xi32>
    %shift_left3A_2505 = arith.constant 17 : i32
    %shift_left3A_2506 = vector.broadcast %shift_left3A_2505 : i32 to vector<16xi32>
    %shift_left3A_2507 = arith.shli %shift_right_arithmetic3A_2501, %shift_left3A_2506 : vector<16xi32>
    %add3A_2508 = arith.addi %shift_left3A_2504, %shift_left3A_2507 : vector<16xi32>
    %and3A_2509 = arith.constant 131071 : i32
    %and3A_2510 = vector.broadcast %and3A_2509 : i32 to vector<16xi32>
    %and3A_2511 = arith.andi %get3A_2498, %and3A_2510 : vector<16xi32>
    %add3A_2512 = arith.addi %add3A_2508, %and3A_2511 : vector<16xi32>
    %add3A_2513 = arith.constant 0 : i32
    %add3A_2514 = vector.broadcast %add3A_2513 : i32 to vector<16xi32>
    %add3A_2515 = arith.addi %add3A_2512, %add3A_2514 : vector<16xi32>
    %swap3A_2516 = arith.constant 5 : i32
    %swap3A_2517 = arith.index_cast %swap3A_2516 : i32 to index
    %swap3A_2518 = arith.constant 16 : index
    %swap3A_2519 = tpu.vector_load %arg11[%swap3A_2517, %swap3A_2518] {strides = array<i32>} : memref<10x256xi32, #tpu.memory_space<vmem>>, vector<16xi32>,
    tpu.vector_store %arg11[%swap3A_2517, %swap3A_2518], %add3A_2515 {strides = array<i32>} : memref<10x256xi32, #tpu.memory_space<vmem>>, vector<16xi32>,
    %add3A_2520 = arith.constant 131072 : i32
    %add3A_2521 = vector.broadcast %add3A_2520 : i32 to vector<16xi32>
    %add3A_2522 = arith.addi %add3A_2512, %add3A_2521 : vector<16xi32>
    %swap3A_2523 = arith.constant 6 : i32
    %swap3A_2524 = arith.index_cast %swap3A_2523 : i32 to index
    %swap3A_2525 = arith.constant 16 : index
    %swap3A_2526 = tpu.vector_load %arg11[%swap3A_2524, %swap3A_2525] {strides = array<i32>} : memref<10x256xi32, #tpu.memory_space<vmem>>, vector<16xi32>,
    tpu.vector_store %arg11[%swap3A_2524, %swap3A_2525], %add3A_2522 {strides = array<i32>} : memref<10x256xi32, #tpu.memory_space<vmem>>, vector<16xi32>,
    %add3A_2527 = arith.constant 262144 : i32
    %add3A_2528 = vector.broadcast %add3A_2527 : i32 to vector<16xi32>
    %add3A_2529 = arith.addi %add3A_2512, %add3A_2528 : vector<16xi32>
    %swap3A_2530 = arith.constant 7 : i32
    %swap3A_2531 = arith.index_cast %swap3A_2530 : i32 to index
    %swap3A_2532 = arith.constant 16 : index
    %swap3A_2533 = tpu.vector_load %arg11[%swap3A_2531, %swap3A_2532] {strides = array<i32>} : memref<10x256xi32, #tpu.memory_space<vmem>>, vector<16xi32>,
    tpu.vector_store %arg11[%swap3A_2531, %swap3A_2532], %add3A_2529 {strides = array<i32>} : memref<10x256xi32, #tpu.memory_space<vmem>>, vector<16xi32>,
    %add3A_2534 = arith.constant 393216 : i32
    %add3A_2535 = vector.broadcast %add3A_2534 : i32 to vector<16xi32>
    %add3A_2536 = arith.addi %add3A_2512, %add3A_2535 : vector<16xi32>
    %swap3A_2537 = arith.constant 8 : i32
    %swap3A_2538 = arith.index_cast %swap3A_2537 : i32 to index
    %swap3A_2539 = arith.constant 16 : index
    %swap3A_2540 = tpu.vector_load %arg11[%swap3A_2538, %swap3A_2539] {strides = array<i32>} : memref<10x256xi32, #tpu.memory_space<vmem>>, vector<16xi32>,
    tpu.vector_store %arg11[%swap3A_2538, %swap3A_2539], %add3A_2536 {strides = array<i32>} : memref<10x256xi32, #tpu.memory_space<vmem>>, vector<16xi32>,
    %add3A_2541 = arith.constant 524288 : i32
    %add3A_2542 = vector.broadcast %add3A_2541 : i32 to vector<16xi32>
    %add3A_2543 = arith.addi %add3A_2512, %add3A_2542 : vector<16xi32>
    %swap3A_2544 = arith.constant 9 : i32
    %swap3A_2545 = arith.index_cast %swap3A_2544 : i32 to index
    %swap3A_2546 = arith.constant 16 : index
    %swap3A_2547 = tpu.vector_load %arg11[%swap3A_2545, %swap3A_2546] {strides = array<i32>} : memref<10x256xi32, #tpu.memory_space<vmem>>, vector<16xi32>,
    tpu.vector_store %arg11[%swap3A_2545, %swap3A_2546], %add3A_2543 {strides = array<i32>} : memref<10x256xi32, #tpu.memory_space<vmem>>, vector<16xi32>,
    %get3A_2548 = arith.constant 288 : index
    %get3A_2549 = tpu.vector_load %arg9[%get3A_2548] {strides = array<i32>} : memref<512xi32, #tpu.memory_space<vmem>>, vector<16xi32>,
    %shift_right_arithmetic3A_2550 = arith.constant 17 : i32
    %shift_right_arithmetic3A_2551 = vector.broadcast %shift_right_arithmetic3A_2550 : i32 to vector<16xi32>
    %shift_right_arithmetic3A_2552 = arith.shrsi %get3A_2549, %shift_right_arithmetic3A_2551 : vector<16xi32>
    %shift_left3A_2553 = arith.constant 19 : i32
    %shift_left3A_2554 = vector.broadcast %shift_left3A_2553 : i32 to vector<16xi32>
    %shift_left3A_2555 = arith.shli %shift_right_arithmetic3A_2552, %shift_left3A_2554 : vector<16xi32>
    %shift_left3A_2556 = arith.constant 17 : i32
    %shift_left3A_2557 = vector.broadcast %shift_left3A_2556 : i32 to vector<16xi32>
    %shift_left3A_2558 = arith.shli %shift_right_arithmetic3A_2552, %shift_left3A_2557 : vector<16xi32>
    %add3A_2559 = arith.addi %shift_left3A_2555, %shift_left3A_2558 : vector<16xi32>
    %and3A_2560 = arith.constant 131071 : i32
    %and3A_2561 = vector.broadcast %and3A_2560 : i32 to vector<16xi32>
    %and3A_2562 = arith.andi %get3A_2549, %and3A_2561 : vector<16xi32>
    %add3A_2563 = arith.addi %add3A_2559, %and3A_2562 : vector<16xi32>
    %add3A_2564 = arith.constant 0 : i32
    %add3A_2565 = vector.broadcast %add3A_2564 : i32 to vector<16xi32>
    %add3A_2566 = arith.addi %add3A_2563, %add3A_2565 : vector<16xi32>
    %swap3A_2567 = arith.constant 5 : i32
    %swap3A_2568 = arith.index_cast %swap3A_2567 : i32 to index
    %swap3A_2569 = arith.constant 32 : index
    %swap3A_2570 = tpu.vector_load %arg11[%swap3A_2568, %swap3A_2569] {strides = array<i32>} : memref<10x256xi32, #tpu.memory_space<vmem>>, vector<16xi32>,
    tpu.vector_store %arg11[%swap3A_2568, %swap3A_2569], %add3A_2566 {strides = array<i32>} : memref<10x256xi32, #tpu.memory_space<vmem>>, vector<16xi32>,
    %add3A_2571 = arith.constant 131072 : i32
    %add3A_2572 = vector.broadcast %add3A_2571 : i32 to vector<16xi32>
    %add3A_2573 = arith.addi %add3A_2563, %add3A_2572 : vector<16xi32>
    %swap3A_2574 = arith.constant 6 : i32
    %swap3A_2575 = arith.index_cast %swap3A_2574 : i32 to index
    %swap3A_2576 = arith.constant 32 : index
    %swap3A_2577 = tpu.vector_load %arg11[%swap3A_2575, %swap3A_2576] {strides = array<i32>} : memref<10x256xi32, #tpu.memory_space<vmem>>, vector<16xi32>,
    tpu.vector_store %arg11[%swap3A_2575, %swap3A_2576], %add3A_2573 {strides = array<i32>} : memref<10x256xi32, #tpu.memory_space<vmem>>, vector<16xi32>,
    %add3A_2578 = arith.constant 262144 : i32
    %add3A_2579 = vector.broadcast %add3A_2578 : i32 to vector<16xi32>
    %add3A_2580 = arith.addi %add3A_2563, %add3A_2579 : vector<16xi32>
    %swap3A_2581 = arith.constant 7 : i32
    %swap3A_2582 = arith.index_cast %swap3A_2581 : i32 to index
    %swap3A_2583 = arith.constant 32 : index
    %swap3A_2584 = tpu.vector_load %arg11[%swap3A_2582, %swap3A_2583] {strides = array<i32>} : memref<10x256xi32, #tpu.memory_space<vmem>>, vector<16xi32>,
    tpu.vector_store %arg11[%swap3A_2582, %swap3A_2583], %add3A_2580 {strides = array<i32>} : memref<10x256xi32, #tpu.memory_space<vmem>>, vector<16xi32>,
    %add3A_2585 = arith.constant 393216 : i32
    %add3A_2586 = vector.broadcast %add3A_2585 : i32 to vector<16xi32>
    %add3A_2587 = arith.addi %add3A_2563, %add3A_2586 : vector<16xi32>
    %swap3A_2588 = arith.constant 8 : i32
    %swap3A_2589 = arith.index_cast %swap3A_2588 : i32 to index
    %swap3A_2590 = arith.constant 32 : index
    %swap3A_2591 = tpu.vector_load %arg11[%swap3A_2589, %swap3A_2590] {strides = array<i32>} : memref<10x256xi32, #tpu.memory_space<vmem>>, vector<16xi32>,
    tpu.vector_store %arg11[%swap3A_2589, %swap3A_2590], %add3A_2587 {strides = array<i32>} : memref<10x256xi32, #tpu.memory_space<vmem>>, vector<16xi32>,
    %add3A_2592 = arith.constant 524288 : i32
    %add3A_2593 = vector.broadcast %add3A_2592 : i32 to vector<16xi32>
    %add3A_2594 = arith.addi %add3A_2563, %add3A_2593 : vector<16xi32>
    %swap3A_2595 = arith.constant 9 : i32
    %swap3A_2596 = arith.index_cast %swap3A_2595 : i32 to index
    %swap3A_2597 = arith.constant 32 : index
    %swap3A_2598 = tpu.vector_load %arg11[%swap3A_2596, %swap3A_2597] {strides = array<i32>} : memref<10x256xi32, #tpu.memory_space<vmem>>, vector<16xi32>,
    tpu.vector_store %arg11[%swap3A_2596, %swap3A_2597], %add3A_2594 {strides = array<i32>} : memref<10x256xi32, #tpu.memory_space<vmem>>, vector<16xi32>,
    %get3A_2599 = arith.constant 304 : index
    %get3A_2600 = tpu.vector_load %arg9[%get3A_2599] {strides = array<i32>} : memref<512xi32, #tpu.memory_space<vmem>>, vector<16xi32>,
    %shift_right_arithmetic3A_2601 = arith.constant 17 : i32
    %shift_right_arithmetic3A_2602 = vector.broadcast %shift_right_arithmetic3A_2601 : i32 to vector<16xi32>
    %shift_right_arithmetic3A_2603 = arith.shrsi %get3A_2600, %shift_right_arithmetic3A_2602 : vector<16xi32>
    %shift_left3A_2604 = arith.constant 19 : i32
    %shift_left3A_2605 = vector.broadcast %shift_left3A_2604 : i32 to vector<16xi32>
    %shift_left3A_2606 = arith.shli %shift_right_arithmetic3A_2603, %shift_left3A_2605 : vector<16xi32>
    %shift_left3A_2607 = arith.constant 17 : i32
    %shift_left3A_2608 = vector.broadcast %shift_left3A_2607 : i32 to vector<16xi32>
    %shift_left3A_2609 = arith.shli %shift_right_arithmetic3A_2603, %shift_left3A_2608 : vector<16xi32>
    %add3A_2610 = arith.addi %shift_left3A_2606, %shift_left3A_2609 : vector<16xi32>
    %and3A_2611 = arith.constant 131071 : i32
    %and3A_2612 = vector.broadcast %and3A_2611 : i32 to vector<16xi32>
    %and3A_2613 = arith.andi %get3A_2600, %and3A_2612 : vector<16xi32>
    %add3A_2614 = arith.addi %add3A_2610, %and3A_2613 : vector<16xi32>
    %add3A_2615 = arith.constant 0 : i32
    %add3A_2616 = vector.broadcast %add3A_2615 : i32 to vector<16xi32>
    %add3A_2617 = arith.addi %add3A_2614, %add3A_2616 : vector<16xi32>
    %swap3A_2618 = arith.constant 5 : i32
    %swap3A_2619 = arith.index_cast %swap3A_2618 : i32 to index
    %swap3A_2620 = arith.constant 48 : index
    %swap3A_2621 = tpu.vector_load %arg11[%swap3A_2619, %swap3A_2620] {strides = array<i32>} : memref<10x256xi32, #tpu.memory_space<vmem>>, vector<16xi32>,
    tpu.vector_store %arg11[%swap3A_2619, %swap3A_2620], %add3A_2617 {strides = array<i32>} : memref<10x256xi32, #tpu.memory_space<vmem>>, vector<16xi32>,
    %add3A_2622 = arith.constant 131072 : i32
    %add3A_2623 = vector.broadcast %add3A_2622 : i32 to vector<16xi32>
    %add3A_2624 = arith.addi %add3A_2614, %add3A_2623 : vector<16xi32>
    %swap3A_2625 = arith.constant 6 : i32
    %swap3A_2626 = arith.index_cast %swap3A_2625 : i32 to index
    %swap3A_2627 = arith.constant 48 : index
    %swap3A_2628 = tpu.vector_load %arg11[%swap3A_2626, %swap3A_2627] {strides = array<i32>} : memref<10x256xi32, #tpu.memory_space<vmem>>, vector<16xi32>,
    tpu.vector_store %arg11[%swap3A_2626, %swap3A_2627], %add3A_2624 {strides = array<i32>} : memref<10x256xi32, #tpu.memory_space<vmem>>, vector<16xi32>,
    %add3A_2629 = arith.constant 262144 : i32
    %add3A_2630 = vector.broadcast %add3A_2629 : i32 to vector<16xi32>
    %add3A_2631 = arith.addi %add3A_2614, %add3A_2630 : vector<16xi32>
    %swap3A_2632 = arith.constant 7 : i32
    %swap3A_2633 = arith.index_cast %swap3A_2632 : i32 to index
    %swap3A_2634 = arith.constant 48 : index
    %swap3A_2635 = tpu.vector_load %arg11[%swap3A_2633, %swap3A_2634] {strides = array<i32>} : memref<10x256xi32, #tpu.memory_space<vmem>>, vector<16xi32>,
    tpu.vector_store %arg11[%swap3A_2633, %swap3A_2634], %add3A_2631 {strides = array<i32>} : memref<10x256xi32, #tpu.memory_space<vmem>>, vector<16xi32>,
    %add3A_2636 = arith.constant 393216 : i32
    %add3A_2637 = vector.broadcast %add3A_2636 : i32 to vector<16xi32>
    %add3A_2638 = arith.addi %add3A_2614, %add3A_2637 : vector<16xi32>
    %swap3A_2639 = arith.constant 8 : i32
    %swap3A_2640 = arith.index_cast %swap3A_2639 : i32 to index
    %swap3A_2641 = arith.constant 48 : index
    %swap3A_2642 = tpu.vector_load %arg11[%swap3A_2640, %swap3A_2641] {strides = array<i32>} : memref<10x256xi32, #tpu.memory_space<vmem>>, vector<16xi32>,
    tpu.vector_store %arg11[%swap3A_2640, %swap3A_2641], %add3A_2638 {strides = array<i32>} : memref<10x256xi32, #tpu.memory_space<vmem>>, vector<16xi32>,
    %add3A_2643 = arith.constant 524288 : i32
    %add3A_2644 = vector.broadcast %add3A_2643 : i32 to vector<16xi32>
    %add3A_2645 = arith.addi %add3A_2614, %add3A_2644 : vector<16xi32>
    %swap3A_2646 = arith.constant 9 : i32
    %swap3A_2647 = arith.index_cast %swap3A_2646 : i32 to index
    %swap3A_2648 = arith.constant 48 : index
    %swap3A_2649 = tpu.vector_load %arg11[%swap3A_2647, %swap3A_2648] {strides = array<i32>} : memref<10x256xi32, #tpu.memory_space<vmem>>, vector<16xi32>,
    tpu.vector_store %arg11[%swap3A_2647, %swap3A_2648], %add3A_2645 {strides = array<i32>} : memref<10x256xi32, #tpu.memory_space<vmem>>, vector<16xi32>,
    %get3A_2650 = arith.constant 320 : index
    %get3A_2651 = tpu.vector_load %arg9[%get3A_2650] {strides = array<i32>} : memref<512xi32, #tpu.memory_space<vmem>>, vector<16xi32>,
    %shift_right_arithmetic3A_2652 = arith.constant 17 : i32
    %shift_right_arithmetic3A_2653 = vector.broadcast %shift_right_arithmetic3A_2652 : i32 to vector<16xi32>
    %shift_right_arithmetic3A_2654 = arith.shrsi %get3A_2651, %shift_right_arithmetic3A_2653 : vector<16xi32>
    %shift_left3A_2655 = arith.constant 19 : i32
    %shift_left3A_2656 = vector.broadcast %shift_left3A_2655 : i32 to vector<16xi32>
    %shift_left3A_2657 = arith.shli %shift_right_arithmetic3A_2654, %shift_left3A_2656 : vector<16xi32>
    %shift_left3A_2658 = arith.constant 17 : i32
    %shift_left3A_2659 = vector.broadcast %shift_left3A_2658 : i32 to vector<16xi32>
    %shift_left3A_2660 = arith.shli %shift_right_arithmetic3A_2654, %shift_left3A_2659 : vector<16xi32>
    %add3A_2661 = arith.addi %shift_left3A_2657, %shift_left3A_2660 : vector<16xi32>
    %and3A_2662 = arith.constant 131071 : i32
    %and3A_2663 = vector.broadcast %and3A_2662 : i32 to vector<16xi32>
    %and3A_2664 = arith.andi %get3A_2651, %and3A_2663 : vector<16xi32>
    %add3A_2665 = arith.addi %add3A_2661, %and3A_2664 : vector<16xi32>
    %add3A_2666 = arith.constant 0 : i32
    %add3A_2667 = vector.broadcast %add3A_2666 : i32 to vector<16xi32>
    %add3A_2668 = arith.addi %add3A_2665, %add3A_2667 : vector<16xi32>
    %swap3A_2669 = arith.constant 5 : i32
    %swap3A_2670 = arith.index_cast %swap3A_2669 : i32 to index
    %swap3A_2671 = arith.constant 64 : index
    %swap3A_2672 = tpu.vector_load %arg11[%swap3A_2670, %swap3A_2671] {strides = array<i32>} : memref<10x256xi32, #tpu.memory_space<vmem>>, vector<16xi32>,
    tpu.vector_store %arg11[%swap3A_2670, %swap3A_2671], %add3A_2668 {strides = array<i32>} : memref<10x256xi32, #tpu.memory_space<vmem>>, vector<16xi32>,
    %add3A_2673 = arith.constant 131072 : i32
    %add3A_2674 = vector.broadcast %add3A_2673 : i32 to vector<16xi32>
    %add3A_2675 = arith.addi %add3A_2665, %add3A_2674 : vector<16xi32>
    %swap3A_2676 = arith.constant 6 : i32
    %swap3A_2677 = arith.index_cast %swap3A_2676 : i32 to index
    %swap3A_2678 = arith.constant 64 : index
    %swap3A_2679 = tpu.vector_load %arg11[%swap3A_2677, %swap3A_2678] {strides = array<i32>} : memref<10x256xi32, #tpu.memory_space<vmem>>, vector<16xi32>,
    tpu.vector_store %arg11[%swap3A_2677, %swap3A_2678], %add3A_2675 {strides = array<i32>} : memref<10x256xi32, #tpu.memory_space<vmem>>, vector<16xi32>,
    %add3A_2680 = arith.constant 262144 : i32
    %add3A_2681 = vector.broadcast %add3A_2680 : i32 to vector<16xi32>
    %add3A_2682 = arith.addi %add3A_2665, %add3A_2681 : vector<16xi32>
    %swap3A_2683 = arith.constant 7 : i32
    %swap3A_2684 = arith.index_cast %swap3A_2683 : i32 to index
    %swap3A_2685 = arith.constant 64 : index
    %swap3A_2686 = tpu.vector_load %arg11[%swap3A_2684, %swap3A_2685] {strides = array<i32>} : memref<10x256xi32, #tpu.memory_space<vmem>>, vector<16xi32>,
    tpu.vector_store %arg11[%swap3A_2684, %swap3A_2685], %add3A_2682 {strides = array<i32>} : memref<10x256xi32, #tpu.memory_space<vmem>>, vector<16xi32>,
    %add3A_2687 = arith.constant 393216 : i32
    %add3A_2688 = vector.broadcast %add3A_2687 : i32 to vector<16xi32>
    %add3A_2689 = arith.addi %add3A_2665, %add3A_2688 : vector<16xi32>
    %swap3A_2690 = arith.constant 8 : i32
    %swap3A_2691 = arith.index_cast %swap3A_2690 : i32 to index
    %swap3A_2692 = arith.constant 64 : index
    %swap3A_2693 = tpu.vector_load %arg11[%swap3A_2691, %swap3A_2692] {strides = array<i32>} : memref<10x256xi32, #tpu.memory_space<vmem>>, vector<16xi32>,
    tpu.vector_store %arg11[%swap3A_2691, %swap3A_2692], %add3A_2689 {strides = array<i32>} : memref<10x256xi32, #tpu.memory_space<vmem>>, vector<16xi32>,
    %add3A_2694 = arith.constant 524288 : i32
    %add3A_2695 = vector.broadcast %add3A_2694 : i32 to vector<16xi32>
    %add3A_2696 = arith.addi %add3A_2665, %add3A_2695 : vector<16xi32>
    %swap3A_2697 = arith.constant 9 : i32
    %swap3A_2698 = arith.index_cast %swap3A_2697 : i32 to index
    %swap3A_2699 = arith.constant 64 : index
    %swap3A_2700 = tpu.vector_load %arg11[%swap3A_2698, %swap3A_2699] {strides = array<i32>} : memref<10x256xi32, #tpu.memory_space<vmem>>, vector<16xi32>,
    tpu.vector_store %arg11[%swap3A_2698, %swap3A_2699], %add3A_2696 {strides = array<i32>} : memref<10x256xi32, #tpu.memory_space<vmem>>, vector<16xi32>,
    %get3A_2701 = arith.constant 336 : index
    %get3A_2702 = tpu.vector_load %arg9[%get3A_2701] {strides = array<i32>} : memref<512xi32, #tpu.memory_space<vmem>>, vector<16xi32>,
    %shift_right_arithmetic3A_2703 = arith.constant 17 : i32
    %shift_right_arithmetic3A_2704 = vector.broadcast %shift_right_arithmetic3A_2703 : i32 to vector<16xi32>
    %shift_right_arithmetic3A_2705 = arith.shrsi %get3A_2702, %shift_right_arithmetic3A_2704 : vector<16xi32>
    %shift_left3A_2706 = arith.constant 19 : i32
    %shift_left3A_2707 = vector.broadcast %shift_left3A_2706 : i32 to vector<16xi32>
    %shift_left3A_2708 = arith.shli %shift_right_arithmetic3A_2705, %shift_left3A_2707 : vector<16xi32>
    %shift_left3A_2709 = arith.constant 17 : i32
    %shift_left3A_2710 = vector.broadcast %shift_left3A_2709 : i32 to vector<16xi32>
    %shift_left3A_2711 = arith.shli %shift_right_arithmetic3A_2705, %shift_left3A_2710 : vector<16xi32>
    %add3A_2712 = arith.addi %shift_left3A_2708, %shift_left3A_2711 : vector<16xi32>
    %and3A_2713 = arith.constant 131071 : i32
    %and3A_2714 = vector.broadcast %and3A_2713 : i32 to vector<16xi32>
    %and3A_2715 = arith.andi %get3A_2702, %and3A_2714 : vector<16xi32>
    %add3A_2716 = arith.addi %add3A_2712, %and3A_2715 : vector<16xi32>
    %add3A_2717 = arith.constant 0 : i32
    %add3A_2718 = vector.broadcast %add3A_2717 : i32 to vector<16xi32>
    %add3A_2719 = arith.addi %add3A_2716, %add3A_2718 : vector<16xi32>
    %swap3A_2720 = arith.constant 5 : i32
    %swap3A_2721 = arith.index_cast %swap3A_2720 : i32 to index
    %swap3A_2722 = arith.constant 80 : index
    %swap3A_2723 = tpu.vector_load %arg11[%swap3A_2721, %swap3A_2722] {strides = array<i32>} : memref<10x256xi32, #tpu.memory_space<vmem>>, vector<16xi32>,
    tpu.vector_store %arg11[%swap3A_2721, %swap3A_2722], %add3A_2719 {strides = array<i32>} : memref<10x256xi32, #tpu.memory_space<vmem>>, vector<16xi32>,
    %add3A_2724 = arith.constant 131072 : i32
    %add3A_2725 = vector.broadcast %add3A_2724 : i32 to vector<16xi32>
    %add3A_2726 = arith.addi %add3A_2716, %add3A_2725 : vector<16xi32>
    %swap3A_2727 = arith.constant 6 : i32
    %swap3A_2728 = arith.index_cast %swap3A_2727 : i32 to index
    %swap3A_2729 = arith.constant 80 : index
    %swap3A_2730 = tpu.vector_load %arg11[%swap3A_2728, %swap3A_2729] {strides = array<i32>} : memref<10x256xi32, #tpu.memory_space<vmem>>, vector<16xi32>,
    tpu.vector_store %arg11[%swap3A_2728, %swap3A_2729], %add3A_2726 {strides = array<i32>} : memref<10x256xi32, #tpu.memory_space<vmem>>, vector<16xi32>,
    %add3A_2731 = arith.constant 262144 : i32
    %add3A_2732 = vector.broadcast %add3A_2731 : i32 to vector<16xi32>
    %add3A_2733 = arith.addi %add3A_2716, %add3A_2732 : vector<16xi32>
    %swap3A_2734 = arith.constant 7 : i32
    %swap3A_2735 = arith.index_cast %swap3A_2734 : i32 to index
    %swap3A_2736 = arith.constant 80 : index
    %swap3A_2737 = tpu.vector_load %arg11[%swap3A_2735, %swap3A_2736] {strides = array<i32>} : memref<10x256xi32, #tpu.memory_space<vmem>>, vector<16xi32>,
    tpu.vector_store %arg11[%swap3A_2735, %swap3A_2736], %add3A_2733 {strides = array<i32>} : memref<10x256xi32, #tpu.memory_space<vmem>>, vector<16xi32>,
    %add3A_2738 = arith.constant 393216 : i32
    %add3A_2739 = vector.broadcast %add3A_2738 : i32 to vector<16xi32>
    %add3A_2740 = arith.addi %add3A_2716, %add3A_2739 : vector<16xi32>
    %swap3A_2741 = arith.constant 8 : i32
    %swap3A_2742 = arith.index_cast %swap3A_2741 : i32 to index
    %swap3A_2743 = arith.constant 80 : index
    %swap3A_2744 = tpu.vector_load %arg11[%swap3A_2742, %swap3A_2743] {strides = array<i32>} : memref<10x256xi32, #tpu.memory_space<vmem>>, vector<16xi32>,
    tpu.vector_store %arg11[%swap3A_2742, %swap3A_2743], %add3A_2740 {strides = array<i32>} : memref<10x256xi32, #tpu.memory_space<vmem>>, vector<16xi32>,
    %add3A_2745 = arith.constant 524288 : i32
    %add3A_2746 = vector.broadcast %add3A_2745 : i32 to vector<16xi32>
    %add3A_2747 = arith.addi %add3A_2716, %add3A_2746 : vector<16xi32>
    %swap3A_2748 = arith.constant 9 : i32
    %swap3A_2749 = arith.index_cast %swap3A_2748 : i32 to index
    %swap3A_2750 = arith.constant 80 : index
    %swap3A_2751 = tpu.vector_load %arg11[%swap3A_2749, %swap3A_2750] {strides = array<i32>} : memref<10x256xi32, #tpu.memory_space<vmem>>, vector<16xi32>,
    tpu.vector_store %arg11[%swap3A_2749, %swap3A_2750], %add3A_2747 {strides = array<i32>} : memref<10x256xi32, #tpu.memory_space<vmem>>, vector<16xi32>,
    %get3A_2752 = arith.constant 352 : index
    %get3A_2753 = tpu.vector_load %arg9[%get3A_2752] {strides = array<i32>} : memref<512xi32, #tpu.memory_space<vmem>>, vector<16xi32>,
    %shift_right_arithmetic3A_2754 = arith.constant 17 : i32
    %shift_right_arithmetic3A_2755 = vector.broadcast %shift_right_arithmetic3A_2754 : i32 to vector<16xi32>
    %shift_right_arithmetic3A_2756 = arith.shrsi %get3A_2753, %shift_right_arithmetic3A_2755 : vector<16xi32>
    %shift_left3A_2757 = arith.constant 19 : i32
    %shift_left3A_2758 = vector.broadcast %shift_left3A_2757 : i32 to vector<16xi32>
    %shift_left3A_2759 = arith.shli %shift_right_arithmetic3A_2756, %shift_left3A_2758 : vector<16xi32>
    %shift_left3A_2760 = arith.constant 17 : i32
    %shift_left3A_2761 = vector.broadcast %shift_left3A_2760 : i32 to vector<16xi32>
    %shift_left3A_2762 = arith.shli %shift_right_arithmetic3A_2756, %shift_left3A_2761 : vector<16xi32>
    %add3A_2763 = arith.addi %shift_left3A_2759, %shift_left3A_2762 : vector<16xi32>
    %and3A_2764 = arith.constant 131071 : i32
    %and3A_2765 = vector.broadcast %and3A_2764 : i32 to vector<16xi32>
    %and3A_2766 = arith.andi %get3A_2753, %and3A_2765 : vector<16xi32>
    %add3A_2767 = arith.addi %add3A_2763, %and3A_2766 : vector<16xi32>
    %add3A_2768 = arith.constant 0 : i32
    %add3A_2769 = vector.broadcast %add3A_2768 : i32 to vector<16xi32>
    %add3A_2770 = arith.addi %add3A_2767, %add3A_2769 : vector<16xi32>
    %swap3A_2771 = arith.constant 5 : i32
    %swap3A_2772 = arith.index_cast %swap3A_2771 : i32 to index
    %swap3A_2773 = arith.constant 96 : index
    %swap3A_2774 = tpu.vector_load %arg11[%swap3A_2772, %swap3A_2773] {strides = array<i32>} : memref<10x256xi32, #tpu.memory_space<vmem>>, vector<16xi32>,
    tpu.vector_store %arg11[%swap3A_2772, %swap3A_2773], %add3A_2770 {strides = array<i32>} : memref<10x256xi32, #tpu.memory_space<vmem>>, vector<16xi32>,
    %add3A_2775 = arith.constant 131072 : i32
    %add3A_2776 = vector.broadcast %add3A_2775 : i32 to vector<16xi32>
    %add3A_2777 = arith.addi %add3A_2767, %add3A_2776 : vector<16xi32>
    %swap3A_2778 = arith.constant 6 : i32
    %swap3A_2779 = arith.index_cast %swap3A_2778 : i32 to index
    %swap3A_2780 = arith.constant 96 : index
    %swap3A_2781 = tpu.vector_load %arg11[%swap3A_2779, %swap3A_2780] {strides = array<i32>} : memref<10x256xi32, #tpu.memory_space<vmem>>, vector<16xi32>,
    tpu.vector_store %arg11[%swap3A_2779, %swap3A_2780], %add3A_2777 {strides = array<i32>} : memref<10x256xi32, #tpu.memory_space<vmem>>, vector<16xi32>,
    %add3A_2782 = arith.constant 262144 : i32
    %add3A_2783 = vector.broadcast %add3A_2782 : i32 to vector<16xi32>
    %add3A_2784 = arith.addi %add3A_2767, %add3A_2783 : vector<16xi32>
    %swap3A_2785 = arith.constant 7 : i32
    %swap3A_2786 = arith.index_cast %swap3A_2785 : i32 to index
    %swap3A_2787 = arith.constant 96 : index
    %swap3A_2788 = tpu.vector_load %arg11[%swap3A_2786, %swap3A_2787] {strides = array<i32>} : memref<10x256xi32, #tpu.memory_space<vmem>>, vector<16xi32>,
    tpu.vector_store %arg11[%swap3A_2786, %swap3A_2787], %add3A_2784 {strides = array<i32>} : memref<10x256xi32, #tpu.memory_space<vmem>>, vector<16xi32>,
    %add3A_2789 = arith.constant 393216 : i32
    %add3A_2790 = vector.broadcast %add3A_2789 : i32 to vector<16xi32>
    %add3A_2791 = arith.addi %add3A_2767, %add3A_2790 : vector<16xi32>
    %swap3A_2792 = arith.constant 8 : i32
    %swap3A_2793 = arith.index_cast %swap3A_2792 : i32 to index
    %swap3A_2794 = arith.constant 96 : index
    %swap3A_2795 = tpu.vector_load %arg11[%swap3A_2793, %swap3A_2794] {strides = array<i32>} : memref<10x256xi32, #tpu.memory_space<vmem>>, vector<16xi32>,
    tpu.vector_store %arg11[%swap3A_2793, %swap3A_2794], %add3A_2791 {strides = array<i32>} : memref<10x256xi32, #tpu.memory_space<vmem>>, vector<16xi32>,
    %add3A_2796 = arith.constant 524288 : i32
    %add3A_2797 = vector.broadcast %add3A_2796 : i32 to vector<16xi32>
    %add3A_2798 = arith.addi %add3A_2767, %add3A_2797 : vector<16xi32>
    %swap3A_2799 = arith.constant 9 : i32
    %swap3A_2800 = arith.index_cast %swap3A_2799 : i32 to index
    %swap3A_2801 = arith.constant 96 : index
    %swap3A_2802 = tpu.vector_load %arg11[%swap3A_2800, %swap3A_2801] {strides = array<i32>} : memref<10x256xi32, #tpu.memory_space<vmem>>, vector<16xi32>,
    tpu.vector_store %arg11[%swap3A_2800, %swap3A_2801], %add3A_2798 {strides = array<i32>} : memref<10x256xi32, #tpu.memory_space<vmem>>, vector<16xi32>,
    %get3A_2803 = arith.constant 368 : index
    %get3A_2804 = tpu.vector_load %arg9[%get3A_2803] {strides = array<i32>} : memref<512xi32, #tpu.memory_space<vmem>>, vector<16xi32>,
    %shift_right_arithmetic3A_2805 = arith.constant 17 : i32
    %shift_right_arithmetic3A_2806 = vector.broadcast %shift_right_arithmetic3A_2805 : i32 to vector<16xi32>
    %shift_right_arithmetic3A_2807 = arith.shrsi %get3A_2804, %shift_right_arithmetic3A_2806 : vector<16xi32>
    %shift_left3A_2808 = arith.constant 19 : i32
    %shift_left3A_2809 = vector.broadcast %shift_left3A_2808 : i32 to vector<16xi32>
    %shift_left3A_2810 = arith.shli %shift_right_arithmetic3A_2807, %shift_left3A_2809 : vector<16xi32>
    %shift_left3A_2811 = arith.constant 17 : i32
    %shift_left3A_2812 = vector.broadcast %shift_left3A_2811 : i32 to vector<16xi32>
    %shift_left3A_2813 = arith.shli %shift_right_arithmetic3A_2807, %shift_left3A_2812 : vector<16xi32>
    %add3A_2814 = arith.addi %shift_left3A_2810, %shift_left3A_2813 : vector<16xi32>
    %and3A_2815 = arith.constant 131071 : i32
    %and3A_2816 = vector.broadcast %and3A_2815 : i32 to vector<16xi32>
    %and3A_2817 = arith.andi %get3A_2804, %and3A_2816 : vector<16xi32>
    %add3A_2818 = arith.addi %add3A_2814, %and3A_2817 : vector<16xi32>
    %add3A_2819 = arith.constant 0 : i32
    %add3A_2820 = vector.broadcast %add3A_2819 : i32 to vector<16xi32>
    %add3A_2821 = arith.addi %add3A_2818, %add3A_2820 : vector<16xi32>
    %swap3A_2822 = arith.constant 5 : i32
    %swap3A_2823 = arith.index_cast %swap3A_2822 : i32 to index
    %swap3A_2824 = arith.constant 112 : index
    %swap3A_2825 = tpu.vector_load %arg11[%swap3A_2823, %swap3A_2824] {strides = array<i32>} : memref<10x256xi32, #tpu.memory_space<vmem>>, vector<16xi32>,
    tpu.vector_store %arg11[%swap3A_2823, %swap3A_2824], %add3A_2821 {strides = array<i32>} : memref<10x256xi32, #tpu.memory_space<vmem>>, vector<16xi32>,
    %add3A_2826 = arith.constant 131072 : i32
    %add3A_2827 = vector.broadcast %add3A_2826 : i32 to vector<16xi32>
    %add3A_2828 = arith.addi %add3A_2818, %add3A_2827 : vector<16xi32>
    %swap3A_2829 = arith.constant 6 : i32
    %swap3A_2830 = arith.index_cast %swap3A_2829 : i32 to index
    %swap3A_2831 = arith.constant 112 : index
    %swap3A_2832 = tpu.vector_load %arg11[%swap3A_2830, %swap3A_2831] {strides = array<i32>} : memref<10x256xi32, #tpu.memory_space<vmem>>, vector<16xi32>,
    tpu.vector_store %arg11[%swap3A_2830, %swap3A_2831], %add3A_2828 {strides = array<i32>} : memref<10x256xi32, #tpu.memory_space<vmem>>, vector<16xi32>,
    %add3A_2833 = arith.constant 262144 : i32
    %add3A_2834 = vector.broadcast %add3A_2833 : i32 to vector<16xi32>
    %add3A_2835 = arith.addi %add3A_2818, %add3A_2834 : vector<16xi32>
    %swap3A_2836 = arith.constant 7 : i32
    %swap3A_2837 = arith.index_cast %swap3A_2836 : i32 to index
    %swap3A_2838 = arith.constant 112 : index
    %swap3A_2839 = tpu.vector_load %arg11[%swap3A_2837, %swap3A_2838] {strides = array<i32>} : memref<10x256xi32, #tpu.memory_space<vmem>>, vector<16xi32>,
    tpu.vector_store %arg11[%swap3A_2837, %swap3A_2838], %add3A_2835 {strides = array<i32>} : memref<10x256xi32, #tpu.memory_space<vmem>>, vector<16xi32>,
    %add3A_2840 = arith.constant 393216 : i32
    %add3A_2841 = vector.broadcast %add3A_2840 : i32 to vector<16xi32>
    %add3A_2842 = arith.addi %add3A_2818, %add3A_2841 : vector<16xi32>
    %swap3A_2843 = arith.constant 8 : i32
    %swap3A_2844 = arith.index_cast %swap3A_2843 : i32 to index
    %swap3A_2845 = arith.constant 112 : index
    %swap3A_2846 = tpu.vector_load %arg11[%swap3A_2844, %swap3A_2845] {strides = array<i32>} : memref<10x256xi32, #tpu.memory_space<vmem>>, vector<16xi32>,
    tpu.vector_store %arg11[%swap3A_2844, %swap3A_2845], %add3A_2842 {strides = array<i32>} : memref<10x256xi32, #tpu.memory_space<vmem>>, vector<16xi32>,
    %add3A_2847 = arith.constant 524288 : i32
    %add3A_2848 = vector.broadcast %add3A_2847 : i32 to vector<16xi32>
    %add3A_2849 = arith.addi %add3A_2818, %add3A_2848 : vector<16xi32>
    %swap3A_2850 = arith.constant 9 : i32
    %swap3A_2851 = arith.index_cast %swap3A_2850 : i32 to index
    %swap3A_2852 = arith.constant 112 : index
    %swap3A_2853 = tpu.vector_load %arg11[%swap3A_2851, %swap3A_2852] {strides = array<i32>} : memref<10x256xi32, #tpu.memory_space<vmem>>, vector<16xi32>,
    tpu.vector_store %arg11[%swap3A_2851, %swap3A_2852], %add3A_2849 {strides = array<i32>} : memref<10x256xi32, #tpu.memory_space<vmem>>, vector<16xi32>,
    %get3A_2854 = arith.constant 384 : index
    %get3A_2855 = tpu.vector_load %arg9[%get3A_2854] {strides = array<i32>} : memref<512xi32, #tpu.memory_space<vmem>>, vector<16xi32>,
    %shift_right_arithmetic3A_2856 = arith.constant 17 : i32
    %shift_right_arithmetic3A_2857 = vector.broadcast %shift_right_arithmetic3A_2856 : i32 to vector<16xi32>
    %shift_right_arithmetic3A_2858 = arith.shrsi %get3A_2855, %shift_right_arithmetic3A_2857 : vector<16xi32>
    %shift_left3A_2859 = arith.constant 19 : i32
    %shift_left3A_2860 = vector.broadcast %shift_left3A_2859 : i32 to vector<16xi32>
    %shift_left3A_2861 = arith.shli %shift_right_arithmetic3A_2858, %shift_left3A_2860 : vector<16xi32>
    %shift_left3A_2862 = arith.constant 17 : i32
    %shift_left3A_2863 = vector.broadcast %shift_left3A_2862 : i32 to vector<16xi32>
    %shift_left3A_2864 = arith.shli %shift_right_arithmetic3A_2858, %shift_left3A_2863 : vector<16xi32>
    %add3A_2865 = arith.addi %shift_left3A_2861, %shift_left3A_2864 : vector<16xi32>
    %and3A_2866 = arith.constant 131071 : i32
    %and3A_2867 = vector.broadcast %and3A_2866 : i32 to vector<16xi32>
    %and3A_2868 = arith.andi %get3A_2855, %and3A_2867 : vector<16xi32>
    %add3A_2869 = arith.addi %add3A_2865, %and3A_2868 : vector<16xi32>
    %add3A_2870 = arith.constant 0 : i32
    %add3A_2871 = vector.broadcast %add3A_2870 : i32 to vector<16xi32>
    %add3A_2872 = arith.addi %add3A_2869, %add3A_2871 : vector<16xi32>
    %swap3A_2873 = arith.constant 5 : i32
    %swap3A_2874 = arith.index_cast %swap3A_2873 : i32 to index
    %swap3A_2875 = arith.constant 128 : index
    %swap3A_2876 = tpu.vector_load %arg11[%swap3A_2874, %swap3A_2875] {strides = array<i32>} : memref<10x256xi32, #tpu.memory_space<vmem>>, vector<16xi32>,
    tpu.vector_store %arg11[%swap3A_2874, %swap3A_2875], %add3A_2872 {strides = array<i32>} : memref<10x256xi32, #tpu.memory_space<vmem>>, vector<16xi32>,
    %add3A_2877 = arith.constant 131072 : i32
    %add3A_2878 = vector.broadcast %add3A_2877 : i32 to vector<16xi32>
    %add3A_2879 = arith.addi %add3A_2869, %add3A_2878 : vector<16xi32>
    %swap3A_2880 = arith.constant 6 : i32
    %swap3A_2881 = arith.index_cast %swap3A_2880 : i32 to index
    %swap3A_2882 = arith.constant 128 : index
    %swap3A_2883 = tpu.vector_load %arg11[%swap3A_2881, %swap3A_2882] {strides = array<i32>} : memref<10x256xi32, #tpu.memory_space<vmem>>, vector<16xi32>,
    tpu.vector_store %arg11[%swap3A_2881, %swap3A_2882], %add3A_2879 {strides = array<i32>} : memref<10x256xi32, #tpu.memory_space<vmem>>, vector<16xi32>,
    %add3A_2884 = arith.constant 262144 : i32
    %add3A_2885 = vector.broadcast %add3A_2884 : i32 to vector<16xi32>
    %add3A_2886 = arith.addi %add3A_2869, %add3A_2885 : vector<16xi32>
    %swap3A_2887 = arith.constant 7 : i32
    %swap3A_2888 = arith.index_cast %swap3A_2887 : i32 to index
    %swap3A_2889 = arith.constant 128 : index
    %swap3A_2890 = tpu.vector_load %arg11[%swap3A_2888, %swap3A_2889] {strides = array<i32>} : memref<10x256xi32, #tpu.memory_space<vmem>>, vector<16xi32>,
    tpu.vector_store %arg11[%swap3A_2888, %swap3A_2889], %add3A_2886 {strides = array<i32>} : memref<10x256xi32, #tpu.memory_space<vmem>>, vector<16xi32>,
    %add3A_2891 = arith.constant 393216 : i32
    %add3A_2892 = vector.broadcast %add3A_2891 : i32 to vector<16xi32>
    %add3A_2893 = arith.addi %add3A_2869, %add3A_2892 : vector<16xi32>
    %swap3A_2894 = arith.constant 8 : i32
    %swap3A_2895 = arith.index_cast %swap3A_2894 : i32 to index
    %swap3A_2896 = arith.constant 128 : index
    %swap3A_2897 = tpu.vector_load %arg11[%swap3A_2895, %swap3A_2896] {strides = array<i32>} : memref<10x256xi32, #tpu.memory_space<vmem>>, vector<16xi32>,
    tpu.vector_store %arg11[%swap3A_2895, %swap3A_2896], %add3A_2893 {strides = array<i32>} : memref<10x256xi32, #tpu.memory_space<vmem>>, vector<16xi32>,
    %add3A_2898 = arith.constant 524288 : i32
    %add3A_2899 = vector.broadcast %add3A_2898 : i32 to vector<16xi32>
    %add3A_2900 = arith.addi %add3A_2869, %add3A_2899 : vector<16xi32>
    %swap3A_2901 = arith.constant 9 : i32
    %swap3A_2902 = arith.index_cast %swap3A_2901 : i32 to index
    %swap3A_2903 = arith.constant 128 : index
    %swap3A_2904 = tpu.vector_load %arg11[%swap3A_2902, %swap3A_2903] {strides = array<i32>} : memref<10x256xi32, #tpu.memory_space<vmem>>, vector<16xi32>,
    tpu.vector_store %arg11[%swap3A_2902, %swap3A_2903], %add3A_2900 {strides = array<i32>} : memref<10x256xi32, #tpu.memory_space<vmem>>, vector<16xi32>,
    %get3A_2905 = arith.constant 400 : index
    %get3A_2906 = tpu.vector_load %arg9[%get3A_2905] {strides = array<i32>} : memref<512xi32, #tpu.memory_space<vmem>>, vector<16xi32>,
    %shift_right_arithmetic3A_2907 = arith.constant 17 : i32
    %shift_right_arithmetic3A_2908 = vector.broadcast %shift_right_arithmetic3A_2907 : i32 to vector<16xi32>
    %shift_right_arithmetic3A_2909 = arith.shrsi %get3A_2906, %shift_right_arithmetic3A_2908 : vector<16xi32>
    %shift_left3A_2910 = arith.constant 19 : i32
    %shift_left3A_2911 = vector.broadcast %shift_left3A_2910 : i32 to vector<16xi32>
    %shift_left3A_2912 = arith.shli %shift_right_arithmetic3A_2909, %shift_left3A_2911 : vector<16xi32>
    %shift_left3A_2913 = arith.constant 17 : i32
    %shift_left3A_2914 = vector.broadcast %shift_left3A_2913 : i32 to vector<16xi32>
    %shift_left3A_2915 = arith.shli %shift_right_arithmetic3A_2909, %shift_left3A_2914 : vector<16xi32>
    %add3A_2916 = arith.addi %shift_left3A_2912, %shift_left3A_2915 : vector<16xi32>
    %and3A_2917 = arith.constant 131071 : i32
    %and3A_2918 = vector.broadcast %and3A_2917 : i32 to vector<16xi32>
    %and3A_2919 = arith.andi %get3A_2906, %and3A_2918 : vector<16xi32>
    %add3A_2920 = arith.addi %add3A_2916, %and3A_2919 : vector<16xi32>
    %add3A_2921 = arith.constant 0 : i32
    %add3A_2922 = vector.broadcast %add3A_2921 : i32 to vector<16xi32>
    %add3A_2923 = arith.addi %add3A_2920, %add3A_2922 : vector<16xi32>
    %swap3A_2924 = arith.constant 5 : i32
    %swap3A_2925 = arith.index_cast %swap3A_2924 : i32 to index
    %swap3A_2926 = arith.constant 144 : index
    %swap3A_2927 = tpu.vector_load %arg11[%swap3A_2925, %swap3A_2926] {strides = array<i32>} : memref<10x256xi32, #tpu.memory_space<vmem>>, vector<16xi32>,
    tpu.vector_store %arg11[%swap3A_2925, %swap3A_2926], %add3A_2923 {strides = array<i32>} : memref<10x256xi32, #tpu.memory_space<vmem>>, vector<16xi32>,
    %add3A_2928 = arith.constant 131072 : i32
    %add3A_2929 = vector.broadcast %add3A_2928 : i32 to vector<16xi32>
    %add3A_2930 = arith.addi %add3A_2920, %add3A_2929 : vector<16xi32>
    %swap3A_2931 = arith.constant 6 : i32
    %swap3A_2932 = arith.index_cast %swap3A_2931 : i32 to index
    %swap3A_2933 = arith.constant 144 : index
    %swap3A_2934 = tpu.vector_load %arg11[%swap3A_2932, %swap3A_2933] {strides = array<i32>} : memref<10x256xi32, #tpu.memory_space<vmem>>, vector<16xi32>,
    tpu.vector_store %arg11[%swap3A_2932, %swap3A_2933], %add3A_2930 {strides = array<i32>} : memref<10x256xi32, #tpu.memory_space<vmem>>, vector<16xi32>,
    %add3A_2935 = arith.constant 262144 : i32
    %add3A_2936 = vector.broadcast %add3A_2935 : i32 to vector<16xi32>
    %add3A_2937 = arith.addi %add3A_2920, %add3A_2936 : vector<16xi32>
    %swap3A_2938 = arith.constant 7 : i32
    %swap3A_2939 = arith.index_cast %swap3A_2938 : i32 to index
    %swap3A_2940 = arith.constant 144 : index
    %swap3A_2941 = tpu.vector_load %arg11[%swap3A_2939, %swap3A_2940] {strides = array<i32>} : memref<10x256xi32, #tpu.memory_space<vmem>>, vector<16xi32>,
    tpu.vector_store %arg11[%swap3A_2939, %swap3A_2940], %add3A_2937 {strides = array<i32>} : memref<10x256xi32, #tpu.memory_space<vmem>>, vector<16xi32>,
    %add3A_2942 = arith.constant 393216 : i32
    %add3A_2943 = vector.broadcast %add3A_2942 : i32 to vector<16xi32>
    %add3A_2944 = arith.addi %add3A_2920, %add3A_2943 : vector<16xi32>
    %swap3A_2945 = arith.constant 8 : i32
    %swap3A_2946 = arith.index_cast %swap3A_2945 : i32 to index
    %swap3A_2947 = arith.constant 144 : index
    %swap3A_2948 = tpu.vector_load %arg11[%swap3A_2946, %swap3A_2947] {strides = array<i32>} : memref<10x256xi32, #tpu.memory_space<vmem>>, vector<16xi32>,
    tpu.vector_store %arg11[%swap3A_2946, %swap3A_2947], %add3A_2944 {strides = array<i32>} : memref<10x256xi32, #tpu.memory_space<vmem>>, vector<16xi32>,
    %add3A_2949 = arith.constant 524288 : i32
    %add3A_2950 = vector.broadcast %add3A_2949 : i32 to vector<16xi32>
    %add3A_2951 = arith.addi %add3A_2920, %add3A_2950 : vector<16xi32>
    %swap3A_2952 = arith.constant 9 : i32
    %swap3A_2953 = arith.index_cast %swap3A_2952 : i32 to index
    %swap3A_2954 = arith.constant 144 : index
    %swap3A_2955 = tpu.vector_load %arg11[%swap3A_2953, %swap3A_2954] {strides = array<i32>} : memref<10x256xi32, #tpu.memory_space<vmem>>, vector<16xi32>,
    tpu.vector_store %arg11[%swap3A_2953, %swap3A_2954], %add3A_2951 {strides = array<i32>} : memref<10x256xi32, #tpu.memory_space<vmem>>, vector<16xi32>,
    %get3A_2956 = arith.constant 416 : index
    %get3A_2957 = tpu.vector_load %arg9[%get3A_2956] {strides = array<i32>} : memref<512xi32, #tpu.memory_space<vmem>>, vector<16xi32>,
    %shift_right_arithmetic3A_2958 = arith.constant 17 : i32
    %shift_right_arithmetic3A_2959 = vector.broadcast %shift_right_arithmetic3A_2958 : i32 to vector<16xi32>
    %shift_right_arithmetic3A_2960 = arith.shrsi %get3A_2957, %shift_right_arithmetic3A_2959 : vector<16xi32>
    %shift_left3A_2961 = arith.constant 19 : i32
    %shift_left3A_2962 = vector.broadcast %shift_left3A_2961 : i32 to vector<16xi32>
    %shift_left3A_2963 = arith.shli %shift_right_arithmetic3A_2960, %shift_left3A_2962 : vector<16xi32>
    %shift_left3A_2964 = arith.constant 17 : i32
    %shift_left3A_2965 = vector.broadcast %shift_left3A_2964 : i32 to vector<16xi32>
    %shift_left3A_2966 = arith.shli %shift_right_arithmetic3A_2960, %shift_left3A_2965 : vector<16xi32>
    %add3A_2967 = arith.addi %shift_left3A_2963, %shift_left3A_2966 : vector<16xi32>
    %and3A_2968 = arith.constant 131071 : i32
    %and3A_2969 = vector.broadcast %and3A_2968 : i32 to vector<16xi32>
    %and3A_2970 = arith.andi %get3A_2957, %and3A_2969 : vector<16xi32>
    %add3A_2971 = arith.addi %add3A_2967, %and3A_2970 : vector<16xi32>
    %add3A_2972 = arith.constant 0 : i32
    %add3A_2973 = vector.broadcast %add3A_2972 : i32 to vector<16xi32>
    %add3A_2974 = arith.addi %add3A_2971, %add3A_2973 : vector<16xi32>
    %swap3A_2975 = arith.constant 5 : i32
    %swap3A_2976 = arith.index_cast %swap3A_2975 : i32 to index
    %swap3A_2977 = arith.constant 160 : index
    %swap3A_2978 = tpu.vector_load %arg11[%swap3A_2976, %swap3A_2977] {strides = array<i32>} : memref<10x256xi32, #tpu.memory_space<vmem>>, vector<16xi32>,
    tpu.vector_store %arg11[%swap3A_2976, %swap3A_2977], %add3A_2974 {strides = array<i32>} : memref<10x256xi32, #tpu.memory_space<vmem>>, vector<16xi32>,
    %add3A_2979 = arith.constant 131072 : i32
    %add3A_2980 = vector.broadcast %add3A_2979 : i32 to vector<16xi32>
    %add3A_2981 = arith.addi %add3A_2971, %add3A_2980 : vector<16xi32>
    %swap3A_2982 = arith.constant 6 : i32
    %swap3A_2983 = arith.index_cast %swap3A_2982 : i32 to index
    %swap3A_2984 = arith.constant 160 : index
    %swap3A_2985 = tpu.vector_load %arg11[%swap3A_2983, %swap3A_2984] {strides = array<i32>} : memref<10x256xi32, #tpu.memory_space<vmem>>, vector<16xi32>,
    tpu.vector_store %arg11[%swap3A_2983, %swap3A_2984], %add3A_2981 {strides = array<i32>} : memref<10x256xi32, #tpu.memory_space<vmem>>, vector<16xi32>,
    %add3A_2986 = arith.constant 262144 : i32
    %add3A_2987 = vector.broadcast %add3A_2986 : i32 to vector<16xi32>
    %add3A_2988 = arith.addi %add3A_2971, %add3A_2987 : vector<16xi32>
    %swap3A_2989 = arith.constant 7 : i32
    %swap3A_2990 = arith.index_cast %swap3A_2989 : i32 to index
    %swap3A_2991 = arith.constant 160 : index
    %swap3A_2992 = tpu.vector_load %arg11[%swap3A_2990, %swap3A_2991] {strides = array<i32>} : memref<10x256xi32, #tpu.memory_space<vmem>>, vector<16xi32>,
    tpu.vector_store %arg11[%swap3A_2990, %swap3A_2991], %add3A_2988 {strides = array<i32>} : memref<10x256xi32, #tpu.memory_space<vmem>>, vector<16xi32>,
    %add3A_2993 = arith.constant 393216 : i32
    %add3A_2994 = vector.broadcast %add3A_2993 : i32 to vector<16xi32>
    %add3A_2995 = arith.addi %add3A_2971, %add3A_2994 : vector<16xi32>
    %swap3A_2996 = arith.constant 8 : i32
    %swap3A_2997 = arith.index_cast %swap3A_2996 : i32 to index
    %swap3A_2998 = arith.constant 160 : index
    %swap3A_2999 = tpu.vector_load %arg11[%swap3A_2997, %swap3A_2998] {strides = array<i32>} : memref<10x256xi32, #tpu.memory_space<vmem>>, vector<16xi32>,
    tpu.vector_store %arg11[%swap3A_2997, %swap3A_2998], %add3A_2995 {strides = array<i32>} : memref<10x256xi32, #tpu.memory_space<vmem>>, vector<16xi32>,
    %add3A_3000 = arith.constant 524288 : i32
    %add3A_3001 = vector.broadcast %add3A_3000 : i32 to vector<16xi32>
    %add3A_3002 = arith.addi %add3A_2971, %add3A_3001 : vector<16xi32>
    %swap3A_3003 = arith.constant 9 : i32
    %swap3A_3004 = arith.index_cast %swap3A_3003 : i32 to index
    %swap3A_3005 = arith.constant 160 : index
    %swap3A_3006 = tpu.vector_load %arg11[%swap3A_3004, %swap3A_3005] {strides = array<i32>} : memref<10x256xi32, #tpu.memory_space<vmem>>, vector<16xi32>,
    tpu.vector_store %arg11[%swap3A_3004, %swap3A_3005], %add3A_3002 {strides = array<i32>} : memref<10x256xi32, #tpu.memory_space<vmem>>, vector<16xi32>,
    %get3A_3007 = arith.constant 432 : index
    %get3A_3008 = tpu.vector_load %arg9[%get3A_3007] {strides = array<i32>} : memref<512xi32, #tpu.memory_space<vmem>>, vector<16xi32>,
    %shift_right_arithmetic3A_3009 = arith.constant 17 : i32
    %shift_right_arithmetic3A_3010 = vector.broadcast %shift_right_arithmetic3A_3009 : i32 to vector<16xi32>
    %shift_right_arithmetic3A_3011 = arith.shrsi %get3A_3008, %shift_right_arithmetic3A_3010 : vector<16xi32>
    %shift_left3A_3012 = arith.constant 19 : i32
    %shift_left3A_3013 = vector.broadcast %shift_left3A_3012 : i32 to vector<16xi32>
    %shift_left3A_3014 = arith.shli %shift_right_arithmetic3A_3011, %shift_left3A_3013 : vector<16xi32>
    %shift_left3A_3015 = arith.constant 17 : i32
    %shift_left3A_3016 = vector.broadcast %shift_left3A_3015 : i32 to vector<16xi32>
    %shift_left3A_3017 = arith.shli %shift_right_arithmetic3A_3011, %shift_left3A_3016 : vector<16xi32>
    %add3A_3018 = arith.addi %shift_left3A_3014, %shift_left3A_3017 : vector<16xi32>
    %and3A_3019 = arith.constant 131071 : i32
    %and3A_3020 = vector.broadcast %and3A_3019 : i32 to vector<16xi32>
    %and3A_3021 = arith.andi %get3A_3008, %and3A_3020 : vector<16xi32>
    %add3A_3022 = arith.addi %add3A_3018, %and3A_3021 : vector<16xi32>
    %add3A_3023 = arith.constant 0 : i32
    %add3A_3024 = vector.broadcast %add3A_3023 : i32 to vector<16xi32>
    %add3A_3025 = arith.addi %add3A_3022, %add3A_3024 : vector<16xi32>
    %swap3A_3026 = arith.constant 5 : i32
    %swap3A_3027 = arith.index_cast %swap3A_3026 : i32 to index
    %swap3A_3028 = arith.constant 176 : index
    %swap3A_3029 = tpu.vector_load %arg11[%swap3A_3027, %swap3A_3028] {strides = array<i32>} : memref<10x256xi32, #tpu.memory_space<vmem>>, vector<16xi32>,
    tpu.vector_store %arg11[%swap3A_3027, %swap3A_3028], %add3A_3025 {strides = array<i32>} : memref<10x256xi32, #tpu.memory_space<vmem>>, vector<16xi32>,
    %add3A_3030 = arith.constant 131072 : i32
    %add3A_3031 = vector.broadcast %add3A_3030 : i32 to vector<16xi32>
    %add3A_3032 = arith.addi %add3A_3022, %add3A_3031 : vector<16xi32>
    %swap3A_3033 = arith.constant 6 : i32
    %swap3A_3034 = arith.index_cast %swap3A_3033 : i32 to index
    %swap3A_3035 = arith.constant 176 : index
    %swap3A_3036 = tpu.vector_load %arg11[%swap3A_3034, %swap3A_3035] {strides = array<i32>} : memref<10x256xi32, #tpu.memory_space<vmem>>, vector<16xi32>,
    tpu.vector_store %arg11[%swap3A_3034, %swap3A_3035], %add3A_3032 {strides = array<i32>} : memref<10x256xi32, #tpu.memory_space<vmem>>, vector<16xi32>,
    %add3A_3037 = arith.constant 262144 : i32
    %add3A_3038 = vector.broadcast %add3A_3037 : i32 to vector<16xi32>
    %add3A_3039 = arith.addi %add3A_3022, %add3A_3038 : vector<16xi32>
    %swap3A_3040 = arith.constant 7 : i32
    %swap3A_3041 = arith.index_cast %swap3A_3040 : i32 to index
    %swap3A_3042 = arith.constant 176 : index
    %swap3A_3043 = tpu.vector_load %arg11[%swap3A_3041, %swap3A_3042] {strides = array<i32>} : memref<10x256xi32, #tpu.memory_space<vmem>>, vector<16xi32>,
    tpu.vector_store %arg11[%swap3A_3041, %swap3A_3042], %add3A_3039 {strides = array<i32>} : memref<10x256xi32, #tpu.memory_space<vmem>>, vector<16xi32>,
    %add3A_3044 = arith.constant 393216 : i32
    %add3A_3045 = vector.broadcast %add3A_3044 : i32 to vector<16xi32>
    %add3A_3046 = arith.addi %add3A_3022, %add3A_3045 : vector<16xi32>
    %swap3A_3047 = arith.constant 8 : i32
    %swap3A_3048 = arith.index_cast %swap3A_3047 : i32 to index
    %swap3A_3049 = arith.constant 176 : index
    %swap3A_3050 = tpu.vector_load %arg11[%swap3A_3048, %swap3A_3049] {strides = array<i32>} : memref<10x256xi32, #tpu.memory_space<vmem>>, vector<16xi32>,
    tpu.vector_store %arg11[%swap3A_3048, %swap3A_3049], %add3A_3046 {strides = array<i32>} : memref<10x256xi32, #tpu.memory_space<vmem>>, vector<16xi32>,
    %add3A_3051 = arith.constant 524288 : i32
    %add3A_3052 = vector.broadcast %add3A_3051 : i32 to vector<16xi32>
    %add3A_3053 = arith.addi %add3A_3022, %add3A_3052 : vector<16xi32>
    %swap3A_3054 = arith.constant 9 : i32
    %swap3A_3055 = arith.index_cast %swap3A_3054 : i32 to index
    %swap3A_3056 = arith.constant 176 : index
    %swap3A_3057 = tpu.vector_load %arg11[%swap3A_3055, %swap3A_3056] {strides = array<i32>} : memref<10x256xi32, #tpu.memory_space<vmem>>, vector<16xi32>,
    tpu.vector_store %arg11[%swap3A_3055, %swap3A_3056], %add3A_3053 {strides = array<i32>} : memref<10x256xi32, #tpu.memory_space<vmem>>, vector<16xi32>,
    %get3A_3058 = arith.constant 448 : index
    %get3A_3059 = tpu.vector_load %arg9[%get3A_3058] {strides = array<i32>} : memref<512xi32, #tpu.memory_space<vmem>>, vector<16xi32>,
    %shift_right_arithmetic3A_3060 = arith.constant 17 : i32
    %shift_right_arithmetic3A_3061 = vector.broadcast %shift_right_arithmetic3A_3060 : i32 to vector<16xi32>
    %shift_right_arithmetic3A_3062 = arith.shrsi %get3A_3059, %shift_right_arithmetic3A_3061 : vector<16xi32>
    %shift_left3A_3063 = arith.constant 19 : i32
    %shift_left3A_3064 = vector.broadcast %shift_left3A_3063 : i32 to vector<16xi32>
    %shift_left3A_3065 = arith.shli %shift_right_arithmetic3A_3062, %shift_left3A_3064 : vector<16xi32>
    %shift_left3A_3066 = arith.constant 17 : i32
    %shift_left3A_3067 = vector.broadcast %shift_left3A_3066 : i32 to vector<16xi32>
    %shift_left3A_3068 = arith.shli %shift_right_arithmetic3A_3062, %shift_left3A_3067 : vector<16xi32>
    %add3A_3069 = arith.addi %shift_left3A_3065, %shift_left3A_3068 : vector<16xi32>
    %and3A_3070 = arith.constant 131071 : i32
    %and3A_3071 = vector.broadcast %and3A_3070 : i32 to vector<16xi32>
    %and3A_3072 = arith.andi %get3A_3059, %and3A_3071 : vector<16xi32>
    %add3A_3073 = arith.addi %add3A_3069, %and3A_3072 : vector<16xi32>
    %add3A_3074 = arith.constant 0 : i32
    %add3A_3075 = vector.broadcast %add3A_3074 : i32 to vector<16xi32>
    %add3A_3076 = arith.addi %add3A_3073, %add3A_3075 : vector<16xi32>
    %swap3A_3077 = arith.constant 5 : i32
    %swap3A_3078 = arith.index_cast %swap3A_3077 : i32 to index
    %swap3A_3079 = arith.constant 192 : index
    %swap3A_3080 = tpu.vector_load %arg11[%swap3A_3078, %swap3A_3079] {strides = array<i32>} : memref<10x256xi32, #tpu.memory_space<vmem>>, vector<16xi32>,
    tpu.vector_store %arg11[%swap3A_3078, %swap3A_3079], %add3A_3076 {strides = array<i32>} : memref<10x256xi32, #tpu.memory_space<vmem>>, vector<16xi32>,
    %add3A_3081 = arith.constant 131072 : i32
    %add3A_3082 = vector.broadcast %add3A_3081 : i32 to vector<16xi32>
    %add3A_3083 = arith.addi %add3A_3073, %add3A_3082 : vector<16xi32>
    %swap3A_3084 = arith.constant 6 : i32
    %swap3A_3085 = arith.index_cast %swap3A_3084 : i32 to index
    %swap3A_3086 = arith.constant 192 : index
    %swap3A_3087 = tpu.vector_load %arg11[%swap3A_3085, %swap3A_3086] {strides = array<i32>} : memref<10x256xi32, #tpu.memory_space<vmem>>, vector<16xi32>,
    tpu.vector_store %arg11[%swap3A_3085, %swap3A_3086], %add3A_3083 {strides = array<i32>} : memref<10x256xi32, #tpu.memory_space<vmem>>, vector<16xi32>,
    %add3A_3088 = arith.constant 262144 : i32
    %add3A_3089 = vector.broadcast %add3A_3088 : i32 to vector<16xi32>
    %add3A_3090 = arith.addi %add3A_3073, %add3A_3089 : vector<16xi32>
    %swap3A_3091 = arith.constant 7 : i32
    %swap3A_3092 = arith.index_cast %swap3A_3091 : i32 to index
    %swap3A_3093 = arith.constant 192 : index
    %swap3A_3094 = tpu.vector_load %arg11[%swap3A_3092, %swap3A_3093] {strides = array<i32>} : memref<10x256xi32, #tpu.memory_space<vmem>>, vector<16xi32>,
    tpu.vector_store %arg11[%swap3A_3092, %swap3A_3093], %add3A_3090 {strides = array<i32>} : memref<10x256xi32, #tpu.memory_space<vmem>>, vector<16xi32>,
    %add3A_3095 = arith.constant 393216 : i32
    %add3A_3096 = vector.broadcast %add3A_3095 : i32 to vector<16xi32>
    %add3A_3097 = arith.addi %add3A_3073, %add3A_3096 : vector<16xi32>
    %swap3A_3098 = arith.constant 8 : i32
    %swap3A_3099 = arith.index_cast %swap3A_3098 : i32 to index
    %swap3A_3100 = arith.constant 192 : index
    %swap3A_3101 = tpu.vector_load %arg11[%swap3A_3099, %swap3A_3100] {strides = array<i32>} : memref<10x256xi32, #tpu.memory_space<vmem>>, vector<16xi32>,
    tpu.vector_store %arg11[%swap3A_3099, %swap3A_3100], %add3A_3097 {strides = array<i32>} : memref<10x256xi32, #tpu.memory_space<vmem>>, vector<16xi32>,
    %add3A_3102 = arith.constant 524288 : i32
    %add3A_3103 = vector.broadcast %add3A_3102 : i32 to vector<16xi32>
    %add3A_3104 = arith.addi %add3A_3073, %add3A_3103 : vector<16xi32>
    %swap3A_3105 = arith.constant 9 : i32
    %swap3A_3106 = arith.index_cast %swap3A_3105 : i32 to index
    %swap3A_3107 = arith.constant 192 : index
    %swap3A_3108 = tpu.vector_load %arg11[%swap3A_3106, %swap3A_3107] {strides = array<i32>} : memref<10x256xi32, #tpu.memory_space<vmem>>, vector<16xi32>,
    tpu.vector_store %arg11[%swap3A_3106, %swap3A_3107], %add3A_3104 {strides = array<i32>} : memref<10x256xi32, #tpu.memory_space<vmem>>, vector<16xi32>,
    %get3A_3109 = arith.constant 464 : index
    %get3A_3110 = tpu.vector_load %arg9[%get3A_3109] {strides = array<i32>} : memref<512xi32, #tpu.memory_space<vmem>>, vector<16xi32>,
    %shift_right_arithmetic3A_3111 = arith.constant 17 : i32
    %shift_right_arithmetic3A_3112 = vector.broadcast %shift_right_arithmetic3A_3111 : i32 to vector<16xi32>
    %shift_right_arithmetic3A_3113 = arith.shrsi %get3A_3110, %shift_right_arithmetic3A_3112 : vector<16xi32>
    %shift_left3A_3114 = arith.constant 19 : i32
    %shift_left3A_3115 = vector.broadcast %shift_left3A_3114 : i32 to vector<16xi32>
    %shift_left3A_3116 = arith.shli %shift_right_arithmetic3A_3113, %shift_left3A_3115 : vector<16xi32>
    %shift_left3A_3117 = arith.constant 17 : i32
    %shift_left3A_3118 = vector.broadcast %shift_left3A_3117 : i32 to vector<16xi32>
    %shift_left3A_3119 = arith.shli %shift_right_arithmetic3A_3113, %shift_left3A_3118 : vector<16xi32>
    %add3A_3120 = arith.addi %shift_left3A_3116, %shift_left3A_3119 : vector<16xi32>
    %and3A_3121 = arith.constant 131071 : i32
    %and3A_3122 = vector.broadcast %and3A_3121 : i32 to vector<16xi32>
    %and3A_3123 = arith.andi %get3A_3110, %and3A_3122 : vector<16xi32>
    %add3A_3124 = arith.addi %add3A_3120, %and3A_3123 : vector<16xi32>
    %add3A_3125 = arith.constant 0 : i32
    %add3A_3126 = vector.broadcast %add3A_3125 : i32 to vector<16xi32>
    %add3A_3127 = arith.addi %add3A_3124, %add3A_3126 : vector<16xi32>
    %swap3A_3128 = arith.constant 5 : i32
    %swap3A_3129 = arith.index_cast %swap3A_3128 : i32 to index
    %swap3A_3130 = arith.constant 208 : index
    %swap3A_3131 = tpu.vector_load %arg11[%swap3A_3129, %swap3A_3130] {strides = array<i32>} : memref<10x256xi32, #tpu.memory_space<vmem>>, vector<16xi32>,
    tpu.vector_store %arg11[%swap3A_3129, %swap3A_3130], %add3A_3127 {strides = array<i32>} : memref<10x256xi32, #tpu.memory_space<vmem>>, vector<16xi32>,
    %add3A_3132 = arith.constant 131072 : i32
    %add3A_3133 = vector.broadcast %add3A_3132 : i32 to vector<16xi32>
    %add3A_3134 = arith.addi %add3A_3124, %add3A_3133 : vector<16xi32>
    %swap3A_3135 = arith.constant 6 : i32
    %swap3A_3136 = arith.index_cast %swap3A_3135 : i32 to index
    %swap3A_3137 = arith.constant 208 : index
    %swap3A_3138 = tpu.vector_load %arg11[%swap3A_3136, %swap3A_3137] {strides = array<i32>} : memref<10x256xi32, #tpu.memory_space<vmem>>, vector<16xi32>,
    tpu.vector_store %arg11[%swap3A_3136, %swap3A_3137], %add3A_3134 {strides = array<i32>} : memref<10x256xi32, #tpu.memory_space<vmem>>, vector<16xi32>,
    %add3A_3139 = arith.constant 262144 : i32
    %add3A_3140 = vector.broadcast %add3A_3139 : i32 to vector<16xi32>
    %add3A_3141 = arith.addi %add3A_3124, %add3A_3140 : vector<16xi32>
    %swap3A_3142 = arith.constant 7 : i32
    %swap3A_3143 = arith.index_cast %swap3A_3142 : i32 to index
    %swap3A_3144 = arith.constant 208 : index
    %swap3A_3145 = tpu.vector_load %arg11[%swap3A_3143, %swap3A_3144] {strides = array<i32>} : memref<10x256xi32, #tpu.memory_space<vmem>>, vector<16xi32>,
    tpu.vector_store %arg11[%swap3A_3143, %swap3A_3144], %add3A_3141 {strides = array<i32>} : memref<10x256xi32, #tpu.memory_space<vmem>>, vector<16xi32>,
    %add3A_3146 = arith.constant 393216 : i32
    %add3A_3147 = vector.broadcast %add3A_3146 : i32 to vector<16xi32>
    %add3A_3148 = arith.addi %add3A_3124, %add3A_3147 : vector<16xi32>
    %swap3A_3149 = arith.constant 8 : i32
    %swap3A_3150 = arith.index_cast %swap3A_3149 : i32 to index
    %swap3A_3151 = arith.constant 208 : index
    %swap3A_3152 = tpu.vector_load %arg11[%swap3A_3150, %swap3A_3151] {strides = array<i32>} : memref<10x256xi32, #tpu.memory_space<vmem>>, vector<16xi32>,
    tpu.vector_store %arg11[%swap3A_3150, %swap3A_3151], %add3A_3148 {strides = array<i32>} : memref<10x256xi32, #tpu.memory_space<vmem>>, vector<16xi32>,
    %add3A_3153 = arith.constant 524288 : i32
    %add3A_3154 = vector.broadcast %add3A_3153 : i32 to vector<16xi32>
    %add3A_3155 = arith.addi %add3A_3124, %add3A_3154 : vector<16xi32>
    %swap3A_3156 = arith.constant 9 : i32
    %swap3A_3157 = arith.index_cast %swap3A_3156 : i32 to index
    %swap3A_3158 = arith.constant 208 : index
    %swap3A_3159 = tpu.vector_load %arg11[%swap3A_3157, %swap3A_3158] {strides = array<i32>} : memref<10x256xi32, #tpu.memory_space<vmem>>, vector<16xi32>,
    tpu.vector_store %arg11[%swap3A_3157, %swap3A_3158], %add3A_3155 {strides = array<i32>} : memref<10x256xi32, #tpu.memory_space<vmem>>, vector<16xi32>,
    %get3A_3160 = arith.constant 480 : index
    %get3A_3161 = tpu.vector_load %arg9[%get3A_3160] {strides = array<i32>} : memref<512xi32, #tpu.memory_space<vmem>>, vector<16xi32>,
    %shift_right_arithmetic3A_3162 = arith.constant 17 : i32
    %shift_right_arithmetic3A_3163 = vector.broadcast %shift_right_arithmetic3A_3162 : i32 to vector<16xi32>
    %shift_right_arithmetic3A_3164 = arith.shrsi %get3A_3161, %shift_right_arithmetic3A_3163 : vector<16xi32>
    %shift_left3A_3165 = arith.constant 19 : i32
    %shift_left3A_3166 = vector.broadcast %shift_left3A_3165 : i32 to vector<16xi32>
    %shift_left3A_3167 = arith.shli %shift_right_arithmetic3A_3164, %shift_left3A_3166 : vector<16xi32>
    %shift_left3A_3168 = arith.constant 17 : i32
    %shift_left3A_3169 = vector.broadcast %shift_left3A_3168 : i32 to vector<16xi32>
    %shift_left3A_3170 = arith.shli %shift_right_arithmetic3A_3164, %shift_left3A_3169 : vector<16xi32>
    %add3A_3171 = arith.addi %shift_left3A_3167, %shift_left3A_3170 : vector<16xi32>
    %and3A_3172 = arith.constant 131071 : i32
    %and3A_3173 = vector.broadcast %and3A_3172 : i32 to vector<16xi32>
    %and3A_3174 = arith.andi %get3A_3161, %and3A_3173 : vector<16xi32>
    %add3A_3175 = arith.addi %add3A_3171, %and3A_3174 : vector<16xi32>
    %add3A_3176 = arith.constant 0 : i32
    %add3A_3177 = vector.broadcast %add3A_3176 : i32 to vector<16xi32>
    %add3A_3178 = arith.addi %add3A_3175, %add3A_3177 : vector<16xi32>
    %swap3A_3179 = arith.constant 5 : i32
    %swap3A_3180 = arith.index_cast %swap3A_3179 : i32 to index
    %swap3A_3181 = arith.constant 224 : index
    %swap3A_3182 = tpu.vector_load %arg11[%swap3A_3180, %swap3A_3181] {strides = array<i32>} : memref<10x256xi32, #tpu.memory_space<vmem>>, vector<16xi32>,
    tpu.vector_store %arg11[%swap3A_3180, %swap3A_3181], %add3A_3178 {strides = array<i32>} : memref<10x256xi32, #tpu.memory_space<vmem>>, vector<16xi32>,
    %add3A_3183 = arith.constant 131072 : i32
    %add3A_3184 = vector.broadcast %add3A_3183 : i32 to vector<16xi32>
    %add3A_3185 = arith.addi %add3A_3175, %add3A_3184 : vector<16xi32>
    %swap3A_3186 = arith.constant 6 : i32
    %swap3A_3187 = arith.index_cast %swap3A_3186 : i32 to index
    %swap3A_3188 = arith.constant 224 : index
    %swap3A_3189 = tpu.vector_load %arg11[%swap3A_3187, %swap3A_3188] {strides = array<i32>} : memref<10x256xi32, #tpu.memory_space<vmem>>, vector<16xi32>,
    tpu.vector_store %arg11[%swap3A_3187, %swap3A_3188], %add3A_3185 {strides = array<i32>} : memref<10x256xi32, #tpu.memory_space<vmem>>, vector<16xi32>,
    %add3A_3190 = arith.constant 262144 : i32
    %add3A_3191 = vector.broadcast %add3A_3190 : i32 to vector<16xi32>
    %add3A_3192 = arith.addi %add3A_3175, %add3A_3191 : vector<16xi32>
    %swap3A_3193 = arith.constant 7 : i32
    %swap3A_3194 = arith.index_cast %swap3A_3193 : i32 to index
    %swap3A_3195 = arith.constant 224 : index
    %swap3A_3196 = tpu.vector_load %arg11[%swap3A_3194, %swap3A_3195] {strides = array<i32>} : memref<10x256xi32, #tpu.memory_space<vmem>>, vector<16xi32>,
    tpu.vector_store %arg11[%swap3A_3194, %swap3A_3195], %add3A_3192 {strides = array<i32>} : memref<10x256xi32, #tpu.memory_space<vmem>>, vector<16xi32>,
    %add3A_3197 = arith.constant 393216 : i32
    %add3A_3198 = vector.broadcast %add3A_3197 : i32 to vector<16xi32>
    %add3A_3199 = arith.addi %add3A_3175, %add3A_3198 : vector<16xi32>
    %swap3A_3200 = arith.constant 8 : i32
    %swap3A_3201 = arith.index_cast %swap3A_3200 : i32 to index
    %swap3A_3202 = arith.constant 224 : index
    %swap3A_3203 = tpu.vector_load %arg11[%swap3A_3201, %swap3A_3202] {strides = array<i32>} : memref<10x256xi32, #tpu.memory_space<vmem>>, vector<16xi32>,
    tpu.vector_store %arg11[%swap3A_3201, %swap3A_3202], %add3A_3199 {strides = array<i32>} : memref<10x256xi32, #tpu.memory_space<vmem>>, vector<16xi32>,
    %add3A_3204 = arith.constant 524288 : i32
    %add3A_3205 = vector.broadcast %add3A_3204 : i32 to vector<16xi32>
    %add3A_3206 = arith.addi %add3A_3175, %add3A_3205 : vector<16xi32>
    %swap3A_3207 = arith.constant 9 : i32
    %swap3A_3208 = arith.index_cast %swap3A_3207 : i32 to index
    %swap3A_3209 = arith.constant 224 : index
    %swap3A_3210 = tpu.vector_load %arg11[%swap3A_3208, %swap3A_3209] {strides = array<i32>} : memref<10x256xi32, #tpu.memory_space<vmem>>, vector<16xi32>,
    tpu.vector_store %arg11[%swap3A_3208, %swap3A_3209], %add3A_3206 {strides = array<i32>} : memref<10x256xi32, #tpu.memory_space<vmem>>, vector<16xi32>,
    %get3A_3211 = arith.constant 496 : index
    %get3A_3212 = tpu.vector_load %arg9[%get3A_3211] {strides = array<i32>} : memref<512xi32, #tpu.memory_space<vmem>>, vector<16xi32>,
    %shift_right_arithmetic3A_3213 = arith.constant 17 : i32
    %shift_right_arithmetic3A_3214 = vector.broadcast %shift_right_arithmetic3A_3213 : i32 to vector<16xi32>
    %shift_right_arithmetic3A_3215 = arith.shrsi %get3A_3212, %shift_right_arithmetic3A_3214 : vector<16xi32>
    %shift_left3A_3216 = arith.constant 19 : i32
    %shift_left3A_3217 = vector.broadcast %shift_left3A_3216 : i32 to vector<16xi32>
    %shift_left3A_3218 = arith.shli %shift_right_arithmetic3A_3215, %shift_left3A_3217 : vector<16xi32>
    %shift_left3A_3219 = arith.constant 17 : i32
    %shift_left3A_3220 = vector.broadcast %shift_left3A_3219 : i32 to vector<16xi32>
    %shift_left3A_3221 = arith.shli %shift_right_arithmetic3A_3215, %shift_left3A_3220 : vector<16xi32>
    %add3A_3222 = arith.addi %shift_left3A_3218, %shift_left3A_3221 : vector<16xi32>
    %and3A_3223 = arith.constant 131071 : i32
    %and3A_3224 = vector.broadcast %and3A_3223 : i32 to vector<16xi32>
    %and3A_3225 = arith.andi %get3A_3212, %and3A_3224 : vector<16xi32>
    %add3A_3226 = arith.addi %add3A_3222, %and3A_3225 : vector<16xi32>
    %add3A_3227 = arith.constant 0 : i32
    %add3A_3228 = vector.broadcast %add3A_3227 : i32 to vector<16xi32>
    %add3A_3229 = arith.addi %add3A_3226, %add3A_3228 : vector<16xi32>
    %swap3A_3230 = arith.constant 5 : i32
    %swap3A_3231 = arith.index_cast %swap3A_3230 : i32 to index
    %swap3A_3232 = arith.constant 240 : index
    %swap3A_3233 = tpu.vector_load %arg11[%swap3A_3231, %swap3A_3232] {strides = array<i32>} : memref<10x256xi32, #tpu.memory_space<vmem>>, vector<16xi32>,
    tpu.vector_store %arg11[%swap3A_3231, %swap3A_3232], %add3A_3229 {strides = array<i32>} : memref<10x256xi32, #tpu.memory_space<vmem>>, vector<16xi32>,
    %add3A_3234 = arith.constant 131072 : i32
    %add3A_3235 = vector.broadcast %add3A_3234 : i32 to vector<16xi32>
    %add3A_3236 = arith.addi %add3A_3226, %add3A_3235 : vector<16xi32>
    %swap3A_3237 = arith.constant 6 : i32
    %swap3A_3238 = arith.index_cast %swap3A_3237 : i32 to index
    %swap3A_3239 = arith.constant 240 : index
    %swap3A_3240 = tpu.vector_load %arg11[%swap3A_3238, %swap3A_3239] {strides = array<i32>} : memref<10x256xi32, #tpu.memory_space<vmem>>, vector<16xi32>,
    tpu.vector_store %arg11[%swap3A_3238, %swap3A_3239], %add3A_3236 {strides = array<i32>} : memref<10x256xi32, #tpu.memory_space<vmem>>, vector<16xi32>,
    %add3A_3241 = arith.constant 262144 : i32
    %add3A_3242 = vector.broadcast %add3A_3241 : i32 to vector<16xi32>
    %add3A_3243 = arith.addi %add3A_3226, %add3A_3242 : vector<16xi32>
    %swap3A_3244 = arith.constant 7 : i32
    %swap3A_3245 = arith.index_cast %swap3A_3244 : i32 to index
    %swap3A_3246 = arith.constant 240 : index
    %swap3A_3247 = tpu.vector_load %arg11[%swap3A_3245, %swap3A_3246] {strides = array<i32>} : memref<10x256xi32, #tpu.memory_space<vmem>>, vector<16xi32>,
    tpu.vector_store %arg11[%swap3A_3245, %swap3A_3246], %add3A_3243 {strides = array<i32>} : memref<10x256xi32, #tpu.memory_space<vmem>>, vector<16xi32>,
    %add3A_3248 = arith.constant 393216 : i32
    %add3A_3249 = vector.broadcast %add3A_3248 : i32 to vector<16xi32>
    %add3A_3250 = arith.addi %add3A_3226, %add3A_3249 : vector<16xi32>
    %swap3A_3251 = arith.constant 8 : i32
    %swap3A_3252 = arith.index_cast %swap3A_3251 : i32 to index
    %swap3A_3253 = arith.constant 240 : index
    %swap3A_3254 = tpu.vector_load %arg11[%swap3A_3252, %swap3A_3253] {strides = array<i32>} : memref<10x256xi32, #tpu.memory_space<vmem>>, vector<16xi32>,
    tpu.vector_store %arg11[%swap3A_3252, %swap3A_3253], %add3A_3250 {strides = array<i32>} : memref<10x256xi32, #tpu.memory_space<vmem>>, vector<16xi32>,
    %add3A_3255 = arith.constant 524288 : i32
    %add3A_3256 = vector.broadcast %add3A_3255 : i32 to vector<16xi32>
    %add3A_3257 = arith.addi %add3A_3226, %add3A_3256 : vector<16xi32>
    %swap3A_3258 = arith.constant 9 : i32
    %swap3A_3259 = arith.index_cast %swap3A_3258 : i32 to index
    %swap3A_3260 = arith.constant 240 : index
    %swap3A_3261 = tpu.vector_load %arg11[%swap3A_3259, %swap3A_3260] {strides = array<i32>} : memref<10x256xi32, #tpu.memory_space<vmem>>, vector<16xi32>,
    tpu.vector_store %arg11[%swap3A_3259, %swap3A_3260], %add3A_3257 {strides = array<i32>} : memref<10x256xi32, #tpu.memory_space<vmem>>, vector<16xi32>,
    %dma_start3A = arith.constant 0 : i32
    %dma_start3A_3262 = arith.constant 0 : i32
    %dma_start3A_3263 = arith.constant 0 : i32
    %dma_start3A_3264 = tpu.memref_slice %arg12[%dma_start3A_3262, %dma_start3A_3263] : memref<5x512xi32, #tpu.memory_space<vmem>> -> memref<1x256xi32, #tpu.memory_space<vmem>>
    %dma_start3A_3265 = tpu.memref_squeeze %dma_start3A_3264 : memref<1x256xi32, #tpu.memory_space<vmem>> -> memref<256xi32, #tpu.memory_space<vmem>>
    %dma_start3A_3266 = arith.constant 0 : i32
    %dma_start3A_3267 = tpu.memref_slice %arg10[%dma_start3A, %dma_start3A_3266] : memref<10x256xi32, #tpu.memory_space<vmem>> -> memref<1x256xi32, #tpu.memory_space<vmem>>
    %dma_start3A_3268 = tpu.memref_squeeze %dma_start3A_3267 : memref<1x256xi32, #tpu.memory_space<vmem>> -> memref<256xi32, #tpu.memory_space<vmem>>
    %dma_start3A_3269 = arith.constant 0 : i32
    %dma_start3A_3270 = tpu.memref_slice %arg4[%dma_start3A_3269] : memref<5242880xi32, #tpu.memory_space<hbm>> -> memref<5242880xi32, #tpu.memory_space<hbm>>
    tpu.enqueue_indirect_dma source(%dma_start3A_3270 : memref<5242880xi32, #tpu.memory_space<hbm>>) target(%dma_start3A_3265 : memref<256xi32, #tpu.memory_space<vmem>>) offsets(%dma_start3A_3268 : memref<256xi32, #tpu.memory_space<vmem>>) semaphore(%arg14 : memref<!tpu.dma_semaphore, #tpu.memory_space<semaphore_mem>>)
    %dma_start3A_3271 = arith.constant 0 : i32
    %dma_start3A_3272 = arith.constant 0 : i32
    %dma_start3A_3273 = arith.constant 0 : i32
    %dma_start3A_3274 = tpu.memref_slice %arg13[%dma_start3A_3272, %dma_start3A_3273] : memref<5x512xi32, #tpu.memory_space<vmem>> -> memref<1x256xi32, #tpu.memory_space<vmem>>
    %dma_start3A_3275 = tpu.memref_squeeze %dma_start3A_3274 : memref<1x256xi32, #tpu.memory_space<vmem>> -> memref<256xi32, #tpu.memory_space<vmem>>
    %dma_start3A_3276 = arith.constant 0 : i32
    %dma_start3A_3277 = tpu.memref_slice %arg11[%dma_start3A_3271, %dma_start3A_3276] : memref<10x256xi32, #tpu.memory_space<vmem>> -> memref<1x256xi32, #tpu.memory_space<vmem>>
    %dma_start3A_3278 = tpu.memref_squeeze %dma_start3A_3277 : memref<1x256xi32, #tpu.memory_space<vmem>> -> memref<256xi32, #tpu.memory_space<vmem>>
    %dma_start3A_3279 = arith.constant 0 : i32
    %dma_start3A_3280 = tpu.memref_slice %arg5[%dma_start3A_3279] : memref<655360xi32, #tpu.memory_space<hbm>> -> memref<655360xi32, #tpu.memory_space<hbm>>
    tpu.enqueue_indirect_dma source(%dma_start3A_3280 : memref<655360xi32, #tpu.memory_space<hbm>>) target(%dma_start3A_3275 : memref<256xi32, #tpu.memory_space<vmem>>) offsets(%dma_start3A_3278 : memref<256xi32, #tpu.memory_space<vmem>>) semaphore(%arg14 : memref<!tpu.dma_semaphore, #tpu.memory_space<semaphore_mem>>)
    %dma_start3A_3281 = arith.constant 1 : i32
    %dma_start3A_3282 = arith.constant 1 : i32
    %dma_start3A_3283 = arith.constant 0 : i32
    %dma_start3A_3284 = tpu.memref_slice %arg12[%dma_start3A_3282, %dma_start3A_3283] : memref<5x512xi32, #tpu.memory_space<vmem>> -> memref<1x256xi32, #tpu.memory_space<vmem>>
    %dma_start3A_3285 = tpu.memref_squeeze %dma_start3A_3284 : memref<1x256xi32, #tpu.memory_space<vmem>> -> memref<256xi32, #tpu.memory_space<vmem>>
    %dma_start3A_3286 = arith.constant 0 : i32
    %dma_start3A_3287 = tpu.memref_slice %arg10[%dma_start3A_3281, %dma_start3A_3286] : memref<10x256xi32, #tpu.memory_space<vmem>> -> memref<1x256xi32, #tpu.memory_space<vmem>>
    %dma_start3A_3288 = tpu.memref_squeeze %dma_start3A_3287 : memref<1x256xi32, #tpu.memory_space<vmem>> -> memref<256xi32, #tpu.memory_space<vmem>>
    %dma_start3A_3289 = arith.constant 0 : i32
    %dma_start3A_3290 = tpu.memref_slice %arg4[%dma_start3A_3289] : memref<5242880xi32, #tpu.memory_space<hbm>> -> memref<5242880xi32, #tpu.memory_space<hbm>>
    tpu.enqueue_indirect_dma source(%dma_start3A_3290 : memref<5242880xi32, #tpu.memory_space<hbm>>) target(%dma_start3A_3285 : memref<256xi32, #tpu.memory_space<vmem>>) offsets(%dma_start3A_3288 : memref<256xi32, #tpu.memory_space<vmem>>) semaphore(%arg14 : memref<!tpu.dma_semaphore, #tpu.memory_space<semaphore_mem>>)
    %dma_start3A_3291 = arith.constant 1 : i32
    %dma_start3A_3292 = arith.constant 1 : i32
    %dma_start3A_3293 = arith.constant 0 : i32
    %dma_start3A_3294 = tpu.memref_slice %arg13[%dma_start3A_3292, %dma_start3A_3293] : memref<5x512xi32, #tpu.memory_space<vmem>> -> memref<1x256xi32, #tpu.memory_space<vmem>>
    %dma_start3A_3295 = tpu.memref_squeeze %dma_start3A_3294 : memref<1x256xi32, #tpu.memory_space<vmem>> -> memref<256xi32, #tpu.memory_space<vmem>>
    %dma_start3A_3296 = arith.constant 0 : i32
    %dma_start3A_3297 = tpu.memref_slice %arg11[%dma_start3A_3291, %dma_start3A_3296] : memref<10x256xi32, #tpu.memory_space<vmem>> -> memref<1x256xi32, #tpu.memory_space<vmem>>
    %dma_start3A_3298 = tpu.memref_squeeze %dma_start3A_3297 : memref<1x256xi32, #tpu.memory_space<vmem>> -> memref<256xi32, #tpu.memory_space<vmem>>
    %dma_start3A_3299 = arith.constant 0 : i32
    %dma_start3A_3300 = tpu.memref_slice %arg5[%dma_start3A_3299] : memref<655360xi32, #tpu.memory_space<hbm>> -> memref<655360xi32, #tpu.memory_space<hbm>>
    tpu.enqueue_indirect_dma source(%dma_start3A_3300 : memref<655360xi32, #tpu.memory_space<hbm>>) target(%dma_start3A_3295 : memref<256xi32, #tpu.memory_space<vmem>>) offsets(%dma_start3A_3298 : memref<256xi32, #tpu.memory_space<vmem>>) semaphore(%arg14 : memref<!tpu.dma_semaphore, #tpu.memory_space<semaphore_mem>>)
    %dma_start3A_3301 = arith.constant 2 : i32
    %dma_start3A_3302 = arith.constant 2 : i32
    %dma_start3A_3303 = arith.constant 0 : i32
    %dma_start3A_3304 = tpu.memref_slice %arg12[%dma_start3A_3302, %dma_start3A_3303] : memref<5x512xi32, #tpu.memory_space<vmem>> -> memref<1x256xi32, #tpu.memory_space<vmem>>
    %dma_start3A_3305 = tpu.memref_squeeze %dma_start3A_3304 : memref<1x256xi32, #tpu.memory_space<vmem>> -> memref<256xi32, #tpu.memory_space<vmem>>
    %dma_start3A_3306 = arith.constant 0 : i32
    %dma_start3A_3307 = tpu.memref_slice %arg10[%dma_start3A_3301, %dma_start3A_3306] : memref<10x256xi32, #tpu.memory_space<vmem>> -> memref<1x256xi32, #tpu.memory_space<vmem>>
    %dma_start3A_3308 = tpu.memref_squeeze %dma_start3A_3307 : memref<1x256xi32, #tpu.memory_space<vmem>> -> memref<256xi32, #tpu.memory_space<vmem>>
    %dma_start3A_3309 = arith.constant 0 : i32
    %dma_start3A_3310 = tpu.memref_slice %arg4[%dma_start3A_3309] : memref<5242880xi32, #tpu.memory_space<hbm>> -> memref<5242880xi32, #tpu.memory_space<hbm>>
    tpu.enqueue_indirect_dma source(%dma_start3A_3310 : memref<5242880xi32, #tpu.memory_space<hbm>>) target(%dma_start3A_3305 : memref<256xi32, #tpu.memory_space<vmem>>) offsets(%dma_start3A_3308 : memref<256xi32, #tpu.memory_space<vmem>>) semaphore(%arg14 : memref<!tpu.dma_semaphore, #tpu.memory_space<semaphore_mem>>)
    %dma_start3A_3311 = arith.constant 2 : i32
    %dma_start3A_3312 = arith.constant 2 : i32
    %dma_start3A_3313 = arith.constant 0 : i32
    %dma_start3A_3314 = tpu.memref_slice %arg13[%dma_start3A_3312, %dma_start3A_3313] : memref<5x512xi32, #tpu.memory_space<vmem>> -> memref<1x256xi32, #tpu.memory_space<vmem>>
    %dma_start3A_3315 = tpu.memref_squeeze %dma_start3A_3314 : memref<1x256xi32, #tpu.memory_space<vmem>> -> memref<256xi32, #tpu.memory_space<vmem>>
    %dma_start3A_3316 = arith.constant 0 : i32
    %dma_start3A_3317 = tpu.memref_slice %arg11[%dma_start3A_3311, %dma_start3A_3316] : memref<10x256xi32, #tpu.memory_space<vmem>> -> memref<1x256xi32, #tpu.memory_space<vmem>>
    %dma_start3A_3318 = tpu.memref_squeeze %dma_start3A_3317 : memref<1x256xi32, #tpu.memory_space<vmem>> -> memref<256xi32, #tpu.memory_space<vmem>>
    %dma_start3A_3319 = arith.constant 0 : i32
    %dma_start3A_3320 = tpu.memref_slice %arg5[%dma_start3A_3319] : memref<655360xi32, #tpu.memory_space<hbm>> -> memref<655360xi32, #tpu.memory_space<hbm>>
    tpu.enqueue_indirect_dma source(%dma_start3A_3320 : memref<655360xi32, #tpu.memory_space<hbm>>) target(%dma_start3A_3315 : memref<256xi32, #tpu.memory_space<vmem>>) offsets(%dma_start3A_3318 : memref<256xi32, #tpu.memory_space<vmem>>) semaphore(%arg14 : memref<!tpu.dma_semaphore, #tpu.memory_space<semaphore_mem>>)
    %dma_start3A_3321 = arith.constant 3 : i32
    %dma_start3A_3322 = arith.constant 3 : i32
    %dma_start3A_3323 = arith.constant 0 : i32
    %dma_start3A_3324 = tpu.memref_slice %arg12[%dma_start3A_3322, %dma_start3A_3323] : memref<5x512xi32, #tpu.memory_space<vmem>> -> memref<1x256xi32, #tpu.memory_space<vmem>>
    %dma_start3A_3325 = tpu.memref_squeeze %dma_start3A_3324 : memref<1x256xi32, #tpu.memory_space<vmem>> -> memref<256xi32, #tpu.memory_space<vmem>>
    %dma_start3A_3326 = arith.constant 0 : i32
    %dma_start3A_3327 = tpu.memref_slice %arg10[%dma_start3A_3321, %dma_start3A_3326] : memref<10x256xi32, #tpu.memory_space<vmem>> -> memref<1x256xi32, #tpu.memory_space<vmem>>
    %dma_start3A_3328 = tpu.memref_squeeze %dma_start3A_3327 : memref<1x256xi32, #tpu.memory_space<vmem>> -> memref<256xi32, #tpu.memory_space<vmem>>
    %dma_start3A_3329 = arith.constant 0 : i32
    %dma_start3A_3330 = tpu.memref_slice %arg4[%dma_start3A_3329] : memref<5242880xi32, #tpu.memory_space<hbm>> -> memref<5242880xi32, #tpu.memory_space<hbm>>
    tpu.enqueue_indirect_dma source(%dma_start3A_3330 : memref<5242880xi32, #tpu.memory_space<hbm>>) target(%dma_start3A_3325 : memref<256xi32, #tpu.memory_space<vmem>>) offsets(%dma_start3A_3328 : memref<256xi32, #tpu.memory_space<vmem>>) semaphore(%arg14 : memref<!tpu.dma_semaphore, #tpu.memory_space<semaphore_mem>>)
    %dma_start3A_3331 = arith.constant 3 : i32
    %dma_start3A_3332 = arith.constant 3 : i32
    %dma_start3A_3333 = arith.constant 0 : i32
    %dma_start3A_3334 = tpu.memref_slice %arg13[%dma_start3A_3332, %dma_start3A_3333] : memref<5x512xi32, #tpu.memory_space<vmem>> -> memref<1x256xi32, #tpu.memory_space<vmem>>
    %dma_start3A_3335 = tpu.memref_squeeze %dma_start3A_3334 : memref<1x256xi32, #tpu.memory_space<vmem>> -> memref<256xi32, #tpu.memory_space<vmem>>
    %dma_start3A_3336 = arith.constant 0 : i32
    %dma_start3A_3337 = tpu.memref_slice %arg11[%dma_start3A_3331, %dma_start3A_3336] : memref<10x256xi32, #tpu.memory_space<vmem>> -> memref<1x256xi32, #tpu.memory_space<vmem>>
    %dma_start3A_3338 = tpu.memref_squeeze %dma_start3A_3337 : memref<1x256xi32, #tpu.memory_space<vmem>> -> memref<256xi32, #tpu.memory_space<vmem>>
    %dma_start3A_3339 = arith.constant 0 : i32
    %dma_start3A_3340 = tpu.memref_slice %arg5[%dma_start3A_3339] : memref<655360xi32, #tpu.memory_space<hbm>> -> memref<655360xi32, #tpu.memory_space<hbm>>
    tpu.enqueue_indirect_dma source(%dma_start3A_3340 : memref<655360xi32, #tpu.memory_space<hbm>>) target(%dma_start3A_3335 : memref<256xi32, #tpu.memory_space<vmem>>) offsets(%dma_start3A_3338 : memref<256xi32, #tpu.memory_space<vmem>>) semaphore(%arg14 : memref<!tpu.dma_semaphore, #tpu.memory_space<semaphore_mem>>)
    %dma_start3A_3341 = arith.constant 4 : i32
    %dma_start3A_3342 = arith.constant 4 : i32
    %dma_start3A_3343 = arith.constant 0 : i32
    %dma_start3A_3344 = tpu.memref_slice %arg12[%dma_start3A_3342, %dma_start3A_3343] : memref<5x512xi32, #tpu.memory_space<vmem>> -> memref<1x256xi32, #tpu.memory_space<vmem>>
    %dma_start3A_3345 = tpu.memref_squeeze %dma_start3A_3344 : memref<1x256xi32, #tpu.memory_space<vmem>> -> memref<256xi32, #tpu.memory_space<vmem>>
    %dma_start3A_3346 = arith.constant 0 : i32
    %dma_start3A_3347 = tpu.memref_slice %arg10[%dma_start3A_3341, %dma_start3A_3346] : memref<10x256xi32, #tpu.memory_space<vmem>> -> memref<1x256xi32, #tpu.memory_space<vmem>>
    %dma_start3A_3348 = tpu.memref_squeeze %dma_start3A_3347 : memref<1x256xi32, #tpu.memory_space<vmem>> -> memref<256xi32, #tpu.memory_space<vmem>>
    %dma_start3A_3349 = arith.constant 0 : i32
    %dma_start3A_3350 = tpu.memref_slice %arg4[%dma_start3A_3349] : memref<5242880xi32, #tpu.memory_space<hbm>> -> memref<5242880xi32, #tpu.memory_space<hbm>>
    tpu.enqueue_indirect_dma source(%dma_start3A_3350 : memref<5242880xi32, #tpu.memory_space<hbm>>) target(%dma_start3A_3345 : memref<256xi32, #tpu.memory_space<vmem>>) offsets(%dma_start3A_3348 : memref<256xi32, #tpu.memory_space<vmem>>) semaphore(%arg14 : memref<!tpu.dma_semaphore, #tpu.memory_space<semaphore_mem>>)
    %dma_start3A_3351 = arith.constant 4 : i32
    %dma_start3A_3352 = arith.constant 4 : i32
    %dma_start3A_3353 = arith.constant 0 : i32
    %dma_start3A_3354 = tpu.memref_slice %arg13[%dma_start3A_3352, %dma_start3A_3353] : memref<5x512xi32, #tpu.memory_space<vmem>> -> memref<1x256xi32, #tpu.memory_space<vmem>>
    %dma_start3A_3355 = tpu.memref_squeeze %dma_start3A_3354 : memref<1x256xi32, #tpu.memory_space<vmem>> -> memref<256xi32, #tpu.memory_space<vmem>>
    %dma_start3A_3356 = arith.constant 0 : i32
    %dma_start3A_3357 = tpu.memref_slice %arg11[%dma_start3A_3351, %dma_start3A_3356] : memref<10x256xi32, #tpu.memory_space<vmem>> -> memref<1x256xi32, #tpu.memory_space<vmem>>
    %dma_start3A_3358 = tpu.memref_squeeze %dma_start3A_3357 : memref<1x256xi32, #tpu.memory_space<vmem>> -> memref<256xi32, #tpu.memory_space<vmem>>
    %dma_start3A_3359 = arith.constant 0 : i32
    %dma_start3A_3360 = tpu.memref_slice %arg5[%dma_start3A_3359] : memref<655360xi32, #tpu.memory_space<hbm>> -> memref<655360xi32, #tpu.memory_space<hbm>>
    tpu.enqueue_indirect_dma source(%dma_start3A_3360 : memref<655360xi32, #tpu.memory_space<hbm>>) target(%dma_start3A_3355 : memref<256xi32, #tpu.memory_space<vmem>>) offsets(%dma_start3A_3358 : memref<256xi32, #tpu.memory_space<vmem>>) semaphore(%arg14 : memref<!tpu.dma_semaphore, #tpu.memory_space<semaphore_mem>>)
    %dma_start3A_3361 = arith.constant 5 : i32
    %dma_start3A_3362 = arith.constant 0 : i32
    %dma_start3A_3363 = arith.constant 256 : i32
    %dma_start3A_3364 = tpu.memref_slice %arg12[%dma_start3A_3362, %dma_start3A_3363] : memref<5x512xi32, #tpu.memory_space<vmem>> -> memref<1x256xi32, #tpu.memory_space<vmem>>
    %dma_start3A_3365 = tpu.memref_squeeze %dma_start3A_3364 : memref<1x256xi32, #tpu.memory_space<vmem>> -> memref<256xi32, #tpu.memory_space<vmem>>
    %dma_start3A_3366 = arith.constant 0 : i32
    %dma_start3A_3367 = tpu.memref_slice %arg10[%dma_start3A_3361, %dma_start3A_3366] : memref<10x256xi32, #tpu.memory_space<vmem>> -> memref<1x256xi32, #tpu.memory_space<vmem>>
    %dma_start3A_3368 = tpu.memref_squeeze %dma_start3A_3367 : memref<1x256xi32, #tpu.memory_space<vmem>> -> memref<256xi32, #tpu.memory_space<vmem>>
    %dma_start3A_3369 = arith.constant 0 : i32
    %dma_start3A_3370 = tpu.memref_slice %arg4[%dma_start3A_3369] : memref<5242880xi32, #tpu.memory_space<hbm>> -> memref<5242880xi32, #tpu.memory_space<hbm>>
    tpu.enqueue_indirect_dma source(%dma_start3A_3370 : memref<5242880xi32, #tpu.memory_space<hbm>>) target(%dma_start3A_3365 : memref<256xi32, #tpu.memory_space<vmem>>) offsets(%dma_start3A_3368 : memref<256xi32, #tpu.memory_space<vmem>>) semaphore(%arg14 : memref<!tpu.dma_semaphore, #tpu.memory_space<semaphore_mem>>)
    %dma_start3A_3371 = arith.constant 5 : i32
    %dma_start3A_3372 = arith.constant 0 : i32
    %dma_start3A_3373 = arith.constant 256 : i32
    %dma_start3A_3374 = tpu.memref_slice %arg13[%dma_start3A_3372, %dma_start3A_3373] : memref<5x512xi32, #tpu.memory_space<vmem>> -> memref<1x256xi32, #tpu.memory_space<vmem>>
    %dma_start3A_3375 = tpu.memref_squeeze %dma_start3A_3374 : memref<1x256xi32, #tpu.memory_space<vmem>> -> memref<256xi32, #tpu.memory_space<vmem>>
    %dma_start3A_3376 = arith.constant 0 : i32
    %dma_start3A_3377 = tpu.memref_slice %arg11[%dma_start3A_3371, %dma_start3A_3376] : memref<10x256xi32, #tpu.memory_space<vmem>> -> memref<1x256xi32, #tpu.memory_space<vmem>>
    %dma_start3A_3378 = tpu.memref_squeeze %dma_start3A_3377 : memref<1x256xi32, #tpu.memory_space<vmem>> -> memref<256xi32, #tpu.memory_space<vmem>>
    %dma_start3A_3379 = arith.constant 0 : i32
    %dma_start3A_3380 = tpu.memref_slice %arg5[%dma_start3A_3379] : memref<655360xi32, #tpu.memory_space<hbm>> -> memref<655360xi32, #tpu.memory_space<hbm>>
    tpu.enqueue_indirect_dma source(%dma_start3A_3380 : memref<655360xi32, #tpu.memory_space<hbm>>) target(%dma_start3A_3375 : memref<256xi32, #tpu.memory_space<vmem>>) offsets(%dma_start3A_3378 : memref<256xi32, #tpu.memory_space<vmem>>) semaphore(%arg14 : memref<!tpu.dma_semaphore, #tpu.memory_space<semaphore_mem>>)
    %dma_start3A_3381 = arith.constant 6 : i32
    %dma_start3A_3382 = arith.constant 1 : i32
    %dma_start3A_3383 = arith.constant 256 : i32
    %dma_start3A_3384 = tpu.memref_slice %arg12[%dma_start3A_3382, %dma_start3A_3383] : memref<5x512xi32, #tpu.memory_space<vmem>> -> memref<1x256xi32, #tpu.memory_space<vmem>>
    %dma_start3A_3385 = tpu.memref_squeeze %dma_start3A_3384 : memref<1x256xi32, #tpu.memory_space<vmem>> -> memref<256xi32, #tpu.memory_space<vmem>>
    %dma_start3A_3386 = arith.constant 0 : i32
    %dma_start3A_3387 = tpu.memref_slice %arg10[%dma_start3A_3381, %dma_start3A_3386] : memref<10x256xi32, #tpu.memory_space<vmem>> -> memref<1x256xi32, #tpu.memory_space<vmem>>
    %dma_start3A_3388 = tpu.memref_squeeze %dma_start3A_3387 : memref<1x256xi32, #tpu.memory_space<vmem>> -> memref<256xi32, #tpu.memory_space<vmem>>
    %dma_start3A_3389 = arith.constant 0 : i32
    %dma_start3A_3390 = tpu.memref_slice %arg4[%dma_start3A_3389] : memref<5242880xi32, #tpu.memory_space<hbm>> -> memref<5242880xi32, #tpu.memory_space<hbm>>
    tpu.enqueue_indirect_dma source(%dma_start3A_3390 : memref<5242880xi32, #tpu.memory_space<hbm>>) target(%dma_start3A_3385 : memref<256xi32, #tpu.memory_space<vmem>>) offsets(%dma_start3A_3388 : memref<256xi32, #tpu.memory_space<vmem>>) semaphore(%arg14 : memref<!tpu.dma_semaphore, #tpu.memory_space<semaphore_mem>>)
    %dma_start3A_3391 = arith.constant 6 : i32
    %dma_start3A_3392 = arith.constant 1 : i32
    %dma_start3A_3393 = arith.constant 256 : i32
    %dma_start3A_3394 = tpu.memref_slice %arg13[%dma_start3A_3392, %dma_start3A_3393] : memref<5x512xi32, #tpu.memory_space<vmem>> -> memref<1x256xi32, #tpu.memory_space<vmem>>
    %dma_start3A_3395 = tpu.memref_squeeze %dma_start3A_3394 : memref<1x256xi32, #tpu.memory_space<vmem>> -> memref<256xi32, #tpu.memory_space<vmem>>
    %dma_start3A_3396 = arith.constant 0 : i32
    %dma_start3A_3397 = tpu.memref_slice %arg11[%dma_start3A_3391, %dma_start3A_3396] : memref<10x256xi32, #tpu.memory_space<vmem>> -> memref<1x256xi32, #tpu.memory_space<vmem>>
    %dma_start3A_3398 = tpu.memref_squeeze %dma_start3A_3397 : memref<1x256xi32, #tpu.memory_space<vmem>> -> memref<256xi32, #tpu.memory_space<vmem>>
    %dma_start3A_3399 = arith.constant 0 : i32
    %dma_start3A_3400 = tpu.memref_slice %arg5[%dma_start3A_3399] : memref<655360xi32, #tpu.memory_space<hbm>> -> memref<655360xi32, #tpu.memory_space<hbm>>
    tpu.enqueue_indirect_dma source(%dma_start3A_3400 : memref<655360xi32, #tpu.memory_space<hbm>>) target(%dma_start3A_3395 : memref<256xi32, #tpu.memory_space<vmem>>) offsets(%dma_start3A_3398 : memref<256xi32, #tpu.memory_space<vmem>>) semaphore(%arg14 : memref<!tpu.dma_semaphore, #tpu.memory_space<semaphore_mem>>)
    %dma_start3A_3401 = arith.constant 7 : i32
    %dma_start3A_3402 = arith.constant 2 : i32
    %dma_start3A_3403 = arith.constant 256 : i32
    %dma_start3A_3404 = tpu.memref_slice %arg12[%dma_start3A_3402, %dma_start3A_3403] : memref<5x512xi32, #tpu.memory_space<vmem>> -> memref<1x256xi32, #tpu.memory_space<vmem>>
    %dma_start3A_3405 = tpu.memref_squeeze %dma_start3A_3404 : memref<1x256xi32, #tpu.memory_space<vmem>> -> memref<256xi32, #tpu.memory_space<vmem>>
    %dma_start3A_3406 = arith.constant 0 : i32
    %dma_start3A_3407 = tpu.memref_slice %arg10[%dma_start3A_3401, %dma_start3A_3406] : memref<10x256xi32, #tpu.memory_space<vmem>> -> memref<1x256xi32, #tpu.memory_space<vmem>>
    %dma_start3A_3408 = tpu.memref_squeeze %dma_start3A_3407 : memref<1x256xi32, #tpu.memory_space<vmem>> -> memref<256xi32, #tpu.memory_space<vmem>>
    %dma_start3A_3409 = arith.constant 0 : i32
    %dma_start3A_3410 = tpu.memref_slice %arg4[%dma_start3A_3409] : memref<5242880xi32, #tpu.memory_space<hbm>> -> memref<5242880xi32, #tpu.memory_space<hbm>>
    tpu.enqueue_indirect_dma source(%dma_start3A_3410 : memref<5242880xi32, #tpu.memory_space<hbm>>) target(%dma_start3A_3405 : memref<256xi32, #tpu.memory_space<vmem>>) offsets(%dma_start3A_3408 : memref<256xi32, #tpu.memory_space<vmem>>) semaphore(%arg14 : memref<!tpu.dma_semaphore, #tpu.memory_space<semaphore_mem>>)
    %dma_start3A_3411 = arith.constant 7 : i32
    %dma_start3A_3412 = arith.constant 2 : i32
    %dma_start3A_3413 = arith.constant 256 : i32
    %dma_start3A_3414 = tpu.memref_slice %arg13[%dma_start3A_3412, %dma_start3A_3413] : memref<5x512xi32, #tpu.memory_space<vmem>> -> memref<1x256xi32, #tpu.memory_space<vmem>>
    %dma_start3A_3415 = tpu.memref_squeeze %dma_start3A_3414 : memref<1x256xi32, #tpu.memory_space<vmem>> -> memref<256xi32, #tpu.memory_space<vmem>>
    %dma_start3A_3416 = arith.constant 0 : i32
    %dma_start3A_3417 = tpu.memref_slice %arg11[%dma_start3A_3411, %dma_start3A_3416] : memref<10x256xi32, #tpu.memory_space<vmem>> -> memref<1x256xi32, #tpu.memory_space<vmem>>
    %dma_start3A_3418 = tpu.memref_squeeze %dma_start3A_3417 : memref<1x256xi32, #tpu.memory_space<vmem>> -> memref<256xi32, #tpu.memory_space<vmem>>
    %dma_start3A_3419 = arith.constant 0 : i32
    %dma_start3A_3420 = tpu.memref_slice %arg5[%dma_start3A_3419] : memref<655360xi32, #tpu.memory_space<hbm>> -> memref<655360xi32, #tpu.memory_space<hbm>>
    tpu.enqueue_indirect_dma source(%dma_start3A_3420 : memref<655360xi32, #tpu.memory_space<hbm>>) target(%dma_start3A_3415 : memref<256xi32, #tpu.memory_space<vmem>>) offsets(%dma_start3A_3418 : memref<256xi32, #tpu.memory_space<vmem>>) semaphore(%arg14 : memref<!tpu.dma_semaphore, #tpu.memory_space<semaphore_mem>>)
    %dma_start3A_3421 = arith.constant 8 : i32
    %dma_start3A_3422 = arith.constant 3 : i32
    %dma_start3A_3423 = arith.constant 256 : i32
    %dma_start3A_3424 = tpu.memref_slice %arg12[%dma_start3A_3422, %dma_start3A_3423] : memref<5x512xi32, #tpu.memory_space<vmem>> -> memref<1x256xi32, #tpu.memory_space<vmem>>
    %dma_start3A_3425 = tpu.memref_squeeze %dma_start3A_3424 : memref<1x256xi32, #tpu.memory_space<vmem>> -> memref<256xi32, #tpu.memory_space<vmem>>
    %dma_start3A_3426 = arith.constant 0 : i32
    %dma_start3A_3427 = tpu.memref_slice %arg10[%dma_start3A_3421, %dma_start3A_3426] : memref<10x256xi32, #tpu.memory_space<vmem>> -> memref<1x256xi32, #tpu.memory_space<vmem>>
    %dma_start3A_3428 = tpu.memref_squeeze %dma_start3A_3427 : memref<1x256xi32, #tpu.memory_space<vmem>> -> memref<256xi32, #tpu.memory_space<vmem>>
    %dma_start3A_3429 = arith.constant 0 : i32
    %dma_start3A_3430 = tpu.memref_slice %arg4[%dma_start3A_3429] : memref<5242880xi32, #tpu.memory_space<hbm>> -> memref<5242880xi32, #tpu.memory_space<hbm>>
    tpu.enqueue_indirect_dma source(%dma_start3A_3430 : memref<5242880xi32, #tpu.memory_space<hbm>>) target(%dma_start3A_3425 : memref<256xi32, #tpu.memory_space<vmem>>) offsets(%dma_start3A_3428 : memref<256xi32, #tpu.memory_space<vmem>>) semaphore(%arg14 : memref<!tpu.dma_semaphore, #tpu.memory_space<semaphore_mem>>)
    %dma_start3A_3431 = arith.constant 8 : i32
    %dma_start3A_3432 = arith.constant 3 : i32
    %dma_start3A_3433 = arith.constant 256 : i32
    %dma_start3A_3434 = tpu.memref_slice %arg13[%dma_start3A_3432, %dma_start3A_3433] : memref<5x512xi32, #tpu.memory_space<vmem>> -> memref<1x256xi32, #tpu.memory_space<vmem>>
    %dma_start3A_3435 = tpu.memref_squeeze %dma_start3A_3434 : memref<1x256xi32, #tpu.memory_space<vmem>> -> memref<256xi32, #tpu.memory_space<vmem>>
    %dma_start3A_3436 = arith.constant 0 : i32
    %dma_start3A_3437 = tpu.memref_slice %arg11[%dma_start3A_3431, %dma_start3A_3436] : memref<10x256xi32, #tpu.memory_space<vmem>> -> memref<1x256xi32, #tpu.memory_space<vmem>>
    %dma_start3A_3438 = tpu.memref_squeeze %dma_start3A_3437 : memref<1x256xi32, #tpu.memory_space<vmem>> -> memref<256xi32, #tpu.memory_space<vmem>>
    %dma_start3A_3439 = arith.constant 0 : i32
    %dma_start3A_3440 = tpu.memref_slice %arg5[%dma_start3A_3439] : memref<655360xi32, #tpu.memory_space<hbm>> -> memref<655360xi32, #tpu.memory_space<hbm>>
    tpu.enqueue_indirect_dma source(%dma_start3A_3440 : memref<655360xi32, #tpu.memory_space<hbm>>) target(%dma_start3A_3435 : memref<256xi32, #tpu.memory_space<vmem>>) offsets(%dma_start3A_3438 : memref<256xi32, #tpu.memory_space<vmem>>) semaphore(%arg14 : memref<!tpu.dma_semaphore, #tpu.memory_space<semaphore_mem>>)
    %dma_start3A_3441 = arith.constant 9 : i32
    %dma_start3A_3442 = arith.constant 4 : i32
    %dma_start3A_3443 = arith.constant 256 : i32
    %dma_start3A_3444 = tpu.memref_slice %arg12[%dma_start3A_3442, %dma_start3A_3443] : memref<5x512xi32, #tpu.memory_space<vmem>> -> memref<1x256xi32, #tpu.memory_space<vmem>>
    %dma_start3A_3445 = tpu.memref_squeeze %dma_start3A_3444 : memref<1x256xi32, #tpu.memory_space<vmem>> -> memref<256xi32, #tpu.memory_space<vmem>>
    %dma_start3A_3446 = arith.constant 0 : i32
    %dma_start3A_3447 = tpu.memref_slice %arg10[%dma_start3A_3441, %dma_start3A_3446] : memref<10x256xi32, #tpu.memory_space<vmem>> -> memref<1x256xi32, #tpu.memory_space<vmem>>
    %dma_start3A_3448 = tpu.memref_squeeze %dma_start3A_3447 : memref<1x256xi32, #tpu.memory_space<vmem>> -> memref<256xi32, #tpu.memory_space<vmem>>
    %dma_start3A_3449 = arith.constant 0 : i32
    %dma_start3A_3450 = tpu.memref_slice %arg4[%dma_start3A_3449] : memref<5242880xi32, #tpu.memory_space<hbm>> -> memref<5242880xi32, #tpu.memory_space<hbm>>
    tpu.enqueue_indirect_dma source(%dma_start3A_3450 : memref<5242880xi32, #tpu.memory_space<hbm>>) target(%dma_start3A_3445 : memref<256xi32, #tpu.memory_space<vmem>>) offsets(%dma_start3A_3448 : memref<256xi32, #tpu.memory_space<vmem>>) semaphore(%arg14 : memref<!tpu.dma_semaphore, #tpu.memory_space<semaphore_mem>>)
    %dma_start3A_3451 = arith.constant 9 : i32
    %dma_start3A_3452 = arith.constant 4 : i32
    %dma_start3A_3453 = arith.constant 256 : i32
    %dma_start3A_3454 = tpu.memref_slice %arg13[%dma_start3A_3452, %dma_start3A_3453] : memref<5x512xi32, #tpu.memory_space<vmem>> -> memref<1x256xi32, #tpu.memory_space<vmem>>
    %dma_start3A_3455 = tpu.memref_squeeze %dma_start3A_3454 : memref<1x256xi32, #tpu.memory_space<vmem>> -> memref<256xi32, #tpu.memory_space<vmem>>
    %dma_start3A_3456 = arith.constant 0 : i32
    %dma_start3A_3457 = tpu.memref_slice %arg11[%dma_start3A_3451, %dma_start3A_3456] : memref<10x256xi32, #tpu.memory_space<vmem>> -> memref<1x256xi32, #tpu.memory_space<vmem>>
    %dma_start3A_3458 = tpu.memref_squeeze %dma_start3A_3457 : memref<1x256xi32, #tpu.memory_space<vmem>> -> memref<256xi32, #tpu.memory_space<vmem>>
    %dma_start3A_3459 = arith.constant 0 : i32
    %dma_start3A_3460 = tpu.memref_slice %arg5[%dma_start3A_3459] : memref<655360xi32, #tpu.memory_space<hbm>> -> memref<655360xi32, #tpu.memory_space<hbm>>
    tpu.enqueue_indirect_dma source(%dma_start3A_3460 : memref<655360xi32, #tpu.memory_space<hbm>>) target(%dma_start3A_3455 : memref<256xi32, #tpu.memory_space<vmem>>) offsets(%dma_start3A_3458 : memref<256xi32, #tpu.memory_space<vmem>>) semaphore(%arg14 : memref<!tpu.dma_semaphore, #tpu.memory_space<semaphore_mem>>)
    %dma_wait3A = arith.constant 0 : i32
    %dma_wait3A_3461 = arith.constant 0 : i32
    %dma_wait3A_3462 = arith.constant 0 : i32
    %dma_wait3A_3463 = tpu.memref_slice %arg12[%dma_wait3A_3461, %dma_wait3A_3462] : memref<5x512xi32, #tpu.memory_space<vmem>> -> memref<1x256xi32, #tpu.memory_space<vmem>>
    %dma_wait3A_3464 = tpu.memref_squeeze %dma_wait3A_3463 : memref<1x256xi32, #tpu.memory_space<vmem>> -> memref<256xi32, #tpu.memory_space<vmem>>
    %dma_wait3A_3465 = arith.constant 0 : i32
    %dma_wait3A_3466 = tpu.memref_slice %arg10[%dma_wait3A, %dma_wait3A_3465] : memref<10x256xi32, #tpu.memory_space<vmem>> -> memref<1x256xi32, #tpu.memory_space<vmem>>
    %dma_wait3A_3467 = tpu.memref_squeeze %dma_wait3A_3466 : memref<1x256xi32, #tpu.memory_space<vmem>> -> memref<256xi32, #tpu.memory_space<vmem>>
    %dma_wait3A_3468 = arith.constant 0 : i32
    %dma_wait3A_3469 = tpu.memref_slice %arg4[%dma_wait3A_3468] : memref<5242880xi32, #tpu.memory_space<hbm>> -> memref<5242880xi32, #tpu.memory_space<hbm>>
    tpu.wait_indirect_dma semaphore(%arg14 : memref<!tpu.dma_semaphore, #tpu.memory_space<semaphore_mem>>) src(%dma_wait3A_3469 : memref<5242880xi32, #tpu.memory_space<hbm>>) dst(%dma_wait3A_3464 : memref<256xi32, #tpu.memory_space<vmem>>)
    %dma_wait3A_3470 = arith.constant 0 : i32
    %dma_wait3A_3471 = arith.constant 0 : i32
    %dma_wait3A_3472 = arith.constant 0 : i32
    %dma_wait3A_3473 = tpu.memref_slice %arg13[%dma_wait3A_3471, %dma_wait3A_3472] : memref<5x512xi32, #tpu.memory_space<vmem>> -> memref<1x256xi32, #tpu.memory_space<vmem>>
    %dma_wait3A_3474 = tpu.memref_squeeze %dma_wait3A_3473 : memref<1x256xi32, #tpu.memory_space<vmem>> -> memref<256xi32, #tpu.memory_space<vmem>>
    %dma_wait3A_3475 = arith.constant 0 : i32
    %dma_wait3A_3476 = tpu.memref_slice %arg11[%dma_wait3A_3470, %dma_wait3A_3475] : memref<10x256xi32, #tpu.memory_space<vmem>> -> memref<1x256xi32, #tpu.memory_space<vmem>>
    %dma_wait3A_3477 = tpu.memref_squeeze %dma_wait3A_3476 : memref<1x256xi32, #tpu.memory_space<vmem>> -> memref<256xi32, #tpu.memory_space<vmem>>
    %dma_wait3A_3478 = arith.constant 0 : i32
    %dma_wait3A_3479 = tpu.memref_slice %arg5[%dma_wait3A_3478] : memref<655360xi32, #tpu.memory_space<hbm>> -> memref<655360xi32, #tpu.memory_space<hbm>>
    tpu.wait_indirect_dma semaphore(%arg14 : memref<!tpu.dma_semaphore, #tpu.memory_space<semaphore_mem>>) src(%dma_wait3A_3479 : memref<655360xi32, #tpu.memory_space<hbm>>) dst(%dma_wait3A_3474 : memref<256xi32, #tpu.memory_space<vmem>>)
    %dma_wait3A_3480 = arith.constant 1 : i32
    %dma_wait3A_3481 = arith.constant 1 : i32
    %dma_wait3A_3482 = arith.constant 0 : i32
    %dma_wait3A_3483 = tpu.memref_slice %arg12[%dma_wait3A_3481, %dma_wait3A_3482] : memref<5x512xi32, #tpu.memory_space<vmem>> -> memref<1x256xi32, #tpu.memory_space<vmem>>
    %dma_wait3A_3484 = tpu.memref_squeeze %dma_wait3A_3483 : memref<1x256xi32, #tpu.memory_space<vmem>> -> memref<256xi32, #tpu.memory_space<vmem>>
    %dma_wait3A_3485 = arith.constant 0 : i32
    %dma_wait3A_3486 = tpu.memref_slice %arg10[%dma_wait3A_3480, %dma_wait3A_3485] : memref<10x256xi32, #tpu.memory_space<vmem>> -> memref<1x256xi32, #tpu.memory_space<vmem>>
    %dma_wait3A_3487 = tpu.memref_squeeze %dma_wait3A_3486 : memref<1x256xi32, #tpu.memory_space<vmem>> -> memref<256xi32, #tpu.memory_space<vmem>>
    %dma_wait3A_3488 = arith.constant 0 : i32
    %dma_wait3A_3489 = tpu.memref_slice %arg4[%dma_wait3A_3488] : memref<5242880xi32, #tpu.memory_space<hbm>> -> memref<5242880xi32, #tpu.memory_space<hbm>>
    tpu.wait_indirect_dma semaphore(%arg14 : memref<!tpu.dma_semaphore, #tpu.memory_space<semaphore_mem>>) src(%dma_wait3A_3489 : memref<5242880xi32, #tpu.memory_space<hbm>>) dst(%dma_wait3A_3484 : memref<256xi32, #tpu.memory_space<vmem>>)
    %dma_wait3A_3490 = arith.constant 1 : i32
    %dma_wait3A_3491 = arith.constant 1 : i32
    %dma_wait3A_3492 = arith.constant 0 : i32
    %dma_wait3A_3493 = tpu.memref_slice %arg13[%dma_wait3A_3491, %dma_wait3A_3492] : memref<5x512xi32, #tpu.memory_space<vmem>> -> memref<1x256xi32, #tpu.memory_space<vmem>>
    %dma_wait3A_3494 = tpu.memref_squeeze %dma_wait3A_3493 : memref<1x256xi32, #tpu.memory_space<vmem>> -> memref<256xi32, #tpu.memory_space<vmem>>
    %dma_wait3A_3495 = arith.constant 0 : i32
    %dma_wait3A_3496 = tpu.memref_slice %arg11[%dma_wait3A_3490, %dma_wait3A_3495] : memref<10x256xi32, #tpu.memory_space<vmem>> -> memref<1x256xi32, #tpu.memory_space<vmem>>
    %dma_wait3A_3497 = tpu.memref_squeeze %dma_wait3A_3496 : memref<1x256xi32, #tpu.memory_space<vmem>> -> memref<256xi32, #tpu.memory_space<vmem>>
    %dma_wait3A_3498 = arith.constant 0 : i32
    %dma_wait3A_3499 = tpu.memref_slice %arg5[%dma_wait3A_3498] : memref<655360xi32, #tpu.memory_space<hbm>> -> memref<655360xi32, #tpu.memory_space<hbm>>
    tpu.wait_indirect_dma semaphore(%arg14 : memref<!tpu.dma_semaphore, #tpu.memory_space<semaphore_mem>>) src(%dma_wait3A_3499 : memref<655360xi32, #tpu.memory_space<hbm>>) dst(%dma_wait3A_3494 : memref<256xi32, #tpu.memory_space<vmem>>)
    %dma_wait3A_3500 = arith.constant 2 : i32
    %dma_wait3A_3501 = arith.constant 2 : i32
    %dma_wait3A_3502 = arith.constant 0 : i32
    %dma_wait3A_3503 = tpu.memref_slice %arg12[%dma_wait3A_3501, %dma_wait3A_3502] : memref<5x512xi32, #tpu.memory_space<vmem>> -> memref<1x256xi32, #tpu.memory_space<vmem>>
    %dma_wait3A_3504 = tpu.memref_squeeze %dma_wait3A_3503 : memref<1x256xi32, #tpu.memory_space<vmem>> -> memref<256xi32, #tpu.memory_space<vmem>>
    %dma_wait3A_3505 = arith.constant 0 : i32
    %dma_wait3A_3506 = tpu.memref_slice %arg10[%dma_wait3A_3500, %dma_wait3A_3505] : memref<10x256xi32, #tpu.memory_space<vmem>> -> memref<1x256xi32, #tpu.memory_space<vmem>>
    %dma_wait3A_3507 = tpu.memref_squeeze %dma_wait3A_3506 : memref<1x256xi32, #tpu.memory_space<vmem>> -> memref<256xi32, #tpu.memory_space<vmem>>
    %dma_wait3A_3508 = arith.constant 0 : i32
    %dma_wait3A_3509 = tpu.memref_slice %arg4[%dma_wait3A_3508] : memref<5242880xi32, #tpu.memory_space<hbm>> -> memref<5242880xi32, #tpu.memory_space<hbm>>
    tpu.wait_indirect_dma semaphore(%arg14 : memref<!tpu.dma_semaphore, #tpu.memory_space<semaphore_mem>>) src(%dma_wait3A_3509 : memref<5242880xi32, #tpu.memory_space<hbm>>) dst(%dma_wait3A_3504 : memref<256xi32, #tpu.memory_space<vmem>>)
    %dma_wait3A_3510 = arith.constant 2 : i32
    %dma_wait3A_3511 = arith.constant 2 : i32
    %dma_wait3A_3512 = arith.constant 0 : i32
    %dma_wait3A_3513 = tpu.memref_slice %arg13[%dma_wait3A_3511, %dma_wait3A_3512] : memref<5x512xi32, #tpu.memory_space<vmem>> -> memref<1x256xi32, #tpu.memory_space<vmem>>
    %dma_wait3A_3514 = tpu.memref_squeeze %dma_wait3A_3513 : memref<1x256xi32, #tpu.memory_space<vmem>> -> memref<256xi32, #tpu.memory_space<vmem>>
    %dma_wait3A_3515 = arith.constant 0 : i32
    %dma_wait3A_3516 = tpu.memref_slice %arg11[%dma_wait3A_3510, %dma_wait3A_3515] : memref<10x256xi32, #tpu.memory_space<vmem>> -> memref<1x256xi32, #tpu.memory_space<vmem>>
    %dma_wait3A_3517 = tpu.memref_squeeze %dma_wait3A_3516 : memref<1x256xi32, #tpu.memory_space<vmem>> -> memref<256xi32, #tpu.memory_space<vmem>>
    %dma_wait3A_3518 = arith.constant 0 : i32
    %dma_wait3A_3519 = tpu.memref_slice %arg5[%dma_wait3A_3518] : memref<655360xi32, #tpu.memory_space<hbm>> -> memref<655360xi32, #tpu.memory_space<hbm>>
    tpu.wait_indirect_dma semaphore(%arg14 : memref<!tpu.dma_semaphore, #tpu.memory_space<semaphore_mem>>) src(%dma_wait3A_3519 : memref<655360xi32, #tpu.memory_space<hbm>>) dst(%dma_wait3A_3514 : memref<256xi32, #tpu.memory_space<vmem>>)
    %dma_wait3A_3520 = arith.constant 3 : i32
    %dma_wait3A_3521 = arith.constant 3 : i32
    %dma_wait3A_3522 = arith.constant 0 : i32
    %dma_wait3A_3523 = tpu.memref_slice %arg12[%dma_wait3A_3521, %dma_wait3A_3522] : memref<5x512xi32, #tpu.memory_space<vmem>> -> memref<1x256xi32, #tpu.memory_space<vmem>>
    %dma_wait3A_3524 = tpu.memref_squeeze %dma_wait3A_3523 : memref<1x256xi32, #tpu.memory_space<vmem>> -> memref<256xi32, #tpu.memory_space<vmem>>
    %dma_wait3A_3525 = arith.constant 0 : i32
    %dma_wait3A_3526 = tpu.memref_slice %arg10[%dma_wait3A_3520, %dma_wait3A_3525] : memref<10x256xi32, #tpu.memory_space<vmem>> -> memref<1x256xi32, #tpu.memory_space<vmem>>
    %dma_wait3A_3527 = tpu.memref_squeeze %dma_wait3A_3526 : memref<1x256xi32, #tpu.memory_space<vmem>> -> memref<256xi32, #tpu.memory_space<vmem>>
    %dma_wait3A_3528 = arith.constant 0 : i32
    %dma_wait3A_3529 = tpu.memref_slice %arg4[%dma_wait3A_3528] : memref<5242880xi32, #tpu.memory_space<hbm>> -> memref<5242880xi32, #tpu.memory_space<hbm>>
    tpu.wait_indirect_dma semaphore(%arg14 : memref<!tpu.dma_semaphore, #tpu.memory_space<semaphore_mem>>) src(%dma_wait3A_3529 : memref<5242880xi32, #tpu.memory_space<hbm>>) dst(%dma_wait3A_3524 : memref<256xi32, #tpu.memory_space<vmem>>)
    %dma_wait3A_3530 = arith.constant 3 : i32
    %dma_wait3A_3531 = arith.constant 3 : i32
    %dma_wait3A_3532 = arith.constant 0 : i32
    %dma_wait3A_3533 = tpu.memref_slice %arg13[%dma_wait3A_3531, %dma_wait3A_3532] : memref<5x512xi32, #tpu.memory_space<vmem>> -> memref<1x256xi32, #tpu.memory_space<vmem>>
    %dma_wait3A_3534 = tpu.memref_squeeze %dma_wait3A_3533 : memref<1x256xi32, #tpu.memory_space<vmem>> -> memref<256xi32, #tpu.memory_space<vmem>>
    %dma_wait3A_3535 = arith.constant 0 : i32
    %dma_wait3A_3536 = tpu.memref_slice %arg11[%dma_wait3A_3530, %dma_wait3A_3535] : memref<10x256xi32, #tpu.memory_space<vmem>> -> memref<1x256xi32, #tpu.memory_space<vmem>>
    %dma_wait3A_3537 = tpu.memref_squeeze %dma_wait3A_3536 : memref<1x256xi32, #tpu.memory_space<vmem>> -> memref<256xi32, #tpu.memory_space<vmem>>
    %dma_wait3A_3538 = arith.constant 0 : i32
    %dma_wait3A_3539 = tpu.memref_slice %arg5[%dma_wait3A_3538] : memref<655360xi32, #tpu.memory_space<hbm>> -> memref<655360xi32, #tpu.memory_space<hbm>>
    tpu.wait_indirect_dma semaphore(%arg14 : memref<!tpu.dma_semaphore, #tpu.memory_space<semaphore_mem>>) src(%dma_wait3A_3539 : memref<655360xi32, #tpu.memory_space<hbm>>) dst(%dma_wait3A_3534 : memref<256xi32, #tpu.memory_space<vmem>>)
    %dma_wait3A_3540 = arith.constant 4 : i32
    %dma_wait3A_3541 = arith.constant 4 : i32
    %dma_wait3A_3542 = arith.constant 0 : i32
    %dma_wait3A_3543 = tpu.memref_slice %arg12[%dma_wait3A_3541, %dma_wait3A_3542] : memref<5x512xi32, #tpu.memory_space<vmem>> -> memref<1x256xi32, #tpu.memory_space<vmem>>
    %dma_wait3A_3544 = tpu.memref_squeeze %dma_wait3A_3543 : memref<1x256xi32, #tpu.memory_space<vmem>> -> memref<256xi32, #tpu.memory_space<vmem>>
    %dma_wait3A_3545 = arith.constant 0 : i32
    %dma_wait3A_3546 = tpu.memref_slice %arg10[%dma_wait3A_3540, %dma_wait3A_3545] : memref<10x256xi32, #tpu.memory_space<vmem>> -> memref<1x256xi32, #tpu.memory_space<vmem>>
    %dma_wait3A_3547 = tpu.memref_squeeze %dma_wait3A_3546 : memref<1x256xi32, #tpu.memory_space<vmem>> -> memref<256xi32, #tpu.memory_space<vmem>>
    %dma_wait3A_3548 = arith.constant 0 : i32
    %dma_wait3A_3549 = tpu.memref_slice %arg4[%dma_wait3A_3548] : memref<5242880xi32, #tpu.memory_space<hbm>> -> memref<5242880xi32, #tpu.memory_space<hbm>>
    tpu.wait_indirect_dma semaphore(%arg14 : memref<!tpu.dma_semaphore, #tpu.memory_space<semaphore_mem>>) src(%dma_wait3A_3549 : memref<5242880xi32, #tpu.memory_space<hbm>>) dst(%dma_wait3A_3544 : memref<256xi32, #tpu.memory_space<vmem>>)
    %dma_wait3A_3550 = arith.constant 4 : i32
    %dma_wait3A_3551 = arith.constant 4 : i32
    %dma_wait3A_3552 = arith.constant 0 : i32
    %dma_wait3A_3553 = tpu.memref_slice %arg13[%dma_wait3A_3551, %dma_wait3A_3552] : memref<5x512xi32, #tpu.memory_space<vmem>> -> memref<1x256xi32, #tpu.memory_space<vmem>>
    %dma_wait3A_3554 = tpu.memref_squeeze %dma_wait3A_3553 : memref<1x256xi32, #tpu.memory_space<vmem>> -> memref<256xi32, #tpu.memory_space<vmem>>
    %dma_wait3A_3555 = arith.constant 0 : i32
    %dma_wait3A_3556 = tpu.memref_slice %arg11[%dma_wait3A_3550, %dma_wait3A_3555] : memref<10x256xi32, #tpu.memory_space<vmem>> -> memref<1x256xi32, #tpu.memory_space<vmem>>
    %dma_wait3A_3557 = tpu.memref_squeeze %dma_wait3A_3556 : memref<1x256xi32, #tpu.memory_space<vmem>> -> memref<256xi32, #tpu.memory_space<vmem>>
    %dma_wait3A_3558 = arith.constant 0 : i32
    %dma_wait3A_3559 = tpu.memref_slice %arg5[%dma_wait3A_3558] : memref<655360xi32, #tpu.memory_space<hbm>> -> memref<655360xi32, #tpu.memory_space<hbm>>
    tpu.wait_indirect_dma semaphore(%arg14 : memref<!tpu.dma_semaphore, #tpu.memory_space<semaphore_mem>>) src(%dma_wait3A_3559 : memref<655360xi32, #tpu.memory_space<hbm>>) dst(%dma_wait3A_3554 : memref<256xi32, #tpu.memory_space<vmem>>)
    %dma_wait3A_3560 = arith.constant 5 : i32
    %dma_wait3A_3561 = arith.constant 0 : i32
    %dma_wait3A_3562 = arith.constant 256 : i32
    %dma_wait3A_3563 = tpu.memref_slice %arg12[%dma_wait3A_3561, %dma_wait3A_3562] : memref<5x512xi32, #tpu.memory_space<vmem>> -> memref<1x256xi32, #tpu.memory_space<vmem>>
    %dma_wait3A_3564 = tpu.memref_squeeze %dma_wait3A_3563 : memref<1x256xi32, #tpu.memory_space<vmem>> -> memref<256xi32, #tpu.memory_space<vmem>>
    %dma_wait3A_3565 = arith.constant 0 : i32
    %dma_wait3A_3566 = tpu.memref_slice %arg10[%dma_wait3A_3560, %dma_wait3A_3565] : memref<10x256xi32, #tpu.memory_space<vmem>> -> memref<1x256xi32, #tpu.memory_space<vmem>>
    %dma_wait3A_3567 = tpu.memref_squeeze %dma_wait3A_3566 : memref<1x256xi32, #tpu.memory_space<vmem>> -> memref<256xi32, #tpu.memory_space<vmem>>
    %dma_wait3A_3568 = arith.constant 0 : i32
    %dma_wait3A_3569 = tpu.memref_slice %arg4[%dma_wait3A_3568] : memref<5242880xi32, #tpu.memory_space<hbm>> -> memref<5242880xi32, #tpu.memory_space<hbm>>
    tpu.wait_indirect_dma semaphore(%arg14 : memref<!tpu.dma_semaphore, #tpu.memory_space<semaphore_mem>>) src(%dma_wait3A_3569 : memref<5242880xi32, #tpu.memory_space<hbm>>) dst(%dma_wait3A_3564 : memref<256xi32, #tpu.memory_space<vmem>>)
    %dma_wait3A_3570 = arith.constant 5 : i32
    %dma_wait3A_3571 = arith.constant 0 : i32
    %dma_wait3A_3572 = arith.constant 256 : i32
    %dma_wait3A_3573 = tpu.memref_slice %arg13[%dma_wait3A_3571, %dma_wait3A_3572] : memref<5x512xi32, #tpu.memory_space<vmem>> -> memref<1x256xi32, #tpu.memory_space<vmem>>
    %dma_wait3A_3574 = tpu.memref_squeeze %dma_wait3A_3573 : memref<1x256xi32, #tpu.memory_space<vmem>> -> memref<256xi32, #tpu.memory_space<vmem>>
    %dma_wait3A_3575 = arith.constant 0 : i32
    %dma_wait3A_3576 = tpu.memref_slice %arg11[%dma_wait3A_3570, %dma_wait3A_3575] : memref<10x256xi32, #tpu.memory_space<vmem>> -> memref<1x256xi32, #tpu.memory_space<vmem>>
    %dma_wait3A_3577 = tpu.memref_squeeze %dma_wait3A_3576 : memref<1x256xi32, #tpu.memory_space<vmem>> -> memref<256xi32, #tpu.memory_space<vmem>>
    %dma_wait3A_3578 = arith.constant 0 : i32
    %dma_wait3A_3579 = tpu.memref_slice %arg5[%dma_wait3A_3578] : memref<655360xi32, #tpu.memory_space<hbm>> -> memref<655360xi32, #tpu.memory_space<hbm>>
    tpu.wait_indirect_dma semaphore(%arg14 : memref<!tpu.dma_semaphore, #tpu.memory_space<semaphore_mem>>) src(%dma_wait3A_3579 : memref<655360xi32, #tpu.memory_space<hbm>>) dst(%dma_wait3A_3574 : memref<256xi32, #tpu.memory_space<vmem>>)
    %dma_wait3A_3580 = arith.constant 6 : i32
    %dma_wait3A_3581 = arith.constant 1 : i32
    %dma_wait3A_3582 = arith.constant 256 : i32
    %dma_wait3A_3583 = tpu.memref_slice %arg12[%dma_wait3A_3581, %dma_wait3A_3582] : memref<5x512xi32, #tpu.memory_space<vmem>> -> memref<1x256xi32, #tpu.memory_space<vmem>>
    %dma_wait3A_3584 = tpu.memref_squeeze %dma_wait3A_3583 : memref<1x256xi32, #tpu.memory_space<vmem>> -> memref<256xi32, #tpu.memory_space<vmem>>
    %dma_wait3A_3585 = arith.constant 0 : i32
    %dma_wait3A_3586 = tpu.memref_slice %arg10[%dma_wait3A_3580, %dma_wait3A_3585] : memref<10x256xi32, #tpu.memory_space<vmem>> -> memref<1x256xi32, #tpu.memory_space<vmem>>
    %dma_wait3A_3587 = tpu.memref_squeeze %dma_wait3A_3586 : memref<1x256xi32, #tpu.memory_space<vmem>> -> memref<256xi32, #tpu.memory_space<vmem>>
    %dma_wait3A_3588 = arith.constant 0 : i32
    %dma_wait3A_3589 = tpu.memref_slice %arg4[%dma_wait3A_3588] : memref<5242880xi32, #tpu.memory_space<hbm>> -> memref<5242880xi32, #tpu.memory_space<hbm>>
    tpu.wait_indirect_dma semaphore(%arg14 : memref<!tpu.dma_semaphore, #tpu.memory_space<semaphore_mem>>) src(%dma_wait3A_3589 : memref<5242880xi32, #tpu.memory_space<hbm>>) dst(%dma_wait3A_3584 : memref<256xi32, #tpu.memory_space<vmem>>)
    %dma_wait3A_3590 = arith.constant 6 : i32
    %dma_wait3A_3591 = arith.constant 1 : i32
    %dma_wait3A_3592 = arith.constant 256 : i32
    %dma_wait3A_3593 = tpu.memref_slice %arg13[%dma_wait3A_3591, %dma_wait3A_3592] : memref<5x512xi32, #tpu.memory_space<vmem>> -> memref<1x256xi32, #tpu.memory_space<vmem>>
    %dma_wait3A_3594 = tpu.memref_squeeze %dma_wait3A_3593 : memref<1x256xi32, #tpu.memory_space<vmem>> -> memref<256xi32, #tpu.memory_space<vmem>>
    %dma_wait3A_3595 = arith.constant 0 : i32
    %dma_wait3A_3596 = tpu.memref_slice %arg11[%dma_wait3A_3590, %dma_wait3A_3595] : memref<10x256xi32, #tpu.memory_space<vmem>> -> memref<1x256xi32, #tpu.memory_space<vmem>>
    %dma_wait3A_3597 = tpu.memref_squeeze %dma_wait3A_3596 : memref<1x256xi32, #tpu.memory_space<vmem>> -> memref<256xi32, #tpu.memory_space<vmem>>
    %dma_wait3A_3598 = arith.constant 0 : i32
    %dma_wait3A_3599 = tpu.memref_slice %arg5[%dma_wait3A_3598] : memref<655360xi32, #tpu.memory_space<hbm>> -> memref<655360xi32, #tpu.memory_space<hbm>>
    tpu.wait_indirect_dma semaphore(%arg14 : memref<!tpu.dma_semaphore, #tpu.memory_space<semaphore_mem>>) src(%dma_wait3A_3599 : memref<655360xi32, #tpu.memory_space<hbm>>) dst(%dma_wait3A_3594 : memref<256xi32, #tpu.memory_space<vmem>>)
    %dma_wait3A_3600 = arith.constant 7 : i32
    %dma_wait3A_3601 = arith.constant 2 : i32
    %dma_wait3A_3602 = arith.constant 256 : i32
    %dma_wait3A_3603 = tpu.memref_slice %arg12[%dma_wait3A_3601, %dma_wait3A_3602] : memref<5x512xi32, #tpu.memory_space<vmem>> -> memref<1x256xi32, #tpu.memory_space<vmem>>
    %dma_wait3A_3604 = tpu.memref_squeeze %dma_wait3A_3603 : memref<1x256xi32, #tpu.memory_space<vmem>> -> memref<256xi32, #tpu.memory_space<vmem>>
    %dma_wait3A_3605 = arith.constant 0 : i32
    %dma_wait3A_3606 = tpu.memref_slice %arg10[%dma_wait3A_3600, %dma_wait3A_3605] : memref<10x256xi32, #tpu.memory_space<vmem>> -> memref<1x256xi32, #tpu.memory_space<vmem>>
    %dma_wait3A_3607 = tpu.memref_squeeze %dma_wait3A_3606 : memref<1x256xi32, #tpu.memory_space<vmem>> -> memref<256xi32, #tpu.memory_space<vmem>>
    %dma_wait3A_3608 = arith.constant 0 : i32
    %dma_wait3A_3609 = tpu.memref_slice %arg4[%dma_wait3A_3608] : memref<5242880xi32, #tpu.memory_space<hbm>> -> memref<5242880xi32, #tpu.memory_space<hbm>>
    tpu.wait_indirect_dma semaphore(%arg14 : memref<!tpu.dma_semaphore, #tpu.memory_space<semaphore_mem>>) src(%dma_wait3A_3609 : memref<5242880xi32, #tpu.memory_space<hbm>>) dst(%dma_wait3A_3604 : memref<256xi32, #tpu.memory_space<vmem>>)
    %dma_wait3A_3610 = arith.constant 7 : i32
    %dma_wait3A_3611 = arith.constant 2 : i32
    %dma_wait3A_3612 = arith.constant 256 : i32
    %dma_wait3A_3613 = tpu.memref_slice %arg13[%dma_wait3A_3611, %dma_wait3A_3612] : memref<5x512xi32, #tpu.memory_space<vmem>> -> memref<1x256xi32, #tpu.memory_space<vmem>>
    %dma_wait3A_3614 = tpu.memref_squeeze %dma_wait3A_3613 : memref<1x256xi32, #tpu.memory_space<vmem>> -> memref<256xi32, #tpu.memory_space<vmem>>
    %dma_wait3A_3615 = arith.constant 0 : i32
    %dma_wait3A_3616 = tpu.memref_slice %arg11[%dma_wait3A_3610, %dma_wait3A_3615] : memref<10x256xi32, #tpu.memory_space<vmem>> -> memref<1x256xi32, #tpu.memory_space<vmem>>
    %dma_wait3A_3617 = tpu.memref_squeeze %dma_wait3A_3616 : memref<1x256xi32, #tpu.memory_space<vmem>> -> memref<256xi32, #tpu.memory_space<vmem>>
    %dma_wait3A_3618 = arith.constant 0 : i32
    %dma_wait3A_3619 = tpu.memref_slice %arg5[%dma_wait3A_3618] : memref<655360xi32, #tpu.memory_space<hbm>> -> memref<655360xi32, #tpu.memory_space<hbm>>
    tpu.wait_indirect_dma semaphore(%arg14 : memref<!tpu.dma_semaphore, #tpu.memory_space<semaphore_mem>>) src(%dma_wait3A_3619 : memref<655360xi32, #tpu.memory_space<hbm>>) dst(%dma_wait3A_3614 : memref<256xi32, #tpu.memory_space<vmem>>)
    %dma_wait3A_3620 = arith.constant 8 : i32
    %dma_wait3A_3621 = arith.constant 3 : i32
    %dma_wait3A_3622 = arith.constant 256 : i32
    %dma_wait3A_3623 = tpu.memref_slice %arg12[%dma_wait3A_3621, %dma_wait3A_3622] : memref<5x512xi32, #tpu.memory_space<vmem>> -> memref<1x256xi32, #tpu.memory_space<vmem>>
    %dma_wait3A_3624 = tpu.memref_squeeze %dma_wait3A_3623 : memref<1x256xi32, #tpu.memory_space<vmem>> -> memref<256xi32, #tpu.memory_space<vmem>>
    %dma_wait3A_3625 = arith.constant 0 : i32
    %dma_wait3A_3626 = tpu.memref_slice %arg10[%dma_wait3A_3620, %dma_wait3A_3625] : memref<10x256xi32, #tpu.memory_space<vmem>> -> memref<1x256xi32, #tpu.memory_space<vmem>>
    %dma_wait3A_3627 = tpu.memref_squeeze %dma_wait3A_3626 : memref<1x256xi32, #tpu.memory_space<vmem>> -> memref<256xi32, #tpu.memory_space<vmem>>
    %dma_wait3A_3628 = arith.constant 0 : i32
    %dma_wait3A_3629 = tpu.memref_slice %arg4[%dma_wait3A_3628] : memref<5242880xi32, #tpu.memory_space<hbm>> -> memref<5242880xi32, #tpu.memory_space<hbm>>
    tpu.wait_indirect_dma semaphore(%arg14 : memref<!tpu.dma_semaphore, #tpu.memory_space<semaphore_mem>>) src(%dma_wait3A_3629 : memref<5242880xi32, #tpu.memory_space<hbm>>) dst(%dma_wait3A_3624 : memref<256xi32, #tpu.memory_space<vmem>>)
    %dma_wait3A_3630 = arith.constant 8 : i32
    %dma_wait3A_3631 = arith.constant 3 : i32
    %dma_wait3A_3632 = arith.constant 256 : i32
    %dma_wait3A_3633 = tpu.memref_slice %arg13[%dma_wait3A_3631, %dma_wait3A_3632] : memref<5x512xi32, #tpu.memory_space<vmem>> -> memref<1x256xi32, #tpu.memory_space<vmem>>
    %dma_wait3A_3634 = tpu.memref_squeeze %dma_wait3A_3633 : memref<1x256xi32, #tpu.memory_space<vmem>> -> memref<256xi32, #tpu.memory_space<vmem>>
    %dma_wait3A_3635 = arith.constant 0 : i32
    %dma_wait3A_3636 = tpu.memref_slice %arg11[%dma_wait3A_3630, %dma_wait3A_3635] : memref<10x256xi32, #tpu.memory_space<vmem>> -> memref<1x256xi32, #tpu.memory_space<vmem>>
    %dma_wait3A_3637 = tpu.memref_squeeze %dma_wait3A_3636 : memref<1x256xi32, #tpu.memory_space<vmem>> -> memref<256xi32, #tpu.memory_space<vmem>>
    %dma_wait3A_3638 = arith.constant 0 : i32
    %dma_wait3A_3639 = tpu.memref_slice %arg5[%dma_wait3A_3638] : memref<655360xi32, #tpu.memory_space<hbm>> -> memref<655360xi32, #tpu.memory_space<hbm>>
    tpu.wait_indirect_dma semaphore(%arg14 : memref<!tpu.dma_semaphore, #tpu.memory_space<semaphore_mem>>) src(%dma_wait3A_3639 : memref<655360xi32, #tpu.memory_space<hbm>>) dst(%dma_wait3A_3634 : memref<256xi32, #tpu.memory_space<vmem>>)
    %dma_wait3A_3640 = arith.constant 9 : i32
    %dma_wait3A_3641 = arith.constant 4 : i32
    %dma_wait3A_3642 = arith.constant 256 : i32
    %dma_wait3A_3643 = tpu.memref_slice %arg12[%dma_wait3A_3641, %dma_wait3A_3642] : memref<5x512xi32, #tpu.memory_space<vmem>> -> memref<1x256xi32, #tpu.memory_space<vmem>>
    %dma_wait3A_3644 = tpu.memref_squeeze %dma_wait3A_3643 : memref<1x256xi32, #tpu.memory_space<vmem>> -> memref<256xi32, #tpu.memory_space<vmem>>
    %dma_wait3A_3645 = arith.constant 0 : i32
    %dma_wait3A_3646 = tpu.memref_slice %arg10[%dma_wait3A_3640, %dma_wait3A_3645] : memref<10x256xi32, #tpu.memory_space<vmem>> -> memref<1x256xi32, #tpu.memory_space<vmem>>
    %dma_wait3A_3647 = tpu.memref_squeeze %dma_wait3A_3646 : memref<1x256xi32, #tpu.memory_space<vmem>> -> memref<256xi32, #tpu.memory_space<vmem>>
    %dma_wait3A_3648 = arith.constant 0 : i32
    %dma_wait3A_3649 = tpu.memref_slice %arg4[%dma_wait3A_3648] : memref<5242880xi32, #tpu.memory_space<hbm>> -> memref<5242880xi32, #tpu.memory_space<hbm>>
    tpu.wait_indirect_dma semaphore(%arg14 : memref<!tpu.dma_semaphore, #tpu.memory_space<semaphore_mem>>) src(%dma_wait3A_3649 : memref<5242880xi32, #tpu.memory_space<hbm>>) dst(%dma_wait3A_3644 : memref<256xi32, #tpu.memory_space<vmem>>)
    %dma_wait3A_3650 = arith.constant 9 : i32
    %dma_wait3A_3651 = arith.constant 4 : i32
    %dma_wait3A_3652 = arith.constant 256 : i32
    %dma_wait3A_3653 = tpu.memref_slice %arg13[%dma_wait3A_3651, %dma_wait3A_3652] : memref<5x512xi32, #tpu.memory_space<vmem>> -> memref<1x256xi32, #tpu.memory_space<vmem>>
    %dma_wait3A_3654 = tpu.memref_squeeze %dma_wait3A_3653 : memref<1x256xi32, #tpu.memory_space<vmem>> -> memref<256xi32, #tpu.memory_space<vmem>>
    %dma_wait3A_3655 = arith.constant 0 : i32
    %dma_wait3A_3656 = tpu.memref_slice %arg11[%dma_wait3A_3650, %dma_wait3A_3655] : memref<10x256xi32, #tpu.memory_space<vmem>> -> memref<1x256xi32, #tpu.memory_space<vmem>>
    %dma_wait3A_3657 = tpu.memref_squeeze %dma_wait3A_3656 : memref<1x256xi32, #tpu.memory_space<vmem>> -> memref<256xi32, #tpu.memory_space<vmem>>
    %dma_wait3A_3658 = arith.constant 0 : i32
    %dma_wait3A_3659 = tpu.memref_slice %arg5[%dma_wait3A_3658] : memref<655360xi32, #tpu.memory_space<hbm>> -> memref<655360xi32, #tpu.memory_space<hbm>>
    tpu.wait_indirect_dma semaphore(%arg14 : memref<!tpu.dma_semaphore, #tpu.memory_space<semaphore_mem>>) src(%dma_wait3A_3659 : memref<655360xi32, #tpu.memory_space<hbm>>) dst(%dma_wait3A_3654 : memref<256xi32, #tpu.memory_space<vmem>>)
    %add3A_3660 = arith.constant 0 : i32
    %add3A_3661 = arith.addi %add3A_3660, %mul3A_2 : i32
    %run_scoped3A = arith.constant 0 : i32
    "tpu.region"() ({
      %run_scoped3A_3679 = tpu.sem_alloc : memref<!tpu.dma_semaphore, #tpu.memory_space<semaphore_mem>>
      %dma_start3A_3680 = arith.constant 0 : i32
      %dma_start3A_3681 = tpu.memref_slice %arg12[%run_scoped3A, %dma_start3A_3680] : memref<5x512xi32, #tpu.memory_space<vmem>> -> memref<1x512xi32, #tpu.memory_space<vmem>>
      %dma_start3A_3682 = tpu.memref_squeeze %dma_start3A_3681 : memref<1x512xi32, #tpu.memory_space<vmem>> -> memref<512xi32, #tpu.memory_space<vmem>>
      %dma_start3A_3683 = tpu.memref_slice %arg6[%add3A_3661] : memref<81920xi32, #tpu.memory_space<hbm>> -> memref<512xi32, #tpu.memory_space<hbm>>
      %dma_start3A_3684 = tpu.memref_slice %arg6[%add3A_3661] : memref<81920xi32, #tpu.memory_space<hbm>> -> memref<512xi32, #tpu.memory_space<hbm>>
      %dma_start3A_3685 = arith.constant 0 : i32
      %dma_start3A_3686 = tpu.memref_slice %arg12[%run_scoped3A, %dma_start3A_3685] : memref<5x512xi32, #tpu.memory_space<vmem>> -> memref<1x512xi32, #tpu.memory_space<vmem>>
      %dma_start3A_3687 = tpu.memref_squeeze %dma_start3A_3686 : memref<1x512xi32, #tpu.memory_space<vmem>> -> memref<512xi32, #tpu.memory_space<vmem>>
      tpu.enqueue_dma source(%dma_start3A_3687 : memref<512xi32, #tpu.memory_space<vmem>>) target(%dma_start3A_3684 : memref<512xi32, #tpu.memory_space<hbm>>) target_semaphore(%run_scoped3A_3679 : memref<!tpu.dma_semaphore, #tpu.memory_space<semaphore_mem>>)
      %dma_wait3A_3688 = arith.constant 0 : i32
      %dma_wait3A_3689 = tpu.memref_slice %arg12[%run_scoped3A, %dma_wait3A_3688] : memref<5x512xi32, #tpu.memory_space<vmem>> -> memref<1x512xi32, #tpu.memory_space<vmem>>
      %dma_wait3A_3690 = tpu.memref_squeeze %dma_wait3A_3689 : memref<1x512xi32, #tpu.memory_space<vmem>> -> memref<512xi32, #tpu.memory_space<vmem>>
      %dma_wait3A_3691 = tpu.memref_slice %arg6[%add3A_3661] : memref<81920xi32, #tpu.memory_space<hbm>> -> memref<512xi32, #tpu.memory_space<hbm>>
      %dma_wait3A_3692 = tpu.memref_slice %arg6[%add3A_3661] : memref<81920xi32, #tpu.memory_space<hbm>> -> memref<512xi32, #tpu.memory_space<hbm>>
      %dma_wait3A_3693 = arith.constant 0 : i32
      %dma_wait3A_3694 = tpu.memref_slice %arg12[%run_scoped3A, %dma_wait3A_3693] : memref<5x512xi32, #tpu.memory_space<vmem>> -> memref<1x512xi32, #tpu.memory_space<vmem>>
      %dma_wait3A_3695 = tpu.memref_squeeze %dma_wait3A_3694 : memref<1x512xi32, #tpu.memory_space<vmem>> -> memref<512xi32, #tpu.memory_space<vmem>>
      tpu.wait_dma2 semaphore(%run_scoped3A_3679 : memref<!tpu.dma_semaphore, #tpu.memory_space<semaphore_mem>>) src(%dma_wait3A_3695 : memref<512xi32, #tpu.memory_space<vmem>>) dst(%dma_wait3A_3692 : memref<512xi32, #tpu.memory_space<hbm>>)
      tpu.yield
    }) : () -> ()
    %run_scoped3A_3662 = arith.constant 0 : i32
    "tpu.region"() ({
      %run_scoped3A_3679 = tpu.sem_alloc : memref<!tpu.dma_semaphore, #tpu.memory_space<semaphore_mem>>
      %dma_start3A_3680 = arith.constant 0 : i32
      %dma_start3A_3681 = tpu.memref_slice %arg13[%run_scoped3A_3662, %dma_start3A_3680] : memref<5x512xi32, #tpu.memory_space<vmem>> -> memref<1x512xi32, #tpu.memory_space<vmem>>
      %dma_start3A_3682 = tpu.memref_squeeze %dma_start3A_3681 : memref<1x512xi32, #tpu.memory_space<vmem>> -> memref<512xi32, #tpu.memory_space<vmem>>
      %dma_start3A_3683 = tpu.memref_slice %arg7[%add3A_3661] : memref<81920xi32, #tpu.memory_space<hbm>> -> memref<512xi32, #tpu.memory_space<hbm>>
      %dma_start3A_3684 = tpu.memref_slice %arg7[%add3A_3661] : memref<81920xi32, #tpu.memory_space<hbm>> -> memref<512xi32, #tpu.memory_space<hbm>>
      %dma_start3A_3685 = arith.constant 0 : i32
      %dma_start3A_3686 = tpu.memref_slice %arg13[%run_scoped3A_3662, %dma_start3A_3685] : memref<5x512xi32, #tpu.memory_space<vmem>> -> memref<1x512xi32, #tpu.memory_space<vmem>>
      %dma_start3A_3687 = tpu.memref_squeeze %dma_start3A_3686 : memref<1x512xi32, #tpu.memory_space<vmem>> -> memref<512xi32, #tpu.memory_space<vmem>>
      tpu.enqueue_dma source(%dma_start3A_3687 : memref<512xi32, #tpu.memory_space<vmem>>) target(%dma_start3A_3684 : memref<512xi32, #tpu.memory_space<hbm>>) target_semaphore(%run_scoped3A_3679 : memref<!tpu.dma_semaphore, #tpu.memory_space<semaphore_mem>>)
      %dma_wait3A_3688 = arith.constant 0 : i32
      %dma_wait3A_3689 = tpu.memref_slice %arg13[%run_scoped3A_3662, %dma_wait3A_3688] : memref<5x512xi32, #tpu.memory_space<vmem>> -> memref<1x512xi32, #tpu.memory_space<vmem>>
      %dma_wait3A_3690 = tpu.memref_squeeze %dma_wait3A_3689 : memref<1x512xi32, #tpu.memory_space<vmem>> -> memref<512xi32, #tpu.memory_space<vmem>>
      %dma_wait3A_3691 = tpu.memref_slice %arg7[%add3A_3661] : memref<81920xi32, #tpu.memory_space<hbm>> -> memref<512xi32, #tpu.memory_space<hbm>>
      %dma_wait3A_3692 = tpu.memref_slice %arg7[%add3A_3661] : memref<81920xi32, #tpu.memory_space<hbm>> -> memref<512xi32, #tpu.memory_space<hbm>>
      %dma_wait3A_3693 = arith.constant 0 : i32
      %dma_wait3A_3694 = tpu.memref_slice %arg13[%run_scoped3A_3662, %dma_wait3A_3693] : memref<5x512xi32, #tpu.memory_space<vmem>> -> memref<1x512xi32, #tpu.memory_space<vmem>>
      %dma_wait3A_3695 = tpu.memref_squeeze %dma_wait3A_3694 : memref<1x512xi32, #tpu.memory_space<vmem>> -> memref<512xi32, #tpu.memory_space<vmem>>
      tpu.wait_dma2 semaphore(%run_scoped3A_3679 : memref<!tpu.dma_semaphore, #tpu.memory_space<semaphore_mem>>) src(%dma_wait3A_3695 : memref<512xi32, #tpu.memory_space<vmem>>) dst(%dma_wait3A_3692 : memref<512xi32, #tpu.memory_space<hbm>>)
      tpu.yield
    }) : () -> ()
    %add3A_3663 = arith.constant 16384 : i32
    %add3A_3664 = arith.addi %add3A_3663, %mul3A_2 : i32
    %run_scoped3A_3665 = arith.constant 1 : i32
    "tpu.region"() ({
      %run_scoped3A_3679 = tpu.sem_alloc : memref<!tpu.dma_semaphore, #tpu.memory_space<semaphore_mem>>
      %dma_start3A_3680 = arith.constant 0 : i32
      %dma_start3A_3681 = tpu.memref_slice %arg12[%run_scoped3A_3665, %dma_start3A_3680] : memref<5x512xi32, #tpu.memory_space<vmem>> -> memref<1x512xi32, #tpu.memory_space<vmem>>
      %dma_start3A_3682 = tpu.memref_squeeze %dma_start3A_3681 : memref<1x512xi32, #tpu.memory_space<vmem>> -> memref<512xi32, #tpu.memory_space<vmem>>
      %dma_start3A_3683 = tpu.memref_slice %arg6[%add3A_3664] : memref<81920xi32, #tpu.memory_space<hbm>> -> memref<512xi32, #tpu.memory_space<hbm>>
      %dma_start3A_3684 = tpu.memref_slice %arg6[%add3A_3664] : memref<81920xi32, #tpu.memory_space<hbm>> -> memref<512xi32, #tpu.memory_space<hbm>>
      %dma_start3A_3685 = arith.constant 0 : i32
      %dma_start3A_3686 = tpu.memref_slice %arg12[%run_scoped3A_3665, %dma_start3A_3685] : memref<5x512xi32, #tpu.memory_space<vmem>> -> memref<1x512xi32, #tpu.memory_space<vmem>>
      %dma_start3A_3687 = tpu.memref_squeeze %dma_start3A_3686 : memref<1x512xi32, #tpu.memory_space<vmem>> -> memref<512xi32, #tpu.memory_space<vmem>>
      tpu.enqueue_dma source(%dma_start3A_3687 : memref<512xi32, #tpu.memory_space<vmem>>) target(%dma_start3A_3684 : memref<512xi32, #tpu.memory_space<hbm>>) target_semaphore(%run_scoped3A_3679 : memref<!tpu.dma_semaphore, #tpu.memory_space<semaphore_mem>>)
      %dma_wait3A_3688 = arith.constant 0 : i32
      %dma_wait3A_3689 = tpu.memref_slice %arg12[%run_scoped3A_3665, %dma_wait3A_3688] : memref<5x512xi32, #tpu.memory_space<vmem>> -> memref<1x512xi32, #tpu.memory_space<vmem>>
      %dma_wait3A_3690 = tpu.memref_squeeze %dma_wait3A_3689 : memref<1x512xi32, #tpu.memory_space<vmem>> -> memref<512xi32, #tpu.memory_space<vmem>>
      %dma_wait3A_3691 = tpu.memref_slice %arg6[%add3A_3664] : memref<81920xi32, #tpu.memory_space<hbm>> -> memref<512xi32, #tpu.memory_space<hbm>>
      %dma_wait3A_3692 = tpu.memref_slice %arg6[%add3A_3664] : memref<81920xi32, #tpu.memory_space<hbm>> -> memref<512xi32, #tpu.memory_space<hbm>>
      %dma_wait3A_3693 = arith.constant 0 : i32
      %dma_wait3A_3694 = tpu.memref_slice %arg12[%run_scoped3A_3665, %dma_wait3A_3693] : memref<5x512xi32, #tpu.memory_space<vmem>> -> memref<1x512xi32, #tpu.memory_space<vmem>>
      %dma_wait3A_3695 = tpu.memref_squeeze %dma_wait3A_3694 : memref<1x512xi32, #tpu.memory_space<vmem>> -> memref<512xi32, #tpu.memory_space<vmem>>
      tpu.wait_dma2 semaphore(%run_scoped3A_3679 : memref<!tpu.dma_semaphore, #tpu.memory_space<semaphore_mem>>) src(%dma_wait3A_3695 : memref<512xi32, #tpu.memory_space<vmem>>) dst(%dma_wait3A_3692 : memref<512xi32, #tpu.memory_space<hbm>>)
      tpu.yield
    }) : () -> ()
    %run_scoped3A_3666 = arith.constant 1 : i32
    "tpu.region"() ({
      %run_scoped3A_3679 = tpu.sem_alloc : memref<!tpu.dma_semaphore, #tpu.memory_space<semaphore_mem>>
      %dma_start3A_3680 = arith.constant 0 : i32
      %dma_start3A_3681 = tpu.memref_slice %arg13[%run_scoped3A_3666, %dma_start3A_3680] : memref<5x512xi32, #tpu.memory_space<vmem>> -> memref<1x512xi32, #tpu.memory_space<vmem>>
      %dma_start3A_3682 = tpu.memref_squeeze %dma_start3A_3681 : memref<1x512xi32, #tpu.memory_space<vmem>> -> memref<512xi32, #tpu.memory_space<vmem>>
      %dma_start3A_3683 = tpu.memref_slice %arg7[%add3A_3664] : memref<81920xi32, #tpu.memory_space<hbm>> -> memref<512xi32, #tpu.memory_space<hbm>>
      %dma_start3A_3684 = tpu.memref_slice %arg7[%add3A_3664] : memref<81920xi32, #tpu.memory_space<hbm>> -> memref<512xi32, #tpu.memory_space<hbm>>
      %dma_start3A_3685 = arith.constant 0 : i32
      %dma_start3A_3686 = tpu.memref_slice %arg13[%run_scoped3A_3666, %dma_start3A_3685] : memref<5x512xi32, #tpu.memory_space<vmem>> -> memref<1x512xi32, #tpu.memory_space<vmem>>
      %dma_start3A_3687 = tpu.memref_squeeze %dma_start3A_3686 : memref<1x512xi32, #tpu.memory_space<vmem>> -> memref<512xi32, #tpu.memory_space<vmem>>
      tpu.enqueue_dma source(%dma_start3A_3687 : memref<512xi32, #tpu.memory_space<vmem>>) target(%dma_start3A_3684 : memref<512xi32, #tpu.memory_space<hbm>>) target_semaphore(%run_scoped3A_3679 : memref<!tpu.dma_semaphore, #tpu.memory_space<semaphore_mem>>)
      %dma_wait3A_3688 = arith.constant 0 : i32
      %dma_wait3A_3689 = tpu.memref_slice %arg13[%run_scoped3A_3666, %dma_wait3A_3688] : memref<5x512xi32, #tpu.memory_space<vmem>> -> memref<1x512xi32, #tpu.memory_space<vmem>>
      %dma_wait3A_3690 = tpu.memref_squeeze %dma_wait3A_3689 : memref<1x512xi32, #tpu.memory_space<vmem>> -> memref<512xi32, #tpu.memory_space<vmem>>
      %dma_wait3A_3691 = tpu.memref_slice %arg7[%add3A_3664] : memref<81920xi32, #tpu.memory_space<hbm>> -> memref<512xi32, #tpu.memory_space<hbm>>
      %dma_wait3A_3692 = tpu.memref_slice %arg7[%add3A_3664] : memref<81920xi32, #tpu.memory_space<hbm>> -> memref<512xi32, #tpu.memory_space<hbm>>
      %dma_wait3A_3693 = arith.constant 0 : i32
      %dma_wait3A_3694 = tpu.memref_slice %arg13[%run_scoped3A_3666, %dma_wait3A_3693] : memref<5x512xi32, #tpu.memory_space<vmem>> -> memref<1x512xi32, #tpu.memory_space<vmem>>
      %dma_wait3A_3695 = tpu.memref_squeeze %dma_wait3A_3694 : memref<1x512xi32, #tpu.memory_space<vmem>> -> memref<512xi32, #tpu.memory_space<vmem>>
      tpu.wait_dma2 semaphore(%run_scoped3A_3679 : memref<!tpu.dma_semaphore, #tpu.memory_space<semaphore_mem>>) src(%dma_wait3A_3695 : memref<512xi32, #tpu.memory_space<vmem>>) dst(%dma_wait3A_3692 : memref<512xi32, #tpu.memory_space<hbm>>)
      tpu.yield
    }) : () -> ()
    %add3A_3667 = arith.constant 32768 : i32
    %add3A_3668 = arith.addi %add3A_3667, %mul3A_2 : i32
    %run_scoped3A_3669 = arith.constant 2 : i32
    "tpu.region"() ({
      %run_scoped3A_3679 = tpu.sem_alloc : memref<!tpu.dma_semaphore, #tpu.memory_space<semaphore_mem>>
      %dma_start3A_3680 = arith.constant 0 : i32
      %dma_start3A_3681 = tpu.memref_slice %arg12[%run_scoped3A_3669, %dma_start3A_3680] : memref<5x512xi32, #tpu.memory_space<vmem>> -> memref<1x512xi32, #tpu.memory_space<vmem>>
      %dma_start3A_3682 = tpu.memref_squeeze %dma_start3A_3681 : memref<1x512xi32, #tpu.memory_space<vmem>> -> memref<512xi32, #tpu.memory_space<vmem>>
      %dma_start3A_3683 = tpu.memref_slice %arg6[%add3A_3668] : memref<81920xi32, #tpu.memory_space<hbm>> -> memref<512xi32, #tpu.memory_space<hbm>>
      %dma_start3A_3684 = tpu.memref_slice %arg6[%add3A_3668] : memref<81920xi32, #tpu.memory_space<hbm>> -> memref<512xi32, #tpu.memory_space<hbm>>
      %dma_start3A_3685 = arith.constant 0 : i32
      %dma_start3A_3686 = tpu.memref_slice %arg12[%run_scoped3A_3669, %dma_start3A_3685] : memref<5x512xi32, #tpu.memory_space<vmem>> -> memref<1x512xi32, #tpu.memory_space<vmem>>
      %dma_start3A_3687 = tpu.memref_squeeze %dma_start3A_3686 : memref<1x512xi32, #tpu.memory_space<vmem>> -> memref<512xi32, #tpu.memory_space<vmem>>
      tpu.enqueue_dma source(%dma_start3A_3687 : memref<512xi32, #tpu.memory_space<vmem>>) target(%dma_start3A_3684 : memref<512xi32, #tpu.memory_space<hbm>>) target_semaphore(%run_scoped3A_3679 : memref<!tpu.dma_semaphore, #tpu.memory_space<semaphore_mem>>)
      %dma_wait3A_3688 = arith.constant 0 : i32
      %dma_wait3A_3689 = tpu.memref_slice %arg12[%run_scoped3A_3669, %dma_wait3A_3688] : memref<5x512xi32, #tpu.memory_space<vmem>> -> memref<1x512xi32, #tpu.memory_space<vmem>>
      %dma_wait3A_3690 = tpu.memref_squeeze %dma_wait3A_3689 : memref<1x512xi32, #tpu.memory_space<vmem>> -> memref<512xi32, #tpu.memory_space<vmem>>
      %dma_wait3A_3691 = tpu.memref_slice %arg6[%add3A_3668] : memref<81920xi32, #tpu.memory_space<hbm>> -> memref<512xi32, #tpu.memory_space<hbm>>
      %dma_wait3A_3692 = tpu.memref_slice %arg6[%add3A_3668] : memref<81920xi32, #tpu.memory_space<hbm>> -> memref<512xi32, #tpu.memory_space<hbm>>
      %dma_wait3A_3693 = arith.constant 0 : i32
      %dma_wait3A_3694 = tpu.memref_slice %arg12[%run_scoped3A_3669, %dma_wait3A_3693] : memref<5x512xi32, #tpu.memory_space<vmem>> -> memref<1x512xi32, #tpu.memory_space<vmem>>
      %dma_wait3A_3695 = tpu.memref_squeeze %dma_wait3A_3694 : memref<1x512xi32, #tpu.memory_space<vmem>> -> memref<512xi32, #tpu.memory_space<vmem>>
      tpu.wait_dma2 semaphore(%run_scoped3A_3679 : memref<!tpu.dma_semaphore, #tpu.memory_space<semaphore_mem>>) src(%dma_wait3A_3695 : memref<512xi32, #tpu.memory_space<vmem>>) dst(%dma_wait3A_3692 : memref<512xi32, #tpu.memory_space<hbm>>)
      tpu.yield
    }) : () -> ()
    %run_scoped3A_3670 = arith.constant 2 : i32
    "tpu.region"() ({
      %run_scoped3A_3679 = tpu.sem_alloc : memref<!tpu.dma_semaphore, #tpu.memory_space<semaphore_mem>>
      %dma_start3A_3680 = arith.constant 0 : i32
      %dma_start3A_3681 = tpu.memref_slice %arg13[%run_scoped3A_3670, %dma_start3A_3680] : memref<5x512xi32, #tpu.memory_space<vmem>> -> memref<1x512xi32, #tpu.memory_space<vmem>>
      %dma_start3A_3682 = tpu.memref_squeeze %dma_start3A_3681 : memref<1x512xi32, #tpu.memory_space<vmem>> -> memref<512xi32, #tpu.memory_space<vmem>>
      %dma_start3A_3683 = tpu.memref_slice %arg7[%add3A_3668] : memref<81920xi32, #tpu.memory_space<hbm>> -> memref<512xi32, #tpu.memory_space<hbm>>
      %dma_start3A_3684 = tpu.memref_slice %arg7[%add3A_3668] : memref<81920xi32, #tpu.memory_space<hbm>> -> memref<512xi32, #tpu.memory_space<hbm>>
      %dma_start3A_3685 = arith.constant 0 : i32
      %dma_start3A_3686 = tpu.memref_slice %arg13[%run_scoped3A_3670, %dma_start3A_3685] : memref<5x512xi32, #tpu.memory_space<vmem>> -> memref<1x512xi32, #tpu.memory_space<vmem>>
      %dma_start3A_3687 = tpu.memref_squeeze %dma_start3A_3686 : memref<1x512xi32, #tpu.memory_space<vmem>> -> memref<512xi32, #tpu.memory_space<vmem>>
      tpu.enqueue_dma source(%dma_start3A_3687 : memref<512xi32, #tpu.memory_space<vmem>>) target(%dma_start3A_3684 : memref<512xi32, #tpu.memory_space<hbm>>) target_semaphore(%run_scoped3A_3679 : memref<!tpu.dma_semaphore, #tpu.memory_space<semaphore_mem>>)
      %dma_wait3A_3688 = arith.constant 0 : i32
      %dma_wait3A_3689 = tpu.memref_slice %arg13[%run_scoped3A_3670, %dma_wait3A_3688] : memref<5x512xi32, #tpu.memory_space<vmem>> -> memref<1x512xi32, #tpu.memory_space<vmem>>
      %dma_wait3A_3690 = tpu.memref_squeeze %dma_wait3A_3689 : memref<1x512xi32, #tpu.memory_space<vmem>> -> memref<512xi32, #tpu.memory_space<vmem>>
      %dma_wait3A_3691 = tpu.memref_slice %arg7[%add3A_3668] : memref<81920xi32, #tpu.memory_space<hbm>> -> memref<512xi32, #tpu.memory_space<hbm>>
      %dma_wait3A_3692 = tpu.memref_slice %arg7[%add3A_3668] : memref<81920xi32, #tpu.memory_space<hbm>> -> memref<512xi32, #tpu.memory_space<hbm>>
      %dma_wait3A_3693 = arith.constant 0 : i32
      %dma_wait3A_3694 = tpu.memref_slice %arg13[%run_scoped3A_3670, %dma_wait3A_3693] : memref<5x512xi32, #tpu.memory_space<vmem>> -> memref<1x512xi32, #tpu.memory_space<vmem>>
      %dma_wait3A_3695 = tpu.memref_squeeze %dma_wait3A_3694 : memref<1x512xi32, #tpu.memory_space<vmem>> -> memref<512xi32, #tpu.memory_space<vmem>>
      tpu.wait_dma2 semaphore(%run_scoped3A_3679 : memref<!tpu.dma_semaphore, #tpu.memory_space<semaphore_mem>>) src(%dma_wait3A_3695 : memref<512xi32, #tpu.memory_space<vmem>>) dst(%dma_wait3A_3692 : memref<512xi32, #tpu.memory_space<hbm>>)
      tpu.yield
    }) : () -> ()
    %add3A_3671 = arith.constant 49152 : i32
    %add3A_3672 = arith.addi %add3A_3671, %mul3A_2 : i32
    %run_scoped3A_3673 = arith.constant 3 : i32
    "tpu.region"() ({
      %run_scoped3A_3679 = tpu.sem_alloc : memref<!tpu.dma_semaphore, #tpu.memory_space<semaphore_mem>>
      %dma_start3A_3680 = arith.constant 0 : i32
      %dma_start3A_3681 = tpu.memref_slice %arg12[%run_scoped3A_3673, %dma_start3A_3680] : memref<5x512xi32, #tpu.memory_space<vmem>> -> memref<1x512xi32, #tpu.memory_space<vmem>>
      %dma_start3A_3682 = tpu.memref_squeeze %dma_start3A_3681 : memref<1x512xi32, #tpu.memory_space<vmem>> -> memref<512xi32, #tpu.memory_space<vmem>>
      %dma_start3A_3683 = tpu.memref_slice %arg6[%add3A_3672] : memref<81920xi32, #tpu.memory_space<hbm>> -> memref<512xi32, #tpu.memory_space<hbm>>
      %dma_start3A_3684 = tpu.memref_slice %arg6[%add3A_3672] : memref<81920xi32, #tpu.memory_space<hbm>> -> memref<512xi32, #tpu.memory_space<hbm>>
      %dma_start3A_3685 = arith.constant 0 : i32
      %dma_start3A_3686 = tpu.memref_slice %arg12[%run_scoped3A_3673, %dma_start3A_3685] : memref<5x512xi32, #tpu.memory_space<vmem>> -> memref<1x512xi32, #tpu.memory_space<vmem>>
      %dma_start3A_3687 = tpu.memref_squeeze %dma_start3A_3686 : memref<1x512xi32, #tpu.memory_space<vmem>> -> memref<512xi32, #tpu.memory_space<vmem>>
      tpu.enqueue_dma source(%dma_start3A_3687 : memref<512xi32, #tpu.memory_space<vmem>>) target(%dma_start3A_3684 : memref<512xi32, #tpu.memory_space<hbm>>) target_semaphore(%run_scoped3A_3679 : memref<!tpu.dma_semaphore, #tpu.memory_space<semaphore_mem>>)
      %dma_wait3A_3688 = arith.constant 0 : i32
      %dma_wait3A_3689 = tpu.memref_slice %arg12[%run_scoped3A_3673, %dma_wait3A_3688] : memref<5x512xi32, #tpu.memory_space<vmem>> -> memref<1x512xi32, #tpu.memory_space<vmem>>
      %dma_wait3A_3690 = tpu.memref_squeeze %dma_wait3A_3689 : memref<1x512xi32, #tpu.memory_space<vmem>> -> memref<512xi32, #tpu.memory_space<vmem>>
      %dma_wait3A_3691 = tpu.memref_slice %arg6[%add3A_3672] : memref<81920xi32, #tpu.memory_space<hbm>> -> memref<512xi32, #tpu.memory_space<hbm>>
      %dma_wait3A_3692 = tpu.memref_slice %arg6[%add3A_3672] : memref<81920xi32, #tpu.memory_space<hbm>> -> memref<512xi32, #tpu.memory_space<hbm>>
      %dma_wait3A_3693 = arith.constant 0 : i32
      %dma_wait3A_3694 = tpu.memref_slice %arg12[%run_scoped3A_3673, %dma_wait3A_3693] : memref<5x512xi32, #tpu.memory_space<vmem>> -> memref<1x512xi32, #tpu.memory_space<vmem>>
      %dma_wait3A_3695 = tpu.memref_squeeze %dma_wait3A_3694 : memref<1x512xi32, #tpu.memory_space<vmem>> -> memref<512xi32, #tpu.memory_space<vmem>>
      tpu.wait_dma2 semaphore(%run_scoped3A_3679 : memref<!tpu.dma_semaphore, #tpu.memory_space<semaphore_mem>>) src(%dma_wait3A_3695 : memref<512xi32, #tpu.memory_space<vmem>>) dst(%dma_wait3A_3692 : memref<512xi32, #tpu.memory_space<hbm>>)
      tpu.yield
    }) : () -> ()
    %run_scoped3A_3674 = arith.constant 3 : i32
    "tpu.region"() ({
      %run_scoped3A_3679 = tpu.sem_alloc : memref<!tpu.dma_semaphore, #tpu.memory_space<semaphore_mem>>
      %dma_start3A_3680 = arith.constant 0 : i32
      %dma_start3A_3681 = tpu.memref_slice %arg13[%run_scoped3A_3674, %dma_start3A_3680] : memref<5x512xi32, #tpu.memory_space<vmem>> -> memref<1x512xi32, #tpu.memory_space<vmem>>
      %dma_start3A_3682 = tpu.memref_squeeze %dma_start3A_3681 : memref<1x512xi32, #tpu.memory_space<vmem>> -> memref<512xi32, #tpu.memory_space<vmem>>
      %dma_start3A_3683 = tpu.memref_slice %arg7[%add3A_3672] : memref<81920xi32, #tpu.memory_space<hbm>> -> memref<512xi32, #tpu.memory_space<hbm>>
      %dma_start3A_3684 = tpu.memref_slice %arg7[%add3A_3672] : memref<81920xi32, #tpu.memory_space<hbm>> -> memref<512xi32, #tpu.memory_space<hbm>>
      %dma_start3A_3685 = arith.constant 0 : i32
      %dma_start3A_3686 = tpu.memref_slice %arg13[%run_scoped3A_3674, %dma_start3A_3685] : memref<5x512xi32, #tpu.memory_space<vmem>> -> memref<1x512xi32, #tpu.memory_space<vmem>>
      %dma_start3A_3687 = tpu.memref_squeeze %dma_start3A_3686 : memref<1x512xi32, #tpu.memory_space<vmem>> -> memref<512xi32, #tpu.memory_space<vmem>>
      tpu.enqueue_dma source(%dma_start3A_3687 : memref<512xi32, #tpu.memory_space<vmem>>) target(%dma_start3A_3684 : memref<512xi32, #tpu.memory_space<hbm>>) target_semaphore(%run_scoped3A_3679 : memref<!tpu.dma_semaphore, #tpu.memory_space<semaphore_mem>>)
      %dma_wait3A_3688 = arith.constant 0 : i32
      %dma_wait3A_3689 = tpu.memref_slice %arg13[%run_scoped3A_3674, %dma_wait3A_3688] : memref<5x512xi32, #tpu.memory_space<vmem>> -> memref<1x512xi32, #tpu.memory_space<vmem>>
      %dma_wait3A_3690 = tpu.memref_squeeze %dma_wait3A_3689 : memref<1x512xi32, #tpu.memory_space<vmem>> -> memref<512xi32, #tpu.memory_space<vmem>>
      %dma_wait3A_3691 = tpu.memref_slice %arg7[%add3A_3672] : memref<81920xi32, #tpu.memory_space<hbm>> -> memref<512xi32, #tpu.memory_space<hbm>>
      %dma_wait3A_3692 = tpu.memref_slice %arg7[%add3A_3672] : memref<81920xi32, #tpu.memory_space<hbm>> -> memref<512xi32, #tpu.memory_space<hbm>>
      %dma_wait3A_3693 = arith.constant 0 : i32
      %dma_wait3A_3694 = tpu.memref_slice %arg13[%run_scoped3A_3674, %dma_wait3A_3693] : memref<5x512xi32, #tpu.memory_space<vmem>> -> memref<1x512xi32, #tpu.memory_space<vmem>>
      %dma_wait3A_3695 = tpu.memref_squeeze %dma_wait3A_3694 : memref<1x512xi32, #tpu.memory_space<vmem>> -> memref<512xi32, #tpu.memory_space<vmem>>
      tpu.wait_dma2 semaphore(%run_scoped3A_3679 : memref<!tpu.dma_semaphore, #tpu.memory_space<semaphore_mem>>) src(%dma_wait3A_3695 : memref<512xi32, #tpu.memory_space<vmem>>) dst(%dma_wait3A_3692 : memref<512xi32, #tpu.memory_space<hbm>>)
      tpu.yield
    }) : () -> ()
    %add3A_3675 = arith.constant 65536 : i32
    %add3A_3676 = arith.addi %add3A_3675, %mul3A_2 : i32
    %run_scoped3A_3677 = arith.constant 4 : i32
    "tpu.region"() ({
      %run_scoped3A_3679 = tpu.sem_alloc : memref<!tpu.dma_semaphore, #tpu.memory_space<semaphore_mem>>
      %dma_start3A_3680 = arith.constant 0 : i32
      %dma_start3A_3681 = tpu.memref_slice %arg12[%run_scoped3A_3677, %dma_start3A_3680] : memref<5x512xi32, #tpu.memory_space<vmem>> -> memref<1x512xi32, #tpu.memory_space<vmem>>
      %dma_start3A_3682 = tpu.memref_squeeze %dma_start3A_3681 : memref<1x512xi32, #tpu.memory_space<vmem>> -> memref<512xi32, #tpu.memory_space<vmem>>
      %dma_start3A_3683 = tpu.memref_slice %arg6[%add3A_3676] : memref<81920xi32, #tpu.memory_space<hbm>> -> memref<512xi32, #tpu.memory_space<hbm>>
      %dma_start3A_3684 = tpu.memref_slice %arg6[%add3A_3676] : memref<81920xi32, #tpu.memory_space<hbm>> -> memref<512xi32, #tpu.memory_space<hbm>>
      %dma_start3A_3685 = arith.constant 0 : i32
      %dma_start3A_3686 = tpu.memref_slice %arg12[%run_scoped3A_3677, %dma_start3A_3685] : memref<5x512xi32, #tpu.memory_space<vmem>> -> memref<1x512xi32, #tpu.memory_space<vmem>>
      %dma_start3A_3687 = tpu.memref_squeeze %dma_start3A_3686 : memref<1x512xi32, #tpu.memory_space<vmem>> -> memref<512xi32, #tpu.memory_space<vmem>>
      tpu.enqueue_dma source(%dma_start3A_3687 : memref<512xi32, #tpu.memory_space<vmem>>) target(%dma_start3A_3684 : memref<512xi32, #tpu.memory_space<hbm>>) target_semaphore(%run_scoped3A_3679 : memref<!tpu.dma_semaphore, #tpu.memory_space<semaphore_mem>>)
      %dma_wait3A_3688 = arith.constant 0 : i32
      %dma_wait3A_3689 = tpu.memref_slice %arg12[%run_scoped3A_3677, %dma_wait3A_3688] : memref<5x512xi32, #tpu.memory_space<vmem>> -> memref<1x512xi32, #tpu.memory_space<vmem>>
      %dma_wait3A_3690 = tpu.memref_squeeze %dma_wait3A_3689 : memref<1x512xi32, #tpu.memory_space<vmem>> -> memref<512xi32, #tpu.memory_space<vmem>>
      %dma_wait3A_3691 = tpu.memref_slice %arg6[%add3A_3676] : memref<81920xi32, #tpu.memory_space<hbm>> -> memref<512xi32, #tpu.memory_space<hbm>>
      %dma_wait3A_3692 = tpu.memref_slice %arg6[%add3A_3676] : memref<81920xi32, #tpu.memory_space<hbm>> -> memref<512xi32, #tpu.memory_space<hbm>>
      %dma_wait3A_3693 = arith.constant 0 : i32
      %dma_wait3A_3694 = tpu.memref_slice %arg12[%run_scoped3A_3677, %dma_wait3A_3693] : memref<5x512xi32, #tpu.memory_space<vmem>> -> memref<1x512xi32, #tpu.memory_space<vmem>>
      %dma_wait3A_3695 = tpu.memref_squeeze %dma_wait3A_3694 : memref<1x512xi32, #tpu.memory_space<vmem>> -> memref<512xi32, #tpu.memory_space<vmem>>
      tpu.wait_dma2 semaphore(%run_scoped3A_3679 : memref<!tpu.dma_semaphore, #tpu.memory_space<semaphore_mem>>) src(%dma_wait3A_3695 : memref<512xi32, #tpu.memory_space<vmem>>) dst(%dma_wait3A_3692 : memref<512xi32, #tpu.memory_space<hbm>>)
      tpu.yield
    }) : () -> ()
    %run_scoped3A_3678 = arith.constant 4 : i32
    "tpu.region"() ({
      %run_scoped3A_3679 = tpu.sem_alloc : memref<!tpu.dma_semaphore, #tpu.memory_space<semaphore_mem>>
      %dma_start3A_3680 = arith.constant 0 : i32
      %dma_start3A_3681 = tpu.memref_slice %arg13[%run_scoped3A_3678, %dma_start3A_3680] : memref<5x512xi32, #tpu.memory_space<vmem>> -> memref<1x512xi32, #tpu.memory_space<vmem>>
      %dma_start3A_3682 = tpu.memref_squeeze %dma_start3A_3681 : memref<1x512xi32, #tpu.memory_space<vmem>> -> memref<512xi32, #tpu.memory_space<vmem>>
      %dma_start3A_3683 = tpu.memref_slice %arg7[%add3A_3676] : memref<81920xi32, #tpu.memory_space<hbm>> -> memref<512xi32, #tpu.memory_space<hbm>>
      %dma_start3A_3684 = tpu.memref_slice %arg7[%add3A_3676] : memref<81920xi32, #tpu.memory_space<hbm>> -> memref<512xi32, #tpu.memory_space<hbm>>
      %dma_start3A_3685 = arith.constant 0 : i32
      %dma_start3A_3686 = tpu.memref_slice %arg13[%run_scoped3A_3678, %dma_start3A_3685] : memref<5x512xi32, #tpu.memory_space<vmem>> -> memref<1x512xi32, #tpu.memory_space<vmem>>
      %dma_start3A_3687 = tpu.memref_squeeze %dma_start3A_3686 : memref<1x512xi32, #tpu.memory_space<vmem>> -> memref<512xi32, #tpu.memory_space<vmem>>
      tpu.enqueue_dma source(%dma_start3A_3687 : memref<512xi32, #tpu.memory_space<vmem>>) target(%dma_start3A_3684 : memref<512xi32, #tpu.memory_space<hbm>>) target_semaphore(%run_scoped3A_3679 : memref<!tpu.dma_semaphore, #tpu.memory_space<semaphore_mem>>)
      %dma_wait3A_3688 = arith.constant 0 : i32
      %dma_wait3A_3689 = tpu.memref_slice %arg13[%run_scoped3A_3678, %dma_wait3A_3688] : memref<5x512xi32, #tpu.memory_space<vmem>> -> memref<1x512xi32, #tpu.memory_space<vmem>>
      %dma_wait3A_3690 = tpu.memref_squeeze %dma_wait3A_3689 : memref<1x512xi32, #tpu.memory_space<vmem>> -> memref<512xi32, #tpu.memory_space<vmem>>
      %dma_wait3A_3691 = tpu.memref_slice %arg7[%add3A_3676] : memref<81920xi32, #tpu.memory_space<hbm>> -> memref<512xi32, #tpu.memory_space<hbm>>
      %dma_wait3A_3692 = tpu.memref_slice %arg7[%add3A_3676] : memref<81920xi32, #tpu.memory_space<hbm>> -> memref<512xi32, #tpu.memory_space<hbm>>
      %dma_wait3A_3693 = arith.constant 0 : i32
      %dma_wait3A_3694 = tpu.memref_slice %arg13[%run_scoped3A_3678, %dma_wait3A_3693] : memref<5x512xi32, #tpu.memory_space<vmem>> -> memref<1x512xi32, #tpu.memory_space<vmem>>
      %dma_wait3A_3695 = tpu.memref_squeeze %dma_wait3A_3694 : memref<1x512xi32, #tpu.memory_space<vmem>> -> memref<512xi32, #tpu.memory_space<vmem>>
      tpu.wait_dma2 semaphore(%run_scoped3A_3679 : memref<!tpu.dma_semaphore, #tpu.memory_space<semaphore_mem>>) src(%dma_wait3A_3695 : memref<512xi32, #tpu.memory_space<vmem>>) dst(%dma_wait3A_3692 : memref<512xi32, #tpu.memory_space<hbm>>)
      tpu.yield
    }) : () -> ()
    return
  }
}

module attributes {stable_mosaic.version = 14 : i64} {
  func.func @_detile_body(%arg0: i32, %arg1: memref<10x131072xf32, #tpu.memory_space<vmem>>, %arg2: memref<655360xi32, #tpu.memory_space<vmem>>) attributes {dimension_semantics = [#tpu.dimension_semantics<arbitrary>], iteration_bounds = array<i64: 1>, scalar_prefetch = 0 : i64, scratch_operands = 0 : i64, tpu.core_type = #tpu.core_type<tc>, window_params = [{transform_indices = @transform_0, window_bounds = array<i64: 10, 131072>}, {transform_indices = @transform_1, window_bounds = array<i64: 655360>}]} {
    %get3A = arith.constant 0 : index
    %get3A_0 = arith.constant 0 : index
    %get3A_1 = vector.load %arg1[%get3A, %get3A_0] : memref<10x131072xf32, #tpu.memory_space<vmem>>, vector<10x131072xf32>
    %convert_element_type3A = arith.truncf %get3A_1 : vector<10x131072xf32> to vector<10x131072xbf16>
    %bitcast_convert_type3A = tpu.bitcast %convert_element_type3A : vector<10x131072xbf16> -> vector<10x131072xi16>
    %convert_element_type3A_2 = arith.extui %bitcast_convert_type3A : vector<10x131072xi16> to vector<10x131072xi32>
    %reshape3A = vector.shape_cast %convert_element_type3A_2 : vector<10x131072xi32> to vector<5x2x131072xi32>
    %slice3A = vector.extract_strided_slice %reshape3A {offsets = [0, 0, 0], sizes = [5, 1, 131072], strides = [1, 1, 1]} : vector<5x2x131072xi32> to vector<5x1x131072xi32>
    %squeeze3A = vector.shape_cast %slice3A : vector<5x1x131072xi32> to vector<5x131072xi32>
    %slice3A_3 = vector.extract_strided_slice %reshape3A {offsets = [0, 1, 0], sizes = [5, 1, 131072], strides = [1, 1, 1]} : vector<5x2x131072xi32> to vector<5x1x131072xi32>
    %squeeze3A_4 = vector.shape_cast %slice3A_3 : vector<5x1x131072xi32> to vector<5x131072xi32>
    %shift_left3A = arith.constant 16 : i32
    %shift_left3A_5 = vector.broadcast %shift_left3A : i32 to vector<5x131072xi32>
    %shift_left3A_6 = arith.shli %squeeze3A_4, %shift_left3A_5 : vector<5x131072xi32>
    %or3A = arith.ori %squeeze3A, %shift_left3A_6 : vector<5x131072xi32>
    %reshape3A_7 = vector.shape_cast %or3A : vector<5x131072xi32> to vector<655360xi32>
    %swap3A = arith.constant 0 : index
    %swap3A_8 = vector.load %arg2[%swap3A] : memref<655360xi32, #tpu.memory_space<vmem>>, vector<655360xi32>
    tpu.vector_store %arg2[%swap3A], %reshape3A_7 {strides = array<i32>} : memref<655360xi32, #tpu.memory_space<vmem>>, vector<655360xi32>,
    return
  }
  func.func @transform_0(%arg0: i32) -> (i32, i32) {
    %c0_i32 = arith.constant 0 : i32
    %c0_i32_0 = arith.constant 0 : i32
    return %c0_i32, %arg0 : i32, i32
  }
  func.func @transform_1(%arg0: i32) -> i32 {
    %c0_i32 = arith.constant 0 : i32
    return %arg0 : i32
  }
}

module attributes {stable_mosaic.version = 14 : i64} {
  func.func @_detile_body(%arg0: i32, %arg1: memref<10x131072xf32, #tpu.memory_space<vmem>>, %arg2: memref<655360xi32, #tpu.memory_space<vmem>>) attributes {dimension_semantics = [#tpu.dimension_semantics<arbitrary>], iteration_bounds = array<i64: 8>, scalar_prefetch = 0 : i64, scratch_operands = 0 : i64, tpu.core_type = #tpu.core_type<tc>, window_params = [{transform_indices = @transform_0, window_bounds = array<i64: 10, 131072>}, {transform_indices = @transform_1, window_bounds = array<i64: 655360>}]} {
    %get3A = arith.constant 0 : index
    %get3A_0 = arith.constant 0 : index
    %get3A_1 = vector.load %arg1[%get3A, %get3A_0] : memref<10x131072xf32, #tpu.memory_space<vmem>>, vector<10x131072xf32>
    %convert_element_type3A = arith.truncf %get3A_1 : vector<10x131072xf32> to vector<10x131072xbf16>
    %bitcast_convert_type3A = tpu.bitcast %convert_element_type3A : vector<10x131072xbf16> -> vector<10x131072xi16>
    %convert_element_type3A_2 = arith.extui %bitcast_convert_type3A : vector<10x131072xi16> to vector<10x131072xi32>
    %reshape3A = vector.shape_cast %convert_element_type3A_2 : vector<10x131072xi32> to vector<5x2x131072xi32>
    %slice3A = vector.extract_strided_slice %reshape3A {offsets = [0, 0, 0], sizes = [5, 1, 131072], strides = [1, 1, 1]} : vector<5x2x131072xi32> to vector<5x1x131072xi32>
    %squeeze3A = vector.shape_cast %slice3A : vector<5x1x131072xi32> to vector<5x131072xi32>
    %slice3A_3 = vector.extract_strided_slice %reshape3A {offsets = [0, 1, 0], sizes = [5, 1, 131072], strides = [1, 1, 1]} : vector<5x2x131072xi32> to vector<5x1x131072xi32>
    %squeeze3A_4 = vector.shape_cast %slice3A_3 : vector<5x1x131072xi32> to vector<5x131072xi32>
    %shift_left3A = arith.constant 16 : i32
    %shift_left3A_5 = vector.broadcast %shift_left3A : i32 to vector<5x131072xi32>
    %shift_left3A_6 = arith.shli %squeeze3A_4, %shift_left3A_5 : vector<5x131072xi32>
    %or3A = arith.ori %squeeze3A, %shift_left3A_6 : vector<5x131072xi32>
    %reshape3A_7 = vector.shape_cast %or3A : vector<5x131072xi32> to vector<655360xi32>
    %swap3A = arith.constant 0 : index
    %swap3A_8 = vector.load %arg2[%swap3A] : memref<655360xi32, #tpu.memory_space<vmem>>, vector<655360xi32>
    tpu.vector_store %arg2[%swap3A], %reshape3A_7 {strides = array<i32>} : memref<655360xi32, #tpu.memory_space<vmem>>, vector<655360xi32>,
    return
  }
  func.func @transform_0(%arg0: i32) -> (i32, i32) {
    %c0_i32 = arith.constant 0 : i32
    %c0_i32_0 = arith.constant 0 : i32
    return %c0_i32, %arg0 : i32, i32
  }
  func.func @transform_1(%arg0: i32) -> i32 {
    %c0_i32 = arith.constant 0 : i32
    return %arg0 : i32
  }
}

module attributes {stable_mosaic.version = 14 : i64} {
  func.func @_mlp_body(%arg0: memref<81920xi32, #tpu.memory_space<vmem>>, %arg1: memref<81920xi32, #tpu.memory_space<vmem>>, %arg2: memref<120x10xf32, #tpu.memory_space<vmem>>, %arg3: memref<120x10xf32, #tpu.memory_space<vmem>>, %arg4: memref<120x1xf32, #tpu.memory_space<vmem>>, %arg5: memref<1x120xf32, #tpu.memory_space<vmem>>, %arg6: memref<1x1xf32, #tpu.memory_space<vmem>>, %arg7: memref<1x16384xf32, #tpu.memory_space<vmem>>) attributes {dimension_semantics = [], scalar_prefetch = 0 : i64, scratch_operands = 0 : i64, tpu.core_type = #tpu.core_type<tc>} {
    %get3A = arith.constant 0 : index
    %get3A_0 = vector.load %arg0[%get3A] : memref<81920xi32, #tpu.memory_space<vmem>>, vector<81920xi32>
    %reshape3A = vector.shape_cast %get3A_0 : vector<81920xi32> to vector<5x16384xi32>
    %and3A = arith.constant 65535 : i32
    %and3A_1 = vector.broadcast %and3A : i32 to vector<5x16384xi32>
    %and3A_2 = arith.andi %reshape3A, %and3A_1 : vector<5x16384xi32>
    %convert_element_type3A = arith.trunci %and3A_2 : vector<5x16384xi32> to vector<5x16384xi16>
    %bitcast_convert_type3A = tpu.bitcast %convert_element_type3A : vector<5x16384xi16> -> vector<5x16384xbf16>
    %shift_right_arithmetic3A = arith.constant 16 : i32
    %shift_right_arithmetic3A_3 = vector.broadcast %shift_right_arithmetic3A : i32 to vector<5x16384xi32>
    %shift_right_arithmetic3A_4 = arith.shrsi %reshape3A, %shift_right_arithmetic3A_3 : vector<5x16384xi32>
    %and3A_5 = arith.constant 65535 : i32
    %and3A_6 = vector.broadcast %and3A_5 : i32 to vector<5x16384xi32>
    %and3A_7 = arith.andi %shift_right_arithmetic3A_4, %and3A_6 : vector<5x16384xi32>
    %convert_element_type3A_8 = arith.trunci %and3A_7 : vector<5x16384xi32> to vector<5x16384xi16>
    %bitcast_convert_type3A_9 = tpu.bitcast %convert_element_type3A_8 : vector<5x16384xi16> -> vector<5x16384xbf16>
    %concatenate3A = tpu.concatenate %bitcast_convert_type3A, %bitcast_convert_type3A_9 in 0 : vector<5x16384xbf16>, vector<5x16384xbf16> -> vector<10x16384xbf16>
    %get3A_10 = arith.constant 0 : index
    %get3A_11 = vector.load %arg1[%get3A_10] : memref<81920xi32, #tpu.memory_space<vmem>>, vector<81920xi32>
    %reshape3A_12 = vector.shape_cast %get3A_11 : vector<81920xi32> to vector<5x16384xi32>
    %and3A_13 = arith.constant 65535 : i32
    %and3A_14 = vector.broadcast %and3A_13 : i32 to vector<5x16384xi32>
    %and3A_15 = arith.andi %reshape3A_12, %and3A_14 : vector<5x16384xi32>
    %convert_element_type3A_16 = arith.trunci %and3A_15 : vector<5x16384xi32> to vector<5x16384xi16>
    %bitcast_convert_type3A_17 = tpu.bitcast %convert_element_type3A_16 : vector<5x16384xi16> -> vector<5x16384xbf16>
    %shift_right_arithmetic3A_18 = arith.constant 16 : i32
    %shift_right_arithmetic3A_19 = vector.broadcast %shift_right_arithmetic3A_18 : i32 to vector<5x16384xi32>
    %shift_right_arithmetic3A_20 = arith.shrsi %reshape3A_12, %shift_right_arithmetic3A_19 : vector<5x16384xi32>
    %and3A_21 = arith.constant 65535 : i32
    %and3A_22 = vector.broadcast %and3A_21 : i32 to vector<5x16384xi32>
    %and3A_23 = arith.andi %shift_right_arithmetic3A_20, %and3A_22 : vector<5x16384xi32>
    %convert_element_type3A_24 = arith.trunci %and3A_23 : vector<5x16384xi32> to vector<5x16384xi16>
    %bitcast_convert_type3A_25 = tpu.bitcast %convert_element_type3A_24 : vector<5x16384xi16> -> vector<5x16384xbf16>
    %concatenate3A_26 = tpu.concatenate %bitcast_convert_type3A_17, %bitcast_convert_type3A_25 in 0 : vector<5x16384xbf16>, vector<5x16384xbf16> -> vector<10x16384xbf16>
    %get3A_27 = arith.constant 0 : index
    %get3A_28 = arith.constant 0 : index
    %get3A_29 = vector.load %arg2[%get3A_27, %get3A_28] : memref<120x10xf32, #tpu.memory_space<vmem>>, vector<120x10xf32>
    %convert_element_type3A_30 = arith.truncf %get3A_29 : vector<120x10xf32> to vector<120x10xbf16>
    %get3A_31 = arith.constant 0 : index
    %get3A_32 = arith.constant 0 : index
    %get3A_33 = vector.load %arg3[%get3A_31, %get3A_32] : memref<120x10xf32, #tpu.memory_space<vmem>>, vector<120x10xf32>
    %convert_element_type3A_34 = arith.truncf %get3A_33 : vector<120x10xf32> to vector<120x10xbf16>
    %dot_general3A = arith.constant dense<0.000000e+00> : vector<120x16384xf32>
    %dot_general3A_35 = tpu.matmul %convert_element_type3A_30, %concatenate3A, %dot_general3A {dimension_numbers = #tpu.dot_dimension_numbers<[1], [0], [0], [1], [0, 0, 1, 1], [], []>, transpose_lhs_hint = false} : vector<120x10xbf16>, vector<10x16384xbf16>, vector<120x16384xf32> -> vector<120x16384xf32>
    %dot_general3A_36 = arith.constant dense<0.000000e+00> : vector<120x16384xf32>
    %dot_general3A_37 = tpu.matmul %convert_element_type3A_34, %concatenate3A_26, %dot_general3A_36 {dimension_numbers = #tpu.dot_dimension_numbers<[1], [0], [0], [1], [0, 0, 1, 1], [], []>, transpose_lhs_hint = false} : vector<120x10xbf16>, vector<10x16384xbf16>, vector<120x16384xf32> -> vector<120x16384xf32>
    %add3A = arith.addf %dot_general3A_35, %dot_general3A_37 : vector<120x16384xf32>
    %get3A_38 = arith.constant 0 : index
    %get3A_39 = arith.constant 0 : index
    %get3A_40 = vector.load %arg4[%get3A_38, %get3A_39] : memref<120x1xf32, #tpu.memory_space<vmem>>, vector<120x1xf32>
    %add3A_41 = vector.broadcast %get3A_40 : vector<120x1xf32> to vector<120x16384xf32>
    %add3A_42 = arith.addf %add3A, %add3A_41 : vector<120x16384xf32>
    %max3A = arith.constant 0.000000e+00 : f32
    %max3A_43 = vector.broadcast %max3A : f32 to vector<120x16384xf32>
    %max3A_44 = arith.maximumf %add3A_42, %max3A_43 : vector<120x16384xf32>
    %convert_element_type3A_45 = arith.truncf %max3A_44 : vector<120x16384xf32> to vector<120x16384xbf16>
    %get3A_46 = arith.constant 0 : index
    %get3A_47 = arith.constant 0 : index
    %get3A_48 = vector.load %arg5[%get3A_46, %get3A_47] : memref<1x120xf32, #tpu.memory_space<vmem>>, vector<1x120xf32>
    %convert_element_type3A_49 = arith.truncf %get3A_48 : vector<1x120xf32> to vector<1x120xbf16>
    %dot_general3A_50 = arith.constant dense<0.000000e+00> : vector<1x16384xf32>
    %dot_general3A_51 = tpu.matmul %convert_element_type3A_49, %convert_element_type3A_45, %dot_general3A_50 {dimension_numbers = #tpu.dot_dimension_numbers<[1], [0], [0], [1], [0, 0, 1, 1], [], []>, transpose_lhs_hint = false} : vector<1x120xbf16>, vector<120x16384xbf16>, vector<1x16384xf32> -> vector<1x16384xf32>
    %get3A_52 = arith.constant 0 : index
    %get3A_53 = arith.constant 0 : index
    %get3A_54 = vector.load %arg6[%get3A_52, %get3A_53] : memref<1x1xf32, #tpu.memory_space<vmem>>, vector<1x1xf32>
    %add3A_55 = vector.broadcast %get3A_54 : vector<1x1xf32> to vector<1x16384xf32>
    %add3A_56 = arith.addf %dot_general3A_51, %add3A_55 : vector<1x16384xf32>
    %swap3A = arith.constant 0 : index
    %swap3A_57 = arith.constant 0 : index
    %swap3A_58 = vector.load %arg7[%swap3A, %swap3A_57] : memref<1x16384xf32, #tpu.memory_space<vmem>>, vector<1x16384xf32>
    tpu.vector_store %arg7[%swap3A, %swap3A_57], %add3A_56 {strides = array<i32>} : memref<1x16384xf32, #tpu.memory_space<vmem>>, vector<1x16384xf32>,
    return
  }
}

</mosaic_0001>

<sc_bundles>
// kernel: kernel.6.cloned.1.call-start
scs
__scs_entry_jumppad:
0x0: {  	(pc) =	sbr.rel $0x88, $3  }
0x1: {  	(tag) =	ssettag $0x0;
	lr =	simm.s32 $0x1  }
0x2: {  	[smem:$0x3F99] =	sst lr;
	_ =	strace $0xD0000000  }
0x3: {  	_ = 	snop  }
0x4: {  	_ = 	snop  }
0x5: {  	_ = 	snop  }
0x6: {  	_ = 	snop  }
0x7: {  	_ = 	snop  }
__scs_overlays_trampoline_lowered:
0x8: {  	[smem:$0x3FA8] =	sst s0  }
0x9: {  	[smem:$0x3FA9] =	sst s1  }
0xa: {  	[smem:$0x3FAA] =	sst s2  }
0xb: {  	[smem:$0x3FAB] =	sst s3  }
0xc: {  	[smem:$0x3FAC] =	sst s4  }
0xd: {  	[smem:$0x3FAD] =	sst s5  }
0xe: {  	[smem:$0x3FAE] =	sst s6  }
0xf: {  	[smem:$0x3FAF] =	sst s7  }
0x10: {  	[smem:$0x3FB0] =	sst s8  }
0x11: {  	[smem:$0x3FB1] =	sst s9;
	s0 =	simm.s32 @!p0 $0x0  }
0x12: {  	s1 =	sld [smem:$0x3F97];
	s0 =	simm.s32 @p0 $0x1  }
0x13: {  	[smem:$0x3FB2] =	sst s0;
	s0 =	simm.s32 @!p1 $0x0  }
0x14: {  	s2 =	sld [smem:$0x3F96];
	s0 =	simm.s32 @p1 $0x1  }
0x15: {  	[smem:$0x3FB3] =	sst s0;
	s0 =	simm.s32 @!p2 $0x0  }
0x16: {  	s3 =	sld [smem:$0x3FDB];
	s0 =	simm.s32 @p2 $0x1  }
0x17: {  	s4 =	simm.s32 $0x1BF5;
	[smem:$0x3FB5] =	sst s0  }
0x18: {  	s0 =	sld [smem:$0x3F98];
	_ =	swait.ge [sflag:s4], $0x0  }
0x19: {  	s7 =	sld [smem:$0x3F99]  }
0x1a: {  	s8 =	sadd.s32 $0xFFFFE003, lr  }
0x1b: {  	s9 =	sadd.s32 $0xFFFFFEF7, lr;
	s5 =	simm.s32 $0xFFFFFFFF;
	p2 =	slt.u32 s8, $0xFFFFF086  }
0x1c: {  	p1 =	slt.u32 s9, $0xF7A;
	s5 =	simm.s32 @!p2 $0x0  }
0x1d: {  	s5 =	simm.s32 @p1 $0x1;
	p0 =	seq.s32 s7, s2  }
0x1e: {  	s7 =	smul.u32 @!p0 $0xF7A, s2;
	p2 =	seq.s32 @!p0 s5, $0x0  }
0x1f: {  	s9 =	smul.u32 $0xF7A, s1;
	s8 =	simm.s32 @!p0 $0x1BF5;
	p2 =	por !p2, p0  }
0x20: {  	[sflag:s8] =	ssyncset.s32 @!p0 $0xFFFFF086;
	s6 =	sadd.s32 @!p0 s3, s7;
	s7 =	simm.s32 @!p0 $0x108  }
0x21: {  	s3 =	sadd.s32 s3, s9;
	s6 =	sadd.s32 @!p0 $0x88, s6;
	s7 =	simm.s32 @p2 $0x1082  }
0x22: {  	[simem:s7], [sflag:s8] =	dma.local @!p0 [hbm:s6], $0xF7A  }
0x23: {  	s9 =	sor.u32 $0xD0000000, s2;
	s6 =	simm.s32 $0x108;
	_ =	swait.ge @!p0 [sflag:s8], $0x0  }
0x24: {  	s3 =	sadd.s32 $0x88, s3;
	s6 =	simm.s32 @!p1 $0x1082;
	[sflag:s4] =	ssyncset.s32 $0xFFFFF086  }
0x25: {  	[simem:s6], [sflag:s4] =	dma.local [hbm:s3], $0xF7A  }
0x26: {  	[smem:$0x3F99] =	sst s1;
	(tag) =	ssettag s2;
	_ =	strace s9  }
0x27: {  	s1 =	sld [smem:$0x3FA9]  }
0x28: {  	s2 =	sld [smem:$0x3FAA]  }
0x29: {  	s4 =	sld [smem:$0x3FAC]  }
0x2a: {  	p0 =	seq.s32 s5, $0x0;
	s5 =	sld [smem:$0x3FAD]  }
0x2b: {  	s6 =	sld [smem:$0x3FAE]  }
0x2c: {  	s7 =	sld [smem:$0x3FAF]  }
0x2d: {  	s3 =	simm.s32 $0x108;
	s8 =	sld [smem:$0x3FB0]  }
0x2e: {  	s3 =	simm.s32 @!p0 $0x1082;
	s9 =	sld [smem:$0x3FB1]  }
0x2f: {  	lr =	sadd.s32 s0, s3;
	s0 =	sld [smem:$0x3FA8]  }
0x30: {  	s3 =	sld [smem:$0x3FAB]  }
0x31: {  	[smem:$0x3FB4] =	sst s10  }
0x32: {  	s10 =	sld [smem:$0x3FB2];
	_ =	sdelay $0x3  }
0x33: {  	p0 =	seq.s32 s10, $0x1;
	s10 =	sld [smem:$0x3FB4];
	_ =	sdelay $0x3  }
0x34: {  	[smem:$0x3FB4] =	sst s10  }
0x35: {  	s10 =	sld [smem:$0x3FB3];
	_ =	sdelay $0x3  }
0x36: {  	p1 =	seq.s32 s10, $0x1;
	s10 =	sld [smem:$0x3FB4];
	_ =	sdelay $0x3  }
0x37: {  	[smem:$0x3FB4] =	sst s10  }
0x38: {  	s10 =	sld [smem:$0x3FB5]  }
0x39: {  	_ = 	snop;
	(pc) =	sbr.ind lr, $3  }
0x3a: {  	_ = 	snop  }
0x3b: {  	_ = 	snop  }
0x3c: {  	p2 =	seq.s32 s10, $0x1;
	s10 =	sld [smem:$0x3FB4]  }
0x3d: {  	_ =	shalt  }
0x3e: {  	_ =	shalt  }
0x3f: {  	_ =	shalt  }
0x40: {  	_ =	shalt  }
0x41: {  	_ =	shalt  }
0x42: {  	_ =	shalt  }
0x43: {  	_ =	shalt  }
0x44: {  	_ =	shalt  }
0x45: {  	_ =	shalt  }
0x46: {  	_ =	shalt  }
0x47: {  	_ =	shalt  }
0x48: {  	_ =	shalt  }
0x49: {  	_ =	shalt  }
0x4a: {  	_ =	shalt  }
0x4b: {  	_ =	shalt  }
0x4c: {  	_ =	shalt  }
0x4d: {  	_ =	shalt  }
0x4e: {  	_ =	shalt  }
0x4f: {  	_ =	shalt  }
0x50: {  	_ =	shalt  }
0x51: {  	_ =	shalt  }
0x52: {  	_ =	shalt  }
0x53: {  	_ =	shalt  }
0x54: {  	_ =	shalt  }
0x55: {  	_ =	shalt  }
0x56: {  	_ =	shalt  }
0x57: {  	_ =	shalt  }
0x58: {  	_ =	shalt  }
0x59: {  	_ =	shalt  }
0x5a: {  	_ =	shalt  }
0x5b: {  	_ =	shalt  }
0x5c: {  	_ =	shalt  }
0x5d: {  	_ =	shalt  }
0x5e: {  	_ =	shalt  }
0x5f: {  	_ =	shalt  }
0x60: {  	_ =	shalt  }
0x61: {  	_ =	shalt  }
0x62: {  	_ =	shalt  }
0x63: {  	_ =	shalt  }
0x64: {  	_ =	shalt  }
0x65: {  	_ =	shalt  }
0x66: {  	_ =	shalt  }
0x67: {  	_ =	shalt  }
0x68: {  	_ =	shalt  }
0x69: {  	_ =	shalt  }
0x6a: {  	_ =	shalt  }
0x6b: {  	_ =	shalt  }
0x6c: {  	_ =	shalt  }
0x6d: {  	_ =	shalt  }
0x6e: {  	_ =	shalt  }
0x6f: {  	_ =	shalt  }
0x70: {  	_ =	shalt  }
0x71: {  	_ =	shalt  }
0x72: {  	_ =	shalt  }
0x73: {  	_ =	shalt  }
0x74: {  	_ =	shalt  }
0x75: {  	_ =	shalt  }
0x76: {  	_ =	shalt  }
0x77: {  	_ =	shalt  }
0x78: {  	_ =	shalt  }
0x79: {  	_ =	shalt  }
0x7a: {  	_ =	shalt  }
0x7b: {  	_ =	shalt  }
0x7c: {  	_ =	shalt  }
0x7d: {  	_ =	shalt  }
0x7e: {  	_ =	shalt  }
0x7f: {  	_ =	shalt  }
0x80: {  	_ =	shalt  }
0x81: {  	_ =	shalt  }
0x82: {  	_ =	shalt  }
0x83: {  	_ =	shalt  }
0x84: {  	_ =	shalt  }
0x85: {  	_ =	shalt  }
0x86: {  	_ =	shalt  }
0x87: {  	_ =	shalt  }
.Lfunc_end0:
.L_simem_size_0:
called_computation_lowered:
.L_overlay_start_0:
0x88: {  	s2 =	sld [smem:$0x3FD9]  }
0x89: {  	s3 =	sld [smem:$0x3FFE];
	_ =	sdelay $0x1  }
0x8a: {  	s1 =	srdreg.scid  }
0x8b: {  	s0 =	sand.u32 $0x1, s1  }
0x8c: {  	s17 =	sshll.u32 s0, $0xA;
	s2 =	sadd.s32 s3, s2  }
0x8d: {  	s2 =	sadd.s32 s2, s17  }
0x8e: {  	[smem:$0x3FC0] =	sst s2  }
0x8f: {  	_ = 	snop  }
0x90: {  	s2 =	sld [smem:$0x3FC9]  }
0x91: {  	s18 =	sld [smem:$0x3FC8];
	(tm) =	ssettm $0x1  }
0x92: {  	s4 =	sld [smem:$0x3FFB];
	_ =	sdelay $0x3  }
0x93: {  	_ =	strace s4  }
0x94: {  	s4 =	sld [smem:$0x3FFC];
	_ =	sdelay $0x3  }
0x95: {  	_ =	strace s4  }
0x96: {  	s4 =	sld [smem:$0x3FFD];
	_ =	sdelay $0x3  }
0x97: {  	_ =	strace s4  }
0x98: {  	_ =	strace $0x8FFFFFFF  }
0x99: {  	s19 =	sld [smem:$0x3FDB];
	_ =	sdelay $0x1  }
0x9a: {  	s5 =	simm.s32 $_scs_section_size  }
0x9b: {  	s6 =	simm.s32 $_size__tile_overlayer_lowered;
	s7 =	simm.s32 $_tile_overlayer_lowered  }
0x9c: {  	s22 =	simm.s32 $0x1BFF;
	s21 =	sshll.u32 s7, $0x1;
	s4 =	sadd.s32 s5, s19  }
0x9d: {  	s8 =	simm.s32 $0x0;
	s20 =	sshll.u32 s6, $0x1;
	s6 =	sadd.s32 s21, s4  }
0x9e: {  	[timem:s8], [sflag:s22] =	dma.local [hbm:s6], s20  }
0x9f: {  	_ =	swait.ge [sflag:s22], s20  }
0xa0: {  	s5 =	ssub.s32 $0x0, s20;
	[sflag:s22] =	ssyncset.done $0x0  }
0xa1: {  	[sflag:s22] =	ssyncadd.s32 s5;
	_ =	sdelay $0x1  }
0xa2: {  	s23 =	simm.s32 $0x1B8B  }
0xa3: {  	_ =	swait.ge [sflag:s23], $0x1  }
0xa4: {  	[sflag:s23] =	ssyncset.done $0x0  }
0xa5: {  	s25 =	simm.s32 $0x1B8E;
	s24 =	sld [smem:$0x3FFE];
	[sflag:s23] =	ssyncadd.s32 $0xFFFFFFFF  }
0xa6: {  	s26 =	simm.s32 $execute0_lowered;
	[smem:$0x3FD2] =	sst s25  }
0xa7: {  	s6 =	sshll.u32 s26, $0x1;
	_ =	strace $0x80000046;
	[dreg:$0x1] =	wrdreg $0xFFFFFFFF  }
0xa8: {  	s28 =	simm.s32 $_size_execute0_lowered;
	s4 =	sadd.s32 s4, s6;
	[dreg:$0x0] =	wrdreg $0x0  }
0xa9: {  	s6 =	sshll.u32 s28, $0x1;
	[dreg:$0x2] =	wrdreg s4  }
0xaa: {  	[dreg:$0x3] =	wrdreg s6  }
0xab: {  	[dreg:$0x4] =	wrdreg $0xC0  }
0xac: {  	_ =	task [dreg:s8], $0x5FFFF  }
0xad: {  	[dreg:$0x1] =	wrdreg $0xFFFFFFFF  }
0xae: {  	[dreg:$0x0] =	wrdreg $0x60  }
0xaf: {  	[dreg:$0x2] =	wrdreg s2  }
0xb0: {  	[dreg:$0x3] =	wrdreg s18  }
0xb1: {  	[dreg:$0x4] =	wrdreg s24  }
0xb2: {  	[dreg:$0x5] =	wrdreg $0x9  }
0xb3: {  	_ =	task.clear_ibuf [dreg:s8], $0x6FFFF;
	_ =	strace $0x90000046  }
0xb4: {  	s29 =	simm.s32 $0x9;
	_ =	strace $0x80000048  }
0xb5: {  	_ =	swait.ge [sflag:s29], $0x1  }
0xb6: {  	[sflag:s29] =	ssyncadd.s32 $0xFFFFFFFF  }
0xb7: {  	_ =	strace $0x90000048  }
0xb8: {  	_ =	sfence  }
0xb9: {  	s30 =	sld [smem:$0x0];
	_ =	sdelay $0x2  }
0xba: {  	s31 =	sshll.u32 s1, $0xD;
	s1 =	sshrl.u32 s1, $0x2  }
0xbb: {  	s3 =	sand.u32 $0x4000, s31;
	s1 =	sadd.s32 s1, s30  }
0xbc: {  	s0 =	sor.u32 s3, s0;
	s1 =	sshll.u32 s1, $0x11  }
0xbd: {  	s0 =	sor.u32 s1, s0  }
0xbe: {  	s0 =	sadd.s32 $0x8F2B, s0  }
0xbf: {  	[sflag:s0] =	ssyncadd.remote.s32 $0x1  }
0xc0: {  	_ =	sfence.sel $0xFFFF  }
0xc1: {  	[dreg:$0x0] =	wrdreg $0xFFFFFFFF;
	(pc) =	sbr.abs _section_cstart, $3  }
0xc2: {  	[dreg:$0x1] =	wrdreg $0xFFFFFFFF  }
0xc3: {  	_ =	task.clear_ibuf [dreg:s8], $0x2FFFF;
	_ =	strace $0x9FFFFFFF  }
0xc4: {  	(tm) =	ssettm $0x7FFFFFFF  }
0xc5: {  	_ =	shalt  }
tec
execute0_lowered:
.L_overlay_start_1:
0x0: {  	(tag) =	ssettag $0x1  }
0x1: {  	s0 =	rddreg [dreg:$0x0]  }
0x2: {  	s3 =	rddreg [dreg:$0x1]  }
0x3: {  	s4 =	rddreg [dreg:$0x2]  }
0x4: {  	s2 =	srdreg.scid;
	s1 =	stileid.u32  }
0x5: {  	s9 =	simm.s32 $0x400;
	s10 =	simm.s32 $0xE00;
	s12 =	simm.s32 $0x500  }
0x6: {  	s13 =	simm.s32 $0xF00;
	s5 =	sand.u32 $0x1, s2;
	s2 =	simm.s32 $0x0  }
0x7: {  	s28 =	simm.s32 $0xD00;
	s29 =	simm.s32 $0x2100;
	[smem:$0x7FF] =	sst s2  }
0x8: {  	s30 =	simm.s32 $0x1700;
	_ =	strace $0x80000047;
	[dreg:$0x11] =	wrdreg s9  }
0x9: {  	s6 =	sshll.u32 s1, $0x7;
	s7 =	sshll.u32 s5, $0x6;
	[dreg:$0x12] =	wrdreg s10  }
0xa: {  	s31 =	simm.s32 $0x2B00;
	s6 =	sor.u32 s7, s6;
	[dreg:$0x13] =	wrdreg s12  }
0xb: {  	s14 =	sadd.s32 $0xB5C00, s4;
	[dreg:$0x14] =	wrdreg s13;
	s0 =	sadd.s32 s0, s6  }
0xc: {  	s16 =	sadd.s32 $0xB8400, s4;
	s15 =	sadd.s32 s3, s6;
	[dreg:$0x4] =	wrdreg s0  }
0xd: {  	s5 =	ssub.s32 $0x2, s5;
	s17 =	sadd.s32 s14, s6;
	[dreg:$0x5] =	wrdreg s15  }
0xe: {  	s18 =	sadd.s32 s16, s6;
	s8 =	sor.u32 $0x800, s6;
	[dreg:$0x6] =	wrdreg s17  }
0xf: {  	s11 =	sshrl.u32 s5, $0x1;
	[dreg:$0x7] =	wrdreg s18;
	s19 =	sadd.s32 s14, s8  }
0x10: {  	s21 =	sor.u32 $0x1000, s6;
	s20 =	sadd.s32 s16, s8;
	[dreg:$0x8] =	wrdreg s19  }
0x11: {  	s9 =	simm.s32 $0x2200;
	s22 =	sadd.s32 s14, s21;
	[dreg:$0x9] =	wrdreg s20  }
0x12: {  	s24 =	sor.u32 $0x1800, s6;
	s23 =	sadd.s32 s16, s21;
	[dreg:$0xa] =	wrdreg s22  }
0x13: {  	s10 =	simm.s32 $0x1A00;
	s25 =	sadd.s32 s14, s24;
	[dreg:$0xb] =	wrdreg s23  }
0x14: {  	s6 =	sor.u32 $0x2000, s6;
	s26 =	sadd.s32 s16, s24;
	[dreg:$0xc] =	wrdreg s25  }
0x15: {  	s12 =	simm.s32 $0x1C00;
	s1 =	sadd.s32 s14, s6;
	[dreg:$0xd] =	wrdreg s26  }
0x16: {  	s13 =	simm.s32 $0x2600;
	s7 =	sadd.s32 s16, s6;
	[dreg:$0xe] =	wrdreg s1  }
0x17: {  	s3 =	sadd.s32 $0x1C00, s4;
	s8 =	simm.s32 $0x200;
	[dreg:$0xf] =	wrdreg s7  }
0x18: {  	s4 =	sadd.s32 $0xA1C00, s4;
	s14 =	simm.s32 $0x600;
	[dreg:$0x10] =	wrdreg s8  }
0x19: {  	s5 =	ssub.s32 s5, s11;
	s15 =	simm.s32 $0x1000;
	[dreg:$0x15] =	wrdreg s14  }
0x1a: {  	s11 =	simm.s32 $0x2400;
	s16 =	simm.s32 $0x700;
	[dreg:$0x16] =	wrdreg s15  }
0x1b: {  	s5 =	smax.u32 s5, $0x1;
	s17 =	simm.s32 $0x1100;
	[dreg:$0x17] =	wrdreg s16  }
0x1c: {  	s6 =	simm.s32 $0x2;
	s18 =	simm.s32 $0x800;
	[dreg:$0x18] =	wrdreg s17  }
0x1d: {  	s21 =	simm.s32 $0x1900;
	s24 =	simm.s32 $0xA00;
	[dreg:$0x19] =	wrdreg s18  }
0x1e: {  	s0 =	simm.s32 $0x1;
	s7 =	simm.s32 $0x100;
	[dreg:$0x1c] =	wrdreg s21  }
0x1f: {  	s8 =	simm.s32 $0x1800;
	s19 =	simm.s32 $0x1200;
	[dreg:$0x1f] =	wrdreg s24  }
0x20: {  	s20 =	simm.s32 $0x900;
	s22 =	simm.s32 $0x1300;
	[dreg:$0x1a] =	wrdreg s19  }
0x21: {  	s14 =	simm.s32 $0x1E00;
	s23 =	simm.s32 $0x2300;
	[dreg:$0x1b] =	wrdreg s20  }
0x22: {  	s15 =	simm.s32 $0x2800;
	s16 =	simm.s32 $0x2000;
	[dreg:$0x1d] =	wrdreg s22  }
0x23: {  	s25 =	simm.s32 $0x1B00;
	s17 =	simm.s32 $0x2A00;
	[dreg:$0x1e] =	wrdreg s23  }
0x24: {  	s26 =	simm.s32 $0x1400;
	s21 =	simm.s32 $0x1500;
	[smem:$0x7FC] =	sst s25  }
0x25: {  	s24 =	simm.s32 $0x1F00;
	[smem:$0x7FD] =	sst s26;
	s22 =	simm.s32 $0x2700  }
0x26: {  	s23 =	simm.s32 $0xC00;
	s25 =	simm.s32 $0x1600;
	s26 =	simm.s32 $0x2900  }
.LBB2_1:
0x27: {  	s1 =	rddreg [dreg:$0x4]  }
0x28: {  	[tilespmem:s2], [sflag:$0x2] =	stream.linear.gather [hbm4b:s1+s2], $0x200, $0x38;
	[tilespmem:$0x2C00] =	vst v63  }
0x29: {  	_ =	swait.ge [sflag:s6], $0x200  }
0x2a: {  	s20 =	rddreg [dreg:$0x5];
	[sflag:s6] =	ssyncset.done $0x0  }
0x2b: {  	s18 =	rddreg [dreg:$0x10];
	[sflag:s6] =	ssyncadd.s32 $0xFFFFFE00  }
0x2c: {  	[tilespmem:s18], [sflag:$0x2] =	stream.linear.gather [hbm4b:s20+s2], $0x200, $0x38;
	[tilespmem:$0x2C00] =	vst v63  }
0x2d: {  	_ =	swait.ge [sflag:s6], $0x200  }
0x2e: {  	[sflag:s6] =	ssyncset.done $0x0  }
0x2f: {  	[sflag:s6] =	ssyncadd.s32 $0xFFFFFE00  }
0x30: {  	v0 =	vld [tilespmem:$0x0];
	_ =	sdelay $0x4  }
0x31: {  	v1 =	vshll.u32 v0, $0x2  }
0x32: {  	v2 =	vand.u32 $0xFFFE0000, v0;
	v1 =	vand.u32 $0xFFF80000, v1  }
0x33: {  	v0 =	vand.u32 $0x1FFFF, v0;
	v1 =	vadd.s32 v2, v1  }
0x34: {  	v0 =	vor.u32 v0, v1  }
0x35: {  	[tilespmem:$0x400] =	vst v0  }
0x36: {  	v21 =	vld [tilespmem:$0x10]  }
0x37: {  	v4 =	vld [tilespmem:$0x20];
	_ =	sdelay $0x2  }
0x38: {  	v22 =	vadd.s32 $0x20000, v0;
	v23 =	vadd.s32 $0x40000, v0;
	v24 =	vadd.s32 $0x60000, v0  }
0x39: {  	v0 =	vadd.s32 $0x80000, v0;
	[tilespmem:$0x500] =	vst v22;
	v3 =	vshll.u32 v21, $0x2;
	v5 =	vand.u32 $0xFFFE0000, v21  }
0x3a: {  	[tilespmem:$0x600] =	vst v23;
	v1 =	vand.u32 $0x1FFFF, v21;
	v28 =	vshll.u32 v4, $0x2;
	v3 =	vand.u32 $0xFFF80000, v3  }
0x3b: {  	[tilespmem:$0x700] =	vst v24;
	v31 =	vand.u32 $0xFFFE0000, v4;
	v2 =	vand.u32 $0xFFF80000, v28;
	v25 =	vadd.s32 v5, v3  }
0x3c: {  	[tilespmem:$0x800] =	vst v0;
	v29 =	vld [tilespmem:$0x30];
	v33 =	vand.u32 $0x1FFFF, v4;
	v32 =	vadd.s32 v31, v2;
	v26 =	vor.u32 v1, v25  }
0x3d: {  	v34 =	vor.u32 v33, v32;
	[tilespmem:$0x410] =	vst v26  }
0x3e: {  	v1 =	vadd.s32 $0x20000, v26;
	[tilespmem:$0x420] =	vst v34  }
0x3f: {  	v27 =	vadd.s32 $0x40000, v26;
	[tilespmem:$0x510] =	vst v1  }
0x40: {  	v30 =	vadd.s32 $0x60000, v26;
	[tilespmem:$0x610] =	vst v27  }
0x41: {  	v37 =	vld [tilespmem:$0x40];
	v36 =	vshll.u32 v29, $0x2;
	v0 =	vadd.s32 $0x80000, v26;
	[tilespmem:$0x710] =	vst v30  }
0x42: {  	v39 =	vand.u32 $0xFFFE0000, v29;
	v2 =	vand.u32 $0xFFF80000, v36;
	v35 =	vadd.s32 $0x40000, v34;
	[tilespmem:$0x810] =	vst v0  }
0x43: {  	v41 =	vand.u32 $0x1FFFF, v29;
	v40 =	vadd.s32 v39, v2;
	v38 =	vadd.s32 $0x60000, v34;
	[tilespmem:$0x620] =	vst v35  }
0x44: {  	v42 =	vor.u32 v41, v40;
	[tilespmem:$0x720] =	vst v38  }
0x45: {  	v1 =	vadd.s32 $0x20000, v34;
	[tilespmem:$0x430] =	vst v42  }
0x46: {  	v45 =	vld [tilespmem:$0x50];
	v44 =	vshll.u32 v37, $0x2;
	v0 =	vadd.s32 $0x80000, v34;
	[tilespmem:$0x520] =	vst v1  }
0x47: {  	v47 =	vand.u32 $0xFFFE0000, v37;
	v2 =	vand.u32 $0xFFF80000, v44;
	v43 =	vadd.s32 $0x40000, v42;
	[tilespmem:$0x820] =	vst v0  }
0x48: {  	v49 =	vand.u32 $0x1FFFF, v37;
	v48 =	vadd.s32 v47, v2;
	v46 =	vadd.s32 $0x60000, v42;
	[tilespmem:$0x630] =	vst v43  }
0x49: {  	v50 =	vor.u32 v49, v48;
	[tilespmem:$0x730] =	vst v46  }
0x4a: {  	v1 =	vadd.s32 $0x20000, v42;
	[tilespmem:$0x440] =	vst v50  }
0x4b: {  	v53 =	vld [tilespmem:$0x60];
	v52 =	vshll.u32 v45, $0x2;
	v0 =	vadd.s32 $0x80000, v42;
	[tilespmem:$0x530] =	vst v1  }
0x4c: {  	v55 =	vand.u32 $0xFFFE0000, v45;
	v2 =	vand.u32 $0xFFF80000, v52;
	v51 =	vadd.s32 $0x40000, v50;
	[tilespmem:$0x830] =	vst v0  }
0x4d: {  	v57 =	vand.u32 $0x1FFFF, v45;
	v56 =	vadd.s32 v55, v2;
	v54 =	vadd.s32 $0x60000, v50;
	[tilespmem:$0x640] =	vst v51  }
0x4e: {  	v58 =	vor.u32 v57, v56;
	[tilespmem:$0x740] =	vst v54  }
0x4f: {  	v1 =	vadd.s32 $0x20000, v50;
	[tilespmem:$0x450] =	vst v58  }
0x50: {  	v61 =	vld [tilespmem:$0x70];
	v60 =	vshll.u32 v53, $0x2;
	v0 =	vadd.s32 $0x80000, v50;
	[tilespmem:$0x540] =	vst v1  }
0x51: {  	v63 =	vand.u32 $0xFFFE0000, v53;
	v2 =	vand.u32 $0xFFF80000, v60;
	v59 =	vadd.s32 $0x40000, v58;
	[tilespmem:$0x840] =	vst v0  }
0x52: {  	v9 =	vand.u32 $0x1FFFF, v53;
	v8 =	vadd.s32 v63, v2;
	v62 =	vadd.s32 $0x60000, v58;
	[tilespmem:$0x650] =	vst v59  }
0x53: {  	v10 =	vor.u32 v9, v8;
	[tilespmem:$0x750] =	vst v62  }
0x54: {  	v1 =	vadd.s32 $0x20000, v58;
	[tilespmem:$0x460] =	vst v10  }
0x55: {  	v13 =	vld [tilespmem:$0x80];
	v12 =	vshll.u32 v61, $0x2;
	v0 =	vadd.s32 $0x80000, v58;
	[tilespmem:$0x550] =	vst v1  }
0x56: {  	v15 =	vand.u32 $0xFFFE0000, v61;
	v2 =	vand.u32 $0xFFF80000, v12;
	v11 =	vadd.s32 $0x40000, v10;
	[tilespmem:$0x850] =	vst v0  }
0x57: {  	v17 =	vand.u32 $0x1FFFF, v61;
	v16 =	vadd.s32 v15, v2;
	v14 =	vadd.s32 $0x60000, v10;
	[tilespmem:$0x660] =	vst v11  }
0x58: {  	v18 =	vor.u32 v17, v16;
	[tilespmem:$0x760] =	vst v14  }
0x59: {  	v1 =	vadd.s32 $0x20000, v10;
	[tilespmem:$0x470] =	vst v18  }
0x5a: {  	v20 =	vshll.u32 v13, $0x2;
	v21 =	vld [tilespmem:$0x90];
	v0 =	vadd.s32 $0x80000, v10;
	[tilespmem:$0x560] =	vst v1  }
0x5b: {  	v23 =	vand.u32 $0xFFFE0000, v13;
	v2 =	vand.u32 $0xFFF80000, v20;
	v19 =	vadd.s32 $0x40000, v18;
	[tilespmem:$0x860] =	vst v0  }
0x5c: {  	v25 =	vand.u32 $0x1FFFF, v13;
	v24 =	vadd.s32 v23, v2;
	v22 =	vadd.s32 $0x60000, v18;
	[tilespmem:$0x670] =	vst v19  }
0x5d: {  	v26 =	vor.u32 v25, v24;
	[tilespmem:$0x770] =	vst v22  }
0x5e: {  	v1 =	vadd.s32 $0x20000, v18;
	[tilespmem:$0x480] =	vst v26  }
0x5f: {  	v29 =	vld [tilespmem:$0xA0];
	v28 =	vshll.u32 v21, $0x2;
	v0 =	vadd.s32 $0x80000, v18;
	[tilespmem:$0x570] =	vst v1  }
0x60: {  	v31 =	vand.u32 $0xFFFE0000, v21;
	v2 =	vand.u32 $0xFFF80000, v28;
	v27 =	vadd.s32 $0x40000, v26;
	[tilespmem:$0x870] =	vst v0  }
0x61: {  	v33 =	vand.u32 $0x1FFFF, v21;
	v32 =	vadd.s32 v31, v2;
	v30 =	vadd.s32 $0x60000, v26;
	[tilespmem:$0x680] =	vst v27  }
0x62: {  	v34 =	vor.u32 v33, v32;
	[tilespmem:$0x780] =	vst v30  }
0x63: {  	v1 =	vadd.s32 $0x20000, v26;
	[tilespmem:$0x490] =	vst v34  }
0x64: {  	v37 =	vld [tilespmem:$0xB0];
	v36 =	vshll.u32 v29, $0x2;
	v0 =	vadd.s32 $0x80000, v26;
	[tilespmem:$0x580] =	vst v1  }
0x65: {  	v39 =	vand.u32 $0xFFFE0000, v29;
	v2 =	vand.u32 $0xFFF80000, v36;
	v35 =	vadd.s32 $0x40000, v34;
	[tilespmem:$0x880] =	vst v0  }
0x66: {  	v41 =	vand.u32 $0x1FFFF, v29;
	v40 =	vadd.s32 v39, v2;
	v38 =	vadd.s32 $0x60000, v34;
	[tilespmem:$0x690] =	vst v35  }
0x67: {  	v42 =	vor.u32 v41, v40;
	[tilespmem:$0x790] =	vst v38  }
0x68: {  	v1 =	vadd.s32 $0x20000, v34;
	[tilespmem:$0x4A0] =	vst v42  }
0x69: {  	v45 =	vld [tilespmem:$0xC0];
	v44 =	vshll.u32 v37, $0x2;
	v0 =	vadd.s32 $0x80000, v34;
	[tilespmem:$0x590] =	vst v1  }
0x6a: {  	v47 =	vand.u32 $0xFFFE0000, v37;
	v2 =	vand.u32 $0xFFF80000, v44;
	v43 =	vadd.s32 $0x40000, v42;
	[tilespmem:$0x890] =	vst v0  }
0x6b: {  	v49 =	vand.u32 $0x1FFFF, v37;
	v48 =	vadd.s32 v47, v2;
	v46 =	vadd.s32 $0x60000, v42;
	[tilespmem:$0x6A0] =	vst v43  }
0x6c: {  	v50 =	vor.u32 v49, v48;
	[tilespmem:$0x7A0] =	vst v46  }
0x6d: {  	v1 =	vadd.s32 $0x20000, v42;
	[tilespmem:$0x4B0] =	vst v50  }
0x6e: {  	v53 =	vld [tilespmem:$0xD0];
	v52 =	vshll.u32 v45, $0x2;
	v0 =	vadd.s32 $0x80000, v42;
	[tilespmem:$0x5A0] =	vst v1  }
0x6f: {  	v55 =	vand.u32 $0xFFFE0000, v45;
	v2 =	vand.u32 $0xFFF80000, v52;
	v51 =	vadd.s32 $0x40000, v50;
	[tilespmem:$0x8A0] =	vst v0  }
0x70: {  	v57 =	vand.u32 $0x1FFFF, v45;
	v56 =	vadd.s32 v55, v2;
	v54 =	vadd.s32 $0x60000, v50;
	[tilespmem:$0x6B0] =	vst v51  }
0x71: {  	v58 =	vor.u32 v57, v56;
	[tilespmem:$0x7B0] =	vst v54  }
0x72: {  	v1 =	vadd.s32 $0x20000, v50;
	[tilespmem:$0x4C0] =	vst v58  }
0x73: {  	v61 =	vld [tilespmem:$0xE0];
	v60 =	vshll.u32 v53, $0x2;
	v0 =	vadd.s32 $0x80000, v50;
	[tilespmem:$0x5B0] =	vst v1  }
0x74: {  	v63 =	vand.u32 $0xFFFE0000, v53;
	v2 =	vand.u32 $0xFFF80000, v60;
	v59 =	vadd.s32 $0x40000, v58;
	[tilespmem:$0x8B0] =	vst v0  }
0x75: {  	v9 =	vand.u32 $0x1FFFF, v53;
	v8 =	vadd.s32 v63, v2;
	v62 =	vadd.s32 $0x60000, v58;
	[tilespmem:$0x6C0] =	vst v59  }
0x76: {  	v10 =	vor.u32 v9, v8;
	[tilespmem:$0x7C0] =	vst v62  }
0x77: {  	v1 =	vadd.s32 $0x20000, v58;
	[tilespmem:$0x4D0] =	vst v10  }
0x78: {  	v13 =	vld [tilespmem:$0xF0];
	v12 =	vshll.u32 v61, $0x2;
	v0 =	vadd.s32 $0x80000, v58;
	[tilespmem:$0x5C0] =	vst v1  }
0x79: {  	v15 =	vand.u32 $0xFFFE0000, v61;
	v2 =	vand.u32 $0xFFF80000, v12;
	v11 =	vadd.s32 $0x40000, v10;
	[tilespmem:$0x8C0] =	vst v0  }
0x7a: {  	v17 =	vand.u32 $0x1FFFF, v61;
	v16 =	vadd.s32 v15, v2;
	v14 =	vadd.s32 $0x60000, v10;
	[tilespmem:$0x6D0] =	vst v11  }
0x7b: {  	v18 =	vor.u32 v17, v16;
	[tilespmem:$0x7D0] =	vst v14  }
0x7c: {  	v1 =	vadd.s32 $0x20000, v10;
	[tilespmem:$0x4E0] =	vst v18  }
0x7d: {  	v21 =	vld [tilespmem:$0x100];
	v20 =	vshll.u32 v13, $0x2;
	v0 =	vadd.s32 $0x80000, v10;
	[tilespmem:$0x5D0] =	vst v1  }
0x7e: {  	v23 =	vand.u32 $0xFFFE0000, v13;
	v2 =	vand.u32 $0xFFF80000, v20;
	v19 =	vadd.s32 $0x40000, v18;
	[tilespmem:$0x8D0] =	vst v0  }
0x7f: {  	v25 =	vand.u32 $0x1FFFF, v13;
	v24 =	vadd.s32 v23, v2;
	v22 =	vadd.s32 $0x60000, v18;
	[tilespmem:$0x6E0] =	vst v19  }
0x80: {  	v26 =	vor.u32 v25, v24;
	[tilespmem:$0x7E0] =	vst v22  }
0x81: {  	v1 =	vadd.s32 $0x20000, v18;
	[tilespmem:$0x4F0] =	vst v26  }
0x82: {  	v29 =	vld [tilespmem:$0x110];
	v28 =	vshll.u32 v21, $0x2;
	v0 =	vadd.s32 $0x80000, v18;
	[tilespmem:$0x5E0] =	vst v1  }
0x83: {  	v31 =	vand.u32 $0xFFFE0000, v21;
	v2 =	vand.u32 $0xFFF80000, v28;
	v27 =	vadd.s32 $0x40000, v26;
	[tilespmem:$0x8E0] =	vst v0  }
0x84: {  	v33 =	vand.u32 $0x1FFFF, v21;
	v32 =	vadd.s32 v31, v2;
	v30 =	vadd.s32 $0x60000, v26;
	[tilespmem:$0x6F0] =	vst v27  }
0x85: {  	v34 =	vor.u32 v33, v32;
	[tilespmem:$0x7F0] =	vst v30  }
0x86: {  	v1 =	vadd.s32 $0x20000, v26;
	[tilespmem:$0x900] =	vst v34  }
0x87: {  	v37 =	vld [tilespmem:$0x120];
	v36 =	vshll.u32 v29, $0x2;
	v0 =	vadd.s32 $0x80000, v26;
	[tilespmem:$0x5F0] =	vst v1  }
0x88: {  	v39 =	vand.u32 $0xFFFE0000, v29;
	v2 =	vand.u32 $0xFFF80000, v36;
	v35 =	vadd.s32 $0x40000, v34;
	[tilespmem:$0x8F0] =	vst v0  }
0x89: {  	v41 =	vand.u32 $0x1FFFF, v29;
	v40 =	vadd.s32 v39, v2;
	v38 =	vadd.s32 $0x60000, v34;
	[tilespmem:$0xB00] =	vst v35  }
0x8a: {  	v42 =	vor.u32 v41, v40;
	[tilespmem:$0xC00] =	vst v38  }
0x8b: {  	v1 =	vadd.s32 $0x20000, v34;
	[tilespmem:$0x910] =	vst v42  }
0x8c: {  	v45 =	vld [tilespmem:$0x130];
	v44 =	vshll.u32 v37, $0x2;
	v0 =	vadd.s32 $0x80000, v34;
	[tilespmem:$0xA00] =	vst v1  }
0x8d: {  	v47 =	vand.u32 $0xFFFE0000, v37;
	v2 =	vand.u32 $0xFFF80000, v44;
	v43 =	vadd.s32 $0x40000, v42;
	[tilespmem:$0xD00] =	vst v0  }
0x8e: {  	v49 =	vand.u32 $0x1FFFF, v37;
	v48 =	vadd.s32 v47, v2;
	v46 =	vadd.s32 $0x60000, v42;
	[tilespmem:$0xB10] =	vst v43  }
0x8f: {  	v50 =	vor.u32 v49, v48;
	[tilespmem:$0xC10] =	vst v46  }
0x90: {  	v1 =	vadd.s32 $0x20000, v42;
	[tilespmem:$0x920] =	vst v50  }
0x91: {  	v53 =	vld [tilespmem:$0x140];
	v52 =	vshll.u32 v45, $0x2;
	v0 =	vadd.s32 $0x80000, v42;
	[tilespmem:$0xA10] =	vst v1  }
0x92: {  	v55 =	vand.u32 $0xFFFE0000, v45;
	v2 =	vand.u32 $0xFFF80000, v52;
	v51 =	vadd.s32 $0x40000, v50;
	[tilespmem:$0xD10] =	vst v0  }
0x93: {  	v57 =	vand.u32 $0x1FFFF, v45;
	v56 =	vadd.s32 v55, v2;
	v54 =	vadd.s32 $0x60000, v50;
	[tilespmem:$0xB20] =	vst v51  }
0x94: {  	v58 =	vor.u32 v57, v56;
	[tilespmem:$0xC20] =	vst v54  }
0x95: {  	v1 =	vadd.s32 $0x20000, v50;
	[tilespmem:$0x930] =	vst v58  }
0x96: {  	v61 =	vld [tilespmem:$0x150];
	v60 =	vshll.u32 v53, $0x2;
	v0 =	vadd.s32 $0x80000, v50;
	[tilespmem:$0xA20] =	vst v1  }
0x97: {  	v63 =	vand.u32 $0xFFFE0000, v53;
	v2 =	vand.u32 $0xFFF80000, v60;
	v59 =	vadd.s32 $0x40000, v58;
	[tilespmem:$0xD20] =	vst v0  }
0x98: {  	v9 =	vand.u32 $0x1FFFF, v53;
	v8 =	vadd.s32 v63, v2;
	v62 =	vadd.s32 $0x60000, v58;
	[tilespmem:$0xB30] =	vst v59  }
0x99: {  	v10 =	vor.u32 v9, v8;
	[tilespmem:$0xC30] =	vst v62  }
0x9a: {  	v1 =	vadd.s32 $0x20000, v58;
	[tilespmem:$0x940] =	vst v10  }
0x9b: {  	v13 =	vld [tilespmem:$0x160];
	v12 =	vshll.u32 v61, $0x2;
	v0 =	vadd.s32 $0x80000, v58;
	[tilespmem:$0xA30] =	vst v1  }
0x9c: {  	v15 =	vand.u32 $0xFFFE0000, v61;
	v2 =	vand.u32 $0xFFF80000, v12;
	v11 =	vadd.s32 $0x40000, v10;
	[tilespmem:$0xD30] =	vst v0  }
0x9d: {  	v17 =	vand.u32 $0x1FFFF, v61;
	v16 =	vadd.s32 v15, v2;
	v14 =	vadd.s32 $0x60000, v10;
	[tilespmem:$0xB40] =	vst v11  }
0x9e: {  	v18 =	vor.u32 v17, v16;
	[tilespmem:$0xC40] =	vst v14  }
0x9f: {  	v1 =	vadd.s32 $0x20000, v10;
	[tilespmem:$0x950] =	vst v18  }
0xa0: {  	v21 =	vld [tilespmem:$0x170];
	v20 =	vshll.u32 v13, $0x2;
	v0 =	vadd.s32 $0x80000, v10;
	[tilespmem:$0xA40] =	vst v1  }
0xa1: {  	v23 =	vand.u32 $0xFFFE0000, v13;
	v2 =	vand.u32 $0xFFF80000, v20;
	v19 =	vadd.s32 $0x40000, v18;
	[tilespmem:$0xD40] =	vst v0  }
0xa2: {  	v25 =	vand.u32 $0x1FFFF, v13;
	v24 =	vadd.s32 v23, v2;
	v22 =	vadd.s32 $0x60000, v18;
	[tilespmem:$0xB50] =	vst v19  }
0xa3: {  	v26 =	vor.u32 v25, v24;
	[tilespmem:$0xC50] =	vst v22  }
0xa4: {  	v1 =	vadd.s32 $0x20000, v18;
	[tilespmem:$0x960] =	vst v26  }
0xa5: {  	v29 =	vld [tilespmem:$0x180];
	v28 =	vshll.u32 v21, $0x2;
	v0 =	vadd.s32 $0x80000, v18;
	[tilespmem:$0xA50] =	vst v1  }
0xa6: {  	v31 =	vand.u32 $0xFFFE0000, v21;
	v2 =	vand.u32 $0xFFF80000, v28;
	v27 =	vadd.s32 $0x40000, v26;
	[tilespmem:$0xD50] =	vst v0  }
0xa7: {  	v33 =	vand.u32 $0x1FFFF, v21;
	v32 =	vadd.s32 v31, v2;
	v30 =	vadd.s32 $0x60000, v26;
	[tilespmem:$0xB60] =	vst v27  }
0xa8: {  	v34 =	vor.u32 v33, v32;
	[tilespmem:$0xC60] =	vst v30  }
0xa9: {  	v1 =	vadd.s32 $0x20000, v26;
	[tilespmem:$0x970] =	vst v34  }
0xaa: {  	v37 =	vld [tilespmem:$0x190];
	v36 =	vshll.u32 v29, $0x2;
	v0 =	vadd.s32 $0x80000, v26;
	[tilespmem:$0xA60] =	vst v1  }
0xab: {  	v39 =	vand.u32 $0xFFFE0000, v29;
	v2 =	vand.u32 $0xFFF80000, v36;
	v35 =	vadd.s32 $0x40000, v34;
	[tilespmem:$0xD60] =	vst v0  }
0xac: {  	v41 =	vand.u32 $0x1FFFF, v29;
	v40 =	vadd.s32 v39, v2;
	v38 =	vadd.s32 $0x60000, v34;
	[tilespmem:$0xB70] =	vst v35  }
0xad: {  	v42 =	vor.u32 v41, v40;
	[tilespmem:$0xC70] =	vst v38  }
0xae: {  	v1 =	vadd.s32 $0x20000, v34;
	[tilespmem:$0x980] =	vst v42  }
0xaf: {  	v45 =	vld [tilespmem:$0x1A0];
	v44 =	vshll.u32 v37, $0x2;
	v0 =	vadd.s32 $0x80000, v34;
	[tilespmem:$0xA70] =	vst v1  }
0xb0: {  	v47 =	vand.u32 $0xFFFE0000, v37;
	v2 =	vand.u32 $0xFFF80000, v44;
	v43 =	vadd.s32 $0x40000, v42;
	[tilespmem:$0xD70] =	vst v0  }
0xb1: {  	v49 =	vand.u32 $0x1FFFF, v37;
	v48 =	vadd.s32 v47, v2;
	v46 =	vadd.s32 $0x60000, v42;
	[tilespmem:$0xB80] =	vst v43  }
0xb2: {  	v50 =	vor.u32 v49, v48;
	[tilespmem:$0xC80] =	vst v46  }
0xb3: {  	v1 =	vadd.s32 $0x20000, v42;
	[tilespmem:$0x990] =	vst v50  }
0xb4: {  	v53 =	vld [tilespmem:$0x1B0];
	v52 =	vshll.u32 v45, $0x2;
	v0 =	vadd.s32 $0x80000, v42;
	[tilespmem:$0xA80] =	vst v1  }
0xb5: {  	v55 =	vand.u32 $0xFFFE0000, v45;
	v2 =	vand.u32 $0xFFF80000, v52;
	v51 =	vadd.s32 $0x40000, v50;
	[tilespmem:$0xD80] =	vst v0  }
0xb6: {  	v57 =	vand.u32 $0x1FFFF, v45;
	v56 =	vadd.s32 v55, v2;
	v54 =	vadd.s32 $0x60000, v50;
	[tilespmem:$0xB90] =	vst v51  }
0xb7: {  	v58 =	vor.u32 v57, v56;
	[tilespmem:$0xC90] =	vst v54  }
0xb8: {  	v1 =	vadd.s32 $0x20000, v50;
	[tilespmem:$0x9A0] =	vst v58  }
0xb9: {  	v61 =	vld [tilespmem:$0x1C0];
	v60 =	vshll.u32 v53, $0x2;
	v0 =	vadd.s32 $0x80000, v50;
	[tilespmem:$0xA90] =	vst v1  }
0xba: {  	v63 =	vand.u32 $0xFFFE0000, v53;
	v2 =	vand.u32 $0xFFF80000, v60;
	v59 =	vadd.s32 $0x40000, v58;
	[tilespmem:$0xD90] =	vst v0  }
0xbb: {  	v9 =	vand.u32 $0x1FFFF, v53;
	v8 =	vadd.s32 v63, v2;
	v62 =	vadd.s32 $0x60000, v58;
	[tilespmem:$0xBA0] =	vst v59  }
0xbc: {  	v10 =	vor.u32 v9, v8;
	[tilespmem:$0xCA0] =	vst v62  }
0xbd: {  	v1 =	vadd.s32 $0x20000, v58;
	[tilespmem:$0x9B0] =	vst v10  }
0xbe: {  	v13 =	vld [tilespmem:$0x1D0];
	v12 =	vshll.u32 v61, $0x2;
	v0 =	vadd.s32 $0x80000, v58;
	[tilespmem:$0xAA0] =	vst v1  }
0xbf: {  	v15 =	vand.u32 $0xFFFE0000, v61;
	v2 =	vand.u32 $0xFFF80000, v12;
	v11 =	vadd.s32 $0x40000, v10;
	[tilespmem:$0xDA0] =	vst v0  }
0xc0: {  	v17 =	vand.u32 $0x1FFFF, v61;
	v16 =	vadd.s32 v15, v2;
	v14 =	vadd.s32 $0x60000, v10;
	[tilespmem:$0xBB0] =	vst v11  }
0xc1: {  	v18 =	vor.u32 v17, v16;
	[tilespmem:$0xCB0] =	vst v14  }
0xc2: {  	v1 =	vadd.s32 $0x20000, v10;
	[tilespmem:$0x9C0] =	vst v18  }
0xc3: {  	v21 =	vld [tilespmem:$0x1E0];
	v20 =	vshll.u32 v13, $0x2;
	v0 =	vadd.s32 $0x80000, v10;
	[tilespmem:$0xAB0] =	vst v1  }
0xc4: {  	v23 =	vand.u32 $0xFFFE0000, v13;
	v2 =	vand.u32 $0xFFF80000, v20;
	v19 =	vadd.s32 $0x40000, v18;
	[tilespmem:$0xDB0] =	vst v0  }
0xc5: {  	v25 =	vand.u32 $0x1FFFF, v13;
	v24 =	vadd.s32 v23, v2;
	v22 =	vadd.s32 $0x60000, v18;
	[tilespmem:$0xBC0] =	vst v19  }
0xc6: {  	v26 =	vor.u32 v25, v24;
	[tilespmem:$0xCC0] =	vst v22  }
0xc7: {  	v1 =	vadd.s32 $0x20000, v18;
	[tilespmem:$0x9D0] =	vst v26  }
0xc8: {  	v29 =	vld [tilespmem:$0x1F0];
	v28 =	vshll.u32 v21, $0x2;
	v0 =	vadd.s32 $0x80000, v18;
	[tilespmem:$0xAC0] =	vst v1  }
0xc9: {  	v31 =	vand.u32 $0xFFFE0000, v21;
	v2 =	vand.u32 $0xFFF80000, v28;
	v27 =	vadd.s32 $0x40000, v26;
	[tilespmem:$0xDC0] =	vst v0  }
0xca: {  	v33 =	vand.u32 $0x1FFFF, v21;
	v32 =	vadd.s32 v31, v2;
	v30 =	vadd.s32 $0x60000, v26;
	[tilespmem:$0xBD0] =	vst v27  }
0xcb: {  	v34 =	vor.u32 v33, v32;
	[tilespmem:$0xCD0] =	vst v30  }
0xcc: {  	v1 =	vadd.s32 $0x20000, v26;
	[tilespmem:$0x9E0] =	vst v34  }
0xcd: {  	v37 =	vld [tilespmem:$0x200];
	v36 =	vshll.u32 v29, $0x2;
	v0 =	vadd.s32 $0x80000, v26;
	[tilespmem:$0xAD0] =	vst v1  }
0xce: {  	v39 =	vand.u32 $0xFFFE0000, v29;
	v2 =	vand.u32 $0xFFF80000, v36;
	v35 =	vadd.s32 $0x40000, v34;
	[tilespmem:$0xDD0] =	vst v0  }
0xcf: {  	v41 =	vand.u32 $0x1FFFF, v29;
	v40 =	vadd.s32 v39, v2;
	v38 =	vadd.s32 $0x60000, v34;
	[tilespmem:$0xBE0] =	vst v35  }
0xd0: {  	v42 =	vor.u32 v41, v40;
	[tilespmem:$0xCE0] =	vst v38  }
0xd1: {  	v1 =	vadd.s32 $0x20000, v34;
	[tilespmem:$0x9F0] =	vst v42  }
0xd2: {  	v45 =	vld [tilespmem:$0x210];
	v44 =	vshll.u32 v37, $0x2;
	v0 =	vadd.s32 $0x80000, v34;
	[tilespmem:$0xAE0] =	vst v1  }
0xd3: {  	v47 =	vand.u32 $0xFFFE0000, v37;
	v2 =	vand.u32 $0xFFF80000, v44;
	v43 =	vadd.s32 $0x40000, v42;
	[tilespmem:$0xDE0] =	vst v0  }
0xd4: {  	v49 =	vand.u32 $0x1FFFF, v37;
	v48 =	vadd.s32 v47, v2;
	v46 =	vadd.s32 $0x60000, v42;
	[tilespmem:$0xBF0] =	vst v43  }
0xd5: {  	v50 =	vor.u32 v49, v48;
	[tilespmem:$0xCF0] =	vst v46  }
0xd6: {  	v1 =	vadd.s32 $0x20000, v42;
	[tilespmem:$0xE00] =	vst v50  }
0xd7: {  	v53 =	vld [tilespmem:$0x220];
	v52 =	vshll.u32 v45, $0x2;
	v0 =	vadd.s32 $0x80000, v42;
	[tilespmem:$0xAF0] =	vst v1  }
0xd8: {  	v55 =	vand.u32 $0xFFFE0000, v45;
	v2 =	vand.u32 $0xFFF80000, v52;
	v51 =	vadd.s32 $0x40000, v50;
	[tilespmem:$0xDF0] =	vst v0  }
0xd9: {  	v57 =	vand.u32 $0x1FFFF, v45;
	v56 =	vadd.s32 v55, v2;
	v54 =	vadd.s32 $0x60000, v50;
	[tilespmem:$0x1000] =	vst v51  }
0xda: {  	v58 =	vor.u32 v57, v56;
	[tilespmem:$0x1100] =	vst v54  }
0xdb: {  	v1 =	vadd.s32 $0x20000, v50;
	[tilespmem:$0xE10] =	vst v58  }
0xdc: {  	v61 =	vld [tilespmem:$0x230];
	v60 =	vshll.u32 v53, $0x2;
	v0 =	vadd.s32 $0x80000, v50;
	[tilespmem:$0xF00] =	vst v1  }
0xdd: {  	v63 =	vand.u32 $0xFFFE0000, v53;
	v2 =	vand.u32 $0xFFF80000, v60;
	v59 =	vadd.s32 $0x40000, v58;
	[tilespmem:$0x1200] =	vst v0  }
0xde: {  	v9 =	vand.u32 $0x1FFFF, v53;
	v8 =	vadd.s32 v63, v2;
	v62 =	vadd.s32 $0x60000, v58;
	[tilespmem:$0x1010] =	vst v59  }
0xdf: {  	v10 =	vor.u32 v9, v8;
	[tilespmem:$0x1110] =	vst v62  }
0xe0: {  	v1 =	vadd.s32 $0x20000, v58;
	[tilespmem:$0xE20] =	vst v10  }
0xe1: {  	v13 =	vld [tilespmem:$0x240];
	v12 =	vshll.u32 v61, $0x2;
	v0 =	vadd.s32 $0x80000, v58;
	[tilespmem:$0xF10] =	vst v1  }
0xe2: {  	v15 =	vand.u32 $0xFFFE0000, v61;
	v2 =	vand.u32 $0xFFF80000, v12;
	v11 =	vadd.s32 $0x40000, v10;
	[tilespmem:$0x1210] =	vst v0  }
0xe3: {  	v17 =	vand.u32 $0x1FFFF, v61;
	v16 =	vadd.s32 v15, v2;
	v14 =	vadd.s32 $0x60000, v10;
	[tilespmem:$0x1020] =	vst v11  }
0xe4: {  	v18 =	vor.u32 v17, v16;
	[tilespmem:$0x1120] =	vst v14  }
0xe5: {  	v1 =	vadd.s32 $0x20000, v10;
	[tilespmem:$0xE30] =	vst v18  }
0xe6: {  	v21 =	vld [tilespmem:$0x250];
	v20 =	vshll.u32 v13, $0x2;
	v0 =	vadd.s32 $0x80000, v10;
	[tilespmem:$0xF20] =	vst v1  }
0xe7: {  	v23 =	vand.u32 $0xFFFE0000, v13;
	v2 =	vand.u32 $0xFFF80000, v20;
	v19 =	vadd.s32 $0x40000, v18;
	[tilespmem:$0x1220] =	vst v0  }
0xe8: {  	v25 =	vand.u32 $0x1FFFF, v13;
	v24 =	vadd.s32 v23, v2;
	v22 =	vadd.s32 $0x60000, v18;
	[tilespmem:$0x1030] =	vst v19  }
0xe9: {  	v26 =	vor.u32 v25, v24;
	[tilespmem:$0x1130] =	vst v22  }
0xea: {  	v1 =	vadd.s32 $0x20000, v18;
	[tilespmem:$0xE40] =	vst v26  }
0xeb: {  	v29 =	vld [tilespmem:$0x260];
	v28 =	vshll.u32 v21, $0x2;
	v0 =	vadd.s32 $0x80000, v18;
	[tilespmem:$0xF30] =	vst v1  }
0xec: {  	v31 =	vand.u32 $0xFFFE0000, v21;
	v2 =	vand.u32 $0xFFF80000, v28;
	v27 =	vadd.s32 $0x40000, v26;
	[tilespmem:$0x1230] =	vst v0  }
0xed: {  	v33 =	vand.u32 $0x1FFFF, v21;
	v32 =	vadd.s32 v31, v2;
	v30 =	vadd.s32 $0x60000, v26;
	[tilespmem:$0x1040] =	vst v27  }
0xee: {  	v34 =	vor.u32 v33, v32;
	[tilespmem:$0x1140] =	vst v30  }
0xef: {  	v1 =	vadd.s32 $0x20000, v26;
	[tilespmem:$0xE50] =	vst v34  }
0xf0: {  	v37 =	vld [tilespmem:$0x270];
	v36 =	vshll.u32 v29, $0x2;
	v0 =	vadd.s32 $0x80000, v26;
	[tilespmem:$0xF40] =	vst v1  }
0xf1: {  	v39 =	vand.u32 $0xFFFE0000, v29;
	v2 =	vand.u32 $0xFFF80000, v36;
	v35 =	vadd.s32 $0x40000, v34;
	[tilespmem:$0x1240] =	vst v0  }
0xf2: {  	v41 =	vand.u32 $0x1FFFF, v29;
	v40 =	vadd.s32 v39, v2;
	v38 =	vadd.s32 $0x60000, v34;
	[tilespmem:$0x1050] =	vst v35  }
0xf3: {  	v42 =	vor.u32 v41, v40;
	[tilespmem:$0x1150] =	vst v38  }
0xf4: {  	v1 =	vadd.s32 $0x20000, v34;
	[tilespmem:$0xE60] =	vst v42  }
0xf5: {  	v45 =	vld [tilespmem:$0x280];
	v44 =	vshll.u32 v37, $0x2;
	v0 =	vadd.s32 $0x80000, v34;
	[tilespmem:$0xF50] =	vst v1  }
0xf6: {  	v47 =	vand.u32 $0xFFFE0000, v37;
	v2 =	vand.u32 $0xFFF80000, v44;
	v43 =	vadd.s32 $0x40000, v42;
	[tilespmem:$0x1250] =	vst v0  }
0xf7: {  	v49 =	vand.u32 $0x1FFFF, v37;
	v48 =	vadd.s32 v47, v2;
	v46 =	vadd.s32 $0x60000, v42;
	[tilespmem:$0x1060] =	vst v43  }
0xf8: {  	v50 =	vor.u32 v49, v48;
	[tilespmem:$0x1160] =	vst v46  }
0xf9: {  	v1 =	vadd.s32 $0x20000, v42;
	[tilespmem:$0xE70] =	vst v50  }
0xfa: {  	v53 =	vld [tilespmem:$0x290];
	v52 =	vshll.u32 v45, $0x2;
	v0 =	vadd.s32 $0x80000, v42;
	[tilespmem:$0xF60] =	vst v1  }
0xfb: {  	v55 =	vand.u32 $0xFFFE0000, v45;
	v2 =	vand.u32 $0xFFF80000, v52;
	v51 =	vadd.s32 $0x40000, v50;
	[tilespmem:$0x1260] =	vst v0  }
0xfc: {  	v57 =	vand.u32 $0x1FFFF, v45;
	v56 =	vadd.s32 v55, v2;
	v54 =	vadd.s32 $0x60000, v50;
	[tilespmem:$0x1070] =	vst v51  }
0xfd: {  	v58 =	vor.u32 v57, v56;
	[tilespmem:$0x1170] =	vst v54  }
0xfe: {  	v1 =	vadd.s32 $0x20000, v50;
	[tilespmem:$0xE80] =	vst v58  }
0xff: {  	v61 =	vld [tilespmem:$0x2A0];
	v60 =	vshll.u32 v53, $0x2;
	v0 =	vadd.s32 $0x80000, v50;
	[tilespmem:$0xF70] =	vst v1  }
0x100: {  	v63 =	vand.u32 $0xFFFE0000, v53;
	v2 =	vand.u32 $0xFFF80000, v60;
	v59 =	vadd.s32 $0x40000, v58;
	[tilespmem:$0x1270] =	vst v0  }
0x101: {  	v9 =	vand.u32 $0x1FFFF, v53;
	v8 =	vadd.s32 v63, v2;
	v62 =	vadd.s32 $0x60000, v58;
	[tilespmem:$0x1080] =	vst v59  }
0x102: {  	v10 =	vor.u32 v9, v8;
	[tilespmem:$0x1180] =	vst v62  }
0x103: {  	v1 =	vadd.s32 $0x20000, v58;
	[tilespmem:$0xE90] =	vst v10  }
0x104: {  	v13 =	vld [tilespmem:$0x2B0];
	v12 =	vshll.u32 v61, $0x2;
	v0 =	vadd.s32 $0x80000, v58;
	[tilespmem:$0xF80] =	vst v1  }
0x105: {  	v15 =	vand.u32 $0xFFFE0000, v61;
	v2 =	vand.u32 $0xFFF80000, v12;
	v11 =	vadd.s32 $0x40000, v10;
	[tilespmem:$0x1280] =	vst v0  }
0x106: {  	v17 =	vand.u32 $0x1FFFF, v61;
	v16 =	vadd.s32 v15, v2;
	v14 =	vadd.s32 $0x60000, v10;
	[tilespmem:$0x1090] =	vst v11  }
0x107: {  	v18 =	vor.u32 v17, v16;
	[tilespmem:$0x1190] =	vst v14  }
0x108: {  	v1 =	vadd.s32 $0x20000, v10;
	[tilespmem:$0xEA0] =	vst v18  }
0x109: {  	v21 =	vld [tilespmem:$0x2C0];
	v20 =	vshll.u32 v13, $0x2;
	v0 =	vadd.s32 $0x80000, v10;
	[tilespmem:$0xF90] =	vst v1  }
0x10a: {  	v23 =	vand.u32 $0xFFFE0000, v13;
	v2 =	vand.u32 $0xFFF80000, v20;
	v19 =	vadd.s32 $0x40000, v18;
	[tilespmem:$0x1290] =	vst v0  }
0x10b: {  	v25 =	vand.u32 $0x1FFFF, v13;
	v24 =	vadd.s32 v23, v2;
	v22 =	vadd.s32 $0x60000, v18;
	[tilespmem:$0x10A0] =	vst v19  }
0x10c: {  	v26 =	vor.u32 v25, v24;
	[tilespmem:$0x11A0] =	vst v22  }
0x10d: {  	v1 =	vadd.s32 $0x20000, v18;
	[tilespmem:$0xEB0] =	vst v26  }
0x10e: {  	v29 =	vld [tilespmem:$0x2D0];
	v28 =	vshll.u32 v21, $0x2;
	v0 =	vadd.s32 $0x80000, v18;
	[tilespmem:$0xFA0] =	vst v1  }
0x10f: {  	v31 =	vand.u32 $0xFFFE0000, v21;
	v2 =	vand.u32 $0xFFF80000, v28;
	v27 =	vadd.s32 $0x40000, v26;
	[tilespmem:$0x12A0] =	vst v0  }
0x110: {  	v33 =	vand.u32 $0x1FFFF, v21;
	v32 =	vadd.s32 v31, v2;
	v30 =	vadd.s32 $0x60000, v26;
	[tilespmem:$0x10B0] =	vst v27  }
0x111: {  	v34 =	vor.u32 v33, v32;
	[tilespmem:$0x11B0] =	vst v30  }
0x112: {  	v1 =	vadd.s32 $0x20000, v26;
	[tilespmem:$0xEC0] =	vst v34  }
0x113: {  	v37 =	vld [tilespmem:$0x2E0];
	v36 =	vshll.u32 v29, $0x2;
	v0 =	vadd.s32 $0x80000, v26;
	[tilespmem:$0xFB0] =	vst v1  }
0x114: {  	v39 =	vand.u32 $0xFFFE0000, v29;
	v2 =	vand.u32 $0xFFF80000, v36;
	v35 =	vadd.s32 $0x40000, v34;
	[tilespmem:$0x12B0] =	vst v0  }
0x115: {  	v41 =	vand.u32 $0x1FFFF, v29;
	v40 =	vadd.s32 v39, v2;
	v38 =	vadd.s32 $0x60000, v34;
	[tilespmem:$0x10C0] =	vst v35  }
0x116: {  	v42 =	vor.u32 v41, v40;
	[tilespmem:$0x11C0] =	vst v38  }
0x117: {  	v1 =	vadd.s32 $0x20000, v34;
	[tilespmem:$0xED0] =	vst v42  }
0x118: {  	v45 =	vld [tilespmem:$0x2F0];
	v44 =	vshll.u32 v37, $0x2;
	v0 =	vadd.s32 $0x80000, v34;
	[tilespmem:$0xFC0] =	vst v1  }
0x119: {  	v47 =	vand.u32 $0xFFFE0000, v37;
	v2 =	vand.u32 $0xFFF80000, v44;
	v43 =	vadd.s32 $0x40000, v42;
	[tilespmem:$0x12C0] =	vst v0  }
0x11a: {  	v49 =	vand.u32 $0x1FFFF, v37;
	v48 =	vadd.s32 v47, v2;
	v46 =	vadd.s32 $0x60000, v42;
	[tilespmem:$0x10D0] =	vst v43  }
0x11b: {  	v50 =	vor.u32 v49, v48;
	[tilespmem:$0x11D0] =	vst v46  }
0x11c: {  	v1 =	vadd.s32 $0x20000, v42;
	[tilespmem:$0xEE0] =	vst v50  }
0x11d: {  	v53 =	vld [tilespmem:$0x300];
	v52 =	vshll.u32 v45, $0x2;
	v0 =	vadd.s32 $0x80000, v42;
	[tilespmem:$0xFD0] =	vst v1  }
0x11e: {  	v55 =	vand.u32 $0xFFFE0000, v45;
	v2 =	vand.u32 $0xFFF80000, v52;
	v51 =	vadd.s32 $0x40000, v50;
	[tilespmem:$0x12D0] =	vst v0  }
0x11f: {  	v57 =	vand.u32 $0x1FFFF, v45;
	v56 =	vadd.s32 v55, v2;
	v54 =	vadd.s32 $0x60000, v50;
	[tilespmem:$0x10E0] =	vst v51  }
0x120: {  	v58 =	vor.u32 v57, v56;
	[tilespmem:$0x11E0] =	vst v54  }
0x121: {  	v1 =	vadd.s32 $0x20000, v50;
	[tilespmem:$0xEF0] =	vst v58  }
0x122: {  	v61 =	vld [tilespmem:$0x310];
	v60 =	vshll.u32 v53, $0x2;
	v0 =	vadd.s32 $0x80000, v50;
	[tilespmem:$0xFE0] =	vst v1  }
0x123: {  	v63 =	vand.u32 $0xFFFE0000, v53;
	v2 =	vand.u32 $0xFFF80000, v60;
	v59 =	vadd.s32 $0x40000, v58;
	[tilespmem:$0x12E0] =	vst v0  }
0x124: {  	v7 =	vand.u32 $0x1FFFF, v53;
	v6 =	vadd.s32 v63, v2;
	v62 =	vadd.s32 $0x60000, v58;
	[tilespmem:$0x10F0] =	vst v59  }
0x125: {  	v8 =	vor.u32 v7, v6;
	[tilespmem:$0x11F0] =	vst v62  }
0x126: {  	v1 =	vadd.s32 $0x20000, v58;
	[tilespmem:$0x1300] =	vst v8  }
0x127: {  	v10 =	vshll.u32 v61, $0x2;
	v0 =	vadd.s32 $0x80000, v58;
	[tilespmem:$0xFF0] =	vst v1  }
0x128: {  	v13 =	vand.u32 $0xFFFE0000, v61;
	v2 =	vand.u32 $0xFFF80000, v10;
	v9 =	vadd.s32 $0x40000, v8;
	[tilespmem:$0x12F0] =	vst v0  }
0x129: {  	v15 =	vand.u32 $0x1FFFF, v61;
	v11 =	vld [tilespmem:$0x320];
	v14 =	vadd.s32 v13, v2;
	v12 =	vadd.s32 $0x60000, v8;
	[tilespmem:$0x1500] =	vst v9  }
0x12a: {  	v16 =	vor.u32 v15, v14;
	[tilespmem:$0x1600] =	vst v12  }
0x12b: {  	v1 =	vadd.s32 $0x20000, v8;
	[tilespmem:$0x1310] =	vst v16  }
0x12c: {  	v0 =	vadd.s32 $0x80000, v8;
	[tilespmem:$0x1400] =	vst v1  }
0x12d: {  	v18 =	vadd.s32 $0x40000, v16;
	[tilespmem:$0x1700] =	vst v0  }
0x12e: {  	v17 =	vld [tilespmem:$0x3F0];
	v19 =	vshll.u32 v11, $0x2;
	v20 =	vadd.s32 $0x60000, v16;
	[tilespmem:$0x1510] =	vst v18  }
0x12f: {  	v21 =	vand.u32 $0xFFFE0000, v11;
	v3 =	vand.u32 $0xFFF80000, v19;
	v1 =	vadd.s32 $0x20000, v16;
	[tilespmem:$0x1610] =	vst v20  }
0x130: {  	v23 =	vand.u32 $0x1FFFF, v11;
	v22 =	vadd.s32 v21, v3;
	v0 =	vadd.s32 $0x80000, v16;
	[tilespmem:$0x1410] =	vst v1  }
0x131: {  	v24 =	vor.u32 v23, v22;
	[tilespmem:$0x1710] =	vst v0  }
0x132: {  	[tilespmem:$0x1320] =	vst v24;
	v3 =	vadd.s32 $0x20000, v24  }
0x133: {  	v25 =	vld [tilespmem:$0x3E0];
	v26 =	vshll.u32 v17, $0x2;
	v27 =	vadd.s32 $0x40000, v24;
	[tilespmem:$0x1420] =	vst v3  }
0x134: {  	v28 =	vand.u32 $0xFFFE0000, v17;
	v4 =	vand.u32 $0xFFF80000, v26;
	v29 =	vadd.s32 $0x60000, v24;
	[tilespmem:$0x1520] =	vst v27  }
0x135: {  	v2 =	vand.u32 $0x1FFFF, v17;
	v4 =	vadd.s32 v28, v4;
	v30 =	vadd.s32 $0x80000, v24;
	[tilespmem:$0x1620] =	vst v29  }
0x136: {  	v0 =	vor.u32 v2, v4;
	[tilespmem:$0x1720] =	vst v30  }
0x137: {  	v4 =	vadd.s32 $0x20000, v0;
	[tilespmem:$0x13F0] =	vst v0  }
0x138: {  	v31 =	vld [tilespmem:$0x3D0];
	v32 =	vshll.u32 v25, $0x2;
	v6 =	vadd.s32 $0x60000, v0;
	[tilespmem:$0x14F0] =	vst v4  }
0x139: {  	v33 =	vand.u32 $0xFFFE0000, v25;
	v3 =	vand.u32 $0xFFF80000, v32;
	v34 =	vadd.s32 $0x40000, v0;
	[tilespmem:$0x16F0] =	vst v6  }
0x13a: {  	v1 =	vand.u32 $0x1FFFF, v25;
	v0 =	vadd.s32 $0x80000, v0;
	v3 =	vadd.s32 v33, v3;
	[tilespmem:$0x15F0] =	vst v34  }
0x13b: {  	[tilespmem:$0x17F0] =	vst v0;
	v1 =	vor.u32 v1, v3  }
0x13c: {  	v35 =	vld [tilespmem:$0x380];
	v3 =	vadd.s32 $0x80000, v1;
	[tilespmem:$0x13E0] =	vst v1  }
0x13d: {  	v36 =	vshll.u32 v31, $0x2;
	v37 =	vadd.s32 $0x60000, v1;
	[tilespmem:$0x17E0] =	vst v3  }
0x13e: {  	v38 =	vld [tilespmem:$0x3C0];
	v7 =	vand.u32 $0xFFFE0000, v31;
	v4 =	vand.u32 $0xFFF80000, v36;
	v39 =	vadd.s32 $0x40000, v1;
	[tilespmem:$0x16E0] =	vst v37  }
0x13f: {  	v2 =	vand.u32 $0x1FFFF, v31;
	v4 =	vadd.s32 v7, v4;
	v40 =	vadd.s32 $0x20000, v1;
	[tilespmem:$0x15E0] =	vst v39  }
0x140: {  	v2 =	vor.u32 v2, v4;
	[tilespmem:$0x14E0] =	vst v40  }
0x141: {  	v41 =	vshll.u32 v35, $0x2;
	v44 =	vand.u32 $0xFFFE0000, v35;
	v43 =	vadd.s32 $0x80000, v2;
	[tilespmem:$0x13D0] =	vst v2  }
0x142: {  	v5 =	vand.u32 $0x1FFFF, v35;
	v42 =	vand.u32 $0xFFF80000, v41;
	v46 =	vadd.s32 $0x60000, v2;
	[tilespmem:$0x17D0] =	vst v43  }
0x143: {  	v48 =	vshll.u32 v38, $0x2;
	v1 =	vadd.s32 v44, v42;
	v47 =	vadd.s32 $0x40000, v2;
	[tilespmem:$0x16D0] =	vst v46  }
0x144: {  	v51 =	vand.u32 $0xFFFE0000, v38;
	v50 =	vand.u32 $0xFFF80000, v48;
	v1 =	vor.u32 v5, v1;
	[tilespmem:$0x15D0] =	vst v47  }
0x145: {  	v45 =	vld [tilespmem:$0x3A0];
	v4 =	vadd.s32 v51, v50;
	v52 =	vadd.s32 $0x20000, v2;
	v3 =	vand.u32 $0x1FFFF, v38;
	[tilespmem:$0x1380] =	vst v1  }
0x146: {  	v49 =	vld [tilespmem:$0x3B0];
	v3 =	vor.u32 v3, v4;
	[tilespmem:$0x14D0] =	vst v52  }
0x147: {  	v25 =	vadd.s32 $0x80000, v1;
	[tilespmem:$0x13C0] =	vst v3  }
0x148: {  	v27 =	vadd.s32 $0x60000, v1;
	[tilespmem:$0x1780] =	vst v25  }
0x149: {  	v29 =	vadd.s32 $0x40000, v1;
	[tilespmem:$0x1680] =	vst v27  }
0x14a: {  	v53 =	vshll.u32 v45, $0x2;
	v1 =	vadd.s32 $0x20000, v1;
	[tilespmem:$0x1580] =	vst v29  }
0x14b: {  	v55 =	vand.u32 $0xFFFE0000, v45;
	v59 =	vshll.u32 v49, $0x2;
	v54 =	vadd.s32 $0x80000, v3;
	[tilespmem:$0x1480] =	vst v1  }
0x14c: {  	v61 =	vand.u32 $0xFFFE0000, v49;
	v6 =	vand.u32 $0xFFF80000, v59;
	v57 =	vadd.s32 $0x60000, v3;
	[tilespmem:$0x17C0] =	vst v54  }
0x14d: {  	v5 =	vand.u32 $0x1FFFF, v49;
	v4 =	vand.u32 $0xFFF80000, v53;
	v58 =	vadd.s32 $0x40000, v3;
	[tilespmem:$0x16C0] =	vst v57  }
0x14e: {  	v2 =	vadd.s32 v55, v4;
	v60 =	vadd.s32 $0x20000, v3;
	v4 =	vadd.s32 v61, v6;
	[tilespmem:$0x15C0] =	vst v58  }
0x14f: {  	v56 =	vand.u32 $0x1FFFF, v45;
	[tilespmem:$0x14C0] =	vst v60;
	v4 =	vor.u32 v5, v4  }
0x150: {  	v63 =	vld [tilespmem:$0x390];
	v2 =	vor.u32 v56, v2;
	[tilespmem:$0x13B0] =	vst v4  }
0x151: {  	v26 =	vld [tilespmem:$0x360];
	v62 =	vadd.s32 $0x20000, v2;
	[tilespmem:$0x13A0] =	vst v2  }
0x152: {  	v9 =	vadd.s32 $0x80000, v4;
	[tilespmem:$0x14A0] =	vst v62  }
0x153: {  	v10 =	vadd.s32 $0x60000, v4;
	[tilespmem:$0x17B0] =	vst v9  }
0x154: {  	v11 =	vadd.s32 $0x40000, v4;
	[tilespmem:$0x16B0] =	vst v10  }
0x155: {  	v13 =	vshll.u32 v63, $0x2;
	v15 =	vand.u32 $0xFFFE0000, v63;
	v12 =	vadd.s32 $0x20000, v4;
	[tilespmem:$0x15B0] =	vst v11  }
0x156: {  	v16 =	vand.u32 $0x1FFFF, v63;
	v33 =	vshll.u32 v26, $0x2;
	v14 =	vadd.s32 $0x80000, v2;
	[tilespmem:$0x14B0] =	vst v12  }
0x157: {  	v36 =	vand.u32 $0xFFFE0000, v26;
	v3 =	vand.u32 $0xFFF80000, v13;
	v17 =	vadd.s32 $0x60000, v2;
	[tilespmem:$0x17A0] =	vst v14  }
0x158: {  	v1 =	vand.u32 $0xFFF80000, v33;
	v3 =	vadd.s32 v15, v3;
	v18 =	vadd.s32 $0x40000, v2;
	[tilespmem:$0x16A0] =	vst v17  }
0x159: {  	v38 =	vand.u32 $0x1FFFF, v26;
	v1 =	vadd.s32 v36, v1;
	v3 =	vor.u32 v16, v3;
	[tilespmem:$0x15A0] =	vst v18  }
0x15a: {  	v20 =	vld [tilespmem:$0x370];
	v0 =	vor.u32 v38, v1;
	[tilespmem:$0x1390] =	vst v3  }
0x15b: {  	v30 =	vld [tilespmem:$0x340];
	v19 =	vadd.s32 $0x20000, v3;
	[tilespmem:$0x1360] =	vst v0  }
0x15c: {  	v21 =	vadd.s32 $0x80000, v3;
	[tilespmem:$0x1490] =	vst v19  }
0x15d: {  	v22 =	vadd.s32 $0x60000, v3;
	[tilespmem:$0x1790] =	vst v21  }
0x15e: {  	v23 =	vadd.s32 $0x40000, v3;
	[tilespmem:$0x1690] =	vst v22  }
0x15f: {  	v24 =	vshll.u32 v20, $0x2;
	v28 =	vand.u32 $0xFFFE0000, v20;
	v40 =	vadd.s32 $0x80000, v0;
	[tilespmem:$0x1590] =	vst v23  }
0x160: {  	v39 =	vshll.u32 v30, $0x2;
	v41 =	vand.u32 $0xFFFE0000, v30;
	v43 =	vadd.s32 $0x60000, v0;
	[tilespmem:$0x1760] =	vst v40  }
0x161: {  	v2 =	vand.u32 $0xFFF80000, v24;
	v4 =	vand.u32 $0x1FFFF, v20;
	v44 =	vadd.s32 $0x40000, v0;
	[tilespmem:$0x1660] =	vst v43  }
0x162: {  	v1 =	vand.u32 $0xFFF80000, v39;
	v2 =	vadd.s32 v28, v2;
	v46 =	vadd.s32 $0x20000, v0;
	[tilespmem:$0x1560] =	vst v44  }
0x163: {  	v35 =	vld [tilespmem:$0x350];
	v42 =	vand.u32 $0x1FFFF, v30;
	v1 =	vadd.s32 v41, v1;
	v2 =	vor.u32 v4, v2;
	[tilespmem:$0x1460] =	vst v46  }
0x164: {  	v50 =	vld [tilespmem:$0x330];
	v1 =	vor.u32 v42, v1;
	[tilespmem:$0x1370] =	vst v2  }
0x165: {  	v31 =	vadd.s32 $0x80000, v2;
	[tilespmem:$0x1340] =	vst v1  }
0x166: {  	v32 =	vadd.s32 $0x60000, v2;
	[tilespmem:$0x1770] =	vst v31  }
0x167: {  	v34 =	vadd.s32 $0x40000, v2;
	[tilespmem:$0x1670] =	vst v32  }
0x168: {  	v37 =	vadd.s32 $0x20000, v2;
	[tilespmem:$0x1570] =	vst v34  }
0x169: {  	v45 =	vshll.u32 v35, $0x2;
	v55 =	vshll.u32 v50, $0x2;
	v48 =	vadd.s32 $0x40000, v1;
	[tilespmem:$0x1470] =	vst v37  }
0x16a: {  	v56 =	vand.u32 $0xFFFE0000, v50;
	v0 =	vand.u32 $0xFFF80000, v55;
	v57 =	vadd.s32 $0x80000, v1;
	[tilespmem:$0x1540] =	vst v48  }
0x16b: {  	v59 =	vand.u32 $0x1FFFF, v50;
	v0 =	vadd.s32 v56, v0;
	v58 =	vadd.s32 $0x60000, v1;
	[tilespmem:$0x1740] =	vst v57  }
0x16c: {  	v47 =	vand.u32 $0xFFFE0000, v35;
	v3 =	vand.u32 $0xFFF80000, v45;
	v0 =	vor.u32 v59, v0;
	[tilespmem:$0x1640] =	vst v58  }
0x16d: {  	v49 =	vand.u32 $0x1FFFF, v35;
	v2 =	vadd.s32 v47, v3;
	v60 =	vadd.s32 $0x20000, v1;
	[tilespmem:$0x1330] =	vst v0  }
0x16e: {  	v2 =	vor.u32 v49, v2;
	[tilespmem:$0x1440] =	vst v60  }
0x16f: {  	v61 =	vadd.s32 $0x80000, v0;
	[tilespmem:$0x1350] =	vst v2  }
0x170: {  	v62 =	vadd.s32 $0x60000, v0;
	[tilespmem:$0x1730] =	vst v61  }
0x171: {  	v63 =	vadd.s32 $0x40000, v0;
	[tilespmem:$0x1630] =	vst v62  }
0x172: {  	v0 =	vadd.s32 $0x20000, v0;
	[tilespmem:$0x1530] =	vst v63  }
0x173: {  	v51 =	vadd.s32 $0x80000, v2;
	[tilespmem:$0x1430] =	vst v0  }
0x174: {  	s18 =	rddreg [dreg:$0x11];
	v52 =	vadd.s32 $0x60000, v2;
	[tilespmem:$0x1750] =	vst v51  }
0x175: {  	s19 =	rddreg [dreg:$0x12];
	v53 =	vadd.s32 $0x40000, v2;
	[tilespmem:$0x1650] =	vst v52  }
0x176: {  	s20 =	rddreg [dreg:$0x13];
	v54 =	vadd.s32 $0x20000, v2;
	[tilespmem:$0x1550] =	vst v53  }
0x177: {  	s1 =	rddreg [dreg:$0x1d];
	[tilespmem:$0x1450] =	vst v54  }
0x178: {  	[tilespmem:s8], [sflag:$0x1] =	stream.indirect.gather [hbm4b:s3+s7], $0x1, s18, s7, $0xb8;
	[tilespmem:$0x2C00] =	vst v63  }
0x179: {  	s18 =	rddreg [dreg:$0x1a]  }
0x17a: {  	[tilespmem:s9], [sflag:$0x1] =	stream.indirect.gather [hbm4b:s4+s7], $0x1, s19, s7, $0xb8;
	[tilespmem:$0x2C00] =	vst v63  }
0x17b: {  	s19 =	rddreg [dreg:$0x14]  }
0x17c: {  	[tilespmem:s10], [sflag:$0x1] =	stream.indirect.gather [hbm4b:s3+s7], $0x1, s20, s7, $0xb8;
	[tilespmem:$0x2C00] =	vst v63  }
0x17d: {  	s20 =	rddreg [dreg:$0x15]  }
0x17e: {  	[tilespmem:s11], [sflag:$0x1] =	stream.indirect.gather [hbm4b:s4+s7], $0x1, s19, s7, $0xb8;
	[tilespmem:$0x2C00] =	vst v63  }
0x17f: {  	s19 =	rddreg [dreg:$0x16]  }
0x180: {  	[tilespmem:s12], [sflag:$0x1] =	stream.indirect.gather [hbm4b:s3+s7], $0x1, s20, s7, $0xb8;
	[tilespmem:$0x2C00] =	vst v63  }
0x181: {  	s20 =	rddreg [dreg:$0x17]  }
0x182: {  	[tilespmem:s13], [sflag:$0x1] =	stream.indirect.gather [hbm4b:s4+s7], $0x1, s19, s7, $0xb8;
	[tilespmem:$0x2C00] =	vst v63  }
0x183: {  	s19 =	rddreg [dreg:$0x18]  }
0x184: {  	[tilespmem:s14], [sflag:$0x1] =	stream.indirect.gather [hbm4b:s3+s7], $0x1, s20, s7, $0xb8;
	[tilespmem:$0x2C00] =	vst v63  }
0x185: {  	s20 =	rddreg [dreg:$0x19]  }
0x186: {  	[tilespmem:s15], [sflag:$0x1] =	stream.indirect.gather [hbm4b:s4+s7], $0x1, s19, s7, $0xb8;
	[tilespmem:$0x2C00] =	vst v63  }
0x187: {  	s19 =	rddreg [dreg:$0x1c]  }
0x188: {  	[tilespmem:s16], [sflag:$0x1] =	stream.indirect.gather [hbm4b:s3+s7], $0x1, s20, s7, $0xb8;
	[tilespmem:$0x2C00] =	vst v63  }
0x189: {  	s20 =	rddreg [dreg:$0x1b]  }
0x18a: {  	[tilespmem:s17], [sflag:$0x1] =	stream.indirect.gather [hbm4b:s4+s7], $0x1, s18, s7, $0xb8;
	[tilespmem:$0x2C00] =	vst v63  }
0x18b: {  	s18 =	rddreg [dreg:$0x1e]  }
0x18c: {  	[tilespmem:s19], [sflag:$0x1] =	stream.indirect.gather [hbm4b:s3+s7], $0x1, s20, s7, $0xb8;
	[tilespmem:$0x2C00] =	vst v63  }
0x18d: {  	s19 =	rddreg [dreg:$0x1f]  }
0x18e: {  	s20 =	sld [smem:$0x7FC]  }
0x18f: {  	[tilespmem:s18], [sflag:$0x1] =	stream.indirect.gather [hbm4b:s4+s7], $0x1, s1, s7, $0xb8;
	[tilespmem:$0x2C00] =	vst v63  }
0x190: {  	s18 =	sld [smem:$0x7FD]  }
0x191: {  	[tilespmem:s20], [sflag:$0x1] =	stream.indirect.gather [hbm4b:s3+s7], $0x1, s19, s7, $0xb8;
	[tilespmem:$0x2C00] =	vst v63  }
0x192: {  	s20 =	simm.s32 $0x2500  }
0x193: {  	[tilespmem:s20], [sflag:$0x1] =	stream.indirect.gather [hbm4b:s4+s7], $0x1, s18, s7, $0xb8;
	[tilespmem:$0x2C00] =	vst v63  }
0x194: {  	s19 =	simm.s32 $0x1D00;
	s18 =	simm.s32 $0xB00  }
0x195: {  	[tilespmem:s19], [sflag:$0x1] =	stream.indirect.gather [hbm4b:s3+s7], $0x1, s18, s7, $0xb8;
	[tilespmem:$0x2C00] =	vst v63  }
0x196: {  	_ = 	snop  }
0x197: {  	[tilespmem:s22], [sflag:$0x1] =	stream.indirect.gather [hbm4b:s4+s7], $0x1, s21, s7, $0xb8;
	[tilespmem:$0x2C00] =	vst v63  }
0x198: {  	_ = 	snop  }
0x199: {  	[tilespmem:s24], [sflag:$0x1] =	stream.indirect.gather [hbm4b:s3+s7], $0x1, s23, s7, $0xb8;
	[tilespmem:$0x2C00] =	vst v63  }
0x19a: {  	_ = 	snop  }
0x19b: {  	[tilespmem:s26], [sflag:$0x1] =	stream.indirect.gather [hbm4b:s4+s7], $0x1, s25, s7, $0xb8;
	[tilespmem:$0x2C00] =	vst v63  }
0x19c: {  	_ = 	snop  }
0x19d: {  	[tilespmem:s29], [sflag:$0x1] =	stream.indirect.gather [hbm4b:s3+s7], $0x1, s28, s7, $0xb8;
	[tilespmem:$0x2C00] =	vst v63  }
0x19e: {  	_ = 	snop  }
0x19f: {  	[tilespmem:s31], [sflag:$0x1] =	stream.indirect.gather [hbm4b:s4+s7], $0x1, s30, s7, $0xb8;
	[tilespmem:$0x2C00] =	vst v63  }
0x1a0: {  	_ =	swait.ge [sflag:s0], $0x100  }
0x1a1: {  	[sflag:s0] =	ssyncset.done $0x0  }
0x1a2: {  	[sflag:s0] =	ssyncadd.s32 $0xFFFFFF00  }
0x1a3: {  	_ =	swait.ge [sflag:s0], $0x100  }
0x1a4: {  	[sflag:s0] =	ssyncset.done $0x0  }
0x1a5: {  	[sflag:s0] =	ssyncadd.s32 $0xFFFFFF00  }
0x1a6: {  	_ =	swait.ge [sflag:s0], $0x100  }
0x1a7: {  	[sflag:s0] =	ssyncset.done $0x0  }
0x1a8: {  	[sflag:s0] =	ssyncadd.s32 $0xFFFFFF00  }
0x1a9: {  	_ =	swait.ge [sflag:s0], $0x100  }
0x1aa: {  	[sflag:s0] =	ssyncset.done $0x0  }
0x1ab: {  	[sflag:s0] =	ssyncadd.s32 $0xFFFFFF00  }
0x1ac: {  	_ =	swait.ge [sflag:s0], $0x100  }
0x1ad: {  	[sflag:s0] =	ssyncset.done $0x0  }
0x1ae: {  	[sflag:s0] =	ssyncadd.s32 $0xFFFFFF00  }
0x1af: {  	_ =	swait.ge [sflag:s0], $0x100  }
0x1b0: {  	[sflag:s0] =	ssyncset.done $0x0  }
0x1b1: {  	[sflag:s0] =	ssyncadd.s32 $0xFFFFFF00  }
0x1b2: {  	_ =	swait.ge [sflag:s0], $0x100  }
0x1b3: {  	[sflag:s0] =	ssyncset.done $0x0  }
0x1b4: {  	[sflag:s0] =	ssyncadd.s32 $0xFFFFFF00  }
0x1b5: {  	_ =	swait.ge [sflag:s0], $0x100  }
0x1b6: {  	[sflag:s0] =	ssyncset.done $0x0  }
0x1b7: {  	[sflag:s0] =	ssyncadd.s32 $0xFFFFFF00  }
0x1b8: {  	_ =	swait.ge [sflag:s0], $0x100  }
0x1b9: {  	[sflag:s0] =	ssyncset.done $0x0  }
0x1ba: {  	[sflag:s0] =	ssyncadd.s32 $0xFFFFFF00  }
0x1bb: {  	_ =	swait.ge [sflag:s0], $0x100  }
0x1bc: {  	[sflag:s0] =	ssyncset.done $0x0  }
0x1bd: {  	[sflag:s0] =	ssyncadd.s32 $0xFFFFFF00  }
0x1be: {  	_ =	swait.ge [sflag:s0], $0x100  }
0x1bf: {  	[sflag:s0] =	ssyncset.done $0x0  }
0x1c0: {  	[sflag:s0] =	ssyncadd.s32 $0xFFFFFF00  }
0x1c1: {  	_ =	swait.ge [sflag:s0], $0x100  }
0x1c2: {  	[sflag:s0] =	ssyncset.done $0x0  }
0x1c3: {  	[sflag:s0] =	ssyncadd.s32 $0xFFFFFF00  }
0x1c4: {  	_ =	swait.ge [sflag:s0], $0x100  }
0x1c5: {  	[sflag:s0] =	ssyncset.done $0x0  }
0x1c6: {  	[sflag:s0] =	ssyncadd.s32 $0xFFFFFF00  }
0x1c7: {  	_ =	swait.ge [sflag:s0], $0x100  }
0x1c8: {  	[sflag:s0] =	ssyncset.done $0x0  }
0x1c9: {  	[sflag:s0] =	ssyncadd.s32 $0xFFFFFF00  }
0x1ca: {  	_ =	swait.ge [sflag:s0], $0x100  }
0x1cb: {  	[sflag:s0] =	ssyncset.done $0x0  }
0x1cc: {  	[sflag:s0] =	ssyncadd.s32 $0xFFFFFF00  }
0x1cd: {  	_ =	swait.ge [sflag:s0], $0x100  }
0x1ce: {  	[sflag:s0] =	ssyncset.done $0x0  }
0x1cf: {  	[sflag:s0] =	ssyncadd.s32 $0xFFFFFF00  }
0x1d0: {  	_ =	swait.ge [sflag:s0], $0x100  }
0x1d1: {  	[sflag:s0] =	ssyncset.done $0x0  }
0x1d2: {  	[sflag:s0] =	ssyncadd.s32 $0xFFFFFF00  }
0x1d3: {  	_ =	swait.ge [sflag:s0], $0x100  }
0x1d4: {  	[sflag:s0] =	ssyncset.done $0x0  }
0x1d5: {  	[sflag:s0] =	ssyncadd.s32 $0xFFFFFF00  }
0x1d6: {  	_ =	swait.ge [sflag:s0], $0x100  }
0x1d7: {  	[sflag:s0] =	ssyncset.done $0x0  }
0x1d8: {  	[sflag:s0] =	ssyncadd.s32 $0xFFFFFF00  }
0x1d9: {  	_ =	swait.ge [sflag:s0], $0x100  }
0x1da: {  	[sflag:s0] =	ssyncset.done $0x0  }
0x1db: {  	s20 =	rddreg [dreg:$0x6];
	[sflag:s0] =	ssyncadd.s32 $0xFFFFFF00  }
0x1dc: {  	[hbm4b:s20+s2] =	stream.linear.scatter [tilespmem:s8], [sflag:$0x2], $0x200, $0x38;
	[tilespmem:$0x2C00] =	vst v63  }
0x1dd: {  	_ =	swait.ge [sflag:s6], $0x200  }
0x1de: {  	[sflag:s6] =	ssyncset.done $0x0  }
0x1df: {  	s18 =	rddreg [dreg:$0x7];
	[sflag:s6] =	ssyncadd.s32 $0xFFFFFE00  }
0x1e0: {  	[hbm4b:s18+s2] =	stream.linear.scatter [tilespmem:s9], [sflag:$0x2], $0x200, $0x38;
	[tilespmem:$0x2C00] =	vst v63  }
0x1e1: {  	_ =	swait.ge [sflag:s6], $0x200  }
0x1e2: {  	[sflag:s6] =	ssyncset.done $0x0  }
0x1e3: {  	s19 =	rddreg [dreg:$0x8];
	[sflag:s6] =	ssyncadd.s32 $0xFFFFFE00  }
0x1e4: {  	[hbm4b:s19+s2] =	stream.linear.scatter [tilespmem:s10], [sflag:$0x2], $0x200, $0x38;
	[tilespmem:$0x2C00] =	vst v63  }
0x1e5: {  	_ =	swait.ge [sflag:s6], $0x200  }
0x1e6: {  	[sflag:s6] =	ssyncset.done $0x0  }
0x1e7: {  	s20 =	rddreg [dreg:$0x9];
	[sflag:s6] =	ssyncadd.s32 $0xFFFFFE00  }
0x1e8: {  	[hbm4b:s20+s2] =	stream.linear.scatter [tilespmem:s11], [sflag:$0x2], $0x200, $0x38;
	[tilespmem:$0x2C00] =	vst v63  }
0x1e9: {  	_ =	swait.ge [sflag:s6], $0x200  }
0x1ea: {  	[sflag:s6] =	ssyncset.done $0x0  }
0x1eb: {  	s18 =	rddreg [dreg:$0xa];
	[sflag:s6] =	ssyncadd.s32 $0xFFFFFE00  }
0x1ec: {  	[hbm4b:s18+s2] =	stream.linear.scatter [tilespmem:s12], [sflag:$0x2], $0x200, $0x38;
	[tilespmem:$0x2C00] =	vst v63  }
0x1ed: {  	_ =	swait.ge [sflag:s6], $0x200  }
0x1ee: {  	[sflag:s6] =	ssyncset.done $0x0  }
0x1ef: {  	s19 =	rddreg [dreg:$0xb];
	[sflag:s6] =	ssyncadd.s32 $0xFFFFFE00  }
0x1f0: {  	[hbm4b:s19+s2] =	stream.linear.scatter [tilespmem:s13], [sflag:$0x2], $0x200, $0x38;
	[tilespmem:$0x2C00] =	vst v63  }
0x1f1: {  	_ =	swait.ge [sflag:s6], $0x200  }
0x1f2: {  	[sflag:s6] =	ssyncset.done $0x0  }
0x1f3: {  	s20 =	rddreg [dreg:$0xc];
	[sflag:s6] =	ssyncadd.s32 $0xFFFFFE00  }
0x1f4: {  	[hbm4b:s20+s2] =	stream.linear.scatter [tilespmem:s14], [sflag:$0x2], $0x200, $0x38;
	[tilespmem:$0x2C00] =	vst v63  }
0x1f5: {  	_ =	swait.ge [sflag:s6], $0x200  }
0x1f6: {  	[sflag:s6] =	ssyncset.done $0x0  }
0x1f7: {  	s18 =	rddreg [dreg:$0xd];
	[sflag:s6] =	ssyncadd.s32 $0xFFFFFE00  }
0x1f8: {  	[hbm4b:s18+s2] =	stream.linear.scatter [tilespmem:s15], [sflag:$0x2], $0x200, $0x38;
	[tilespmem:$0x2C00] =	vst v63  }
0x1f9: {  	_ =	swait.ge [sflag:s6], $0x200  }
0x1fa: {  	[sflag:s6] =	ssyncset.done $0x0  }
0x1fb: {  	s19 =	rddreg [dreg:$0xe];
	[sflag:s6] =	ssyncadd.s32 $0xFFFFFE00  }
0x1fc: {  	[hbm4b:s19+s2] =	stream.linear.scatter [tilespmem:s16], [sflag:$0x2], $0x200, $0x38;
	[tilespmem:$0x2C00] =	vst v63  }
0x1fd: {  	_ =	swait.ge [sflag:s6], $0x200  }
0x1fe: {  	p0 =	sne.s32 s5, $0x1;
	[sflag:s6] =	ssyncset.done $0x0  }
.Ltmp0:
0x1ff: {  	s20 =	rddreg [dreg:$0xf];
	[sflag:s6] =	ssyncadd.s32 $0xFFFFFE00;
	(pc) =	sbr.rel @p0 .LBB2_1-.Ltmp0, $4  }
0x200: {  	[hbm4b:s20+s2] =	stream.linear.scatter [tilespmem:s17], [sflag:$0x2], $0x200, $0x38;
	[tilespmem:$0x2C00] =	vst v63  }
0x201: {  	_ =	swait.ge [sflag:s6], $0x200  }
0x202: {  	[sflag:s6] =	ssyncset.done $0x0  }
0x203: {  	s5 =	sadd.s32 $0xFFFFFFFF, s5;
	[sflag:s6] =	ssyncadd.s32 $0xFFFFFE00  }
0x204: {  	_ =	sfence.sel $0x180000  }
0x205: {  	[bflag:$0x0] =	sbarrier.arrive $0xFFFF  }
0x206: {  	_ =	strace $0x90000047  }
0x207: {  	s0 =	stileid.u32;
	[bflag:$0x2] =	sbarrier.arrive $0xFFFF  }
0x208: {  	p0 =	sne.s32 s0, $0x0;
	s0 =	rddreg [dreg:$0x3]  }
0x209: {  	s0 =	sadd.s32 @!p0 $0x100000, s0  }
0x20a: {  	[sflag:s0] =	ssyncadd.tile.s32 @!p0 $0x1;
	_ =	shalt  }
.Lfunc_end2:
_tile_overlayer_lowered:
.L_overlay_start_2:
0x20b: {  	(tag) =	ssettag $0x2  }
0x20c: {  	s0 =	rddreg [dreg:$0x0];
	s2 =	stileid.u32  }
0x20d: {  	s1 =	rddreg [dreg:$0x1];
	p0 =	sne.s32 s2, $0x0  }
0x20e: {  	s3 =	rddreg [dreg:$0x2];
	[bflag:$0x3] =	sbarrier.arrive $0xFFFF;
	s2 =	simm.s32 @!p0 $0x1C02  }
0x20f: {  	[timem:s3], [sflag:s2] =	dma.local @!p0 [hbm:s0], s1  }
0x210: {  	s0 =	simm.s32 @!p0 $0x2  }
0x211: {  	_ =	swait.ge @!p0 [sflag:s0], s1  }
0x212: {  	s1 =	ssub.s32 @!p0 $0x0, s1;
	[sflag:s0] =	ssyncset.done @!p0 $0x0  }
0x213: {  	[sflag:s0] =	ssyncadd.s32 @!p0 s1  }
0x214: {  	[bflag:$0x3] =	sbarrier.arrive $0xFFFF  }
0x215: {  	_ =	shalt  }

</sc_bundles>
